<compile_context>
chip_gen: v7x
topology: tpu7x:2x2x1
jax: 0.10.2.dev20260603
libtpu: 0.0.44.dev20260713+nightly
codegen_flags: <defaults>
</compile_context>

<pallas_src>
import functools

import jax
import jax.numpy as jnp
from jax import lax
from jax.experimental import pallas as pl
from jax.experimental.pallas import tpu as pltpu
from jax.experimental.pallas import tpu_sc as plsc

_NC = 2
_NS = 16
_NW = _NC * _NS
_LANES = 16
_R = 16
_NSLOT = 5
_AHEAD = 3


def _make_sc_add(B, T, C):
    t_per_w = T // _NW
    nchunks = t_per_w // _R
    nunits = nchunks * B
    shift = C.bit_length() - 1
    assert C == 1 << shift

    mesh = plsc.VectorSubcoreMesh(core_axis_name="c", subcore_axis_name="s")

    @functools.partial(
        pl.kernel,
        mesh=mesh,
        out_type=jax.ShapeDtypeStruct((B * T, C), jnp.float32),
        scratch_types=[
            [pltpu.VMEM((_R, C), jnp.float32) for _ in range(2)],
            [pltpu.VMEM((_R, C), jnp.float32) for _ in range(_NSLOT)],
            [pltpu.SemaphoreType.DMA for _ in range(2)],
            [pltpu.SemaphoreType.DMA for _ in range(_NSLOT)],
            [pltpu.SemaphoreType.DMA for _ in range(_NSLOT)],
        ],
    )
    def sc_add(x_hbm, pos_hbm, out_hbm, pos_v, x_v, psem, xsem, ssem):
        wid = lax.axis_index("s") * _NC + lax.axis_index("c")
        base_t = wid * t_per_w

        def pos_row(i):
            return base_t + i * _R

        def x_row(u):
            i, b = divmod(u, B)
            return b * T + pos_row(i)

        def load_x(u):
            s = u % _NSLOT
            return pltpu.async_copy(
                x_hbm.at[pl.ds(x_row(u), _R)], x_v[s], xsem[s]
            )

        hpos = {0: pltpu.async_copy(pos_hbm.at[pl.ds(pos_row(0), _R)],
                                    pos_v[0], psem[0])}
        hx = {u: load_x(u) for u in range(_AHEAD)}
        hs = {}
        for u in range(nunits):
            i = u // B
            if u % B == 0:
                hpos.pop(i % 2).wait()
                if i + 1 < nchunks:
                    hpos[(i + 1) % 2] = pltpu.async_copy(
                        pos_hbm.at[pl.ds(pos_row(i + 1), _R)],
                        pos_v[(i + 1) % 2], psem[(i + 1) % 2],
                    )
            nxt = u + _AHEAD
            if nxt < nunits:
                if nxt - _NSLOT >= 0:
                    hs.pop(nxt % _NSLOT).wait()
                hx[nxt] = load_x(nxt)

            hx.pop(u).wait()
            s = u % _NSLOT
            xs, ps = x_v[s], pos_v[i % 2]

            @plsc.parallel_loop(0, _R * C, step=_LANES, unroll=8)
            def _add(j):
                r = lax.shift_right_logical(j, shift)
                c = pl.multiple_of(lax.bitwise_and(j, C - 1), _LANES)
                xs[r, pl.ds(c, _LANES)] = (
                    xs[r, pl.ds(c, _LANES)] + ps[r, pl.ds(c, _LANES)]
                )

            hs[s] = pltpu.async_copy(
                x_v[s], out_hbm.at[pl.ds(x_row(u), _R)], ssem[s]
            )
        for s in sorted(hs):
            hs.pop(s).wait()

    return sc_add


def kernel(x, pos_embedding):
    B, T, C = x.shape
    sc_add = _make_sc_add(B, T, C)
    out = sc_add(x.reshape(B * T, C), pos_embedding)
    return out.reshape(B, T, C)

# --- scband reference (transcript-rebuilt; emitter-appended) ---
"""Pipeline reference for scband-positional-encoding-19439021981716 (READ-ONLY COPY).

The authoritative reference and input builder live on the scoring server;
editing this copy changes nothing except your own understanding.
"""

import jax, jax.numpy as jnp
import numpy as np

MAX_LEN = 4096
EMBED_DIM = 1024

def setup_inputs(seed: int = 0) -> dict:
    key = jax.random.key(seed)
    k1, k2 = jax.random.split(key)
    x = jax.random.normal(k1, (4, 4096, 1024), dtype=jnp.float32)
    pos_embedding = jax.random.normal(k2, (MAX_LEN, EMBED_DIM), dtype=jnp.float32) * 0.02
    return {"x": x, "pos_embedding": pos_embedding}

def reference(x, pos_embedding):
    B, T, C = x.shape
    positions = jnp.arange(T)  # [T]
    pos_emb = jnp.take(pos_embedding, positions, axis=0)  # [T, C] gather (embedding lookup)
    pos_emb = jnp.broadcast_to(pos_emb[None, :, :], (B, T, C))
    return x + pos_emb

if __name__ == "__main__":
    import jax
    _d = setup_inputs()
    print(jax.jit(kernel)(*tuple(_d.values())))

</pallas_src>

<mosaic_0001>
#map = affine_map<(d0, d1) -> (0, 0)>
module attributes {stable_mosaic.version = 14 : i64} {
  func.func @sc_add(%arg0: i32, %arg1: i32, %arg2: memref<16384x1024xf32, #tpu.memory_space<hbm>>, %arg3: memref<4096x1024xf32, #tpu.memory_space<hbm>>, %arg4: memref<16384x1024xf32, #tpu.memory_space<hbm>>, %arg5: memref<16x1024xf32, #tpu.memory_space<vmem>>, %arg6: memref<16x1024xf32, #tpu.memory_space<vmem>>, %arg7: memref<16x1024xf32, #tpu.memory_space<vmem>>, %arg8: memref<16x1024xf32, #tpu.memory_space<vmem>>, %arg9: memref<16x1024xf32, #tpu.memory_space<vmem>>, %arg10: memref<16x1024xf32, #tpu.memory_space<vmem>>, %arg11: memref<16x1024xf32, #tpu.memory_space<vmem>>, %arg12: memref<!tpu.dma_semaphore, #tpu.memory_space<semaphore_mem>>, %arg13: memref<!tpu.dma_semaphore, #tpu.memory_space<semaphore_mem>>, %arg14: memref<!tpu.dma_semaphore, #tpu.memory_space<semaphore_mem>>, %arg15: memref<!tpu.dma_semaphore, #tpu.memory_space<semaphore_mem>>, %arg16: memref<!tpu.dma_semaphore, #tpu.memory_space<semaphore_mem>>, %arg17: memref<!tpu.dma_semaphore, #tpu.memory_space<semaphore_mem>>, %arg18: memref<!tpu.dma_semaphore, #tpu.memory_space<semaphore_mem>>, %arg19: memref<!tpu.dma_semaphore, #tpu.memory_space<semaphore_mem>>, %arg20: memref<!tpu.dma_semaphore, #tpu.memory_space<semaphore_mem>>, %arg21: memref<!tpu.dma_semaphore, #tpu.memory_space<semaphore_mem>>, %arg22: memref<!tpu.dma_semaphore, #tpu.memory_space<semaphore_mem>>, %arg23: memref<!tpu.dma_semaphore, #tpu.memory_space<semaphore_mem>>) attributes {dimension_semantics = [#tpu.dimension_semantics<core_parallel>, #tpu.dimension_semantics<subcore_parallel>], iteration_bounds = array<i64: 2, 16>, scalar_prefetch = 0 : i64, scratch_operands = 19 : i64, tpu.core_type = #tpu.core_type<sc_vector_subcore>, window_params = [{transform_indices = #map}, {transform_indices = #map}, {transform_indices = #map}]} {
    %mul3A = arith.constant 2 : i32
    %mul3A_0 = arith.muli %arg1, %mul3A : i32
    %add3A = arith.addi %mul3A_0, %arg0 : i32
    %mul3A_1 = arith.constant 128 : i32
    %mul3A_2 = arith.muli %add3A, %mul3A_1 : i32
    %add3A_3 = arith.constant 0 : i32
    %add3A_4 = arith.addi %mul3A_2, %add3A_3 : i32
    %dma_start3A = arith.constant 0 : i32
    %dma_start3A_5 = tpu.memref_slice %arg3[%add3A_4, %dma_start3A] : memref<4096x1024xf32, #tpu.memory_space<hbm>> -> memref<16x1024xf32, #tpu.memory_space<hbm>>
    %dma_start3A_6 = arith.constant 0 : i32
    %dma_start3A_7 = tpu.memref_slice %arg3[%add3A_4, %dma_start3A_6] : memref<4096x1024xf32, #tpu.memory_space<hbm>> -> memref<16x1024xf32, #tpu.memory_space<hbm>>
    tpu.enqueue_dma source(%dma_start3A_7 : memref<16x1024xf32, #tpu.memory_space<hbm>>) target(%arg5 : memref<16x1024xf32, #tpu.memory_space<vmem>>) target_semaphore(%arg12 : memref<!tpu.dma_semaphore, #tpu.memory_space<semaphore_mem>>)
    %add3A_8 = arith.constant 0 : i32
    %add3A_9 = arith.addi %mul3A_2, %add3A_8 : i32
    %add3A_10 = arith.constant 0 : i32
    %add3A_11 = arith.addi %add3A_10, %add3A_9 : i32
    %dma_start3A_12 = arith.constant 0 : i32
    %dma_start3A_13 = tpu.memref_slice %arg2[%add3A_11, %dma_start3A_12] : memref<16384x1024xf32, #tpu.memory_space<hbm>> -> memref<16x1024xf32, #tpu.memory_space<hbm>>
    %dma_start3A_14 = arith.constant 0 : i32
    %dma_start3A_15 = tpu.memref_slice %arg2[%add3A_11, %dma_start3A_14] : memref<16384x1024xf32, #tpu.memory_space<hbm>> -> memref<16x1024xf32, #tpu.memory_space<hbm>>
    tpu.enqueue_dma source(%dma_start3A_15 : memref<16x1024xf32, #tpu.memory_space<hbm>>) target(%arg7 : memref<16x1024xf32, #tpu.memory_space<vmem>>) target_semaphore(%arg14 : memref<!tpu.dma_semaphore, #tpu.memory_space<semaphore_mem>>)
    %add3A_16 = arith.constant 0 : i32
    %add3A_17 = arith.addi %mul3A_2, %add3A_16 : i32
    %add3A_18 = arith.constant 4096 : i32
    %add3A_19 = arith.addi %add3A_18, %add3A_17 : i32
    %dma_start3A_20 = arith.constant 0 : i32
    %dma_start3A_21 = tpu.memref_slice %arg2[%add3A_19, %dma_start3A_20] : memref<16384x1024xf32, #tpu.memory_space<hbm>> -> memref<16x1024xf32, #tpu.memory_space<hbm>>
    %dma_start3A_22 = arith.constant 0 : i32
    %dma_start3A_23 = tpu.memref_slice %arg2[%add3A_19, %dma_start3A_22] : memref<16384x1024xf32, #tpu.memory_space<hbm>> -> memref<16x1024xf32, #tpu.memory_space<hbm>>
    tpu.enqueue_dma source(%dma_start3A_23 : memref<16x1024xf32, #tpu.memory_space<hbm>>) target(%arg8 : memref<16x1024xf32, #tpu.memory_space<vmem>>) target_semaphore(%arg15 : memref<!tpu.dma_semaphore, #tpu.memory_space<semaphore_mem>>)
    %add3A_24 = arith.constant 0 : i32
    %add3A_25 = arith.addi %mul3A_2, %add3A_24 : i32
    %add3A_26 = arith.constant 8192 : i32
    %add3A_27 = arith.addi %add3A_26, %add3A_25 : i32
    %dma_start3A_28 = arith.constant 0 : i32
    %dma_start3A_29 = tpu.memref_slice %arg2[%add3A_27, %dma_start3A_28] : memref<16384x1024xf32, #tpu.memory_space<hbm>> -> memref<16x1024xf32, #tpu.memory_space<hbm>>
    %dma_start3A_30 = arith.constant 0 : i32
    %dma_start3A_31 = tpu.memref_slice %arg2[%add3A_27, %dma_start3A_30] : memref<16384x1024xf32, #tpu.memory_space<hbm>> -> memref<16x1024xf32, #tpu.memory_space<hbm>>
    tpu.enqueue_dma source(%dma_start3A_31 : memref<16x1024xf32, #tpu.memory_space<hbm>>) target(%arg9 : memref<16x1024xf32, #tpu.memory_space<vmem>>) target_semaphore(%arg16 : memref<!tpu.dma_semaphore, #tpu.memory_space<semaphore_mem>>)
    %dma_wait3A = arith.constant 0 : i32
    %dma_wait3A_32 = tpu.memref_slice %arg3[%add3A_4, %dma_wait3A] : memref<4096x1024xf32, #tpu.memory_space<hbm>> -> memref<16x1024xf32, #tpu.memory_space<hbm>>
    %dma_wait3A_33 = arith.constant 0 : i32
    %dma_wait3A_34 = tpu.memref_slice %arg3[%add3A_4, %dma_wait3A_33] : memref<4096x1024xf32, #tpu.memory_space<hbm>> -> memref<16x1024xf32, #tpu.memory_space<hbm>>
    tpu.wait_dma2 semaphore(%arg12 : memref<!tpu.dma_semaphore, #tpu.memory_space<semaphore_mem>>) src(%dma_wait3A_34 : memref<16x1024xf32, #tpu.memory_space<hbm>>) dst(%arg5 : memref<16x1024xf32, #tpu.memory_space<vmem>>)
    %add3A_35 = arith.constant 16 : i32
    %add3A_36 = arith.addi %mul3A_2, %add3A_35 : i32
    %dma_start3A_37 = arith.constant 0 : i32
    %dma_start3A_38 = tpu.memref_slice %arg3[%add3A_36, %dma_start3A_37] : memref<4096x1024xf32, #tpu.memory_space<hbm>> -> memref<16x1024xf32, #tpu.memory_space<hbm>>
    %dma_start3A_39 = arith.constant 0 : i32
    %dma_start3A_40 = tpu.memref_slice %arg3[%add3A_36, %dma_start3A_39] : memref<4096x1024xf32, #tpu.memory_space<hbm>> -> memref<16x1024xf32, #tpu.memory_space<hbm>>
    tpu.enqueue_dma source(%dma_start3A_40 : memref<16x1024xf32, #tpu.memory_space<hbm>>) target(%arg6 : memref<16x1024xf32, #tpu.memory_space<vmem>>) target_semaphore(%arg13 : memref<!tpu.dma_semaphore, #tpu.memory_space<semaphore_mem>>)
    %add3A_41 = arith.constant 0 : i32
    %add3A_42 = arith.addi %mul3A_2, %add3A_41 : i32
    %add3A_43 = arith.constant 12288 : i32
    %add3A_44 = arith.addi %add3A_43, %add3A_42 : i32
    %dma_start3A_45 = arith.constant 0 : i32
    %dma_start3A_46 = tpu.memref_slice %arg2[%add3A_44, %dma_start3A_45] : memref<16384x1024xf32, #tpu.memory_space<hbm>> -> memref<16x1024xf32, #tpu.memory_space<hbm>>
    %dma_start3A_47 = arith.constant 0 : i32
    %dma_start3A_48 = tpu.memref_slice %arg2[%add3A_44, %dma_start3A_47] : memref<16384x1024xf32, #tpu.memory_space<hbm>> -> memref<16x1024xf32, #tpu.memory_space<hbm>>
    tpu.enqueue_dma source(%dma_start3A_48 : memref<16x1024xf32, #tpu.memory_space<hbm>>) target(%arg10 : memref<16x1024xf32, #tpu.memory_space<vmem>>) target_semaphore(%arg17 : memref<!tpu.dma_semaphore, #tpu.memory_space<semaphore_mem>>)
    %dma_wait3A_49 = arith.constant 0 : i32
    %dma_wait3A_50 = tpu.memref_slice %arg2[%add3A_11, %dma_wait3A_49] : memref<16384x1024xf32, #tpu.memory_space<hbm>> -> memref<16x1024xf32, #tpu.memory_space<hbm>>
    %dma_wait3A_51 = arith.constant 0 : i32
    %dma_wait3A_52 = tpu.memref_slice %arg2[%add3A_11, %dma_wait3A_51] : memref<16384x1024xf32, #tpu.memory_space<hbm>> -> memref<16x1024xf32, #tpu.memory_space<hbm>>
    tpu.wait_dma2 semaphore(%arg14 : memref<!tpu.dma_semaphore, #tpu.memory_space<semaphore_mem>>) src(%dma_wait3A_52 : memref<16x1024xf32, #tpu.memory_space<hbm>>) dst(%arg7 : memref<16x1024xf32, #tpu.memory_space<vmem>>)
    %parallel_loop3A = arith.constant 0 : i32
    %parallel_loop3A_53 = arith.constant 16384 : i32
    %parallel_loop3A_54 = arith.constant 16 : i32
    scf.for %parallel_loop3A_944 = %parallel_loop3A to %parallel_loop3A_53 step %parallel_loop3A_54  : i32 {
      %parallel_loop3A_945 = arith.constant 10 : i32
      %parallel_loop3A_946 = arith.shrui %parallel_loop3A_944, %parallel_loop3A_945 : i32
      %parallel_loop3A_947 = arith.constant 1023 : i32
      %parallel_loop3A_948 = arith.andi %parallel_loop3A_944, %parallel_loop3A_947 : i32
      %parallel_loop3A_949 = tpu.assume_multiple %parallel_loop3A_948, 16 : i32
      %parallel_loop3A_950 = arith.index_cast %parallel_loop3A_946 : i32 to index
      %parallel_loop3A_951 = arith.index_cast %parallel_loop3A_949 : i32 to index
      %parallel_loop3A_952 = tpu.vector_load %arg7[%parallel_loop3A_950, %parallel_loop3A_951] {strides = array<i32>} : memref<16x1024xf32, #tpu.memory_space<vmem>>, vector<1x16xf32>,
      %parallel_loop3A_953 = vector.shape_cast %parallel_loop3A_952 : vector<1x16xf32> to vector<16xf32>
      %parallel_loop3A_954 = arith.index_cast %parallel_loop3A_946 : i32 to index
      %parallel_loop3A_955 = arith.index_cast %parallel_loop3A_949 : i32 to index
      %parallel_loop3A_956 = tpu.vector_load %arg5[%parallel_loop3A_954, %parallel_loop3A_955] {strides = array<i32>} : memref<16x1024xf32, #tpu.memory_space<vmem>>, vector<1x16xf32>,
      %parallel_loop3A_957 = vector.shape_cast %parallel_loop3A_956 : vector<1x16xf32> to vector<16xf32>
      %parallel_loop3A_958 = arith.addf %parallel_loop3A_953, %parallel_loop3A_957 : vector<16xf32>
      %parallel_loop3A_959 = arith.index_cast %parallel_loop3A_946 : i32 to index
      %parallel_loop3A_960 = arith.index_cast %parallel_loop3A_949 : i32 to index
      %parallel_loop3A_961 = tpu.vector_load %arg7[%parallel_loop3A_959, %parallel_loop3A_960] {strides = array<i32>} : memref<16x1024xf32, #tpu.memory_space<vmem>>, vector<1x16xf32>,
      %parallel_loop3A_962 = vector.shape_cast %parallel_loop3A_961 : vector<1x16xf32> to vector<16xf32>
      %parallel_loop3A_963 = vector.shape_cast %parallel_loop3A_958 : vector<16xf32> to vector<1x16xf32>
      tpu.vector_store %arg7[%parallel_loop3A_959, %parallel_loop3A_960], %parallel_loop3A_963 {strides = array<i32>} : memref<16x1024xf32, #tpu.memory_space<vmem>>, vector<1x16xf32>,
    } {sc.loop_unroll_factor = 8 : i64, sc.parallel_access}
    %add3A_55 = arith.constant 0 : i32
    %add3A_56 = arith.addi %mul3A_2, %add3A_55 : i32
    %add3A_57 = arith.constant 0 : i32
    %add3A_58 = arith.addi %add3A_57, %add3A_56 : i32
    %dma_start3A_59 = arith.constant 0 : i32
    %dma_start3A_60 = tpu.memref_slice %arg4[%add3A_58, %dma_start3A_59] : memref<16384x1024xf32, #tpu.memory_space<hbm>> -> memref<16x1024xf32, #tpu.memory_space<hbm>>
    %dma_start3A_61 = arith.constant 0 : i32
    %dma_start3A_62 = tpu.memref_slice %arg4[%add3A_58, %dma_start3A_61] : memref<16384x1024xf32, #tpu.memory_space<hbm>> -> memref<16x1024xf32, #tpu.memory_space<hbm>>
    tpu.enqueue_dma source(%arg7 : memref<16x1024xf32, #tpu.memory_space<vmem>>) target(%dma_start3A_62 : memref<16x1024xf32, #tpu.memory_space<hbm>>) target_semaphore(%arg19 : memref<!tpu.dma_semaphore, #tpu.memory_space<semaphore_mem>>)
    %add3A_63 = arith.constant 16 : i32
    %add3A_64 = arith.addi %mul3A_2, %add3A_63 : i32
    %add3A_65 = arith.constant 0 : i32
    %add3A_66 = arith.addi %add3A_65, %add3A_64 : i32
    %dma_start3A_67 = arith.constant 0 : i32
    %dma_start3A_68 = tpu.memref_slice %arg2[%add3A_66, %dma_start3A_67] : memref<16384x1024xf32, #tpu.memory_space<hbm>> -> memref<16x1024xf32, #tpu.memory_space<hbm>>
    %dma_start3A_69 = arith.constant 0 : i32
    %dma_start3A_70 = tpu.memref_slice %arg2[%add3A_66, %dma_start3A_69] : memref<16384x1024xf32, #tpu.memory_space<hbm>> -> memref<16x1024xf32, #tpu.memory_space<hbm>>
    tpu.enqueue_dma source(%dma_start3A_70 : memref<16x1024xf32, #tpu.memory_space<hbm>>) target(%arg11 : memref<16x1024xf32, #tpu.memory_space<vmem>>) target_semaphore(%arg18 : memref<!tpu.dma_semaphore, #tpu.memory_space<semaphore_mem>>)
    %dma_wait3A_71 = arith.constant 0 : i32
    %dma_wait3A_72 = tpu.memref_slice %arg2[%add3A_19, %dma_wait3A_71] : memref<16384x1024xf32, #tpu.memory_space<hbm>> -> memref<16x1024xf32, #tpu.memory_space<hbm>>
    %dma_wait3A_73 = arith.constant 0 : i32
    %dma_wait3A_74 = tpu.memref_slice %arg2[%add3A_19, %dma_wait3A_73] : memref<16384x1024xf32, #tpu.memory_space<hbm>> -> memref<16x1024xf32, #tpu.memory_space<hbm>>
    tpu.wait_dma2 semaphore(%arg15 : memref<!tpu.dma_semaphore, #tpu.memory_space<semaphore_mem>>) src(%dma_wait3A_74 : memref<16x1024xf32, #tpu.memory_space<hbm>>) dst(%arg8 : memref<16x1024xf32, #tpu.memory_space<vmem>>)
    %parallel_loop3A_75 = arith.constant 0 : i32
    %parallel_loop3A_76 = arith.constant 16384 : i32
    %parallel_loop3A_77 = arith.constant 16 : i32
    scf.for %parallel_loop3A_944 = %parallel_loop3A_75 to %parallel_loop3A_76 step %parallel_loop3A_77  : i32 {
      %parallel_loop3A_945 = arith.constant 10 : i32
      %parallel_loop3A_946 = arith.shrui %parallel_loop3A_944, %parallel_loop3A_945 : i32
      %parallel_loop3A_947 = arith.constant 1023 : i32
      %parallel_loop3A_948 = arith.andi %parallel_loop3A_944, %parallel_loop3A_947 : i32
      %parallel_loop3A_949 = tpu.assume_multiple %parallel_loop3A_948, 16 : i32
      %parallel_loop3A_950 = arith.index_cast %parallel_loop3A_946 : i32 to index
      %parallel_loop3A_951 = arith.index_cast %parallel_loop3A_949 : i32 to index
      %parallel_loop3A_952 = tpu.vector_load %arg8[%parallel_loop3A_950, %parallel_loop3A_951] {strides = array<i32>} : memref<16x1024xf32, #tpu.memory_space<vmem>>, vector<1x16xf32>,
      %parallel_loop3A_953 = vector.shape_cast %parallel_loop3A_952 : vector<1x16xf32> to vector<16xf32>
      %parallel_loop3A_954 = arith.index_cast %parallel_loop3A_946 : i32 to index
      %parallel_loop3A_955 = arith.index_cast %parallel_loop3A_949 : i32 to index
      %parallel_loop3A_956 = tpu.vector_load %arg5[%parallel_loop3A_954, %parallel_loop3A_955] {strides = array<i32>} : memref<16x1024xf32, #tpu.memory_space<vmem>>, vector<1x16xf32>,
      %parallel_loop3A_957 = vector.shape_cast %parallel_loop3A_956 : vector<1x16xf32> to vector<16xf32>
      %parallel_loop3A_958 = arith.addf %parallel_loop3A_953, %parallel_loop3A_957 : vector<16xf32>
      %parallel_loop3A_959 = arith.index_cast %parallel_loop3A_946 : i32 to index
      %parallel_loop3A_960 = arith.index_cast %parallel_loop3A_949 : i32 to index
      %parallel_loop3A_961 = tpu.vector_load %arg8[%parallel_loop3A_959, %parallel_loop3A_960] {strides = array<i32>} : memref<16x1024xf32, #tpu.memory_space<vmem>>, vector<1x16xf32>,
      %parallel_loop3A_962 = vector.shape_cast %parallel_loop3A_961 : vector<1x16xf32> to vector<16xf32>
      %parallel_loop3A_963 = vector.shape_cast %parallel_loop3A_958 : vector<16xf32> to vector<1x16xf32>
      tpu.vector_store %arg8[%parallel_loop3A_959, %parallel_loop3A_960], %parallel_loop3A_963 {strides = array<i32>} : memref<16x1024xf32, #tpu.memory_space<vmem>>, vector<1x16xf32>,
    } {sc.loop_unroll_factor = 8 : i64, sc.parallel_access}
    %add3A_78 = arith.constant 0 : i32
    %add3A_79 = arith.addi %mul3A_2, %add3A_78 : i32
    %add3A_80 = arith.constant 4096 : i32
    %add3A_81 = arith.addi %add3A_80, %add3A_79 : i32
    %dma_start3A_82 = arith.constant 0 : i32
    %dma_start3A_83 = tpu.memref_slice %arg4[%add3A_81, %dma_start3A_82] : memref<16384x1024xf32, #tpu.memory_space<hbm>> -> memref<16x1024xf32, #tpu.memory_space<hbm>>
    %dma_start3A_84 = arith.constant 0 : i32
    %dma_start3A_85 = tpu.memref_slice %arg4[%add3A_81, %dma_start3A_84] : memref<16384x1024xf32, #tpu.memory_space<hbm>> -> memref<16x1024xf32, #tpu.memory_space<hbm>>
    tpu.enqueue_dma source(%arg8 : memref<16x1024xf32, #tpu.memory_space<vmem>>) target(%dma_start3A_85 : memref<16x1024xf32, #tpu.memory_space<hbm>>) target_semaphore(%arg20 : memref<!tpu.dma_semaphore, #tpu.memory_space<semaphore_mem>>)
    %dma_wait3A_86 = arith.constant 0 : i32
    %dma_wait3A_87 = tpu.memref_slice %arg4[%add3A_58, %dma_wait3A_86] : memref<16384x1024xf32, #tpu.memory_space<hbm>> -> memref<16x1024xf32, #tpu.memory_space<hbm>>
    %dma_wait3A_88 = arith.constant 0 : i32
    %dma_wait3A_89 = tpu.memref_slice %arg4[%add3A_58, %dma_wait3A_88] : memref<16384x1024xf32, #tpu.memory_space<hbm>> -> memref<16x1024xf32, #tpu.memory_space<hbm>>
    tpu.wait_dma2 semaphore(%arg19 : memref<!tpu.dma_semaphore, #tpu.memory_space<semaphore_mem>>) src(%arg7 : memref<16x1024xf32, #tpu.memory_space<vmem>>) dst(%dma_wait3A_89 : memref<16x1024xf32, #tpu.memory_space<hbm>>)
    %add3A_90 = arith.constant 16 : i32
    %add3A_91 = arith.addi %mul3A_2, %add3A_90 : i32
    %add3A_92 = arith.constant 4096 : i32
    %add3A_93 = arith.addi %add3A_92, %add3A_91 : i32
    %dma_start3A_94 = arith.constant 0 : i32
    %dma_start3A_95 = tpu.memref_slice %arg2[%add3A_93, %dma_start3A_94] : memref<16384x1024xf32, #tpu.memory_space<hbm>> -> memref<16x1024xf32, #tpu.memory_space<hbm>>
    %dma_start3A_96 = arith.constant 0 : i32
    %dma_start3A_97 = tpu.memref_slice %arg2[%add3A_93, %dma_start3A_96] : memref<16384x1024xf32, #tpu.memory_space<hbm>> -> memref<16x1024xf32, #tpu.memory_space<hbm>>
    tpu.enqueue_dma source(%dma_start3A_97 : memref<16x1024xf32, #tpu.memory_space<hbm>>) target(%arg7 : memref<16x1024xf32, #tpu.memory_space<vmem>>) target_semaphore(%arg14 : memref<!tpu.dma_semaphore, #tpu.memory_space<semaphore_mem>>)
    %dma_wait3A_98 = arith.constant 0 : i32
    %dma_wait3A_99 = tpu.memref_slice %arg2[%add3A_27, %dma_wait3A_98] : memref<16384x1024xf32, #tpu.memory_space<hbm>> -> memref<16x1024xf32, #tpu.memory_space<hbm>>
    %dma_wait3A_100 = arith.constant 0 : i32
    %dma_wait3A_101 = tpu.memref_slice %arg2[%add3A_27, %dma_wait3A_100] : memref<16384x1024xf32, #tpu.memory_space<hbm>> -> memref<16x1024xf32, #tpu.memory_space<hbm>>
    tpu.wait_dma2 semaphore(%arg16 : memref<!tpu.dma_semaphore, #tpu.memory_space<semaphore_mem>>) src(%dma_wait3A_101 : memref<16x1024xf32, #tpu.memory_space<hbm>>) dst(%arg9 : memref<16x1024xf32, #tpu.memory_space<vmem>>)
    %parallel_loop3A_102 = arith.constant 0 : i32
    %parallel_loop3A_103 = arith.constant 16384 : i32
    %parallel_loop3A_104 = arith.constant 16 : i32
    scf.for %parallel_loop3A_944 = %parallel_loop3A_102 to %parallel_loop3A_103 step %parallel_loop3A_104  : i32 {
      %parallel_loop3A_945 = arith.constant 10 : i32
      %parallel_loop3A_946 = arith.shrui %parallel_loop3A_944, %parallel_loop3A_945 : i32
      %parallel_loop3A_947 = arith.constant 1023 : i32
      %parallel_loop3A_948 = arith.andi %parallel_loop3A_944, %parallel_loop3A_947 : i32
      %parallel_loop3A_949 = tpu.assume_multiple %parallel_loop3A_948, 16 : i32
      %parallel_loop3A_950 = arith.index_cast %parallel_loop3A_946 : i32 to index
      %parallel_loop3A_951 = arith.index_cast %parallel_loop3A_949 : i32 to index
      %parallel_loop3A_952 = tpu.vector_load %arg9[%parallel_loop3A_950, %parallel_loop3A_951] {strides = array<i32>} : memref<16x1024xf32, #tpu.memory_space<vmem>>, vector<1x16xf32>,
      %parallel_loop3A_953 = vector.shape_cast %parallel_loop3A_952 : vector<1x16xf32> to vector<16xf32>
      %parallel_loop3A_954 = arith.index_cast %parallel_loop3A_946 : i32 to index
      %parallel_loop3A_955 = arith.index_cast %parallel_loop3A_949 : i32 to index
      %parallel_loop3A_956 = tpu.vector_load %arg5[%parallel_loop3A_954, %parallel_loop3A_955] {strides = array<i32>} : memref<16x1024xf32, #tpu.memory_space<vmem>>, vector<1x16xf32>,
      %parallel_loop3A_957 = vector.shape_cast %parallel_loop3A_956 : vector<1x16xf32> to vector<16xf32>
      %parallel_loop3A_958 = arith.addf %parallel_loop3A_953, %parallel_loop3A_957 : vector<16xf32>
      %parallel_loop3A_959 = arith.index_cast %parallel_loop3A_946 : i32 to index
      %parallel_loop3A_960 = arith.index_cast %parallel_loop3A_949 : i32 to index
      %parallel_loop3A_961 = tpu.vector_load %arg9[%parallel_loop3A_959, %parallel_loop3A_960] {strides = array<i32>} : memref<16x1024xf32, #tpu.memory_space<vmem>>, vector<1x16xf32>,
      %parallel_loop3A_962 = vector.shape_cast %parallel_loop3A_961 : vector<1x16xf32> to vector<16xf32>
      %parallel_loop3A_963 = vector.shape_cast %parallel_loop3A_958 : vector<16xf32> to vector<1x16xf32>
      tpu.vector_store %arg9[%parallel_loop3A_959, %parallel_loop3A_960], %parallel_loop3A_963 {strides = array<i32>} : memref<16x1024xf32, #tpu.memory_space<vmem>>, vector<1x16xf32>,
    } {sc.loop_unroll_factor = 8 : i64, sc.parallel_access}
    %add3A_105 = arith.constant 0 : i32
    %add3A_106 = arith.addi %mul3A_2, %add3A_105 : i32
    %add3A_107 = arith.constant 8192 : i32
    %add3A_108 = arith.addi %add3A_107, %add3A_106 : i32
    %dma_start3A_109 = arith.constant 0 : i32
    %dma_start3A_110 = tpu.memref_slice %arg4[%add3A_108, %dma_start3A_109] : memref<16384x1024xf32, #tpu.memory_space<hbm>> -> memref<16x1024xf32, #tpu.memory_space<hbm>>
    %dma_start3A_111 = arith.constant 0 : i32
    %dma_start3A_112 = tpu.memref_slice %arg4[%add3A_108, %dma_start3A_111] : memref<16384x1024xf32, #tpu.memory_space<hbm>> -> memref<16x1024xf32, #tpu.memory_space<hbm>>
    tpu.enqueue_dma source(%arg9 : memref<16x1024xf32, #tpu.memory_space<vmem>>) target(%dma_start3A_112 : memref<16x1024xf32, #tpu.memory_space<hbm>>) target_semaphore(%arg21 : memref<!tpu.dma_semaphore, #tpu.memory_space<semaphore_mem>>)
    %dma_wait3A_113 = arith.constant 0 : i32
    %dma_wait3A_114 = tpu.memref_slice %arg4[%add3A_81, %dma_wait3A_113] : memref<16384x1024xf32, #tpu.memory_space<hbm>> -> memref<16x1024xf32, #tpu.memory_space<hbm>>
    %dma_wait3A_115 = arith.constant 0 : i32
    %dma_wait3A_116 = tpu.memref_slice %arg4[%add3A_81, %dma_wait3A_115] : memref<16384x1024xf32, #tpu.memory_space<hbm>> -> memref<16x1024xf32, #tpu.memory_space<hbm>>
    tpu.wait_dma2 semaphore(%arg20 : memref<!tpu.dma_semaphore, #tpu.memory_space<semaphore_mem>>) src(%arg8 : memref<16x1024xf32, #tpu.memory_space<vmem>>) dst(%dma_wait3A_116 : memref<16x1024xf32, #tpu.memory_space<hbm>>)
    %add3A_117 = arith.constant 16 : i32
    %add3A_118 = arith.addi %mul3A_2, %add3A_117 : i32
    %add3A_119 = arith.constant 8192 : i32
    %add3A_120 = arith.addi %add3A_119, %add3A_118 : i32
    %dma_start3A_121 = arith.constant 0 : i32
    %dma_start3A_122 = tpu.memref_slice %arg2[%add3A_120, %dma_start3A_121] : memref<16384x1024xf32, #tpu.memory_space<hbm>> -> memref<16x1024xf32, #tpu.memory_space<hbm>>
    %dma_start3A_123 = arith.constant 0 : i32
    %dma_start3A_124 = tpu.memref_slice %arg2[%add3A_120, %dma_start3A_123] : memref<16384x1024xf32, #tpu.memory_space<hbm>> -> memref<16x1024xf32, #tpu.memory_space<hbm>>
    tpu.enqueue_dma source(%dma_start3A_124 : memref<16x1024xf32, #tpu.memory_space<hbm>>) target(%arg8 : memref<16x1024xf32, #tpu.memory_space<vmem>>) target_semaphore(%arg15 : memref<!tpu.dma_semaphore, #tpu.memory_space<semaphore_mem>>)
    %dma_wait3A_125 = arith.constant 0 : i32
    %dma_wait3A_126 = tpu.memref_slice %arg2[%add3A_44, %dma_wait3A_125] : memref<16384x1024xf32, #tpu.memory_space<hbm>> -> memref<16x1024xf32, #tpu.memory_space<hbm>>
    %dma_wait3A_127 = arith.constant 0 : i32
    %dma_wait3A_128 = tpu.memref_slice %arg2[%add3A_44, %dma_wait3A_127] : memref<16384x1024xf32, #tpu.memory_space<hbm>> -> memref<16x1024xf32, #tpu.memory_space<hbm>>
    tpu.wait_dma2 semaphore(%arg17 : memref<!tpu.dma_semaphore, #tpu.memory_space<semaphore_mem>>) src(%dma_wait3A_128 : memref<16x1024xf32, #tpu.memory_space<hbm>>) dst(%arg10 : memref<16x1024xf32, #tpu.memory_space<vmem>>)
    %parallel_loop3A_129 = arith.constant 0 : i32
    %parallel_loop3A_130 = arith.constant 16384 : i32
    %parallel_loop3A_131 = arith.constant 16 : i32
    scf.for %parallel_loop3A_944 = %parallel_loop3A_129 to %parallel_loop3A_130 step %parallel_loop3A_131  : i32 {
      %parallel_loop3A_945 = arith.constant 10 : i32
      %parallel_loop3A_946 = arith.shrui %parallel_loop3A_944, %parallel_loop3A_945 : i32
      %parallel_loop3A_947 = arith.constant 1023 : i32
      %parallel_loop3A_948 = arith.andi %parallel_loop3A_944, %parallel_loop3A_947 : i32
      %parallel_loop3A_949 = tpu.assume_multiple %parallel_loop3A_948, 16 : i32
      %parallel_loop3A_950 = arith.index_cast %parallel_loop3A_946 : i32 to index
      %parallel_loop3A_951 = arith.index_cast %parallel_loop3A_949 : i32 to index
      %parallel_loop3A_952 = tpu.vector_load %arg10[%parallel_loop3A_950, %parallel_loop3A_951] {strides = array<i32>} : memref<16x1024xf32, #tpu.memory_space<vmem>>, vector<1x16xf32>,
      %parallel_loop3A_953 = vector.shape_cast %parallel_loop3A_952 : vector<1x16xf32> to vector<16xf32>
      %parallel_loop3A_954 = arith.index_cast %parallel_loop3A_946 : i32 to index
      %parallel_loop3A_955 = arith.index_cast %parallel_loop3A_949 : i32 to index
      %parallel_loop3A_956 = tpu.vector_load %arg5[%parallel_loop3A_954, %parallel_loop3A_955] {strides = array<i32>} : memref<16x1024xf32, #tpu.memory_space<vmem>>, vector<1x16xf32>,
      %parallel_loop3A_957 = vector.shape_cast %parallel_loop3A_956 : vector<1x16xf32> to vector<16xf32>
      %parallel_loop3A_958 = arith.addf %parallel_loop3A_953, %parallel_loop3A_957 : vector<16xf32>
      %parallel_loop3A_959 = arith.index_cast %parallel_loop3A_946 : i32 to index
      %parallel_loop3A_960 = arith.index_cast %parallel_loop3A_949 : i32 to index
      %parallel_loop3A_961 = tpu.vector_load %arg10[%parallel_loop3A_959, %parallel_loop3A_960] {strides = array<i32>} : memref<16x1024xf32, #tpu.memory_space<vmem>>, vector<1x16xf32>,
      %parallel_loop3A_962 = vector.shape_cast %parallel_loop3A_961 : vector<1x16xf32> to vector<16xf32>
      %parallel_loop3A_963 = vector.shape_cast %parallel_loop3A_958 : vector<16xf32> to vector<1x16xf32>
      tpu.vector_store %arg10[%parallel_loop3A_959, %parallel_loop3A_960], %parallel_loop3A_963 {strides = array<i32>} : memref<16x1024xf32, #tpu.memory_space<vmem>>, vector<1x16xf32>,
    } {sc.loop_unroll_factor = 8 : i64, sc.parallel_access}
    %add3A_132 = arith.constant 0 : i32
    %add3A_133 = arith.addi %mul3A_2, %add3A_132 : i32
    %add3A_134 = arith.constant 12288 : i32
    %add3A_135 = arith.addi %add3A_134, %add3A_133 : i32
    %dma_start3A_136 = arith.constant 0 : i32
    %dma_start3A_137 = tpu.memref_slice %arg4[%add3A_135, %dma_start3A_136] : memref<16384x1024xf32, #tpu.memory_space<hbm>> -> memref<16x1024xf32, #tpu.memory_space<hbm>>
    %dma_start3A_138 = arith.constant 0 : i32
    %dma_start3A_139 = tpu.memref_slice %arg4[%add3A_135, %dma_start3A_138] : memref<16384x1024xf32, #tpu.memory_space<hbm>> -> memref<16x1024xf32, #tpu.memory_space<hbm>>
    tpu.enqueue_dma source(%arg10 : memref<16x1024xf32, #tpu.memory_space<vmem>>) target(%dma_start3A_139 : memref<16x1024xf32, #tpu.memory_space<hbm>>) target_semaphore(%arg22 : memref<!tpu.dma_semaphore, #tpu.memory_space<semaphore_mem>>)
    %dma_wait3A_140 = arith.constant 0 : i32
    %dma_wait3A_141 = tpu.memref_slice %arg3[%add3A_36, %dma_wait3A_140] : memref<4096x1024xf32, #tpu.memory_space<hbm>> -> memref<16x1024xf32, #tpu.memory_space<hbm>>
    %dma_wait3A_142 = arith.constant 0 : i32
    %dma_wait3A_143 = tpu.memref_slice %arg3[%add3A_36, %dma_wait3A_142] : memref<4096x1024xf32, #tpu.memory_space<hbm>> -> memref<16x1024xf32, #tpu.memory_space<hbm>>
    tpu.wait_dma2 semaphore(%arg13 : memref<!tpu.dma_semaphore, #tpu.memory_space<semaphore_mem>>) src(%dma_wait3A_143 : memref<16x1024xf32, #tpu.memory_space<hbm>>) dst(%arg6 : memref<16x1024xf32, #tpu.memory_space<vmem>>)
    %add3A_144 = arith.constant 32 : i32
    %add3A_145 = arith.addi %mul3A_2, %add3A_144 : i32
    %dma_start3A_146 = arith.constant 0 : i32
    %dma_start3A_147 = tpu.memref_slice %arg3[%add3A_145, %dma_start3A_146] : memref<4096x1024xf32, #tpu.memory_space<hbm>> -> memref<16x1024xf32, #tpu.memory_space<hbm>>
    %dma_start3A_148 = arith.constant 0 : i32
    %dma_start3A_149 = tpu.memref_slice %arg3[%add3A_145, %dma_start3A_148] : memref<4096x1024xf32, #tpu.memory_space<hbm>> -> memref<16x1024xf32, #tpu.memory_space<hbm>>
    tpu.enqueue_dma source(%dma_start3A_149 : memref<16x1024xf32, #tpu.memory_space<hbm>>) target(%arg5 : memref<16x1024xf32, #tpu.memory_space<vmem>>) target_semaphore(%arg12 : memref<!tpu.dma_semaphore, #tpu.memory_space<semaphore_mem>>)
    %dma_wait3A_150 = arith.constant 0 : i32
    %dma_wait3A_151 = tpu.memref_slice %arg4[%add3A_108, %dma_wait3A_150] : memref<16384x1024xf32, #tpu.memory_space<hbm>> -> memref<16x1024xf32, #tpu.memory_space<hbm>>
    %dma_wait3A_152 = arith.constant 0 : i32
    %dma_wait3A_153 = tpu.memref_slice %arg4[%add3A_108, %dma_wait3A_152] : memref<16384x1024xf32, #tpu.memory_space<hbm>> -> memref<16x1024xf32, #tpu.memory_space<hbm>>
    tpu.wait_dma2 semaphore(%arg21 : memref<!tpu.dma_semaphore, #tpu.memory_space<semaphore_mem>>) src(%arg9 : memref<16x1024xf32, #tpu.memory_space<vmem>>) dst(%dma_wait3A_153 : memref<16x1024xf32, #tpu.memory_space<hbm>>)
    %add3A_154 = arith.constant 16 : i32
    %add3A_155 = arith.addi %mul3A_2, %add3A_154 : i32
    %add3A_156 = arith.constant 12288 : i32
    %add3A_157 = arith.addi %add3A_156, %add3A_155 : i32
    %dma_start3A_158 = arith.constant 0 : i32
    %dma_start3A_159 = tpu.memref_slice %arg2[%add3A_157, %dma_start3A_158] : memref<16384x1024xf32, #tpu.memory_space<hbm>> -> memref<16x1024xf32, #tpu.memory_space<hbm>>
    %dma_start3A_160 = arith.constant 0 : i32
    %dma_start3A_161 = tpu.memref_slice %arg2[%add3A_157, %dma_start3A_160] : memref<16384x1024xf32, #tpu.memory_space<hbm>> -> memref<16x1024xf32, #tpu.memory_space<hbm>>
    tpu.enqueue_dma source(%dma_start3A_161 : memref<16x1024xf32, #tpu.memory_space<hbm>>) target(%arg9 : memref<16x1024xf32, #tpu.memory_space<vmem>>) target_semaphore(%arg16 : memref<!tpu.dma_semaphore, #tpu.memory_space<semaphore_mem>>)
    %dma_wait3A_162 = arith.constant 0 : i32
    %dma_wait3A_163 = tpu.memref_slice %arg2[%add3A_66, %dma_wait3A_162] : memref<16384x1024xf32, #tpu.memory_space<hbm>> -> memref<16x1024xf32, #tpu.memory_space<hbm>>
    %dma_wait3A_164 = arith.constant 0 : i32
    %dma_wait3A_165 = tpu.memref_slice %arg2[%add3A_66, %dma_wait3A_164] : memref<16384x1024xf32, #tpu.memory_space<hbm>> -> memref<16x1024xf32, #tpu.memory_space<hbm>>
    tpu.wait_dma2 semaphore(%arg18 : memref<!tpu.dma_semaphore, #tpu.memory_space<semaphore_mem>>) src(%dma_wait3A_165 : memref<16x1024xf32, #tpu.memory_space<hbm>>) dst(%arg11 : memref<16x1024xf32, #tpu.memory_space<vmem>>)
    %parallel_loop3A_166 = arith.constant 0 : i32
    %parallel_loop3A_167 = arith.constant 16384 : i32
    %parallel_loop3A_168 = arith.constant 16 : i32
    scf.for %parallel_loop3A_944 = %parallel_loop3A_166 to %parallel_loop3A_167 step %parallel_loop3A_168  : i32 {
      %parallel_loop3A_945 = arith.constant 10 : i32
      %parallel_loop3A_946 = arith.shrui %parallel_loop3A_944, %parallel_loop3A_945 : i32
      %parallel_loop3A_947 = arith.constant 1023 : i32
      %parallel_loop3A_948 = arith.andi %parallel_loop3A_944, %parallel_loop3A_947 : i32
      %parallel_loop3A_949 = tpu.assume_multiple %parallel_loop3A_948, 16 : i32
      %parallel_loop3A_950 = arith.index_cast %parallel_loop3A_946 : i32 to index
      %parallel_loop3A_951 = arith.index_cast %parallel_loop3A_949 : i32 to index
      %parallel_loop3A_952 = tpu.vector_load %arg11[%parallel_loop3A_950, %parallel_loop3A_951] {strides = array<i32>} : memref<16x1024xf32, #tpu.memory_space<vmem>>, vector<1x16xf32>,
      %parallel_loop3A_953 = vector.shape_cast %parallel_loop3A_952 : vector<1x16xf32> to vector<16xf32>
      %parallel_loop3A_954 = arith.index_cast %parallel_loop3A_946 : i32 to index
      %parallel_loop3A_955 = arith.index_cast %parallel_loop3A_949 : i32 to index
      %parallel_loop3A_956 = tpu.vector_load %arg6[%parallel_loop3A_954, %parallel_loop3A_955] {strides = array<i32>} : memref<16x1024xf32, #tpu.memory_space<vmem>>, vector<1x16xf32>,
      %parallel_loop3A_957 = vector.shape_cast %parallel_loop3A_956 : vector<1x16xf32> to vector<16xf32>
      %parallel_loop3A_958 = arith.addf %parallel_loop3A_953, %parallel_loop3A_957 : vector<16xf32>
      %parallel_loop3A_959 = arith.index_cast %parallel_loop3A_946 : i32 to index
      %parallel_loop3A_960 = arith.index_cast %parallel_loop3A_949 : i32 to index
      %parallel_loop3A_961 = tpu.vector_load %arg11[%parallel_loop3A_959, %parallel_loop3A_960] {strides = array<i32>} : memref<16x1024xf32, #tpu.memory_space<vmem>>, vector<1x16xf32>,
      %parallel_loop3A_962 = vector.shape_cast %parallel_loop3A_961 : vector<1x16xf32> to vector<16xf32>
      %parallel_loop3A_963 = vector.shape_cast %parallel_loop3A_958 : vector<16xf32> to vector<1x16xf32>
      tpu.vector_store %arg11[%parallel_loop3A_959, %parallel_loop3A_960], %parallel_loop3A_963 {strides = array<i32>} : memref<16x1024xf32, #tpu.memory_space<vmem>>, vector<1x16xf32>,
    } {sc.loop_unroll_factor = 8 : i64, sc.parallel_access}
    %add3A_169 = arith.constant 16 : i32
    %add3A_170 = arith.addi %mul3A_2, %add3A_169 : i32
    %add3A_171 = arith.constant 0 : i32
    %add3A_172 = arith.addi %add3A_171, %add3A_170 : i32
    %dma_start3A_173 = arith.constant 0 : i32
    %dma_start3A_174 = tpu.memref_slice %arg4[%add3A_172, %dma_start3A_173] : memref<16384x1024xf32, #tpu.memory_space<hbm>> -> memref<16x1024xf32, #tpu.memory_space<hbm>>
    %dma_start3A_175 = arith.constant 0 : i32
    %dma_start3A_176 = tpu.memref_slice %arg4[%add3A_172, %dma_start3A_175] : memref<16384x1024xf32, #tpu.memory_space<hbm>> -> memref<16x1024xf32, #tpu.memory_space<hbm>>
    tpu.enqueue_dma source(%arg11 : memref<16x1024xf32, #tpu.memory_space<vmem>>) target(%dma_start3A_176 : memref<16x1024xf32, #tpu.memory_space<hbm>>) target_semaphore(%arg23 : memref<!tpu.dma_semaphore, #tpu.memory_space<semaphore_mem>>)
    %dma_wait3A_177 = arith.constant 0 : i32
    %dma_wait3A_178 = tpu.memref_slice %arg4[%add3A_135, %dma_wait3A_177] : memref<16384x1024xf32, #tpu.memory_space<hbm>> -> memref<16x1024xf32, #tpu.memory_space<hbm>>
    %dma_wait3A_179 = arith.constant 0 : i32
    %dma_wait3A_180 = tpu.memref_slice %arg4[%add3A_135, %dma_wait3A_179] : memref<16384x1024xf32, #tpu.memory_space<hbm>> -> memref<16x1024xf32, #tpu.memory_space<hbm>>
    tpu.wait_dma2 semaphore(%arg22 : memref<!tpu.dma_semaphore, #tpu.memory_space<semaphore_mem>>) src(%arg10 : memref<16x1024xf32, #tpu.memory_space<vmem>>) dst(%dma_wait3A_180 : memref<16x1024xf32, #tpu.memory_space<hbm>>)
    %add3A_181 = arith.constant 32 : i32
    %add3A_182 = arith.addi %mul3A_2, %add3A_181 : i32
    %add3A_183 = arith.constant 0 : i32
    %add3A_184 = arith.addi %add3A_183, %add3A_182 : i32
    %dma_start3A_185 = arith.constant 0 : i32
    %dma_start3A_186 = tpu.memref_slice %arg2[%add3A_184, %dma_start3A_185] : memref<16384x1024xf32, #tpu.memory_space<hbm>> -> memref<16x1024xf32, #tpu.memory_space<hbm>>
    %dma_start3A_187 = arith.constant 0 : i32
    %dma_start3A_188 = tpu.memref_slice %arg2[%add3A_184, %dma_start3A_187] : memref<16384x1024xf32, #tpu.memory_space<hbm>> -> memref<16x1024xf32, #tpu.memory_space<hbm>>
    tpu.enqueue_dma source(%dma_start3A_188 : memref<16x1024xf32, #tpu.memory_space<hbm>>) target(%arg10 : memref<16x1024xf32, #tpu.memory_space<vmem>>) target_semaphore(%arg17 : memref<!tpu.dma_semaphore, #tpu.memory_space<semaphore_mem>>)
    %dma_wait3A_189 = arith.constant 0 : i32
    %dma_wait3A_190 = tpu.memref_slice %arg2[%add3A_93, %dma_wait3A_189] : memref<16384x1024xf32, #tpu.memory_space<hbm>> -> memref<16x1024xf32, #tpu.memory_space<hbm>>
    %dma_wait3A_191 = arith.constant 0 : i32
    %dma_wait3A_192 = tpu.memref_slice %arg2[%add3A_93, %dma_wait3A_191] : memref<16384x1024xf32, #tpu.memory_space<hbm>> -> memref<16x1024xf32, #tpu.memory_space<hbm>>
    tpu.wait_dma2 semaphore(%arg14 : memref<!tpu.dma_semaphore, #tpu.memory_space<semaphore_mem>>) src(%dma_wait3A_192 : memref<16x1024xf32, #tpu.memory_space<hbm>>) dst(%arg7 : memref<16x1024xf32, #tpu.memory_space<vmem>>)
    %parallel_loop3A_193 = arith.constant 0 : i32
    %parallel_loop3A_194 = arith.constant 16384 : i32
    %parallel_loop3A_195 = arith.constant 16 : i32
    scf.for %parallel_loop3A_944 = %parallel_loop3A_193 to %parallel_loop3A_194 step %parallel_loop3A_195  : i32 {
      %parallel_loop3A_945 = arith.constant 10 : i32
      %parallel_loop3A_946 = arith.shrui %parallel_loop3A_944, %parallel_loop3A_945 : i32
      %parallel_loop3A_947 = arith.constant 1023 : i32
      %parallel_loop3A_948 = arith.andi %parallel_loop3A_944, %parallel_loop3A_947 : i32
      %parallel_loop3A_949 = tpu.assume_multiple %parallel_loop3A_948, 16 : i32
      %parallel_loop3A_950 = arith.index_cast %parallel_loop3A_946 : i32 to index
      %parallel_loop3A_951 = arith.index_cast %parallel_loop3A_949 : i32 to index
      %parallel_loop3A_952 = tpu.vector_load %arg7[%parallel_loop3A_950, %parallel_loop3A_951] {strides = array<i32>} : memref<16x1024xf32, #tpu.memory_space<vmem>>, vector<1x16xf32>,
      %parallel_loop3A_953 = vector.shape_cast %parallel_loop3A_952 : vector<1x16xf32> to vector<16xf32>
      %parallel_loop3A_954 = arith.index_cast %parallel_loop3A_946 : i32 to index
      %parallel_loop3A_955 = arith.index_cast %parallel_loop3A_949 : i32 to index
      %parallel_loop3A_956 = tpu.vector_load %arg6[%parallel_loop3A_954, %parallel_loop3A_955] {strides = array<i32>} : memref<16x1024xf32, #tpu.memory_space<vmem>>, vector<1x16xf32>,
      %parallel_loop3A_957 = vector.shape_cast %parallel_loop3A_956 : vector<1x16xf32> to vector<16xf32>
      %parallel_loop3A_958 = arith.addf %parallel_loop3A_953, %parallel_loop3A_957 : vector<16xf32>
      %parallel_loop3A_959 = arith.index_cast %parallel_loop3A_946 : i32 to index
      %parallel_loop3A_960 = arith.index_cast %parallel_loop3A_949 : i32 to index
      %parallel_loop3A_961 = tpu.vector_load %arg7[%parallel_loop3A_959, %parallel_loop3A_960] {strides = array<i32>} : memref<16x1024xf32, #tpu.memory_space<vmem>>, vector<1x16xf32>,
      %parallel_loop3A_962 = vector.shape_cast %parallel_loop3A_961 : vector<1x16xf32> to vector<16xf32>
      %parallel_loop3A_963 = vector.shape_cast %parallel_loop3A_958 : vector<16xf32> to vector<1x16xf32>
      tpu.vector_store %arg7[%parallel_loop3A_959, %parallel_loop3A_960], %parallel_loop3A_963 {strides = array<i32>} : memref<16x1024xf32, #tpu.memory_space<vmem>>, vector<1x16xf32>,
    } {sc.loop_unroll_factor = 8 : i64, sc.parallel_access}
    %add3A_196 = arith.constant 16 : i32
    %add3A_197 = arith.addi %mul3A_2, %add3A_196 : i32
    %add3A_198 = arith.constant 4096 : i32
    %add3A_199 = arith.addi %add3A_198, %add3A_197 : i32
    %dma_start3A_200 = arith.constant 0 : i32
    %dma_start3A_201 = tpu.memref_slice %arg4[%add3A_199, %dma_start3A_200] : memref<16384x1024xf32, #tpu.memory_space<hbm>> -> memref<16x1024xf32, #tpu.memory_space<hbm>>
    %dma_start3A_202 = arith.constant 0 : i32
    %dma_start3A_203 = tpu.memref_slice %arg4[%add3A_199, %dma_start3A_202] : memref<16384x1024xf32, #tpu.memory_space<hbm>> -> memref<16x1024xf32, #tpu.memory_space<hbm>>
    tpu.enqueue_dma source(%arg7 : memref<16x1024xf32, #tpu.memory_space<vmem>>) target(%dma_start3A_203 : memref<16x1024xf32, #tpu.memory_space<hbm>>) target_semaphore(%arg19 : memref<!tpu.dma_semaphore, #tpu.memory_space<semaphore_mem>>)
    %dma_wait3A_204 = arith.constant 0 : i32
    %dma_wait3A_205 = tpu.memref_slice %arg4[%add3A_172, %dma_wait3A_204] : memref<16384x1024xf32, #tpu.memory_space<hbm>> -> memref<16x1024xf32, #tpu.memory_space<hbm>>
    %dma_wait3A_206 = arith.constant 0 : i32
    %dma_wait3A_207 = tpu.memref_slice %arg4[%add3A_172, %dma_wait3A_206] : memref<16384x1024xf32, #tpu.memory_space<hbm>> -> memref<16x1024xf32, #tpu.memory_space<hbm>>
    tpu.wait_dma2 semaphore(%arg23 : memref<!tpu.dma_semaphore, #tpu.memory_space<semaphore_mem>>) src(%arg11 : memref<16x1024xf32, #tpu.memory_space<vmem>>) dst(%dma_wait3A_207 : memref<16x1024xf32, #tpu.memory_space<hbm>>)
    %add3A_208 = arith.constant 32 : i32
    %add3A_209 = arith.addi %mul3A_2, %add3A_208 : i32
    %add3A_210 = arith.constant 4096 : i32
    %add3A_211 = arith.addi %add3A_210, %add3A_209 : i32
    %dma_start3A_212 = arith.constant 0 : i32
    %dma_start3A_213 = tpu.memref_slice %arg2[%add3A_211, %dma_start3A_212] : memref<16384x1024xf32, #tpu.memory_space<hbm>> -> memref<16x1024xf32, #tpu.memory_space<hbm>>
    %dma_start3A_214 = arith.constant 0 : i32
    %dma_start3A_215 = tpu.memref_slice %arg2[%add3A_211, %dma_start3A_214] : memref<16384x1024xf32, #tpu.memory_space<hbm>> -> memref<16x1024xf32, #tpu.memory_space<hbm>>
    tpu.enqueue_dma source(%dma_start3A_215 : memref<16x1024xf32, #tpu.memory_space<hbm>>) target(%arg11 : memref<16x1024xf32, #tpu.memory_space<vmem>>) target_semaphore(%arg18 : memref<!tpu.dma_semaphore, #tpu.memory_space<semaphore_mem>>)
    %dma_wait3A_216 = arith.constant 0 : i32
    %dma_wait3A_217 = tpu.memref_slice %arg2[%add3A_120, %dma_wait3A_216] : memref<16384x1024xf32, #tpu.memory_space<hbm>> -> memref<16x1024xf32, #tpu.memory_space<hbm>>
    %dma_wait3A_218 = arith.constant 0 : i32
    %dma_wait3A_219 = tpu.memref_slice %arg2[%add3A_120, %dma_wait3A_218] : memref<16384x1024xf32, #tpu.memory_space<hbm>> -> memref<16x1024xf32, #tpu.memory_space<hbm>>
    tpu.wait_dma2 semaphore(%arg15 : memref<!tpu.dma_semaphore, #tpu.memory_space<semaphore_mem>>) src(%dma_wait3A_219 : memref<16x1024xf32, #tpu.memory_space<hbm>>) dst(%arg8 : memref<16x1024xf32, #tpu.memory_space<vmem>>)
    %parallel_loop3A_220 = arith.constant 0 : i32
    %parallel_loop3A_221 = arith.constant 16384 : i32
    %parallel_loop3A_222 = arith.constant 16 : i32
    scf.for %parallel_loop3A_944 = %parallel_loop3A_220 to %parallel_loop3A_221 step %parallel_loop3A_222  : i32 {
      %parallel_loop3A_945 = arith.constant 10 : i32
      %parallel_loop3A_946 = arith.shrui %parallel_loop3A_944, %parallel_loop3A_945 : i32
      %parallel_loop3A_947 = arith.constant 1023 : i32
      %parallel_loop3A_948 = arith.andi %parallel_loop3A_944, %parallel_loop3A_947 : i32
      %parallel_loop3A_949 = tpu.assume_multiple %parallel_loop3A_948, 16 : i32
      %parallel_loop3A_950 = arith.index_cast %parallel_loop3A_946 : i32 to index
      %parallel_loop3A_951 = arith.index_cast %parallel_loop3A_949 : i32 to index
      %parallel_loop3A_952 = tpu.vector_load %arg8[%parallel_loop3A_950, %parallel_loop3A_951] {strides = array<i32>} : memref<16x1024xf32, #tpu.memory_space<vmem>>, vector<1x16xf32>,
      %parallel_loop3A_953 = vector.shape_cast %parallel_loop3A_952 : vector<1x16xf32> to vector<16xf32>
      %parallel_loop3A_954 = arith.index_cast %parallel_loop3A_946 : i32 to index
      %parallel_loop3A_955 = arith.index_cast %parallel_loop3A_949 : i32 to index
      %parallel_loop3A_956 = tpu.vector_load %arg6[%parallel_loop3A_954, %parallel_loop3A_955] {strides = array<i32>} : memref<16x1024xf32, #tpu.memory_space<vmem>>, vector<1x16xf32>,
      %parallel_loop3A_957 = vector.shape_cast %parallel_loop3A_956 : vector<1x16xf32> to vector<16xf32>
      %parallel_loop3A_958 = arith.addf %parallel_loop3A_953, %parallel_loop3A_957 : vector<16xf32>
      %parallel_loop3A_959 = arith.index_cast %parallel_loop3A_946 : i32 to index
      %parallel_loop3A_960 = arith.index_cast %parallel_loop3A_949 : i32 to index
      %parallel_loop3A_961 = tpu.vector_load %arg8[%parallel_loop3A_959, %parallel_loop3A_960] {strides = array<i32>} : memref<16x1024xf32, #tpu.memory_space<vmem>>, vector<1x16xf32>,
      %parallel_loop3A_962 = vector.shape_cast %parallel_loop3A_961 : vector<1x16xf32> to vector<16xf32>
      %parallel_loop3A_963 = vector.shape_cast %parallel_loop3A_958 : vector<16xf32> to vector<1x16xf32>
      tpu.vector_store %arg8[%parallel_loop3A_959, %parallel_loop3A_960], %parallel_loop3A_963 {strides = array<i32>} : memref<16x1024xf32, #tpu.memory_space<vmem>>, vector<1x16xf32>,
    } {sc.loop_unroll_factor = 8 : i64, sc.parallel_access}
    %add3A_223 = arith.constant 16 : i32
    %add3A_224 = arith.addi %mul3A_2, %add3A_223 : i32
    %add3A_225 = arith.constant 8192 : i32
    %add3A_226 = arith.addi %add3A_225, %add3A_224 : i32
    %dma_start3A_227 = arith.constant 0 : i32
    %dma_start3A_228 = tpu.memref_slice %arg4[%add3A_226, %dma_start3A_227] : memref<16384x1024xf32, #tpu.memory_space<hbm>> -> memref<16x1024xf32, #tpu.memory_space<hbm>>
    %dma_start3A_229 = arith.constant 0 : i32
    %dma_start3A_230 = tpu.memref_slice %arg4[%add3A_226, %dma_start3A_229] : memref<16384x1024xf32, #tpu.memory_space<hbm>> -> memref<16x1024xf32, #tpu.memory_space<hbm>>
    tpu.enqueue_dma source(%arg8 : memref<16x1024xf32, #tpu.memory_space<vmem>>) target(%dma_start3A_230 : memref<16x1024xf32, #tpu.memory_space<hbm>>) target_semaphore(%arg20 : memref<!tpu.dma_semaphore, #tpu.memory_space<semaphore_mem>>)
    %dma_wait3A_231 = arith.constant 0 : i32
    %dma_wait3A_232 = tpu.memref_slice %arg4[%add3A_199, %dma_wait3A_231] : memref<16384x1024xf32, #tpu.memory_space<hbm>> -> memref<16x1024xf32, #tpu.memory_space<hbm>>
    %dma_wait3A_233 = arith.constant 0 : i32
    %dma_wait3A_234 = tpu.memref_slice %arg4[%add3A_199, %dma_wait3A_233] : memref<16384x1024xf32, #tpu.memory_space<hbm>> -> memref<16x1024xf32, #tpu.memory_space<hbm>>
    tpu.wait_dma2 semaphore(%arg19 : memref<!tpu.dma_semaphore, #tpu.memory_space<semaphore_mem>>) src(%arg7 : memref<16x1024xf32, #tpu.memory_space<vmem>>) dst(%dma_wait3A_234 : memref<16x1024xf32, #tpu.memory_space<hbm>>)
    %add3A_235 = arith.constant 32 : i32
    %add3A_236 = arith.addi %mul3A_2, %add3A_235 : i32
    %add3A_237 = arith.constant 8192 : i32
    %add3A_238 = arith.addi %add3A_237, %add3A_236 : i32
    %dma_start3A_239 = arith.constant 0 : i32
    %dma_start3A_240 = tpu.memref_slice %arg2[%add3A_238, %dma_start3A_239] : memref<16384x1024xf32, #tpu.memory_space<hbm>> -> memref<16x1024xf32, #tpu.memory_space<hbm>>
    %dma_start3A_241 = arith.constant 0 : i32
    %dma_start3A_242 = tpu.memref_slice %arg2[%add3A_238, %dma_start3A_241] : memref<16384x1024xf32, #tpu.memory_space<hbm>> -> memref<16x1024xf32, #tpu.memory_space<hbm>>
    tpu.enqueue_dma source(%dma_start3A_242 : memref<16x1024xf32, #tpu.memory_space<hbm>>) target(%arg7 : memref<16x1024xf32, #tpu.memory_space<vmem>>) target_semaphore(%arg14 : memref<!tpu.dma_semaphore, #tpu.memory_space<semaphore_mem>>)
    %dma_wait3A_243 = arith.constant 0 : i32
    %dma_wait3A_244 = tpu.memref_slice %arg2[%add3A_157, %dma_wait3A_243] : memref<16384x1024xf32, #tpu.memory_space<hbm>> -> memref<16x1024xf32, #tpu.memory_space<hbm>>
    %dma_wait3A_245 = arith.constant 0 : i32
    %dma_wait3A_246 = tpu.memref_slice %arg2[%add3A_157, %dma_wait3A_245] : memref<16384x1024xf32, #tpu.memory_space<hbm>> -> memref<16x1024xf32, #tpu.memory_space<hbm>>
    tpu.wait_dma2 semaphore(%arg16 : memref<!tpu.dma_semaphore, #tpu.memory_space<semaphore_mem>>) src(%dma_wait3A_246 : memref<16x1024xf32, #tpu.memory_space<hbm>>) dst(%arg9 : memref<16x1024xf32, #tpu.memory_space<vmem>>)
    %parallel_loop3A_247 = arith.constant 0 : i32
    %parallel_loop3A_248 = arith.constant 16384 : i32
    %parallel_loop3A_249 = arith.constant 16 : i32
    scf.for %parallel_loop3A_944 = %parallel_loop3A_247 to %parallel_loop3A_248 step %parallel_loop3A_249  : i32 {
      %parallel_loop3A_945 = arith.constant 10 : i32
      %parallel_loop3A_946 = arith.shrui %parallel_loop3A_944, %parallel_loop3A_945 : i32
      %parallel_loop3A_947 = arith.constant 1023 : i32
      %parallel_loop3A_948 = arith.andi %parallel_loop3A_944, %parallel_loop3A_947 : i32
      %parallel_loop3A_949 = tpu.assume_multiple %parallel_loop3A_948, 16 : i32
      %parallel_loop3A_950 = arith.index_cast %parallel_loop3A_946 : i32 to index
      %parallel_loop3A_951 = arith.index_cast %parallel_loop3A_949 : i32 to index
      %parallel_loop3A_952 = tpu.vector_load %arg9[%parallel_loop3A_950, %parallel_loop3A_951] {strides = array<i32>} : memref<16x1024xf32, #tpu.memory_space<vmem>>, vector<1x16xf32>,
      %parallel_loop3A_953 = vector.shape_cast %parallel_loop3A_952 : vector<1x16xf32> to vector<16xf32>
      %parallel_loop3A_954 = arith.index_cast %parallel_loop3A_946 : i32 to index
      %parallel_loop3A_955 = arith.index_cast %parallel_loop3A_949 : i32 to index
      %parallel_loop3A_956 = tpu.vector_load %arg6[%parallel_loop3A_954, %parallel_loop3A_955] {strides = array<i32>} : memref<16x1024xf32, #tpu.memory_space<vmem>>, vector<1x16xf32>,
      %parallel_loop3A_957 = vector.shape_cast %parallel_loop3A_956 : vector<1x16xf32> to vector<16xf32>
      %parallel_loop3A_958 = arith.addf %parallel_loop3A_953, %parallel_loop3A_957 : vector<16xf32>
      %parallel_loop3A_959 = arith.index_cast %parallel_loop3A_946 : i32 to index
      %parallel_loop3A_960 = arith.index_cast %parallel_loop3A_949 : i32 to index
      %parallel_loop3A_961 = tpu.vector_load %arg9[%parallel_loop3A_959, %parallel_loop3A_960] {strides = array<i32>} : memref<16x1024xf32, #tpu.memory_space<vmem>>, vector<1x16xf32>,
      %parallel_loop3A_962 = vector.shape_cast %parallel_loop3A_961 : vector<1x16xf32> to vector<16xf32>
      %parallel_loop3A_963 = vector.shape_cast %parallel_loop3A_958 : vector<16xf32> to vector<1x16xf32>
      tpu.vector_store %arg9[%parallel_loop3A_959, %parallel_loop3A_960], %parallel_loop3A_963 {strides = array<i32>} : memref<16x1024xf32, #tpu.memory_space<vmem>>, vector<1x16xf32>,
    } {sc.loop_unroll_factor = 8 : i64, sc.parallel_access}
    %add3A_250 = arith.constant 16 : i32
    %add3A_251 = arith.addi %mul3A_2, %add3A_250 : i32
    %add3A_252 = arith.constant 12288 : i32
    %add3A_253 = arith.addi %add3A_252, %add3A_251 : i32
    %dma_start3A_254 = arith.constant 0 : i32
    %dma_start3A_255 = tpu.memref_slice %arg4[%add3A_253, %dma_start3A_254] : memref<16384x1024xf32, #tpu.memory_space<hbm>> -> memref<16x1024xf32, #tpu.memory_space<hbm>>
    %dma_start3A_256 = arith.constant 0 : i32
    %dma_start3A_257 = tpu.memref_slice %arg4[%add3A_253, %dma_start3A_256] : memref<16384x1024xf32, #tpu.memory_space<hbm>> -> memref<16x1024xf32, #tpu.memory_space<hbm>>
    tpu.enqueue_dma source(%arg9 : memref<16x1024xf32, #tpu.memory_space<vmem>>) target(%dma_start3A_257 : memref<16x1024xf32, #tpu.memory_space<hbm>>) target_semaphore(%arg21 : memref<!tpu.dma_semaphore, #tpu.memory_space<semaphore_mem>>)
    %dma_wait3A_258 = arith.constant 0 : i32
    %dma_wait3A_259 = tpu.memref_slice %arg3[%add3A_145, %dma_wait3A_258] : memref<4096x1024xf32, #tpu.memory_space<hbm>> -> memref<16x1024xf32, #tpu.memory_space<hbm>>
    %dma_wait3A_260 = arith.constant 0 : i32
    %dma_wait3A_261 = tpu.memref_slice %arg3[%add3A_145, %dma_wait3A_260] : memref<4096x1024xf32, #tpu.memory_space<hbm>> -> memref<16x1024xf32, #tpu.memory_space<hbm>>
    tpu.wait_dma2 semaphore(%arg12 : memref<!tpu.dma_semaphore, #tpu.memory_space<semaphore_mem>>) src(%dma_wait3A_261 : memref<16x1024xf32, #tpu.memory_space<hbm>>) dst(%arg5 : memref<16x1024xf32, #tpu.memory_space<vmem>>)
    %add3A_262 = arith.constant 48 : i32
    %add3A_263 = arith.addi %mul3A_2, %add3A_262 : i32
    %dma_start3A_264 = arith.constant 0 : i32
    %dma_start3A_265 = tpu.memref_slice %arg3[%add3A_263, %dma_start3A_264] : memref<4096x1024xf32, #tpu.memory_space<hbm>> -> memref<16x1024xf32, #tpu.memory_space<hbm>>
    %dma_start3A_266 = arith.constant 0 : i32
    %dma_start3A_267 = tpu.memref_slice %arg3[%add3A_263, %dma_start3A_266] : memref<4096x1024xf32, #tpu.memory_space<hbm>> -> memref<16x1024xf32, #tpu.memory_space<hbm>>
    tpu.enqueue_dma source(%dma_start3A_267 : memref<16x1024xf32, #tpu.memory_space<hbm>>) target(%arg6 : memref<16x1024xf32, #tpu.memory_space<vmem>>) target_semaphore(%arg13 : memref<!tpu.dma_semaphore, #tpu.memory_space<semaphore_mem>>)
    %dma_wait3A_268 = arith.constant 0 : i32
    %dma_wait3A_269 = tpu.memref_slice %arg4[%add3A_226, %dma_wait3A_268] : memref<16384x1024xf32, #tpu.memory_space<hbm>> -> memref<16x1024xf32, #tpu.memory_space<hbm>>
    %dma_wait3A_270 = arith.constant 0 : i32
    %dma_wait3A_271 = tpu.memref_slice %arg4[%add3A_226, %dma_wait3A_270] : memref<16384x1024xf32, #tpu.memory_space<hbm>> -> memref<16x1024xf32, #tpu.memory_space<hbm>>
    tpu.wait_dma2 semaphore(%arg20 : memref<!tpu.dma_semaphore, #tpu.memory_space<semaphore_mem>>) src(%arg8 : memref<16x1024xf32, #tpu.memory_space<vmem>>) dst(%dma_wait3A_271 : memref<16x1024xf32, #tpu.memory_space<hbm>>)
    %add3A_272 = arith.constant 32 : i32
    %add3A_273 = arith.addi %mul3A_2, %add3A_272 : i32
    %add3A_274 = arith.constant 12288 : i32
    %add3A_275 = arith.addi %add3A_274, %add3A_273 : i32
    %dma_start3A_276 = arith.constant 0 : i32
    %dma_start3A_277 = tpu.memref_slice %arg2[%add3A_275, %dma_start3A_276] : memref<16384x1024xf32, #tpu.memory_space<hbm>> -> memref<16x1024xf32, #tpu.memory_space<hbm>>
    %dma_start3A_278 = arith.constant 0 : i32
    %dma_start3A_279 = tpu.memref_slice %arg2[%add3A_275, %dma_start3A_278] : memref<16384x1024xf32, #tpu.memory_space<hbm>> -> memref<16x1024xf32, #tpu.memory_space<hbm>>
    tpu.enqueue_dma source(%dma_start3A_279 : memref<16x1024xf32, #tpu.memory_space<hbm>>) target(%arg8 : memref<16x1024xf32, #tpu.memory_space<vmem>>) target_semaphore(%arg15 : memref<!tpu.dma_semaphore, #tpu.memory_space<semaphore_mem>>)
    %dma_wait3A_280 = arith.constant 0 : i32
    %dma_wait3A_281 = tpu.memref_slice %arg2[%add3A_184, %dma_wait3A_280] : memref<16384x1024xf32, #tpu.memory_space<hbm>> -> memref<16x1024xf32, #tpu.memory_space<hbm>>
    %dma_wait3A_282 = arith.constant 0 : i32
    %dma_wait3A_283 = tpu.memref_slice %arg2[%add3A_184, %dma_wait3A_282] : memref<16384x1024xf32, #tpu.memory_space<hbm>> -> memref<16x1024xf32, #tpu.memory_space<hbm>>
    tpu.wait_dma2 semaphore(%arg17 : memref<!tpu.dma_semaphore, #tpu.memory_space<semaphore_mem>>) src(%dma_wait3A_283 : memref<16x1024xf32, #tpu.memory_space<hbm>>) dst(%arg10 : memref<16x1024xf32, #tpu.memory_space<vmem>>)
    %parallel_loop3A_284 = arith.constant 0 : i32
    %parallel_loop3A_285 = arith.constant 16384 : i32
    %parallel_loop3A_286 = arith.constant 16 : i32
    scf.for %parallel_loop3A_944 = %parallel_loop3A_284 to %parallel_loop3A_285 step %parallel_loop3A_286  : i32 {
      %parallel_loop3A_945 = arith.constant 10 : i32
      %parallel_loop3A_946 = arith.shrui %parallel_loop3A_944, %parallel_loop3A_945 : i32
      %parallel_loop3A_947 = arith.constant 1023 : i32
      %parallel_loop3A_948 = arith.andi %parallel_loop3A_944, %parallel_loop3A_947 : i32
      %parallel_loop3A_949 = tpu.assume_multiple %parallel_loop3A_948, 16 : i32
      %parallel_loop3A_950 = arith.index_cast %parallel_loop3A_946 : i32 to index
      %parallel_loop3A_951 = arith.index_cast %parallel_loop3A_949 : i32 to index
      %parallel_loop3A_952 = tpu.vector_load %arg10[%parallel_loop3A_950, %parallel_loop3A_951] {strides = array<i32>} : memref<16x1024xf32, #tpu.memory_space<vmem>>, vector<1x16xf32>,
      %parallel_loop3A_953 = vector.shape_cast %parallel_loop3A_952 : vector<1x16xf32> to vector<16xf32>
      %parallel_loop3A_954 = arith.index_cast %parallel_loop3A_946 : i32 to index
      %parallel_loop3A_955 = arith.index_cast %parallel_loop3A_949 : i32 to index
      %parallel_loop3A_956 = tpu.vector_load %arg5[%parallel_loop3A_954, %parallel_loop3A_955] {strides = array<i32>} : memref<16x1024xf32, #tpu.memory_space<vmem>>, vector<1x16xf32>,
      %parallel_loop3A_957 = vector.shape_cast %parallel_loop3A_956 : vector<1x16xf32> to vector<16xf32>
      %parallel_loop3A_958 = arith.addf %parallel_loop3A_953, %parallel_loop3A_957 : vector<16xf32>
      %parallel_loop3A_959 = arith.index_cast %parallel_loop3A_946 : i32 to index
      %parallel_loop3A_960 = arith.index_cast %parallel_loop3A_949 : i32 to index
      %parallel_loop3A_961 = tpu.vector_load %arg10[%parallel_loop3A_959, %parallel_loop3A_960] {strides = array<i32>} : memref<16x1024xf32, #tpu.memory_space<vmem>>, vector<1x16xf32>,
      %parallel_loop3A_962 = vector.shape_cast %parallel_loop3A_961 : vector<1x16xf32> to vector<16xf32>
      %parallel_loop3A_963 = vector.shape_cast %parallel_loop3A_958 : vector<16xf32> to vector<1x16xf32>
      tpu.vector_store %arg10[%parallel_loop3A_959, %parallel_loop3A_960], %parallel_loop3A_963 {strides = array<i32>} : memref<16x1024xf32, #tpu.memory_space<vmem>>, vector<1x16xf32>,
    } {sc.loop_unroll_factor = 8 : i64, sc.parallel_access}
    %add3A_287 = arith.constant 32 : i32
    %add3A_288 = arith.addi %mul3A_2, %add3A_287 : i32
    %add3A_289 = arith.constant 0 : i32
    %add3A_290 = arith.addi %add3A_289, %add3A_288 : i32
    %dma_start3A_291 = arith.constant 0 : i32
    %dma_start3A_292 = tpu.memref_slice %arg4[%add3A_290, %dma_start3A_291] : memref<16384x1024xf32, #tpu.memory_space<hbm>> -> memref<16x1024xf32, #tpu.memory_space<hbm>>
    %dma_start3A_293 = arith.constant 0 : i32
    %dma_start3A_294 = tpu.memref_slice %arg4[%add3A_290, %dma_start3A_293] : memref<16384x1024xf32, #tpu.memory_space<hbm>> -> memref<16x1024xf32, #tpu.memory_space<hbm>>
    tpu.enqueue_dma source(%arg10 : memref<16x1024xf32, #tpu.memory_space<vmem>>) target(%dma_start3A_294 : memref<16x1024xf32, #tpu.memory_space<hbm>>) target_semaphore(%arg22 : memref<!tpu.dma_semaphore, #tpu.memory_space<semaphore_mem>>)
    %dma_wait3A_295 = arith.constant 0 : i32
    %dma_wait3A_296 = tpu.memref_slice %arg4[%add3A_253, %dma_wait3A_295] : memref<16384x1024xf32, #tpu.memory_space<hbm>> -> memref<16x1024xf32, #tpu.memory_space<hbm>>
    %dma_wait3A_297 = arith.constant 0 : i32
    %dma_wait3A_298 = tpu.memref_slice %arg4[%add3A_253, %dma_wait3A_297] : memref<16384x1024xf32, #tpu.memory_space<hbm>> -> memref<16x1024xf32, #tpu.memory_space<hbm>>
    tpu.wait_dma2 semaphore(%arg21 : memref<!tpu.dma_semaphore, #tpu.memory_space<semaphore_mem>>) src(%arg9 : memref<16x1024xf32, #tpu.memory_space<vmem>>) dst(%dma_wait3A_298 : memref<16x1024xf32, #tpu.memory_space<hbm>>)
    %add3A_299 = arith.constant 48 : i32
    %add3A_300 = arith.addi %mul3A_2, %add3A_299 : i32
    %add3A_301 = arith.constant 0 : i32
    %add3A_302 = arith.addi %add3A_301, %add3A_300 : i32
    %dma_start3A_303 = arith.constant 0 : i32
    %dma_start3A_304 = tpu.memref_slice %arg2[%add3A_302, %dma_start3A_303] : memref<16384x1024xf32, #tpu.memory_space<hbm>> -> memref<16x1024xf32, #tpu.memory_space<hbm>>
    %dma_start3A_305 = arith.constant 0 : i32
    %dma_start3A_306 = tpu.memref_slice %arg2[%add3A_302, %dma_start3A_305] : memref<16384x1024xf32, #tpu.memory_space<hbm>> -> memref<16x1024xf32, #tpu.memory_space<hbm>>
    tpu.enqueue_dma source(%dma_start3A_306 : memref<16x1024xf32, #tpu.memory_space<hbm>>) target(%arg9 : memref<16x1024xf32, #tpu.memory_space<vmem>>) target_semaphore(%arg16 : memref<!tpu.dma_semaphore, #tpu.memory_space<semaphore_mem>>)
    %dma_wait3A_307 = arith.constant 0 : i32
    %dma_wait3A_308 = tpu.memref_slice %arg2[%add3A_211, %dma_wait3A_307] : memref<16384x1024xf32, #tpu.memory_space<hbm>> -> memref<16x1024xf32, #tpu.memory_space<hbm>>
    %dma_wait3A_309 = arith.constant 0 : i32
    %dma_wait3A_310 = tpu.memref_slice %arg2[%add3A_211, %dma_wait3A_309] : memref<16384x1024xf32, #tpu.memory_space<hbm>> -> memref<16x1024xf32, #tpu.memory_space<hbm>>
    tpu.wait_dma2 semaphore(%arg18 : memref<!tpu.dma_semaphore, #tpu.memory_space<semaphore_mem>>) src(%dma_wait3A_310 : memref<16x1024xf32, #tpu.memory_space<hbm>>) dst(%arg11 : memref<16x1024xf32, #tpu.memory_space<vmem>>)
    %parallel_loop3A_311 = arith.constant 0 : i32
    %parallel_loop3A_312 = arith.constant 16384 : i32
    %parallel_loop3A_313 = arith.constant 16 : i32
    scf.for %parallel_loop3A_944 = %parallel_loop3A_311 to %parallel_loop3A_312 step %parallel_loop3A_313  : i32 {
      %parallel_loop3A_945 = arith.constant 10 : i32
      %parallel_loop3A_946 = arith.shrui %parallel_loop3A_944, %parallel_loop3A_945 : i32
      %parallel_loop3A_947 = arith.constant 1023 : i32
      %parallel_loop3A_948 = arith.andi %parallel_loop3A_944, %parallel_loop3A_947 : i32
      %parallel_loop3A_949 = tpu.assume_multiple %parallel_loop3A_948, 16 : i32
      %parallel_loop3A_950 = arith.index_cast %parallel_loop3A_946 : i32 to index
      %parallel_loop3A_951 = arith.index_cast %parallel_loop3A_949 : i32 to index
      %parallel_loop3A_952 = tpu.vector_load %arg11[%parallel_loop3A_950, %parallel_loop3A_951] {strides = array<i32>} : memref<16x1024xf32, #tpu.memory_space<vmem>>, vector<1x16xf32>,
      %parallel_loop3A_953 = vector.shape_cast %parallel_loop3A_952 : vector<1x16xf32> to vector<16xf32>
      %parallel_loop3A_954 = arith.index_cast %parallel_loop3A_946 : i32 to index
      %parallel_loop3A_955 = arith.index_cast %parallel_loop3A_949 : i32 to index
      %parallel_loop3A_956 = tpu.vector_load %arg5[%parallel_loop3A_954, %parallel_loop3A_955] {strides = array<i32>} : memref<16x1024xf32, #tpu.memory_space<vmem>>, vector<1x16xf32>,
      %parallel_loop3A_957 = vector.shape_cast %parallel_loop3A_956 : vector<1x16xf32> to vector<16xf32>
      %parallel_loop3A_958 = arith.addf %parallel_loop3A_953, %parallel_loop3A_957 : vector<16xf32>
      %parallel_loop3A_959 = arith.index_cast %parallel_loop3A_946 : i32 to index
      %parallel_loop3A_960 = arith.index_cast %parallel_loop3A_949 : i32 to index
      %parallel_loop3A_961 = tpu.vector_load %arg11[%parallel_loop3A_959, %parallel_loop3A_960] {strides = array<i32>} : memref<16x1024xf32, #tpu.memory_space<vmem>>, vector<1x16xf32>,
      %parallel_loop3A_962 = vector.shape_cast %parallel_loop3A_961 : vector<1x16xf32> to vector<16xf32>
      %parallel_loop3A_963 = vector.shape_cast %parallel_loop3A_958 : vector<16xf32> to vector<1x16xf32>
      tpu.vector_store %arg11[%parallel_loop3A_959, %parallel_loop3A_960], %parallel_loop3A_963 {strides = array<i32>} : memref<16x1024xf32, #tpu.memory_space<vmem>>, vector<1x16xf32>,
    } {sc.loop_unroll_factor = 8 : i64, sc.parallel_access}
    %add3A_314 = arith.constant 32 : i32
    %add3A_315 = arith.addi %mul3A_2, %add3A_314 : i32
    %add3A_316 = arith.constant 4096 : i32
    %add3A_317 = arith.addi %add3A_316, %add3A_315 : i32
    %dma_start3A_318 = arith.constant 0 : i32
    %dma_start3A_319 = tpu.memref_slice %arg4[%add3A_317, %dma_start3A_318] : memref<16384x1024xf32, #tpu.memory_space<hbm>> -> memref<16x1024xf32, #tpu.memory_space<hbm>>
    %dma_start3A_320 = arith.constant 0 : i32
    %dma_start3A_321 = tpu.memref_slice %arg4[%add3A_317, %dma_start3A_320] : memref<16384x1024xf32, #tpu.memory_space<hbm>> -> memref<16x1024xf32, #tpu.memory_space<hbm>>
    tpu.enqueue_dma source(%arg11 : memref<16x1024xf32, #tpu.memory_space<vmem>>) target(%dma_start3A_321 : memref<16x1024xf32, #tpu.memory_space<hbm>>) target_semaphore(%arg23 : memref<!tpu.dma_semaphore, #tpu.memory_space<semaphore_mem>>)
    %dma_wait3A_322 = arith.constant 0 : i32
    %dma_wait3A_323 = tpu.memref_slice %arg4[%add3A_290, %dma_wait3A_322] : memref<16384x1024xf32, #tpu.memory_space<hbm>> -> memref<16x1024xf32, #tpu.memory_space<hbm>>
    %dma_wait3A_324 = arith.constant 0 : i32
    %dma_wait3A_325 = tpu.memref_slice %arg4[%add3A_290, %dma_wait3A_324] : memref<16384x1024xf32, #tpu.memory_space<hbm>> -> memref<16x1024xf32, #tpu.memory_space<hbm>>
    tpu.wait_dma2 semaphore(%arg22 : memref<!tpu.dma_semaphore, #tpu.memory_space<semaphore_mem>>) src(%arg10 : memref<16x1024xf32, #tpu.memory_space<vmem>>) dst(%dma_wait3A_325 : memref<16x1024xf32, #tpu.memory_space<hbm>>)
    %add3A_326 = arith.constant 48 : i32
    %add3A_327 = arith.addi %mul3A_2, %add3A_326 : i32
    %add3A_328 = arith.constant 4096 : i32
    %add3A_329 = arith.addi %add3A_328, %add3A_327 : i32
    %dma_start3A_330 = arith.constant 0 : i32
    %dma_start3A_331 = tpu.memref_slice %arg2[%add3A_329, %dma_start3A_330] : memref<16384x1024xf32, #tpu.memory_space<hbm>> -> memref<16x1024xf32, #tpu.memory_space<hbm>>
    %dma_start3A_332 = arith.constant 0 : i32
    %dma_start3A_333 = tpu.memref_slice %arg2[%add3A_329, %dma_start3A_332] : memref<16384x1024xf32, #tpu.memory_space<hbm>> -> memref<16x1024xf32, #tpu.memory_space<hbm>>
    tpu.enqueue_dma source(%dma_start3A_333 : memref<16x1024xf32, #tpu.memory_space<hbm>>) target(%arg10 : memref<16x1024xf32, #tpu.memory_space<vmem>>) target_semaphore(%arg17 : memref<!tpu.dma_semaphore, #tpu.memory_space<semaphore_mem>>)
    %dma_wait3A_334 = arith.constant 0 : i32
    %dma_wait3A_335 = tpu.memref_slice %arg2[%add3A_238, %dma_wait3A_334] : memref<16384x1024xf32, #tpu.memory_space<hbm>> -> memref<16x1024xf32, #tpu.memory_space<hbm>>
    %dma_wait3A_336 = arith.constant 0 : i32
    %dma_wait3A_337 = tpu.memref_slice %arg2[%add3A_238, %dma_wait3A_336] : memref<16384x1024xf32, #tpu.memory_space<hbm>> -> memref<16x1024xf32, #tpu.memory_space<hbm>>
    tpu.wait_dma2 semaphore(%arg14 : memref<!tpu.dma_semaphore, #tpu.memory_space<semaphore_mem>>) src(%dma_wait3A_337 : memref<16x1024xf32, #tpu.memory_space<hbm>>) dst(%arg7 : memref<16x1024xf32, #tpu.memory_space<vmem>>)
    %parallel_loop3A_338 = arith.constant 0 : i32
    %parallel_loop3A_339 = arith.constant 16384 : i32
    %parallel_loop3A_340 = arith.constant 16 : i32
    scf.for %parallel_loop3A_944 = %parallel_loop3A_338 to %parallel_loop3A_339 step %parallel_loop3A_340  : i32 {
      %parallel_loop3A_945 = arith.constant 10 : i32
      %parallel_loop3A_946 = arith.shrui %parallel_loop3A_944, %parallel_loop3A_945 : i32
      %parallel_loop3A_947 = arith.constant 1023 : i32
      %parallel_loop3A_948 = arith.andi %parallel_loop3A_944, %parallel_loop3A_947 : i32
      %parallel_loop3A_949 = tpu.assume_multiple %parallel_loop3A_948, 16 : i32
      %parallel_loop3A_950 = arith.index_cast %parallel_loop3A_946 : i32 to index
      %parallel_loop3A_951 = arith.index_cast %parallel_loop3A_949 : i32 to index
      %parallel_loop3A_952 = tpu.vector_load %arg7[%parallel_loop3A_950, %parallel_loop3A_951] {strides = array<i32>} : memref<16x1024xf32, #tpu.memory_space<vmem>>, vector<1x16xf32>,
      %parallel_loop3A_953 = vector.shape_cast %parallel_loop3A_952 : vector<1x16xf32> to vector<16xf32>
      %parallel_loop3A_954 = arith.index_cast %parallel_loop3A_946 : i32 to index
      %parallel_loop3A_955 = arith.index_cast %parallel_loop3A_949 : i32 to index
      %parallel_loop3A_956 = tpu.vector_load %arg5[%parallel_loop3A_954, %parallel_loop3A_955] {strides = array<i32>} : memref<16x1024xf32, #tpu.memory_space<vmem>>, vector<1x16xf32>,
      %parallel_loop3A_957 = vector.shape_cast %parallel_loop3A_956 : vector<1x16xf32> to vector<16xf32>
      %parallel_loop3A_958 = arith.addf %parallel_loop3A_953, %parallel_loop3A_957 : vector<16xf32>
      %parallel_loop3A_959 = arith.index_cast %parallel_loop3A_946 : i32 to index
      %parallel_loop3A_960 = arith.index_cast %parallel_loop3A_949 : i32 to index
      %parallel_loop3A_961 = tpu.vector_load %arg7[%parallel_loop3A_959, %parallel_loop3A_960] {strides = array<i32>} : memref<16x1024xf32, #tpu.memory_space<vmem>>, vector<1x16xf32>,
      %parallel_loop3A_962 = vector.shape_cast %parallel_loop3A_961 : vector<1x16xf32> to vector<16xf32>
      %parallel_loop3A_963 = vector.shape_cast %parallel_loop3A_958 : vector<16xf32> to vector<1x16xf32>
      tpu.vector_store %arg7[%parallel_loop3A_959, %parallel_loop3A_960], %parallel_loop3A_963 {strides = array<i32>} : memref<16x1024xf32, #tpu.memory_space<vmem>>, vector<1x16xf32>,
    } {sc.loop_unroll_factor = 8 : i64, sc.parallel_access}
    %add3A_341 = arith.constant 32 : i32
    %add3A_342 = arith.addi %mul3A_2, %add3A_341 : i32
    %add3A_343 = arith.constant 8192 : i32
    %add3A_344 = arith.addi %add3A_343, %add3A_342 : i32
    %dma_start3A_345 = arith.constant 0 : i32
    %dma_start3A_346 = tpu.memref_slice %arg4[%add3A_344, %dma_start3A_345] : memref<16384x1024xf32, #tpu.memory_space<hbm>> -> memref<16x1024xf32, #tpu.memory_space<hbm>>
    %dma_start3A_347 = arith.constant 0 : i32
    %dma_start3A_348 = tpu.memref_slice %arg4[%add3A_344, %dma_start3A_347] : memref<16384x1024xf32, #tpu.memory_space<hbm>> -> memref<16x1024xf32, #tpu.memory_space<hbm>>
    tpu.enqueue_dma source(%arg7 : memref<16x1024xf32, #tpu.memory_space<vmem>>) target(%dma_start3A_348 : memref<16x1024xf32, #tpu.memory_space<hbm>>) target_semaphore(%arg19 : memref<!tpu.dma_semaphore, #tpu.memory_space<semaphore_mem>>)
    %dma_wait3A_349 = arith.constant 0 : i32
    %dma_wait3A_350 = tpu.memref_slice %arg4[%add3A_317, %dma_wait3A_349] : memref<16384x1024xf32, #tpu.memory_space<hbm>> -> memref<16x1024xf32, #tpu.memory_space<hbm>>
    %dma_wait3A_351 = arith.constant 0 : i32
    %dma_wait3A_352 = tpu.memref_slice %arg4[%add3A_317, %dma_wait3A_351] : memref<16384x1024xf32, #tpu.memory_space<hbm>> -> memref<16x1024xf32, #tpu.memory_space<hbm>>
    tpu.wait_dma2 semaphore(%arg23 : memref<!tpu.dma_semaphore, #tpu.memory_space<semaphore_mem>>) src(%arg11 : memref<16x1024xf32, #tpu.memory_space<vmem>>) dst(%dma_wait3A_352 : memref<16x1024xf32, #tpu.memory_space<hbm>>)
    %add3A_353 = arith.constant 48 : i32
    %add3A_354 = arith.addi %mul3A_2, %add3A_353 : i32
    %add3A_355 = arith.constant 8192 : i32
    %add3A_356 = arith.addi %add3A_355, %add3A_354 : i32
    %dma_start3A_357 = arith.constant 0 : i32
    %dma_start3A_358 = tpu.memref_slice %arg2[%add3A_356, %dma_start3A_357] : memref<16384x1024xf32, #tpu.memory_space<hbm>> -> memref<16x1024xf32, #tpu.memory_space<hbm>>
    %dma_start3A_359 = arith.constant 0 : i32
    %dma_start3A_360 = tpu.memref_slice %arg2[%add3A_356, %dma_start3A_359] : memref<16384x1024xf32, #tpu.memory_space<hbm>> -> memref<16x1024xf32, #tpu.memory_space<hbm>>
    tpu.enqueue_dma source(%dma_start3A_360 : memref<16x1024xf32, #tpu.memory_space<hbm>>) target(%arg11 : memref<16x1024xf32, #tpu.memory_space<vmem>>) target_semaphore(%arg18 : memref<!tpu.dma_semaphore, #tpu.memory_space<semaphore_mem>>)
    %dma_wait3A_361 = arith.constant 0 : i32
    %dma_wait3A_362 = tpu.memref_slice %arg2[%add3A_275, %dma_wait3A_361] : memref<16384x1024xf32, #tpu.memory_space<hbm>> -> memref<16x1024xf32, #tpu.memory_space<hbm>>
    %dma_wait3A_363 = arith.constant 0 : i32
    %dma_wait3A_364 = tpu.memref_slice %arg2[%add3A_275, %dma_wait3A_363] : memref<16384x1024xf32, #tpu.memory_space<hbm>> -> memref<16x1024xf32, #tpu.memory_space<hbm>>
    tpu.wait_dma2 semaphore(%arg15 : memref<!tpu.dma_semaphore, #tpu.memory_space<semaphore_mem>>) src(%dma_wait3A_364 : memref<16x1024xf32, #tpu.memory_space<hbm>>) dst(%arg8 : memref<16x1024xf32, #tpu.memory_space<vmem>>)
    %parallel_loop3A_365 = arith.constant 0 : i32
    %parallel_loop3A_366 = arith.constant 16384 : i32
    %parallel_loop3A_367 = arith.constant 16 : i32
    scf.for %parallel_loop3A_944 = %parallel_loop3A_365 to %parallel_loop3A_366 step %parallel_loop3A_367  : i32 {
      %parallel_loop3A_945 = arith.constant 10 : i32
      %parallel_loop3A_946 = arith.shrui %parallel_loop3A_944, %parallel_loop3A_945 : i32
      %parallel_loop3A_947 = arith.constant 1023 : i32
      %parallel_loop3A_948 = arith.andi %parallel_loop3A_944, %parallel_loop3A_947 : i32
      %parallel_loop3A_949 = tpu.assume_multiple %parallel_loop3A_948, 16 : i32
      %parallel_loop3A_950 = arith.index_cast %parallel_loop3A_946 : i32 to index
      %parallel_loop3A_951 = arith.index_cast %parallel_loop3A_949 : i32 to index
      %parallel_loop3A_952 = tpu.vector_load %arg8[%parallel_loop3A_950, %parallel_loop3A_951] {strides = array<i32>} : memref<16x1024xf32, #tpu.memory_space<vmem>>, vector<1x16xf32>,
      %parallel_loop3A_953 = vector.shape_cast %parallel_loop3A_952 : vector<1x16xf32> to vector<16xf32>
      %parallel_loop3A_954 = arith.index_cast %parallel_loop3A_946 : i32 to index
      %parallel_loop3A_955 = arith.index_cast %parallel_loop3A_949 : i32 to index
      %parallel_loop3A_956 = tpu.vector_load %arg5[%parallel_loop3A_954, %parallel_loop3A_955] {strides = array<i32>} : memref<16x1024xf32, #tpu.memory_space<vmem>>, vector<1x16xf32>,
      %parallel_loop3A_957 = vector.shape_cast %parallel_loop3A_956 : vector<1x16xf32> to vector<16xf32>
      %parallel_loop3A_958 = arith.addf %parallel_loop3A_953, %parallel_loop3A_957 : vector<16xf32>
      %parallel_loop3A_959 = arith.index_cast %parallel_loop3A_946 : i32 to index
      %parallel_loop3A_960 = arith.index_cast %parallel_loop3A_949 : i32 to index
      %parallel_loop3A_961 = tpu.vector_load %arg8[%parallel_loop3A_959, %parallel_loop3A_960] {strides = array<i32>} : memref<16x1024xf32, #tpu.memory_space<vmem>>, vector<1x16xf32>,
      %parallel_loop3A_962 = vector.shape_cast %parallel_loop3A_961 : vector<1x16xf32> to vector<16xf32>
      %parallel_loop3A_963 = vector.shape_cast %parallel_loop3A_958 : vector<16xf32> to vector<1x16xf32>
      tpu.vector_store %arg8[%parallel_loop3A_959, %parallel_loop3A_960], %parallel_loop3A_963 {strides = array<i32>} : memref<16x1024xf32, #tpu.memory_space<vmem>>, vector<1x16xf32>,
    } {sc.loop_unroll_factor = 8 : i64, sc.parallel_access}
    %add3A_368 = arith.constant 32 : i32
    %add3A_369 = arith.addi %mul3A_2, %add3A_368 : i32
    %add3A_370 = arith.constant 12288 : i32
    %add3A_371 = arith.addi %add3A_370, %add3A_369 : i32
    %dma_start3A_372 = arith.constant 0 : i32
    %dma_start3A_373 = tpu.memref_slice %arg4[%add3A_371, %dma_start3A_372] : memref<16384x1024xf32, #tpu.memory_space<hbm>> -> memref<16x1024xf32, #tpu.memory_space<hbm>>
    %dma_start3A_374 = arith.constant 0 : i32
    %dma_start3A_375 = tpu.memref_slice %arg4[%add3A_371, %dma_start3A_374] : memref<16384x1024xf32, #tpu.memory_space<hbm>> -> memref<16x1024xf32, #tpu.memory_space<hbm>>
    tpu.enqueue_dma source(%arg8 : memref<16x1024xf32, #tpu.memory_space<vmem>>) target(%dma_start3A_375 : memref<16x1024xf32, #tpu.memory_space<hbm>>) target_semaphore(%arg20 : memref<!tpu.dma_semaphore, #tpu.memory_space<semaphore_mem>>)
    %dma_wait3A_376 = arith.constant 0 : i32
    %dma_wait3A_377 = tpu.memref_slice %arg3[%add3A_263, %dma_wait3A_376] : memref<4096x1024xf32, #tpu.memory_space<hbm>> -> memref<16x1024xf32, #tpu.memory_space<hbm>>
    %dma_wait3A_378 = arith.constant 0 : i32
    %dma_wait3A_379 = tpu.memref_slice %arg3[%add3A_263, %dma_wait3A_378] : memref<4096x1024xf32, #tpu.memory_space<hbm>> -> memref<16x1024xf32, #tpu.memory_space<hbm>>
    tpu.wait_dma2 semaphore(%arg13 : memref<!tpu.dma_semaphore, #tpu.memory_space<semaphore_mem>>) src(%dma_wait3A_379 : memref<16x1024xf32, #tpu.memory_space<hbm>>) dst(%arg6 : memref<16x1024xf32, #tpu.memory_space<vmem>>)
    %add3A_380 = arith.constant 64 : i32
    %add3A_381 = arith.addi %mul3A_2, %add3A_380 : i32
    %dma_start3A_382 = arith.constant 0 : i32
    %dma_start3A_383 = tpu.memref_slice %arg3[%add3A_381, %dma_start3A_382] : memref<4096x1024xf32, #tpu.memory_space<hbm>> -> memref<16x1024xf32, #tpu.memory_space<hbm>>
    %dma_start3A_384 = arith.constant 0 : i32
    %dma_start3A_385 = tpu.memref_slice %arg3[%add3A_381, %dma_start3A_384] : memref<4096x1024xf32, #tpu.memory_space<hbm>> -> memref<16x1024xf32, #tpu.memory_space<hbm>>
    tpu.enqueue_dma source(%dma_start3A_385 : memref<16x1024xf32, #tpu.memory_space<hbm>>) target(%arg5 : memref<16x1024xf32, #tpu.memory_space<vmem>>) target_semaphore(%arg12 : memref<!tpu.dma_semaphore, #tpu.memory_space<semaphore_mem>>)
    %dma_wait3A_386 = arith.constant 0 : i32
    %dma_wait3A_387 = tpu.memref_slice %arg4[%add3A_344, %dma_wait3A_386] : memref<16384x1024xf32, #tpu.memory_space<hbm>> -> memref<16x1024xf32, #tpu.memory_space<hbm>>
    %dma_wait3A_388 = arith.constant 0 : i32
    %dma_wait3A_389 = tpu.memref_slice %arg4[%add3A_344, %dma_wait3A_388] : memref<16384x1024xf32, #tpu.memory_space<hbm>> -> memref<16x1024xf32, #tpu.memory_space<hbm>>
    tpu.wait_dma2 semaphore(%arg19 : memref<!tpu.dma_semaphore, #tpu.memory_space<semaphore_mem>>) src(%arg7 : memref<16x1024xf32, #tpu.memory_space<vmem>>) dst(%dma_wait3A_389 : memref<16x1024xf32, #tpu.memory_space<hbm>>)
    %add3A_390 = arith.constant 48 : i32
    %add3A_391 = arith.addi %mul3A_2, %add3A_390 : i32
    %add3A_392 = arith.constant 12288 : i32
    %add3A_393 = arith.addi %add3A_392, %add3A_391 : i32
    %dma_start3A_394 = arith.constant 0 : i32
    %dma_start3A_395 = tpu.memref_slice %arg2[%add3A_393, %dma_start3A_394] : memref<16384x1024xf32, #tpu.memory_space<hbm>> -> memref<16x1024xf32, #tpu.memory_space<hbm>>
    %dma_start3A_396 = arith.constant 0 : i32
    %dma_start3A_397 = tpu.memref_slice %arg2[%add3A_393, %dma_start3A_396] : memref<16384x1024xf32, #tpu.memory_space<hbm>> -> memref<16x1024xf32, #tpu.memory_space<hbm>>
    tpu.enqueue_dma source(%dma_start3A_397 : memref<16x1024xf32, #tpu.memory_space<hbm>>) target(%arg7 : memref<16x1024xf32, #tpu.memory_space<vmem>>) target_semaphore(%arg14 : memref<!tpu.dma_semaphore, #tpu.memory_space<semaphore_mem>>)
    %dma_wait3A_398 = arith.constant 0 : i32
    %dma_wait3A_399 = tpu.memref_slice %arg2[%add3A_302, %dma_wait3A_398] : memref<16384x1024xf32, #tpu.memory_space<hbm>> -> memref<16x1024xf32, #tpu.memory_space<hbm>>
    %dma_wait3A_400 = arith.constant 0 : i32
    %dma_wait3A_401 = tpu.memref_slice %arg2[%add3A_302, %dma_wait3A_400] : memref<16384x1024xf32, #tpu.memory_space<hbm>> -> memref<16x1024xf32, #tpu.memory_space<hbm>>
    tpu.wait_dma2 semaphore(%arg16 : memref<!tpu.dma_semaphore, #tpu.memory_space<semaphore_mem>>) src(%dma_wait3A_401 : memref<16x1024xf32, #tpu.memory_space<hbm>>) dst(%arg9 : memref<16x1024xf32, #tpu.memory_space<vmem>>)
    %parallel_loop3A_402 = arith.constant 0 : i32
    %parallel_loop3A_403 = arith.constant 16384 : i32
    %parallel_loop3A_404 = arith.constant 16 : i32
    scf.for %parallel_loop3A_944 = %parallel_loop3A_402 to %parallel_loop3A_403 step %parallel_loop3A_404  : i32 {
      %parallel_loop3A_945 = arith.constant 10 : i32
      %parallel_loop3A_946 = arith.shrui %parallel_loop3A_944, %parallel_loop3A_945 : i32
      %parallel_loop3A_947 = arith.constant 1023 : i32
      %parallel_loop3A_948 = arith.andi %parallel_loop3A_944, %parallel_loop3A_947 : i32
      %parallel_loop3A_949 = tpu.assume_multiple %parallel_loop3A_948, 16 : i32
      %parallel_loop3A_950 = arith.index_cast %parallel_loop3A_946 : i32 to index
      %parallel_loop3A_951 = arith.index_cast %parallel_loop3A_949 : i32 to index
      %parallel_loop3A_952 = tpu.vector_load %arg9[%parallel_loop3A_950, %parallel_loop3A_951] {strides = array<i32>} : memref<16x1024xf32, #tpu.memory_space<vmem>>, vector<1x16xf32>,
      %parallel_loop3A_953 = vector.shape_cast %parallel_loop3A_952 : vector<1x16xf32> to vector<16xf32>
      %parallel_loop3A_954 = arith.index_cast %parallel_loop3A_946 : i32 to index
      %parallel_loop3A_955 = arith.index_cast %parallel_loop3A_949 : i32 to index
      %parallel_loop3A_956 = tpu.vector_load %arg6[%parallel_loop3A_954, %parallel_loop3A_955] {strides = array<i32>} : memref<16x1024xf32, #tpu.memory_space<vmem>>, vector<1x16xf32>,
      %parallel_loop3A_957 = vector.shape_cast %parallel_loop3A_956 : vector<1x16xf32> to vector<16xf32>
      %parallel_loop3A_958 = arith.addf %parallel_loop3A_953, %parallel_loop3A_957 : vector<16xf32>
      %parallel_loop3A_959 = arith.index_cast %parallel_loop3A_946 : i32 to index
      %parallel_loop3A_960 = arith.index_cast %parallel_loop3A_949 : i32 to index
      %parallel_loop3A_961 = tpu.vector_load %arg9[%parallel_loop3A_959, %parallel_loop3A_960] {strides = array<i32>} : memref<16x1024xf32, #tpu.memory_space<vmem>>, vector<1x16xf32>,
      %parallel_loop3A_962 = vector.shape_cast %parallel_loop3A_961 : vector<1x16xf32> to vector<16xf32>
      %parallel_loop3A_963 = vector.shape_cast %parallel_loop3A_958 : vector<16xf32> to vector<1x16xf32>
      tpu.vector_store %arg9[%parallel_loop3A_959, %parallel_loop3A_960], %parallel_loop3A_963 {strides = array<i32>} : memref<16x1024xf32, #tpu.memory_space<vmem>>, vector<1x16xf32>,
    } {sc.loop_unroll_factor = 8 : i64, sc.parallel_access}
    %add3A_405 = arith.constant 48 : i32
    %add3A_406 = arith.addi %mul3A_2, %add3A_405 : i32
    %add3A_407 = arith.constant 0 : i32
    %add3A_408 = arith.addi %add3A_407, %add3A_406 : i32
    %dma_start3A_409 = arith.constant 0 : i32
    %dma_start3A_410 = tpu.memref_slice %arg4[%add3A_408, %dma_start3A_409] : memref<16384x1024xf32, #tpu.memory_space<hbm>> -> memref<16x1024xf32, #tpu.memory_space<hbm>>
    %dma_start3A_411 = arith.constant 0 : i32
    %dma_start3A_412 = tpu.memref_slice %arg4[%add3A_408, %dma_start3A_411] : memref<16384x1024xf32, #tpu.memory_space<hbm>> -> memref<16x1024xf32, #tpu.memory_space<hbm>>
    tpu.enqueue_dma source(%arg9 : memref<16x1024xf32, #tpu.memory_space<vmem>>) target(%dma_start3A_412 : memref<16x1024xf32, #tpu.memory_space<hbm>>) target_semaphore(%arg21 : memref<!tpu.dma_semaphore, #tpu.memory_space<semaphore_mem>>)
    %dma_wait3A_413 = arith.constant 0 : i32
    %dma_wait3A_414 = tpu.memref_slice %arg4[%add3A_371, %dma_wait3A_413] : memref<16384x1024xf32, #tpu.memory_space<hbm>> -> memref<16x1024xf32, #tpu.memory_space<hbm>>
    %dma_wait3A_415 = arith.constant 0 : i32
    %dma_wait3A_416 = tpu.memref_slice %arg4[%add3A_371, %dma_wait3A_415] : memref<16384x1024xf32, #tpu.memory_space<hbm>> -> memref<16x1024xf32, #tpu.memory_space<hbm>>
    tpu.wait_dma2 semaphore(%arg20 : memref<!tpu.dma_semaphore, #tpu.memory_space<semaphore_mem>>) src(%arg8 : memref<16x1024xf32, #tpu.memory_space<vmem>>) dst(%dma_wait3A_416 : memref<16x1024xf32, #tpu.memory_space<hbm>>)
    %add3A_417 = arith.constant 64 : i32
    %add3A_418 = arith.addi %mul3A_2, %add3A_417 : i32
    %add3A_419 = arith.constant 0 : i32
    %add3A_420 = arith.addi %add3A_419, %add3A_418 : i32
    %dma_start3A_421 = arith.constant 0 : i32
    %dma_start3A_422 = tpu.memref_slice %arg2[%add3A_420, %dma_start3A_421] : memref<16384x1024xf32, #tpu.memory_space<hbm>> -> memref<16x1024xf32, #tpu.memory_space<hbm>>
    %dma_start3A_423 = arith.constant 0 : i32
    %dma_start3A_424 = tpu.memref_slice %arg2[%add3A_420, %dma_start3A_423] : memref<16384x1024xf32, #tpu.memory_space<hbm>> -> memref<16x1024xf32, #tpu.memory_space<hbm>>
    tpu.enqueue_dma source(%dma_start3A_424 : memref<16x1024xf32, #tpu.memory_space<hbm>>) target(%arg8 : memref<16x1024xf32, #tpu.memory_space<vmem>>) target_semaphore(%arg15 : memref<!tpu.dma_semaphore, #tpu.memory_space<semaphore_mem>>)
    %dma_wait3A_425 = arith.constant 0 : i32
    %dma_wait3A_426 = tpu.memref_slice %arg2[%add3A_329, %dma_wait3A_425] : memref<16384x1024xf32, #tpu.memory_space<hbm>> -> memref<16x1024xf32, #tpu.memory_space<hbm>>
    %dma_wait3A_427 = arith.constant 0 : i32
    %dma_wait3A_428 = tpu.memref_slice %arg2[%add3A_329, %dma_wait3A_427] : memref<16384x1024xf32, #tpu.memory_space<hbm>> -> memref<16x1024xf32, #tpu.memory_space<hbm>>
    tpu.wait_dma2 semaphore(%arg17 : memref<!tpu.dma_semaphore, #tpu.memory_space<semaphore_mem>>) src(%dma_wait3A_428 : memref<16x1024xf32, #tpu.memory_space<hbm>>) dst(%arg10 : memref<16x1024xf32, #tpu.memory_space<vmem>>)
    %parallel_loop3A_429 = arith.constant 0 : i32
    %parallel_loop3A_430 = arith.constant 16384 : i32
    %parallel_loop3A_431 = arith.constant 16 : i32
    scf.for %parallel_loop3A_944 = %parallel_loop3A_429 to %parallel_loop3A_430 step %parallel_loop3A_431  : i32 {
      %parallel_loop3A_945 = arith.constant 10 : i32
      %parallel_loop3A_946 = arith.shrui %parallel_loop3A_944, %parallel_loop3A_945 : i32
      %parallel_loop3A_947 = arith.constant 1023 : i32
      %parallel_loop3A_948 = arith.andi %parallel_loop3A_944, %parallel_loop3A_947 : i32
      %parallel_loop3A_949 = tpu.assume_multiple %parallel_loop3A_948, 16 : i32
      %parallel_loop3A_950 = arith.index_cast %parallel_loop3A_946 : i32 to index
      %parallel_loop3A_951 = arith.index_cast %parallel_loop3A_949 : i32 to index
      %parallel_loop3A_952 = tpu.vector_load %arg10[%parallel_loop3A_950, %parallel_loop3A_951] {strides = array<i32>} : memref<16x1024xf32, #tpu.memory_space<vmem>>, vector<1x16xf32>,
      %parallel_loop3A_953 = vector.shape_cast %parallel_loop3A_952 : vector<1x16xf32> to vector<16xf32>
      %parallel_loop3A_954 = arith.index_cast %parallel_loop3A_946 : i32 to index
      %parallel_loop3A_955 = arith.index_cast %parallel_loop3A_949 : i32 to index
      %parallel_loop3A_956 = tpu.vector_load %arg6[%parallel_loop3A_954, %parallel_loop3A_955] {strides = array<i32>} : memref<16x1024xf32, #tpu.memory_space<vmem>>, vector<1x16xf32>,
      %parallel_loop3A_957 = vector.shape_cast %parallel_loop3A_956 : vector<1x16xf32> to vector<16xf32>
      %parallel_loop3A_958 = arith.addf %parallel_loop3A_953, %parallel_loop3A_957 : vector<16xf32>
      %parallel_loop3A_959 = arith.index_cast %parallel_loop3A_946 : i32 to index
      %parallel_loop3A_960 = arith.index_cast %parallel_loop3A_949 : i32 to index
      %parallel_loop3A_961 = tpu.vector_load %arg10[%parallel_loop3A_959, %parallel_loop3A_960] {strides = array<i32>} : memref<16x1024xf32, #tpu.memory_space<vmem>>, vector<1x16xf32>,
      %parallel_loop3A_962 = vector.shape_cast %parallel_loop3A_961 : vector<1x16xf32> to vector<16xf32>
      %parallel_loop3A_963 = vector.shape_cast %parallel_loop3A_958 : vector<16xf32> to vector<1x16xf32>
      tpu.vector_store %arg10[%parallel_loop3A_959, %parallel_loop3A_960], %parallel_loop3A_963 {strides = array<i32>} : memref<16x1024xf32, #tpu.memory_space<vmem>>, vector<1x16xf32>,
    } {sc.loop_unroll_factor = 8 : i64, sc.parallel_access}
    %add3A_432 = arith.constant 48 : i32
    %add3A_433 = arith.addi %mul3A_2, %add3A_432 : i32
    %add3A_434 = arith.constant 4096 : i32
    %add3A_435 = arith.addi %add3A_434, %add3A_433 : i32
    %dma_start3A_436 = arith.constant 0 : i32
    %dma_start3A_437 = tpu.memref_slice %arg4[%add3A_435, %dma_start3A_436] : memref<16384x1024xf32, #tpu.memory_space<hbm>> -> memref<16x1024xf32, #tpu.memory_space<hbm>>
    %dma_start3A_438 = arith.constant 0 : i32
    %dma_start3A_439 = tpu.memref_slice %arg4[%add3A_435, %dma_start3A_438] : memref<16384x1024xf32, #tpu.memory_space<hbm>> -> memref<16x1024xf32, #tpu.memory_space<hbm>>
    tpu.enqueue_dma source(%arg10 : memref<16x1024xf32, #tpu.memory_space<vmem>>) target(%dma_start3A_439 : memref<16x1024xf32, #tpu.memory_space<hbm>>) target_semaphore(%arg22 : memref<!tpu.dma_semaphore, #tpu.memory_space<semaphore_mem>>)
    %dma_wait3A_440 = arith.constant 0 : i32
    %dma_wait3A_441 = tpu.memref_slice %arg4[%add3A_408, %dma_wait3A_440] : memref<16384x1024xf32, #tpu.memory_space<hbm>> -> memref<16x1024xf32, #tpu.memory_space<hbm>>
    %dma_wait3A_442 = arith.constant 0 : i32
    %dma_wait3A_443 = tpu.memref_slice %arg4[%add3A_408, %dma_wait3A_442] : memref<16384x1024xf32, #tpu.memory_space<hbm>> -> memref<16x1024xf32, #tpu.memory_space<hbm>>
    tpu.wait_dma2 semaphore(%arg21 : memref<!tpu.dma_semaphore, #tpu.memory_space<semaphore_mem>>) src(%arg9 : memref<16x1024xf32, #tpu.memory_space<vmem>>) dst(%dma_wait3A_443 : memref<16x1024xf32, #tpu.memory_space<hbm>>)
    %add3A_444 = arith.constant 64 : i32
    %add3A_445 = arith.addi %mul3A_2, %add3A_444 : i32
    %add3A_446 = arith.constant 4096 : i32
    %add3A_447 = arith.addi %add3A_446, %add3A_445 : i32
    %dma_start3A_448 = arith.constant 0 : i32
    %dma_start3A_449 = tpu.memref_slice %arg2[%add3A_447, %dma_start3A_448] : memref<16384x1024xf32, #tpu.memory_space<hbm>> -> memref<16x1024xf32, #tpu.memory_space<hbm>>
    %dma_start3A_450 = arith.constant 0 : i32
    %dma_start3A_451 = tpu.memref_slice %arg2[%add3A_447, %dma_start3A_450] : memref<16384x1024xf32, #tpu.memory_space<hbm>> -> memref<16x1024xf32, #tpu.memory_space<hbm>>
    tpu.enqueue_dma source(%dma_start3A_451 : memref<16x1024xf32, #tpu.memory_space<hbm>>) target(%arg9 : memref<16x1024xf32, #tpu.memory_space<vmem>>) target_semaphore(%arg16 : memref<!tpu.dma_semaphore, #tpu.memory_space<semaphore_mem>>)
    %dma_wait3A_452 = arith.constant 0 : i32
    %dma_wait3A_453 = tpu.memref_slice %arg2[%add3A_356, %dma_wait3A_452] : memref<16384x1024xf32, #tpu.memory_space<hbm>> -> memref<16x1024xf32, #tpu.memory_space<hbm>>
    %dma_wait3A_454 = arith.constant 0 : i32
    %dma_wait3A_455 = tpu.memref_slice %arg2[%add3A_356, %dma_wait3A_454] : memref<16384x1024xf32, #tpu.memory_space<hbm>> -> memref<16x1024xf32, #tpu.memory_space<hbm>>
    tpu.wait_dma2 semaphore(%arg18 : memref<!tpu.dma_semaphore, #tpu.memory_space<semaphore_mem>>) src(%dma_wait3A_455 : memref<16x1024xf32, #tpu.memory_space<hbm>>) dst(%arg11 : memref<16x1024xf32, #tpu.memory_space<vmem>>)
    %parallel_loop3A_456 = arith.constant 0 : i32
    %parallel_loop3A_457 = arith.constant 16384 : i32
    %parallel_loop3A_458 = arith.constant 16 : i32
    scf.for %parallel_loop3A_944 = %parallel_loop3A_456 to %parallel_loop3A_457 step %parallel_loop3A_458  : i32 {
      %parallel_loop3A_945 = arith.constant 10 : i32
      %parallel_loop3A_946 = arith.shrui %parallel_loop3A_944, %parallel_loop3A_945 : i32
      %parallel_loop3A_947 = arith.constant 1023 : i32
      %parallel_loop3A_948 = arith.andi %parallel_loop3A_944, %parallel_loop3A_947 : i32
      %parallel_loop3A_949 = tpu.assume_multiple %parallel_loop3A_948, 16 : i32
      %parallel_loop3A_950 = arith.index_cast %parallel_loop3A_946 : i32 to index
      %parallel_loop3A_951 = arith.index_cast %parallel_loop3A_949 : i32 to index
      %parallel_loop3A_952 = tpu.vector_load %arg11[%parallel_loop3A_950, %parallel_loop3A_951] {strides = array<i32>} : memref<16x1024xf32, #tpu.memory_space<vmem>>, vector<1x16xf32>,
      %parallel_loop3A_953 = vector.shape_cast %parallel_loop3A_952 : vector<1x16xf32> to vector<16xf32>
      %parallel_loop3A_954 = arith.index_cast %parallel_loop3A_946 : i32 to index
      %parallel_loop3A_955 = arith.index_cast %parallel_loop3A_949 : i32 to index
      %parallel_loop3A_956 = tpu.vector_load %arg6[%parallel_loop3A_954, %parallel_loop3A_955] {strides = array<i32>} : memref<16x1024xf32, #tpu.memory_space<vmem>>, vector<1x16xf32>,
      %parallel_loop3A_957 = vector.shape_cast %parallel_loop3A_956 : vector<1x16xf32> to vector<16xf32>
      %parallel_loop3A_958 = arith.addf %parallel_loop3A_953, %parallel_loop3A_957 : vector<16xf32>
      %parallel_loop3A_959 = arith.index_cast %parallel_loop3A_946 : i32 to index
      %parallel_loop3A_960 = arith.index_cast %parallel_loop3A_949 : i32 to index
      %parallel_loop3A_961 = tpu.vector_load %arg11[%parallel_loop3A_959, %parallel_loop3A_960] {strides = array<i32>} : memref<16x1024xf32, #tpu.memory_space<vmem>>, vector<1x16xf32>,
      %parallel_loop3A_962 = vector.shape_cast %parallel_loop3A_961 : vector<1x16xf32> to vector<16xf32>
      %parallel_loop3A_963 = vector.shape_cast %parallel_loop3A_958 : vector<16xf32> to vector<1x16xf32>
      tpu.vector_store %arg11[%parallel_loop3A_959, %parallel_loop3A_960], %parallel_loop3A_963 {strides = array<i32>} : memref<16x1024xf32, #tpu.memory_space<vmem>>, vector<1x16xf32>,
    } {sc.loop_unroll_factor = 8 : i64, sc.parallel_access}
    %add3A_459 = arith.constant 48 : i32
    %add3A_460 = arith.addi %mul3A_2, %add3A_459 : i32
    %add3A_461 = arith.constant 8192 : i32
    %add3A_462 = arith.addi %add3A_461, %add3A_460 : i32
    %dma_start3A_463 = arith.constant 0 : i32
    %dma_start3A_464 = tpu.memref_slice %arg4[%add3A_462, %dma_start3A_463] : memref<16384x1024xf32, #tpu.memory_space<hbm>> -> memref<16x1024xf32, #tpu.memory_space<hbm>>
    %dma_start3A_465 = arith.constant 0 : i32
    %dma_start3A_466 = tpu.memref_slice %arg4[%add3A_462, %dma_start3A_465] : memref<16384x1024xf32, #tpu.memory_space<hbm>> -> memref<16x1024xf32, #tpu.memory_space<hbm>>
    tpu.enqueue_dma source(%arg11 : memref<16x1024xf32, #tpu.memory_space<vmem>>) target(%dma_start3A_466 : memref<16x1024xf32, #tpu.memory_space<hbm>>) target_semaphore(%arg23 : memref<!tpu.dma_semaphore, #tpu.memory_space<semaphore_mem>>)
    %dma_wait3A_467 = arith.constant 0 : i32
    %dma_wait3A_468 = tpu.memref_slice %arg4[%add3A_435, %dma_wait3A_467] : memref<16384x1024xf32, #tpu.memory_space<hbm>> -> memref<16x1024xf32, #tpu.memory_space<hbm>>
    %dma_wait3A_469 = arith.constant 0 : i32
    %dma_wait3A_470 = tpu.memref_slice %arg4[%add3A_435, %dma_wait3A_469] : memref<16384x1024xf32, #tpu.memory_space<hbm>> -> memref<16x1024xf32, #tpu.memory_space<hbm>>
    tpu.wait_dma2 semaphore(%arg22 : memref<!tpu.dma_semaphore, #tpu.memory_space<semaphore_mem>>) src(%arg10 : memref<16x1024xf32, #tpu.memory_space<vmem>>) dst(%dma_wait3A_470 : memref<16x1024xf32, #tpu.memory_space<hbm>>)
    %add3A_471 = arith.constant 64 : i32
    %add3A_472 = arith.addi %mul3A_2, %add3A_471 : i32
    %add3A_473 = arith.constant 8192 : i32
    %add3A_474 = arith.addi %add3A_473, %add3A_472 : i32
    %dma_start3A_475 = arith.constant 0 : i32
    %dma_start3A_476 = tpu.memref_slice %arg2[%add3A_474, %dma_start3A_475] : memref<16384x1024xf32, #tpu.memory_space<hbm>> -> memref<16x1024xf32, #tpu.memory_space<hbm>>
    %dma_start3A_477 = arith.constant 0 : i32
    %dma_start3A_478 = tpu.memref_slice %arg2[%add3A_474, %dma_start3A_477] : memref<16384x1024xf32, #tpu.memory_space<hbm>> -> memref<16x1024xf32, #tpu.memory_space<hbm>>
    tpu.enqueue_dma source(%dma_start3A_478 : memref<16x1024xf32, #tpu.memory_space<hbm>>) target(%arg10 : memref<16x1024xf32, #tpu.memory_space<vmem>>) target_semaphore(%arg17 : memref<!tpu.dma_semaphore, #tpu.memory_space<semaphore_mem>>)
    %dma_wait3A_479 = arith.constant 0 : i32
    %dma_wait3A_480 = tpu.memref_slice %arg2[%add3A_393, %dma_wait3A_479] : memref<16384x1024xf32, #tpu.memory_space<hbm>> -> memref<16x1024xf32, #tpu.memory_space<hbm>>
    %dma_wait3A_481 = arith.constant 0 : i32
    %dma_wait3A_482 = tpu.memref_slice %arg2[%add3A_393, %dma_wait3A_481] : memref<16384x1024xf32, #tpu.memory_space<hbm>> -> memref<16x1024xf32, #tpu.memory_space<hbm>>
    tpu.wait_dma2 semaphore(%arg14 : memref<!tpu.dma_semaphore, #tpu.memory_space<semaphore_mem>>) src(%dma_wait3A_482 : memref<16x1024xf32, #tpu.memory_space<hbm>>) dst(%arg7 : memref<16x1024xf32, #tpu.memory_space<vmem>>)
    %parallel_loop3A_483 = arith.constant 0 : i32
    %parallel_loop3A_484 = arith.constant 16384 : i32
    %parallel_loop3A_485 = arith.constant 16 : i32
    scf.for %parallel_loop3A_944 = %parallel_loop3A_483 to %parallel_loop3A_484 step %parallel_loop3A_485  : i32 {
      %parallel_loop3A_945 = arith.constant 10 : i32
      %parallel_loop3A_946 = arith.shrui %parallel_loop3A_944, %parallel_loop3A_945 : i32
      %parallel_loop3A_947 = arith.constant 1023 : i32
      %parallel_loop3A_948 = arith.andi %parallel_loop3A_944, %parallel_loop3A_947 : i32
      %parallel_loop3A_949 = tpu.assume_multiple %parallel_loop3A_948, 16 : i32
      %parallel_loop3A_950 = arith.index_cast %parallel_loop3A_946 : i32 to index
      %parallel_loop3A_951 = arith.index_cast %parallel_loop3A_949 : i32 to index
      %parallel_loop3A_952 = tpu.vector_load %arg7[%parallel_loop3A_950, %parallel_loop3A_951] {strides = array<i32>} : memref<16x1024xf32, #tpu.memory_space<vmem>>, vector<1x16xf32>,
      %parallel_loop3A_953 = vector.shape_cast %parallel_loop3A_952 : vector<1x16xf32> to vector<16xf32>
      %parallel_loop3A_954 = arith.index_cast %parallel_loop3A_946 : i32 to index
      %parallel_loop3A_955 = arith.index_cast %parallel_loop3A_949 : i32 to index
      %parallel_loop3A_956 = tpu.vector_load %arg6[%parallel_loop3A_954, %parallel_loop3A_955] {strides = array<i32>} : memref<16x1024xf32, #tpu.memory_space<vmem>>, vector<1x16xf32>,
      %parallel_loop3A_957 = vector.shape_cast %parallel_loop3A_956 : vector<1x16xf32> to vector<16xf32>
      %parallel_loop3A_958 = arith.addf %parallel_loop3A_953, %parallel_loop3A_957 : vector<16xf32>
      %parallel_loop3A_959 = arith.index_cast %parallel_loop3A_946 : i32 to index
      %parallel_loop3A_960 = arith.index_cast %parallel_loop3A_949 : i32 to index
      %parallel_loop3A_961 = tpu.vector_load %arg7[%parallel_loop3A_959, %parallel_loop3A_960] {strides = array<i32>} : memref<16x1024xf32, #tpu.memory_space<vmem>>, vector<1x16xf32>,
      %parallel_loop3A_962 = vector.shape_cast %parallel_loop3A_961 : vector<1x16xf32> to vector<16xf32>
      %parallel_loop3A_963 = vector.shape_cast %parallel_loop3A_958 : vector<16xf32> to vector<1x16xf32>
      tpu.vector_store %arg7[%parallel_loop3A_959, %parallel_loop3A_960], %parallel_loop3A_963 {strides = array<i32>} : memref<16x1024xf32, #tpu.memory_space<vmem>>, vector<1x16xf32>,
    } {sc.loop_unroll_factor = 8 : i64, sc.parallel_access}
    %add3A_486 = arith.constant 48 : i32
    %add3A_487 = arith.addi %mul3A_2, %add3A_486 : i32
    %add3A_488 = arith.constant 12288 : i32
    %add3A_489 = arith.addi %add3A_488, %add3A_487 : i32
    %dma_start3A_490 = arith.constant 0 : i32
    %dma_start3A_491 = tpu.memref_slice %arg4[%add3A_489, %dma_start3A_490] : memref<16384x1024xf32, #tpu.memory_space<hbm>> -> memref<16x1024xf32, #tpu.memory_space<hbm>>
    %dma_start3A_492 = arith.constant 0 : i32
    %dma_start3A_493 = tpu.memref_slice %arg4[%add3A_489, %dma_start3A_492] : memref<16384x1024xf32, #tpu.memory_space<hbm>> -> memref<16x1024xf32, #tpu.memory_space<hbm>>
    tpu.enqueue_dma source(%arg7 : memref<16x1024xf32, #tpu.memory_space<vmem>>) target(%dma_start3A_493 : memref<16x1024xf32, #tpu.memory_space<hbm>>) target_semaphore(%arg19 : memref<!tpu.dma_semaphore, #tpu.memory_space<semaphore_mem>>)
    %dma_wait3A_494 = arith.constant 0 : i32
    %dma_wait3A_495 = tpu.memref_slice %arg3[%add3A_381, %dma_wait3A_494] : memref<4096x1024xf32, #tpu.memory_space<hbm>> -> memref<16x1024xf32, #tpu.memory_space<hbm>>
    %dma_wait3A_496 = arith.constant 0 : i32
    %dma_wait3A_497 = tpu.memref_slice %arg3[%add3A_381, %dma_wait3A_496] : memref<4096x1024xf32, #tpu.memory_space<hbm>> -> memref<16x1024xf32, #tpu.memory_space<hbm>>
    tpu.wait_dma2 semaphore(%arg12 : memref<!tpu.dma_semaphore, #tpu.memory_space<semaphore_mem>>) src(%dma_wait3A_497 : memref<16x1024xf32, #tpu.memory_space<hbm>>) dst(%arg5 : memref<16x1024xf32, #tpu.memory_space<vmem>>)
    %add3A_498 = arith.constant 80 : i32
    %add3A_499 = arith.addi %mul3A_2, %add3A_498 : i32
    %dma_start3A_500 = arith.constant 0 : i32
    %dma_start3A_501 = tpu.memref_slice %arg3[%add3A_499, %dma_start3A_500] : memref<4096x1024xf32, #tpu.memory_space<hbm>> -> memref<16x1024xf32, #tpu.memory_space<hbm>>
    %dma_start3A_502 = arith.constant 0 : i32
    %dma_start3A_503 = tpu.memref_slice %arg3[%add3A_499, %dma_start3A_502] : memref<4096x1024xf32, #tpu.memory_space<hbm>> -> memref<16x1024xf32, #tpu.memory_space<hbm>>
    tpu.enqueue_dma source(%dma_start3A_503 : memref<16x1024xf32, #tpu.memory_space<hbm>>) target(%arg6 : memref<16x1024xf32, #tpu.memory_space<vmem>>) target_semaphore(%arg13 : memref<!tpu.dma_semaphore, #tpu.memory_space<semaphore_mem>>)
    %dma_wait3A_504 = arith.constant 0 : i32
    %dma_wait3A_505 = tpu.memref_slice %arg4[%add3A_462, %dma_wait3A_504] : memref<16384x1024xf32, #tpu.memory_space<hbm>> -> memref<16x1024xf32, #tpu.memory_space<hbm>>
    %dma_wait3A_506 = arith.constant 0 : i32
    %dma_wait3A_507 = tpu.memref_slice %arg4[%add3A_462, %dma_wait3A_506] : memref<16384x1024xf32, #tpu.memory_space<hbm>> -> memref<16x1024xf32, #tpu.memory_space<hbm>>
    tpu.wait_dma2 semaphore(%arg23 : memref<!tpu.dma_semaphore, #tpu.memory_space<semaphore_mem>>) src(%arg11 : memref<16x1024xf32, #tpu.memory_space<vmem>>) dst(%dma_wait3A_507 : memref<16x1024xf32, #tpu.memory_space<hbm>>)
    %add3A_508 = arith.constant 64 : i32
    %add3A_509 = arith.addi %mul3A_2, %add3A_508 : i32
    %add3A_510 = arith.constant 12288 : i32
    %add3A_511 = arith.addi %add3A_510, %add3A_509 : i32
    %dma_start3A_512 = arith.constant 0 : i32
    %dma_start3A_513 = tpu.memref_slice %arg2[%add3A_511, %dma_start3A_512] : memref<16384x1024xf32, #tpu.memory_space<hbm>> -> memref<16x1024xf32, #tpu.memory_space<hbm>>
    %dma_start3A_514 = arith.constant 0 : i32
    %dma_start3A_515 = tpu.memref_slice %arg2[%add3A_511, %dma_start3A_514] : memref<16384x1024xf32, #tpu.memory_space<hbm>> -> memref<16x1024xf32, #tpu.memory_space<hbm>>
    tpu.enqueue_dma source(%dma_start3A_515 : memref<16x1024xf32, #tpu.memory_space<hbm>>) target(%arg11 : memref<16x1024xf32, #tpu.memory_space<vmem>>) target_semaphore(%arg18 : memref<!tpu.dma_semaphore, #tpu.memory_space<semaphore_mem>>)
    %dma_wait3A_516 = arith.constant 0 : i32
    %dma_wait3A_517 = tpu.memref_slice %arg2[%add3A_420, %dma_wait3A_516] : memref<16384x1024xf32, #tpu.memory_space<hbm>> -> memref<16x1024xf32, #tpu.memory_space<hbm>>
    %dma_wait3A_518 = arith.constant 0 : i32
    %dma_wait3A_519 = tpu.memref_slice %arg2[%add3A_420, %dma_wait3A_518] : memref<16384x1024xf32, #tpu.memory_space<hbm>> -> memref<16x1024xf32, #tpu.memory_space<hbm>>
    tpu.wait_dma2 semaphore(%arg15 : memref<!tpu.dma_semaphore, #tpu.memory_space<semaphore_mem>>) src(%dma_wait3A_519 : memref<16x1024xf32, #tpu.memory_space<hbm>>) dst(%arg8 : memref<16x1024xf32, #tpu.memory_space<vmem>>)
    %parallel_loop3A_520 = arith.constant 0 : i32
    %parallel_loop3A_521 = arith.constant 16384 : i32
    %parallel_loop3A_522 = arith.constant 16 : i32
    scf.for %parallel_loop3A_944 = %parallel_loop3A_520 to %parallel_loop3A_521 step %parallel_loop3A_522  : i32 {
      %parallel_loop3A_945 = arith.constant 10 : i32
      %parallel_loop3A_946 = arith.shrui %parallel_loop3A_944, %parallel_loop3A_945 : i32
      %parallel_loop3A_947 = arith.constant 1023 : i32
      %parallel_loop3A_948 = arith.andi %parallel_loop3A_944, %parallel_loop3A_947 : i32
      %parallel_loop3A_949 = tpu.assume_multiple %parallel_loop3A_948, 16 : i32
      %parallel_loop3A_950 = arith.index_cast %parallel_loop3A_946 : i32 to index
      %parallel_loop3A_951 = arith.index_cast %parallel_loop3A_949 : i32 to index
      %parallel_loop3A_952 = tpu.vector_load %arg8[%parallel_loop3A_950, %parallel_loop3A_951] {strides = array<i32>} : memref<16x1024xf32, #tpu.memory_space<vmem>>, vector<1x16xf32>,
      %parallel_loop3A_953 = vector.shape_cast %parallel_loop3A_952 : vector<1x16xf32> to vector<16xf32>
      %parallel_loop3A_954 = arith.index_cast %parallel_loop3A_946 : i32 to index
      %parallel_loop3A_955 = arith.index_cast %parallel_loop3A_949 : i32 to index
      %parallel_loop3A_956 = tpu.vector_load %arg5[%parallel_loop3A_954, %parallel_loop3A_955] {strides = array<i32>} : memref<16x1024xf32, #tpu.memory_space<vmem>>, vector<1x16xf32>,
      %parallel_loop3A_957 = vector.shape_cast %parallel_loop3A_956 : vector<1x16xf32> to vector<16xf32>
      %parallel_loop3A_958 = arith.addf %parallel_loop3A_953, %parallel_loop3A_957 : vector<16xf32>
      %parallel_loop3A_959 = arith.index_cast %parallel_loop3A_946 : i32 to index
      %parallel_loop3A_960 = arith.index_cast %parallel_loop3A_949 : i32 to index
      %parallel_loop3A_961 = tpu.vector_load %arg8[%parallel_loop3A_959, %parallel_loop3A_960] {strides = array<i32>} : memref<16x1024xf32, #tpu.memory_space<vmem>>, vector<1x16xf32>,
      %parallel_loop3A_962 = vector.shape_cast %parallel_loop3A_961 : vector<1x16xf32> to vector<16xf32>
      %parallel_loop3A_963 = vector.shape_cast %parallel_loop3A_958 : vector<16xf32> to vector<1x16xf32>
      tpu.vector_store %arg8[%parallel_loop3A_959, %parallel_loop3A_960], %parallel_loop3A_963 {strides = array<i32>} : memref<16x1024xf32, #tpu.memory_space<vmem>>, vector<1x16xf32>,
    } {sc.loop_unroll_factor = 8 : i64, sc.parallel_access}
    %add3A_523 = arith.constant 64 : i32
    %add3A_524 = arith.addi %mul3A_2, %add3A_523 : i32
    %add3A_525 = arith.constant 0 : i32
    %add3A_526 = arith.addi %add3A_525, %add3A_524 : i32
    %dma_start3A_527 = arith.constant 0 : i32
    %dma_start3A_528 = tpu.memref_slice %arg4[%add3A_526, %dma_start3A_527] : memref<16384x1024xf32, #tpu.memory_space<hbm>> -> memref<16x1024xf32, #tpu.memory_space<hbm>>
    %dma_start3A_529 = arith.constant 0 : i32
    %dma_start3A_530 = tpu.memref_slice %arg4[%add3A_526, %dma_start3A_529] : memref<16384x1024xf32, #tpu.memory_space<hbm>> -> memref<16x1024xf32, #tpu.memory_space<hbm>>
    tpu.enqueue_dma source(%arg8 : memref<16x1024xf32, #tpu.memory_space<vmem>>) target(%dma_start3A_530 : memref<16x1024xf32, #tpu.memory_space<hbm>>) target_semaphore(%arg20 : memref<!tpu.dma_semaphore, #tpu.memory_space<semaphore_mem>>)
    %dma_wait3A_531 = arith.constant 0 : i32
    %dma_wait3A_532 = tpu.memref_slice %arg4[%add3A_489, %dma_wait3A_531] : memref<16384x1024xf32, #tpu.memory_space<hbm>> -> memref<16x1024xf32, #tpu.memory_space<hbm>>
    %dma_wait3A_533 = arith.constant 0 : i32
    %dma_wait3A_534 = tpu.memref_slice %arg4[%add3A_489, %dma_wait3A_533] : memref<16384x1024xf32, #tpu.memory_space<hbm>> -> memref<16x1024xf32, #tpu.memory_space<hbm>>
    tpu.wait_dma2 semaphore(%arg19 : memref<!tpu.dma_semaphore, #tpu.memory_space<semaphore_mem>>) src(%arg7 : memref<16x1024xf32, #tpu.memory_space<vmem>>) dst(%dma_wait3A_534 : memref<16x1024xf32, #tpu.memory_space<hbm>>)
    %add3A_535 = arith.constant 80 : i32
    %add3A_536 = arith.addi %mul3A_2, %add3A_535 : i32
    %add3A_537 = arith.constant 0 : i32
    %add3A_538 = arith.addi %add3A_537, %add3A_536 : i32
    %dma_start3A_539 = arith.constant 0 : i32
    %dma_start3A_540 = tpu.memref_slice %arg2[%add3A_538, %dma_start3A_539] : memref<16384x1024xf32, #tpu.memory_space<hbm>> -> memref<16x1024xf32, #tpu.memory_space<hbm>>
    %dma_start3A_541 = arith.constant 0 : i32
    %dma_start3A_542 = tpu.memref_slice %arg2[%add3A_538, %dma_start3A_541] : memref<16384x1024xf32, #tpu.memory_space<hbm>> -> memref<16x1024xf32, #tpu.memory_space<hbm>>
    tpu.enqueue_dma source(%dma_start3A_542 : memref<16x1024xf32, #tpu.memory_space<hbm>>) target(%arg7 : memref<16x1024xf32, #tpu.memory_space<vmem>>) target_semaphore(%arg14 : memref<!tpu.dma_semaphore, #tpu.memory_space<semaphore_mem>>)
    %dma_wait3A_543 = arith.constant 0 : i32
    %dma_wait3A_544 = tpu.memref_slice %arg2[%add3A_447, %dma_wait3A_543] : memref<16384x1024xf32, #tpu.memory_space<hbm>> -> memref<16x1024xf32, #tpu.memory_space<hbm>>
    %dma_wait3A_545 = arith.constant 0 : i32
    %dma_wait3A_546 = tpu.memref_slice %arg2[%add3A_447, %dma_wait3A_545] : memref<16384x1024xf32, #tpu.memory_space<hbm>> -> memref<16x1024xf32, #tpu.memory_space<hbm>>
    tpu.wait_dma2 semaphore(%arg16 : memref<!tpu.dma_semaphore, #tpu.memory_space<semaphore_mem>>) src(%dma_wait3A_546 : memref<16x1024xf32, #tpu.memory_space<hbm>>) dst(%arg9 : memref<16x1024xf32, #tpu.memory_space<vmem>>)
    %parallel_loop3A_547 = arith.constant 0 : i32
    %parallel_loop3A_548 = arith.constant 16384 : i32
    %parallel_loop3A_549 = arith.constant 16 : i32
    scf.for %parallel_loop3A_944 = %parallel_loop3A_547 to %parallel_loop3A_548 step %parallel_loop3A_549  : i32 {
      %parallel_loop3A_945 = arith.constant 10 : i32
      %parallel_loop3A_946 = arith.shrui %parallel_loop3A_944, %parallel_loop3A_945 : i32
      %parallel_loop3A_947 = arith.constant 1023 : i32
      %parallel_loop3A_948 = arith.andi %parallel_loop3A_944, %parallel_loop3A_947 : i32
      %parallel_loop3A_949 = tpu.assume_multiple %parallel_loop3A_948, 16 : i32
      %parallel_loop3A_950 = arith.index_cast %parallel_loop3A_946 : i32 to index
      %parallel_loop3A_951 = arith.index_cast %parallel_loop3A_949 : i32 to index
      %parallel_loop3A_952 = tpu.vector_load %arg9[%parallel_loop3A_950, %parallel_loop3A_951] {strides = array<i32>} : memref<16x1024xf32, #tpu.memory_space<vmem>>, vector<1x16xf32>,
      %parallel_loop3A_953 = vector.shape_cast %parallel_loop3A_952 : vector<1x16xf32> to vector<16xf32>
      %parallel_loop3A_954 = arith.index_cast %parallel_loop3A_946 : i32 to index
      %parallel_loop3A_955 = arith.index_cast %parallel_loop3A_949 : i32 to index
      %parallel_loop3A_956 = tpu.vector_load %arg5[%parallel_loop3A_954, %parallel_loop3A_955] {strides = array<i32>} : memref<16x1024xf32, #tpu.memory_space<vmem>>, vector<1x16xf32>,
      %parallel_loop3A_957 = vector.shape_cast %parallel_loop3A_956 : vector<1x16xf32> to vector<16xf32>
      %parallel_loop3A_958 = arith.addf %parallel_loop3A_953, %parallel_loop3A_957 : vector<16xf32>
      %parallel_loop3A_959 = arith.index_cast %parallel_loop3A_946 : i32 to index
      %parallel_loop3A_960 = arith.index_cast %parallel_loop3A_949 : i32 to index
      %parallel_loop3A_961 = tpu.vector_load %arg9[%parallel_loop3A_959, %parallel_loop3A_960] {strides = array<i32>} : memref<16x1024xf32, #tpu.memory_space<vmem>>, vector<1x16xf32>,
      %parallel_loop3A_962 = vector.shape_cast %parallel_loop3A_961 : vector<1x16xf32> to vector<16xf32>
      %parallel_loop3A_963 = vector.shape_cast %parallel_loop3A_958 : vector<16xf32> to vector<1x16xf32>
      tpu.vector_store %arg9[%parallel_loop3A_959, %parallel_loop3A_960], %parallel_loop3A_963 {strides = array<i32>} : memref<16x1024xf32, #tpu.memory_space<vmem>>, vector<1x16xf32>,
    } {sc.loop_unroll_factor = 8 : i64, sc.parallel_access}
    %add3A_550 = arith.constant 64 : i32
    %add3A_551 = arith.addi %mul3A_2, %add3A_550 : i32
    %add3A_552 = arith.constant 4096 : i32
    %add3A_553 = arith.addi %add3A_552, %add3A_551 : i32
    %dma_start3A_554 = arith.constant 0 : i32
    %dma_start3A_555 = tpu.memref_slice %arg4[%add3A_553, %dma_start3A_554] : memref<16384x1024xf32, #tpu.memory_space<hbm>> -> memref<16x1024xf32, #tpu.memory_space<hbm>>
    %dma_start3A_556 = arith.constant 0 : i32
    %dma_start3A_557 = tpu.memref_slice %arg4[%add3A_553, %dma_start3A_556] : memref<16384x1024xf32, #tpu.memory_space<hbm>> -> memref<16x1024xf32, #tpu.memory_space<hbm>>
    tpu.enqueue_dma source(%arg9 : memref<16x1024xf32, #tpu.memory_space<vmem>>) target(%dma_start3A_557 : memref<16x1024xf32, #tpu.memory_space<hbm>>) target_semaphore(%arg21 : memref<!tpu.dma_semaphore, #tpu.memory_space<semaphore_mem>>)
    %dma_wait3A_558 = arith.constant 0 : i32
    %dma_wait3A_559 = tpu.memref_slice %arg4[%add3A_526, %dma_wait3A_558] : memref<16384x1024xf32, #tpu.memory_space<hbm>> -> memref<16x1024xf32, #tpu.memory_space<hbm>>
    %dma_wait3A_560 = arith.constant 0 : i32
    %dma_wait3A_561 = tpu.memref_slice %arg4[%add3A_526, %dma_wait3A_560] : memref<16384x1024xf32, #tpu.memory_space<hbm>> -> memref<16x1024xf32, #tpu.memory_space<hbm>>
    tpu.wait_dma2 semaphore(%arg20 : memref<!tpu.dma_semaphore, #tpu.memory_space<semaphore_mem>>) src(%arg8 : memref<16x1024xf32, #tpu.memory_space<vmem>>) dst(%dma_wait3A_561 : memref<16x1024xf32, #tpu.memory_space<hbm>>)
    %add3A_562 = arith.constant 80 : i32
    %add3A_563 = arith.addi %mul3A_2, %add3A_562 : i32
    %add3A_564 = arith.constant 4096 : i32
    %add3A_565 = arith.addi %add3A_564, %add3A_563 : i32
    %dma_start3A_566 = arith.constant 0 : i32
    %dma_start3A_567 = tpu.memref_slice %arg2[%add3A_565, %dma_start3A_566] : memref<16384x1024xf32, #tpu.memory_space<hbm>> -> memref<16x1024xf32, #tpu.memory_space<hbm>>
    %dma_start3A_568 = arith.constant 0 : i32
    %dma_start3A_569 = tpu.memref_slice %arg2[%add3A_565, %dma_start3A_568] : memref<16384x1024xf32, #tpu.memory_space<hbm>> -> memref<16x1024xf32, #tpu.memory_space<hbm>>
    tpu.enqueue_dma source(%dma_start3A_569 : memref<16x1024xf32, #tpu.memory_space<hbm>>) target(%arg8 : memref<16x1024xf32, #tpu.memory_space<vmem>>) target_semaphore(%arg15 : memref<!tpu.dma_semaphore, #tpu.memory_space<semaphore_mem>>)
    %dma_wait3A_570 = arith.constant 0 : i32
    %dma_wait3A_571 = tpu.memref_slice %arg2[%add3A_474, %dma_wait3A_570] : memref<16384x1024xf32, #tpu.memory_space<hbm>> -> memref<16x1024xf32, #tpu.memory_space<hbm>>
    %dma_wait3A_572 = arith.constant 0 : i32
    %dma_wait3A_573 = tpu.memref_slice %arg2[%add3A_474, %dma_wait3A_572] : memref<16384x1024xf32, #tpu.memory_space<hbm>> -> memref<16x1024xf32, #tpu.memory_space<hbm>>
    tpu.wait_dma2 semaphore(%arg17 : memref<!tpu.dma_semaphore, #tpu.memory_space<semaphore_mem>>) src(%dma_wait3A_573 : memref<16x1024xf32, #tpu.memory_space<hbm>>) dst(%arg10 : memref<16x1024xf32, #tpu.memory_space<vmem>>)
    %parallel_loop3A_574 = arith.constant 0 : i32
    %parallel_loop3A_575 = arith.constant 16384 : i32
    %parallel_loop3A_576 = arith.constant 16 : i32
    scf.for %parallel_loop3A_944 = %parallel_loop3A_574 to %parallel_loop3A_575 step %parallel_loop3A_576  : i32 {
      %parallel_loop3A_945 = arith.constant 10 : i32
      %parallel_loop3A_946 = arith.shrui %parallel_loop3A_944, %parallel_loop3A_945 : i32
      %parallel_loop3A_947 = arith.constant 1023 : i32
      %parallel_loop3A_948 = arith.andi %parallel_loop3A_944, %parallel_loop3A_947 : i32
      %parallel_loop3A_949 = tpu.assume_multiple %parallel_loop3A_948, 16 : i32
      %parallel_loop3A_950 = arith.index_cast %parallel_loop3A_946 : i32 to index
      %parallel_loop3A_951 = arith.index_cast %parallel_loop3A_949 : i32 to index
      %parallel_loop3A_952 = tpu.vector_load %arg10[%parallel_loop3A_950, %parallel_loop3A_951] {strides = array<i32>} : memref<16x1024xf32, #tpu.memory_space<vmem>>, vector<1x16xf32>,
      %parallel_loop3A_953 = vector.shape_cast %parallel_loop3A_952 : vector<1x16xf32> to vector<16xf32>
      %parallel_loop3A_954 = arith.index_cast %parallel_loop3A_946 : i32 to index
      %parallel_loop3A_955 = arith.index_cast %parallel_loop3A_949 : i32 to index
      %parallel_loop3A_956 = tpu.vector_load %arg5[%parallel_loop3A_954, %parallel_loop3A_955] {strides = array<i32>} : memref<16x1024xf32, #tpu.memory_space<vmem>>, vector<1x16xf32>,
      %parallel_loop3A_957 = vector.shape_cast %parallel_loop3A_956 : vector<1x16xf32> to vector<16xf32>
      %parallel_loop3A_958 = arith.addf %parallel_loop3A_953, %parallel_loop3A_957 : vector<16xf32>
      %parallel_loop3A_959 = arith.index_cast %parallel_loop3A_946 : i32 to index
      %parallel_loop3A_960 = arith.index_cast %parallel_loop3A_949 : i32 to index
      %parallel_loop3A_961 = tpu.vector_load %arg10[%parallel_loop3A_959, %parallel_loop3A_960] {strides = array<i32>} : memref<16x1024xf32, #tpu.memory_space<vmem>>, vector<1x16xf32>,
      %parallel_loop3A_962 = vector.shape_cast %parallel_loop3A_961 : vector<1x16xf32> to vector<16xf32>
      %parallel_loop3A_963 = vector.shape_cast %parallel_loop3A_958 : vector<16xf32> to vector<1x16xf32>
      tpu.vector_store %arg10[%parallel_loop3A_959, %parallel_loop3A_960], %parallel_loop3A_963 {strides = array<i32>} : memref<16x1024xf32, #tpu.memory_space<vmem>>, vector<1x16xf32>,
    } {sc.loop_unroll_factor = 8 : i64, sc.parallel_access}
    %add3A_577 = arith.constant 64 : i32
    %add3A_578 = arith.addi %mul3A_2, %add3A_577 : i32
    %add3A_579 = arith.constant 8192 : i32
    %add3A_580 = arith.addi %add3A_579, %add3A_578 : i32
    %dma_start3A_581 = arith.constant 0 : i32
    %dma_start3A_582 = tpu.memref_slice %arg4[%add3A_580, %dma_start3A_581] : memref<16384x1024xf32, #tpu.memory_space<hbm>> -> memref<16x1024xf32, #tpu.memory_space<hbm>>
    %dma_start3A_583 = arith.constant 0 : i32
    %dma_start3A_584 = tpu.memref_slice %arg4[%add3A_580, %dma_start3A_583] : memref<16384x1024xf32, #tpu.memory_space<hbm>> -> memref<16x1024xf32, #tpu.memory_space<hbm>>
    tpu.enqueue_dma source(%arg10 : memref<16x1024xf32, #tpu.memory_space<vmem>>) target(%dma_start3A_584 : memref<16x1024xf32, #tpu.memory_space<hbm>>) target_semaphore(%arg22 : memref<!tpu.dma_semaphore, #tpu.memory_space<semaphore_mem>>)
    %dma_wait3A_585 = arith.constant 0 : i32
    %dma_wait3A_586 = tpu.memref_slice %arg4[%add3A_553, %dma_wait3A_585] : memref<16384x1024xf32, #tpu.memory_space<hbm>> -> memref<16x1024xf32, #tpu.memory_space<hbm>>
    %dma_wait3A_587 = arith.constant 0 : i32
    %dma_wait3A_588 = tpu.memref_slice %arg4[%add3A_553, %dma_wait3A_587] : memref<16384x1024xf32, #tpu.memory_space<hbm>> -> memref<16x1024xf32, #tpu.memory_space<hbm>>
    tpu.wait_dma2 semaphore(%arg21 : memref<!tpu.dma_semaphore, #tpu.memory_space<semaphore_mem>>) src(%arg9 : memref<16x1024xf32, #tpu.memory_space<vmem>>) dst(%dma_wait3A_588 : memref<16x1024xf32, #tpu.memory_space<hbm>>)
    %add3A_589 = arith.constant 80 : i32
    %add3A_590 = arith.addi %mul3A_2, %add3A_589 : i32
    %add3A_591 = arith.constant 8192 : i32
    %add3A_592 = arith.addi %add3A_591, %add3A_590 : i32
    %dma_start3A_593 = arith.constant 0 : i32
    %dma_start3A_594 = tpu.memref_slice %arg2[%add3A_592, %dma_start3A_593] : memref<16384x1024xf32, #tpu.memory_space<hbm>> -> memref<16x1024xf32, #tpu.memory_space<hbm>>
    %dma_start3A_595 = arith.constant 0 : i32
    %dma_start3A_596 = tpu.memref_slice %arg2[%add3A_592, %dma_start3A_595] : memref<16384x1024xf32, #tpu.memory_space<hbm>> -> memref<16x1024xf32, #tpu.memory_space<hbm>>
    tpu.enqueue_dma source(%dma_start3A_596 : memref<16x1024xf32, #tpu.memory_space<hbm>>) target(%arg9 : memref<16x1024xf32, #tpu.memory_space<vmem>>) target_semaphore(%arg16 : memref<!tpu.dma_semaphore, #tpu.memory_space<semaphore_mem>>)
    %dma_wait3A_597 = arith.constant 0 : i32
    %dma_wait3A_598 = tpu.memref_slice %arg2[%add3A_511, %dma_wait3A_597] : memref<16384x1024xf32, #tpu.memory_space<hbm>> -> memref<16x1024xf32, #tpu.memory_space<hbm>>
    %dma_wait3A_599 = arith.constant 0 : i32
    %dma_wait3A_600 = tpu.memref_slice %arg2[%add3A_511, %dma_wait3A_599] : memref<16384x1024xf32, #tpu.memory_space<hbm>> -> memref<16x1024xf32, #tpu.memory_space<hbm>>
    tpu.wait_dma2 semaphore(%arg18 : memref<!tpu.dma_semaphore, #tpu.memory_space<semaphore_mem>>) src(%dma_wait3A_600 : memref<16x1024xf32, #tpu.memory_space<hbm>>) dst(%arg11 : memref<16x1024xf32, #tpu.memory_space<vmem>>)
    %parallel_loop3A_601 = arith.constant 0 : i32
    %parallel_loop3A_602 = arith.constant 16384 : i32
    %parallel_loop3A_603 = arith.constant 16 : i32
    scf.for %parallel_loop3A_944 = %parallel_loop3A_601 to %parallel_loop3A_602 step %parallel_loop3A_603  : i32 {
      %parallel_loop3A_945 = arith.constant 10 : i32
      %parallel_loop3A_946 = arith.shrui %parallel_loop3A_944, %parallel_loop3A_945 : i32
      %parallel_loop3A_947 = arith.constant 1023 : i32
      %parallel_loop3A_948 = arith.andi %parallel_loop3A_944, %parallel_loop3A_947 : i32
      %parallel_loop3A_949 = tpu.assume_multiple %parallel_loop3A_948, 16 : i32
      %parallel_loop3A_950 = arith.index_cast %parallel_loop3A_946 : i32 to index
      %parallel_loop3A_951 = arith.index_cast %parallel_loop3A_949 : i32 to index
      %parallel_loop3A_952 = tpu.vector_load %arg11[%parallel_loop3A_950, %parallel_loop3A_951] {strides = array<i32>} : memref<16x1024xf32, #tpu.memory_space<vmem>>, vector<1x16xf32>,
      %parallel_loop3A_953 = vector.shape_cast %parallel_loop3A_952 : vector<1x16xf32> to vector<16xf32>
      %parallel_loop3A_954 = arith.index_cast %parallel_loop3A_946 : i32 to index
      %parallel_loop3A_955 = arith.index_cast %parallel_loop3A_949 : i32 to index
      %parallel_loop3A_956 = tpu.vector_load %arg5[%parallel_loop3A_954, %parallel_loop3A_955] {strides = array<i32>} : memref<16x1024xf32, #tpu.memory_space<vmem>>, vector<1x16xf32>,
      %parallel_loop3A_957 = vector.shape_cast %parallel_loop3A_956 : vector<1x16xf32> to vector<16xf32>
      %parallel_loop3A_958 = arith.addf %parallel_loop3A_953, %parallel_loop3A_957 : vector<16xf32>
      %parallel_loop3A_959 = arith.index_cast %parallel_loop3A_946 : i32 to index
      %parallel_loop3A_960 = arith.index_cast %parallel_loop3A_949 : i32 to index
      %parallel_loop3A_961 = tpu.vector_load %arg11[%parallel_loop3A_959, %parallel_loop3A_960] {strides = array<i32>} : memref<16x1024xf32, #tpu.memory_space<vmem>>, vector<1x16xf32>,
      %parallel_loop3A_962 = vector.shape_cast %parallel_loop3A_961 : vector<1x16xf32> to vector<16xf32>
      %parallel_loop3A_963 = vector.shape_cast %parallel_loop3A_958 : vector<16xf32> to vector<1x16xf32>
      tpu.vector_store %arg11[%parallel_loop3A_959, %parallel_loop3A_960], %parallel_loop3A_963 {strides = array<i32>} : memref<16x1024xf32, #tpu.memory_space<vmem>>, vector<1x16xf32>,
    } {sc.loop_unroll_factor = 8 : i64, sc.parallel_access}
    %add3A_604 = arith.constant 64 : i32
    %add3A_605 = arith.addi %mul3A_2, %add3A_604 : i32
    %add3A_606 = arith.constant 12288 : i32
    %add3A_607 = arith.addi %add3A_606, %add3A_605 : i32
    %dma_start3A_608 = arith.constant 0 : i32
    %dma_start3A_609 = tpu.memref_slice %arg4[%add3A_607, %dma_start3A_608] : memref<16384x1024xf32, #tpu.memory_space<hbm>> -> memref<16x1024xf32, #tpu.memory_space<hbm>>
    %dma_start3A_610 = arith.constant 0 : i32
    %dma_start3A_611 = tpu.memref_slice %arg4[%add3A_607, %dma_start3A_610] : memref<16384x1024xf32, #tpu.memory_space<hbm>> -> memref<16x1024xf32, #tpu.memory_space<hbm>>
    tpu.enqueue_dma source(%arg11 : memref<16x1024xf32, #tpu.memory_space<vmem>>) target(%dma_start3A_611 : memref<16x1024xf32, #tpu.memory_space<hbm>>) target_semaphore(%arg23 : memref<!tpu.dma_semaphore, #tpu.memory_space<semaphore_mem>>)
    %dma_wait3A_612 = arith.constant 0 : i32
    %dma_wait3A_613 = tpu.memref_slice %arg3[%add3A_499, %dma_wait3A_612] : memref<4096x1024xf32, #tpu.memory_space<hbm>> -> memref<16x1024xf32, #tpu.memory_space<hbm>>
    %dma_wait3A_614 = arith.constant 0 : i32
    %dma_wait3A_615 = tpu.memref_slice %arg3[%add3A_499, %dma_wait3A_614] : memref<4096x1024xf32, #tpu.memory_space<hbm>> -> memref<16x1024xf32, #tpu.memory_space<hbm>>
    tpu.wait_dma2 semaphore(%arg13 : memref<!tpu.dma_semaphore, #tpu.memory_space<semaphore_mem>>) src(%dma_wait3A_615 : memref<16x1024xf32, #tpu.memory_space<hbm>>) dst(%arg6 : memref<16x1024xf32, #tpu.memory_space<vmem>>)
    %add3A_616 = arith.constant 96 : i32
    %add3A_617 = arith.addi %mul3A_2, %add3A_616 : i32
    %dma_start3A_618 = arith.constant 0 : i32
    %dma_start3A_619 = tpu.memref_slice %arg3[%add3A_617, %dma_start3A_618] : memref<4096x1024xf32, #tpu.memory_space<hbm>> -> memref<16x1024xf32, #tpu.memory_space<hbm>>
    %dma_start3A_620 = arith.constant 0 : i32
    %dma_start3A_621 = tpu.memref_slice %arg3[%add3A_617, %dma_start3A_620] : memref<4096x1024xf32, #tpu.memory_space<hbm>> -> memref<16x1024xf32, #tpu.memory_space<hbm>>
    tpu.enqueue_dma source(%dma_start3A_621 : memref<16x1024xf32, #tpu.memory_space<hbm>>) target(%arg5 : memref<16x1024xf32, #tpu.memory_space<vmem>>) target_semaphore(%arg12 : memref<!tpu.dma_semaphore, #tpu.memory_space<semaphore_mem>>)
    %dma_wait3A_622 = arith.constant 0 : i32
    %dma_wait3A_623 = tpu.memref_slice %arg4[%add3A_580, %dma_wait3A_622] : memref<16384x1024xf32, #tpu.memory_space<hbm>> -> memref<16x1024xf32, #tpu.memory_space<hbm>>
    %dma_wait3A_624 = arith.constant 0 : i32
    %dma_wait3A_625 = tpu.memref_slice %arg4[%add3A_580, %dma_wait3A_624] : memref<16384x1024xf32, #tpu.memory_space<hbm>> -> memref<16x1024xf32, #tpu.memory_space<hbm>>
    tpu.wait_dma2 semaphore(%arg22 : memref<!tpu.dma_semaphore, #tpu.memory_space<semaphore_mem>>) src(%arg10 : memref<16x1024xf32, #tpu.memory_space<vmem>>) dst(%dma_wait3A_625 : memref<16x1024xf32, #tpu.memory_space<hbm>>)
    %add3A_626 = arith.constant 80 : i32
    %add3A_627 = arith.addi %mul3A_2, %add3A_626 : i32
    %add3A_628 = arith.constant 12288 : i32
    %add3A_629 = arith.addi %add3A_628, %add3A_627 : i32
    %dma_start3A_630 = arith.constant 0 : i32
    %dma_start3A_631 = tpu.memref_slice %arg2[%add3A_629, %dma_start3A_630] : memref<16384x1024xf32, #tpu.memory_space<hbm>> -> memref<16x1024xf32, #tpu.memory_space<hbm>>
    %dma_start3A_632 = arith.constant 0 : i32
    %dma_start3A_633 = tpu.memref_slice %arg2[%add3A_629, %dma_start3A_632] : memref<16384x1024xf32, #tpu.memory_space<hbm>> -> memref<16x1024xf32, #tpu.memory_space<hbm>>
    tpu.enqueue_dma source(%dma_start3A_633 : memref<16x1024xf32, #tpu.memory_space<hbm>>) target(%arg10 : memref<16x1024xf32, #tpu.memory_space<vmem>>) target_semaphore(%arg17 : memref<!tpu.dma_semaphore, #tpu.memory_space<semaphore_mem>>)
    %dma_wait3A_634 = arith.constant 0 : i32
    %dma_wait3A_635 = tpu.memref_slice %arg2[%add3A_538, %dma_wait3A_634] : memref<16384x1024xf32, #tpu.memory_space<hbm>> -> memref<16x1024xf32, #tpu.memory_space<hbm>>
    %dma_wait3A_636 = arith.constant 0 : i32
    %dma_wait3A_637 = tpu.memref_slice %arg2[%add3A_538, %dma_wait3A_636] : memref<16384x1024xf32, #tpu.memory_space<hbm>> -> memref<16x1024xf32, #tpu.memory_space<hbm>>
    tpu.wait_dma2 semaphore(%arg14 : memref<!tpu.dma_semaphore, #tpu.memory_space<semaphore_mem>>) src(%dma_wait3A_637 : memref<16x1024xf32, #tpu.memory_space<hbm>>) dst(%arg7 : memref<16x1024xf32, #tpu.memory_space<vmem>>)
    %parallel_loop3A_638 = arith.constant 0 : i32
    %parallel_loop3A_639 = arith.constant 16384 : i32
    %parallel_loop3A_640 = arith.constant 16 : i32
    scf.for %parallel_loop3A_944 = %parallel_loop3A_638 to %parallel_loop3A_639 step %parallel_loop3A_640  : i32 {
      %parallel_loop3A_945 = arith.constant 10 : i32
      %parallel_loop3A_946 = arith.shrui %parallel_loop3A_944, %parallel_loop3A_945 : i32
      %parallel_loop3A_947 = arith.constant 1023 : i32
      %parallel_loop3A_948 = arith.andi %parallel_loop3A_944, %parallel_loop3A_947 : i32
      %parallel_loop3A_949 = tpu.assume_multiple %parallel_loop3A_948, 16 : i32
      %parallel_loop3A_950 = arith.index_cast %parallel_loop3A_946 : i32 to index
      %parallel_loop3A_951 = arith.index_cast %parallel_loop3A_949 : i32 to index
      %parallel_loop3A_952 = tpu.vector_load %arg7[%parallel_loop3A_950, %parallel_loop3A_951] {strides = array<i32>} : memref<16x1024xf32, #tpu.memory_space<vmem>>, vector<1x16xf32>,
      %parallel_loop3A_953 = vector.shape_cast %parallel_loop3A_952 : vector<1x16xf32> to vector<16xf32>
      %parallel_loop3A_954 = arith.index_cast %parallel_loop3A_946 : i32 to index
      %parallel_loop3A_955 = arith.index_cast %parallel_loop3A_949 : i32 to index
      %parallel_loop3A_956 = tpu.vector_load %arg6[%parallel_loop3A_954, %parallel_loop3A_955] {strides = array<i32>} : memref<16x1024xf32, #tpu.memory_space<vmem>>, vector<1x16xf32>,
      %parallel_loop3A_957 = vector.shape_cast %parallel_loop3A_956 : vector<1x16xf32> to vector<16xf32>
      %parallel_loop3A_958 = arith.addf %parallel_loop3A_953, %parallel_loop3A_957 : vector<16xf32>
      %parallel_loop3A_959 = arith.index_cast %parallel_loop3A_946 : i32 to index
      %parallel_loop3A_960 = arith.index_cast %parallel_loop3A_949 : i32 to index
      %parallel_loop3A_961 = tpu.vector_load %arg7[%parallel_loop3A_959, %parallel_loop3A_960] {strides = array<i32>} : memref<16x1024xf32, #tpu.memory_space<vmem>>, vector<1x16xf32>,
      %parallel_loop3A_962 = vector.shape_cast %parallel_loop3A_961 : vector<1x16xf32> to vector<16xf32>
      %parallel_loop3A_963 = vector.shape_cast %parallel_loop3A_958 : vector<16xf32> to vector<1x16xf32>
      tpu.vector_store %arg7[%parallel_loop3A_959, %parallel_loop3A_960], %parallel_loop3A_963 {strides = array<i32>} : memref<16x1024xf32, #tpu.memory_space<vmem>>, vector<1x16xf32>,
    } {sc.loop_unroll_factor = 8 : i64, sc.parallel_access}
    %add3A_641 = arith.constant 80 : i32
    %add3A_642 = arith.addi %mul3A_2, %add3A_641 : i32
    %add3A_643 = arith.constant 0 : i32
    %add3A_644 = arith.addi %add3A_643, %add3A_642 : i32
    %dma_start3A_645 = arith.constant 0 : i32
    %dma_start3A_646 = tpu.memref_slice %arg4[%add3A_644, %dma_start3A_645] : memref<16384x1024xf32, #tpu.memory_space<hbm>> -> memref<16x1024xf32, #tpu.memory_space<hbm>>
    %dma_start3A_647 = arith.constant 0 : i32
    %dma_start3A_648 = tpu.memref_slice %arg4[%add3A_644, %dma_start3A_647] : memref<16384x1024xf32, #tpu.memory_space<hbm>> -> memref<16x1024xf32, #tpu.memory_space<hbm>>
    tpu.enqueue_dma source(%arg7 : memref<16x1024xf32, #tpu.memory_space<vmem>>) target(%dma_start3A_648 : memref<16x1024xf32, #tpu.memory_space<hbm>>) target_semaphore(%arg19 : memref<!tpu.dma_semaphore, #tpu.memory_space<semaphore_mem>>)
    %dma_wait3A_649 = arith.constant 0 : i32
    %dma_wait3A_650 = tpu.memref_slice %arg4[%add3A_607, %dma_wait3A_649] : memref<16384x1024xf32, #tpu.memory_space<hbm>> -> memref<16x1024xf32, #tpu.memory_space<hbm>>
    %dma_wait3A_651 = arith.constant 0 : i32
    %dma_wait3A_652 = tpu.memref_slice %arg4[%add3A_607, %dma_wait3A_651] : memref<16384x1024xf32, #tpu.memory_space<hbm>> -> memref<16x1024xf32, #tpu.memory_space<hbm>>
    tpu.wait_dma2 semaphore(%arg23 : memref<!tpu.dma_semaphore, #tpu.memory_space<semaphore_mem>>) src(%arg11 : memref<16x1024xf32, #tpu.memory_space<vmem>>) dst(%dma_wait3A_652 : memref<16x1024xf32, #tpu.memory_space<hbm>>)
    %add3A_653 = arith.constant 96 : i32
    %add3A_654 = arith.addi %mul3A_2, %add3A_653 : i32
    %add3A_655 = arith.constant 0 : i32
    %add3A_656 = arith.addi %add3A_655, %add3A_654 : i32
    %dma_start3A_657 = arith.constant 0 : i32
    %dma_start3A_658 = tpu.memref_slice %arg2[%add3A_656, %dma_start3A_657] : memref<16384x1024xf32, #tpu.memory_space<hbm>> -> memref<16x1024xf32, #tpu.memory_space<hbm>>
    %dma_start3A_659 = arith.constant 0 : i32
    %dma_start3A_660 = tpu.memref_slice %arg2[%add3A_656, %dma_start3A_659] : memref<16384x1024xf32, #tpu.memory_space<hbm>> -> memref<16x1024xf32, #tpu.memory_space<hbm>>
    tpu.enqueue_dma source(%dma_start3A_660 : memref<16x1024xf32, #tpu.memory_space<hbm>>) target(%arg11 : memref<16x1024xf32, #tpu.memory_space<vmem>>) target_semaphore(%arg18 : memref<!tpu.dma_semaphore, #tpu.memory_space<semaphore_mem>>)
    %dma_wait3A_661 = arith.constant 0 : i32
    %dma_wait3A_662 = tpu.memref_slice %arg2[%add3A_565, %dma_wait3A_661] : memref<16384x1024xf32, #tpu.memory_space<hbm>> -> memref<16x1024xf32, #tpu.memory_space<hbm>>
    %dma_wait3A_663 = arith.constant 0 : i32
    %dma_wait3A_664 = tpu.memref_slice %arg2[%add3A_565, %dma_wait3A_663] : memref<16384x1024xf32, #tpu.memory_space<hbm>> -> memref<16x1024xf32, #tpu.memory_space<hbm>>
    tpu.wait_dma2 semaphore(%arg15 : memref<!tpu.dma_semaphore, #tpu.memory_space<semaphore_mem>>) src(%dma_wait3A_664 : memref<16x1024xf32, #tpu.memory_space<hbm>>) dst(%arg8 : memref<16x1024xf32, #tpu.memory_space<vmem>>)
    %parallel_loop3A_665 = arith.constant 0 : i32
    %parallel_loop3A_666 = arith.constant 16384 : i32
    %parallel_loop3A_667 = arith.constant 16 : i32
    scf.for %parallel_loop3A_944 = %parallel_loop3A_665 to %parallel_loop3A_666 step %parallel_loop3A_667  : i32 {
      %parallel_loop3A_945 = arith.constant 10 : i32
      %parallel_loop3A_946 = arith.shrui %parallel_loop3A_944, %parallel_loop3A_945 : i32
      %parallel_loop3A_947 = arith.constant 1023 : i32
      %parallel_loop3A_948 = arith.andi %parallel_loop3A_944, %parallel_loop3A_947 : i32
      %parallel_loop3A_949 = tpu.assume_multiple %parallel_loop3A_948, 16 : i32
      %parallel_loop3A_950 = arith.index_cast %parallel_loop3A_946 : i32 to index
      %parallel_loop3A_951 = arith.index_cast %parallel_loop3A_949 : i32 to index
      %parallel_loop3A_952 = tpu.vector_load %arg8[%parallel_loop3A_950, %parallel_loop3A_951] {strides = array<i32>} : memref<16x1024xf32, #tpu.memory_space<vmem>>, vector<1x16xf32>,
      %parallel_loop3A_953 = vector.shape_cast %parallel_loop3A_952 : vector<1x16xf32> to vector<16xf32>
      %parallel_loop3A_954 = arith.index_cast %parallel_loop3A_946 : i32 to index
      %parallel_loop3A_955 = arith.index_cast %parallel_loop3A_949 : i32 to index
      %parallel_loop3A_956 = tpu.vector_load %arg6[%parallel_loop3A_954, %parallel_loop3A_955] {strides = array<i32>} : memref<16x1024xf32, #tpu.memory_space<vmem>>, vector<1x16xf32>,
      %parallel_loop3A_957 = vector.shape_cast %parallel_loop3A_956 : vector<1x16xf32> to vector<16xf32>
      %parallel_loop3A_958 = arith.addf %parallel_loop3A_953, %parallel_loop3A_957 : vector<16xf32>
      %parallel_loop3A_959 = arith.index_cast %parallel_loop3A_946 : i32 to index
      %parallel_loop3A_960 = arith.index_cast %parallel_loop3A_949 : i32 to index
      %parallel_loop3A_961 = tpu.vector_load %arg8[%parallel_loop3A_959, %parallel_loop3A_960] {strides = array<i32>} : memref<16x1024xf32, #tpu.memory_space<vmem>>, vector<1x16xf32>,
      %parallel_loop3A_962 = vector.shape_cast %parallel_loop3A_961 : vector<1x16xf32> to vector<16xf32>
      %parallel_loop3A_963 = vector.shape_cast %parallel_loop3A_958 : vector<16xf32> to vector<1x16xf32>
      tpu.vector_store %arg8[%parallel_loop3A_959, %parallel_loop3A_960], %parallel_loop3A_963 {strides = array<i32>} : memref<16x1024xf32, #tpu.memory_space<vmem>>, vector<1x16xf32>,
    } {sc.loop_unroll_factor = 8 : i64, sc.parallel_access}
    %add3A_668 = arith.constant 80 : i32
    %add3A_669 = arith.addi %mul3A_2, %add3A_668 : i32
    %add3A_670 = arith.constant 4096 : i32
    %add3A_671 = arith.addi %add3A_670, %add3A_669 : i32
    %dma_start3A_672 = arith.constant 0 : i32
    %dma_start3A_673 = tpu.memref_slice %arg4[%add3A_671, %dma_start3A_672] : memref<16384x1024xf32, #tpu.memory_space<hbm>> -> memref<16x1024xf32, #tpu.memory_space<hbm>>
    %dma_start3A_674 = arith.constant 0 : i32
    %dma_start3A_675 = tpu.memref_slice %arg4[%add3A_671, %dma_start3A_674] : memref<16384x1024xf32, #tpu.memory_space<hbm>> -> memref<16x1024xf32, #tpu.memory_space<hbm>>
    tpu.enqueue_dma source(%arg8 : memref<16x1024xf32, #tpu.memory_space<vmem>>) target(%dma_start3A_675 : memref<16x1024xf32, #tpu.memory_space<hbm>>) target_semaphore(%arg20 : memref<!tpu.dma_semaphore, #tpu.memory_space<semaphore_mem>>)
    %dma_wait3A_676 = arith.constant 0 : i32
    %dma_wait3A_677 = tpu.memref_slice %arg4[%add3A_644, %dma_wait3A_676] : memref<16384x1024xf32, #tpu.memory_space<hbm>> -> memref<16x1024xf32, #tpu.memory_space<hbm>>
    %dma_wait3A_678 = arith.constant 0 : i32
    %dma_wait3A_679 = tpu.memref_slice %arg4[%add3A_644, %dma_wait3A_678] : memref<16384x1024xf32, #tpu.memory_space<hbm>> -> memref<16x1024xf32, #tpu.memory_space<hbm>>
    tpu.wait_dma2 semaphore(%arg19 : memref<!tpu.dma_semaphore, #tpu.memory_space<semaphore_mem>>) src(%arg7 : memref<16x1024xf32, #tpu.memory_space<vmem>>) dst(%dma_wait3A_679 : memref<16x1024xf32, #tpu.memory_space<hbm>>)
    %add3A_680 = arith.constant 96 : i32
    %add3A_681 = arith.addi %mul3A_2, %add3A_680 : i32
    %add3A_682 = arith.constant 4096 : i32
    %add3A_683 = arith.addi %add3A_682, %add3A_681 : i32
    %dma_start3A_684 = arith.constant 0 : i32
    %dma_start3A_685 = tpu.memref_slice %arg2[%add3A_683, %dma_start3A_684] : memref<16384x1024xf32, #tpu.memory_space<hbm>> -> memref<16x1024xf32, #tpu.memory_space<hbm>>
    %dma_start3A_686 = arith.constant 0 : i32
    %dma_start3A_687 = tpu.memref_slice %arg2[%add3A_683, %dma_start3A_686] : memref<16384x1024xf32, #tpu.memory_space<hbm>> -> memref<16x1024xf32, #tpu.memory_space<hbm>>
    tpu.enqueue_dma source(%dma_start3A_687 : memref<16x1024xf32, #tpu.memory_space<hbm>>) target(%arg7 : memref<16x1024xf32, #tpu.memory_space<vmem>>) target_semaphore(%arg14 : memref<!tpu.dma_semaphore, #tpu.memory_space<semaphore_mem>>)
    %dma_wait3A_688 = arith.constant 0 : i32
    %dma_wait3A_689 = tpu.memref_slice %arg2[%add3A_592, %dma_wait3A_688] : memref<16384x1024xf32, #tpu.memory_space<hbm>> -> memref<16x1024xf32, #tpu.memory_space<hbm>>
    %dma_wait3A_690 = arith.constant 0 : i32
    %dma_wait3A_691 = tpu.memref_slice %arg2[%add3A_592, %dma_wait3A_690] : memref<16384x1024xf32, #tpu.memory_space<hbm>> -> memref<16x1024xf32, #tpu.memory_space<hbm>>
    tpu.wait_dma2 semaphore(%arg16 : memref<!tpu.dma_semaphore, #tpu.memory_space<semaphore_mem>>) src(%dma_wait3A_691 : memref<16x1024xf32, #tpu.memory_space<hbm>>) dst(%arg9 : memref<16x1024xf32, #tpu.memory_space<vmem>>)
    %parallel_loop3A_692 = arith.constant 0 : i32
    %parallel_loop3A_693 = arith.constant 16384 : i32
    %parallel_loop3A_694 = arith.constant 16 : i32
    scf.for %parallel_loop3A_944 = %parallel_loop3A_692 to %parallel_loop3A_693 step %parallel_loop3A_694  : i32 {
      %parallel_loop3A_945 = arith.constant 10 : i32
      %parallel_loop3A_946 = arith.shrui %parallel_loop3A_944, %parallel_loop3A_945 : i32
      %parallel_loop3A_947 = arith.constant 1023 : i32
      %parallel_loop3A_948 = arith.andi %parallel_loop3A_944, %parallel_loop3A_947 : i32
      %parallel_loop3A_949 = tpu.assume_multiple %parallel_loop3A_948, 16 : i32
      %parallel_loop3A_950 = arith.index_cast %parallel_loop3A_946 : i32 to index
      %parallel_loop3A_951 = arith.index_cast %parallel_loop3A_949 : i32 to index
      %parallel_loop3A_952 = tpu.vector_load %arg9[%parallel_loop3A_950, %parallel_loop3A_951] {strides = array<i32>} : memref<16x1024xf32, #tpu.memory_space<vmem>>, vector<1x16xf32>,
      %parallel_loop3A_953 = vector.shape_cast %parallel_loop3A_952 : vector<1x16xf32> to vector<16xf32>
      %parallel_loop3A_954 = arith.index_cast %parallel_loop3A_946 : i32 to index
      %parallel_loop3A_955 = arith.index_cast %parallel_loop3A_949 : i32 to index
      %parallel_loop3A_956 = tpu.vector_load %arg6[%parallel_loop3A_954, %parallel_loop3A_955] {strides = array<i32>} : memref<16x1024xf32, #tpu.memory_space<vmem>>, vector<1x16xf32>,
      %parallel_loop3A_957 = vector.shape_cast %parallel_loop3A_956 : vector<1x16xf32> to vector<16xf32>
      %parallel_loop3A_958 = arith.addf %parallel_loop3A_953, %parallel_loop3A_957 : vector<16xf32>
      %parallel_loop3A_959 = arith.index_cast %parallel_loop3A_946 : i32 to index
      %parallel_loop3A_960 = arith.index_cast %parallel_loop3A_949 : i32 to index
      %parallel_loop3A_961 = tpu.vector_load %arg9[%parallel_loop3A_959, %parallel_loop3A_960] {strides = array<i32>} : memref<16x1024xf32, #tpu.memory_space<vmem>>, vector<1x16xf32>,
      %parallel_loop3A_962 = vector.shape_cast %parallel_loop3A_961 : vector<1x16xf32> to vector<16xf32>
      %parallel_loop3A_963 = vector.shape_cast %parallel_loop3A_958 : vector<16xf32> to vector<1x16xf32>
      tpu.vector_store %arg9[%parallel_loop3A_959, %parallel_loop3A_960], %parallel_loop3A_963 {strides = array<i32>} : memref<16x1024xf32, #tpu.memory_space<vmem>>, vector<1x16xf32>,
    } {sc.loop_unroll_factor = 8 : i64, sc.parallel_access}
    %add3A_695 = arith.constant 80 : i32
    %add3A_696 = arith.addi %mul3A_2, %add3A_695 : i32
    %add3A_697 = arith.constant 8192 : i32
    %add3A_698 = arith.addi %add3A_697, %add3A_696 : i32
    %dma_start3A_699 = arith.constant 0 : i32
    %dma_start3A_700 = tpu.memref_slice %arg4[%add3A_698, %dma_start3A_699] : memref<16384x1024xf32, #tpu.memory_space<hbm>> -> memref<16x1024xf32, #tpu.memory_space<hbm>>
    %dma_start3A_701 = arith.constant 0 : i32
    %dma_start3A_702 = tpu.memref_slice %arg4[%add3A_698, %dma_start3A_701] : memref<16384x1024xf32, #tpu.memory_space<hbm>> -> memref<16x1024xf32, #tpu.memory_space<hbm>>
    tpu.enqueue_dma source(%arg9 : memref<16x1024xf32, #tpu.memory_space<vmem>>) target(%dma_start3A_702 : memref<16x1024xf32, #tpu.memory_space<hbm>>) target_semaphore(%arg21 : memref<!tpu.dma_semaphore, #tpu.memory_space<semaphore_mem>>)
    %dma_wait3A_703 = arith.constant 0 : i32
    %dma_wait3A_704 = tpu.memref_slice %arg4[%add3A_671, %dma_wait3A_703] : memref<16384x1024xf32, #tpu.memory_space<hbm>> -> memref<16x1024xf32, #tpu.memory_space<hbm>>
    %dma_wait3A_705 = arith.constant 0 : i32
    %dma_wait3A_706 = tpu.memref_slice %arg4[%add3A_671, %dma_wait3A_705] : memref<16384x1024xf32, #tpu.memory_space<hbm>> -> memref<16x1024xf32, #tpu.memory_space<hbm>>
    tpu.wait_dma2 semaphore(%arg20 : memref<!tpu.dma_semaphore, #tpu.memory_space<semaphore_mem>>) src(%arg8 : memref<16x1024xf32, #tpu.memory_space<vmem>>) dst(%dma_wait3A_706 : memref<16x1024xf32, #tpu.memory_space<hbm>>)
    %add3A_707 = arith.constant 96 : i32
    %add3A_708 = arith.addi %mul3A_2, %add3A_707 : i32
    %add3A_709 = arith.constant 8192 : i32
    %add3A_710 = arith.addi %add3A_709, %add3A_708 : i32
    %dma_start3A_711 = arith.constant 0 : i32
    %dma_start3A_712 = tpu.memref_slice %arg2[%add3A_710, %dma_start3A_711] : memref<16384x1024xf32, #tpu.memory_space<hbm>> -> memref<16x1024xf32, #tpu.memory_space<hbm>>
    %dma_start3A_713 = arith.constant 0 : i32
    %dma_start3A_714 = tpu.memref_slice %arg2[%add3A_710, %dma_start3A_713] : memref<16384x1024xf32, #tpu.memory_space<hbm>> -> memref<16x1024xf32, #tpu.memory_space<hbm>>
    tpu.enqueue_dma source(%dma_start3A_714 : memref<16x1024xf32, #tpu.memory_space<hbm>>) target(%arg8 : memref<16x1024xf32, #tpu.memory_space<vmem>>) target_semaphore(%arg15 : memref<!tpu.dma_semaphore, #tpu.memory_space<semaphore_mem>>)
    %dma_wait3A_715 = arith.constant 0 : i32
    %dma_wait3A_716 = tpu.memref_slice %arg2[%add3A_629, %dma_wait3A_715] : memref<16384x1024xf32, #tpu.memory_space<hbm>> -> memref<16x1024xf32, #tpu.memory_space<hbm>>
    %dma_wait3A_717 = arith.constant 0 : i32
    %dma_wait3A_718 = tpu.memref_slice %arg2[%add3A_629, %dma_wait3A_717] : memref<16384x1024xf32, #tpu.memory_space<hbm>> -> memref<16x1024xf32, #tpu.memory_space<hbm>>
    tpu.wait_dma2 semaphore(%arg17 : memref<!tpu.dma_semaphore, #tpu.memory_space<semaphore_mem>>) src(%dma_wait3A_718 : memref<16x1024xf32, #tpu.memory_space<hbm>>) dst(%arg10 : memref<16x1024xf32, #tpu.memory_space<vmem>>)
    %parallel_loop3A_719 = arith.constant 0 : i32
    %parallel_loop3A_720 = arith.constant 16384 : i32
    %parallel_loop3A_721 = arith.constant 16 : i32
    scf.for %parallel_loop3A_944 = %parallel_loop3A_719 to %parallel_loop3A_720 step %parallel_loop3A_721  : i32 {
      %parallel_loop3A_945 = arith.constant 10 : i32
      %parallel_loop3A_946 = arith.shrui %parallel_loop3A_944, %parallel_loop3A_945 : i32
      %parallel_loop3A_947 = arith.constant 1023 : i32
      %parallel_loop3A_948 = arith.andi %parallel_loop3A_944, %parallel_loop3A_947 : i32
      %parallel_loop3A_949 = tpu.assume_multiple %parallel_loop3A_948, 16 : i32
      %parallel_loop3A_950 = arith.index_cast %parallel_loop3A_946 : i32 to index
      %parallel_loop3A_951 = arith.index_cast %parallel_loop3A_949 : i32 to index
      %parallel_loop3A_952 = tpu.vector_load %arg10[%parallel_loop3A_950, %parallel_loop3A_951] {strides = array<i32>} : memref<16x1024xf32, #tpu.memory_space<vmem>>, vector<1x16xf32>,
      %parallel_loop3A_953 = vector.shape_cast %parallel_loop3A_952 : vector<1x16xf32> to vector<16xf32>
      %parallel_loop3A_954 = arith.index_cast %parallel_loop3A_946 : i32 to index
      %parallel_loop3A_955 = arith.index_cast %parallel_loop3A_949 : i32 to index
      %parallel_loop3A_956 = tpu.vector_load %arg6[%parallel_loop3A_954, %parallel_loop3A_955] {strides = array<i32>} : memref<16x1024xf32, #tpu.memory_space<vmem>>, vector<1x16xf32>,
      %parallel_loop3A_957 = vector.shape_cast %parallel_loop3A_956 : vector<1x16xf32> to vector<16xf32>
      %parallel_loop3A_958 = arith.addf %parallel_loop3A_953, %parallel_loop3A_957 : vector<16xf32>
      %parallel_loop3A_959 = arith.index_cast %parallel_loop3A_946 : i32 to index
      %parallel_loop3A_960 = arith.index_cast %parallel_loop3A_949 : i32 to index
      %parallel_loop3A_961 = tpu.vector_load %arg10[%parallel_loop3A_959, %parallel_loop3A_960] {strides = array<i32>} : memref<16x1024xf32, #tpu.memory_space<vmem>>, vector<1x16xf32>,
      %parallel_loop3A_962 = vector.shape_cast %parallel_loop3A_961 : vector<1x16xf32> to vector<16xf32>
      %parallel_loop3A_963 = vector.shape_cast %parallel_loop3A_958 : vector<16xf32> to vector<1x16xf32>
      tpu.vector_store %arg10[%parallel_loop3A_959, %parallel_loop3A_960], %parallel_loop3A_963 {strides = array<i32>} : memref<16x1024xf32, #tpu.memory_space<vmem>>, vector<1x16xf32>,
    } {sc.loop_unroll_factor = 8 : i64, sc.parallel_access}
    %add3A_722 = arith.constant 80 : i32
    %add3A_723 = arith.addi %mul3A_2, %add3A_722 : i32
    %add3A_724 = arith.constant 12288 : i32
    %add3A_725 = arith.addi %add3A_724, %add3A_723 : i32
    %dma_start3A_726 = arith.constant 0 : i32
    %dma_start3A_727 = tpu.memref_slice %arg4[%add3A_725, %dma_start3A_726] : memref<16384x1024xf32, #tpu.memory_space<hbm>> -> memref<16x1024xf32, #tpu.memory_space<hbm>>
    %dma_start3A_728 = arith.constant 0 : i32
    %dma_start3A_729 = tpu.memref_slice %arg4[%add3A_725, %dma_start3A_728] : memref<16384x1024xf32, #tpu.memory_space<hbm>> -> memref<16x1024xf32, #tpu.memory_space<hbm>>
    tpu.enqueue_dma source(%arg10 : memref<16x1024xf32, #tpu.memory_space<vmem>>) target(%dma_start3A_729 : memref<16x1024xf32, #tpu.memory_space<hbm>>) target_semaphore(%arg22 : memref<!tpu.dma_semaphore, #tpu.memory_space<semaphore_mem>>)
    %dma_wait3A_730 = arith.constant 0 : i32
    %dma_wait3A_731 = tpu.memref_slice %arg3[%add3A_617, %dma_wait3A_730] : memref<4096x1024xf32, #tpu.memory_space<hbm>> -> memref<16x1024xf32, #tpu.memory_space<hbm>>
    %dma_wait3A_732 = arith.constant 0 : i32
    %dma_wait3A_733 = tpu.memref_slice %arg3[%add3A_617, %dma_wait3A_732] : memref<4096x1024xf32, #tpu.memory_space<hbm>> -> memref<16x1024xf32, #tpu.memory_space<hbm>>
    tpu.wait_dma2 semaphore(%arg12 : memref<!tpu.dma_semaphore, #tpu.memory_space<semaphore_mem>>) src(%dma_wait3A_733 : memref<16x1024xf32, #tpu.memory_space<hbm>>) dst(%arg5 : memref<16x1024xf32, #tpu.memory_space<vmem>>)
    %add3A_734 = arith.constant 112 : i32
    %add3A_735 = arith.addi %mul3A_2, %add3A_734 : i32
    %dma_start3A_736 = arith.constant 0 : i32
    %dma_start3A_737 = tpu.memref_slice %arg3[%add3A_735, %dma_start3A_736] : memref<4096x1024xf32, #tpu.memory_space<hbm>> -> memref<16x1024xf32, #tpu.memory_space<hbm>>
    %dma_start3A_738 = arith.constant 0 : i32
    %dma_start3A_739 = tpu.memref_slice %arg3[%add3A_735, %dma_start3A_738] : memref<4096x1024xf32, #tpu.memory_space<hbm>> -> memref<16x1024xf32, #tpu.memory_space<hbm>>
    tpu.enqueue_dma source(%dma_start3A_739 : memref<16x1024xf32, #tpu.memory_space<hbm>>) target(%arg6 : memref<16x1024xf32, #tpu.memory_space<vmem>>) target_semaphore(%arg13 : memref<!tpu.dma_semaphore, #tpu.memory_space<semaphore_mem>>)
    %dma_wait3A_740 = arith.constant 0 : i32
    %dma_wait3A_741 = tpu.memref_slice %arg4[%add3A_698, %dma_wait3A_740] : memref<16384x1024xf32, #tpu.memory_space<hbm>> -> memref<16x1024xf32, #tpu.memory_space<hbm>>
    %dma_wait3A_742 = arith.constant 0 : i32
    %dma_wait3A_743 = tpu.memref_slice %arg4[%add3A_698, %dma_wait3A_742] : memref<16384x1024xf32, #tpu.memory_space<hbm>> -> memref<16x1024xf32, #tpu.memory_space<hbm>>
    tpu.wait_dma2 semaphore(%arg21 : memref<!tpu.dma_semaphore, #tpu.memory_space<semaphore_mem>>) src(%arg9 : memref<16x1024xf32, #tpu.memory_space<vmem>>) dst(%dma_wait3A_743 : memref<16x1024xf32, #tpu.memory_space<hbm>>)
    %add3A_744 = arith.constant 96 : i32
    %add3A_745 = arith.addi %mul3A_2, %add3A_744 : i32
    %add3A_746 = arith.constant 12288 : i32
    %add3A_747 = arith.addi %add3A_746, %add3A_745 : i32
    %dma_start3A_748 = arith.constant 0 : i32
    %dma_start3A_749 = tpu.memref_slice %arg2[%add3A_747, %dma_start3A_748] : memref<16384x1024xf32, #tpu.memory_space<hbm>> -> memref<16x1024xf32, #tpu.memory_space<hbm>>
    %dma_start3A_750 = arith.constant 0 : i32
    %dma_start3A_751 = tpu.memref_slice %arg2[%add3A_747, %dma_start3A_750] : memref<16384x1024xf32, #tpu.memory_space<hbm>> -> memref<16x1024xf32, #tpu.memory_space<hbm>>
    tpu.enqueue_dma source(%dma_start3A_751 : memref<16x1024xf32, #tpu.memory_space<hbm>>) target(%arg9 : memref<16x1024xf32, #tpu.memory_space<vmem>>) target_semaphore(%arg16 : memref<!tpu.dma_semaphore, #tpu.memory_space<semaphore_mem>>)
    %dma_wait3A_752 = arith.constant 0 : i32
    %dma_wait3A_753 = tpu.memref_slice %arg2[%add3A_656, %dma_wait3A_752] : memref<16384x1024xf32, #tpu.memory_space<hbm>> -> memref<16x1024xf32, #tpu.memory_space<hbm>>
    %dma_wait3A_754 = arith.constant 0 : i32
    %dma_wait3A_755 = tpu.memref_slice %arg2[%add3A_656, %dma_wait3A_754] : memref<16384x1024xf32, #tpu.memory_space<hbm>> -> memref<16x1024xf32, #tpu.memory_space<hbm>>
    tpu.wait_dma2 semaphore(%arg18 : memref<!tpu.dma_semaphore, #tpu.memory_space<semaphore_mem>>) src(%dma_wait3A_755 : memref<16x1024xf32, #tpu.memory_space<hbm>>) dst(%arg11 : memref<16x1024xf32, #tpu.memory_space<vmem>>)
    %parallel_loop3A_756 = arith.constant 0 : i32
    %parallel_loop3A_757 = arith.constant 16384 : i32
    %parallel_loop3A_758 = arith.constant 16 : i32
    scf.for %parallel_loop3A_944 = %parallel_loop3A_756 to %parallel_loop3A_757 step %parallel_loop3A_758  : i32 {
      %parallel_loop3A_945 = arith.constant 10 : i32
      %parallel_loop3A_946 = arith.shrui %parallel_loop3A_944, %parallel_loop3A_945 : i32
      %parallel_loop3A_947 = arith.constant 1023 : i32
      %parallel_loop3A_948 = arith.andi %parallel_loop3A_944, %parallel_loop3A_947 : i32
      %parallel_loop3A_949 = tpu.assume_multiple %parallel_loop3A_948, 16 : i32
      %parallel_loop3A_950 = arith.index_cast %parallel_loop3A_946 : i32 to index
      %parallel_loop3A_951 = arith.index_cast %parallel_loop3A_949 : i32 to index
      %parallel_loop3A_952 = tpu.vector_load %arg11[%parallel_loop3A_950, %parallel_loop3A_951] {strides = array<i32>} : memref<16x1024xf32, #tpu.memory_space<vmem>>, vector<1x16xf32>,
      %parallel_loop3A_953 = vector.shape_cast %parallel_loop3A_952 : vector<1x16xf32> to vector<16xf32>
      %parallel_loop3A_954 = arith.index_cast %parallel_loop3A_946 : i32 to index
      %parallel_loop3A_955 = arith.index_cast %parallel_loop3A_949 : i32 to index
      %parallel_loop3A_956 = tpu.vector_load %arg5[%parallel_loop3A_954, %parallel_loop3A_955] {strides = array<i32>} : memref<16x1024xf32, #tpu.memory_space<vmem>>, vector<1x16xf32>,
      %parallel_loop3A_957 = vector.shape_cast %parallel_loop3A_956 : vector<1x16xf32> to vector<16xf32>
      %parallel_loop3A_958 = arith.addf %parallel_loop3A_953, %parallel_loop3A_957 : vector<16xf32>
      %parallel_loop3A_959 = arith.index_cast %parallel_loop3A_946 : i32 to index
      %parallel_loop3A_960 = arith.index_cast %parallel_loop3A_949 : i32 to index
      %parallel_loop3A_961 = tpu.vector_load %arg11[%parallel_loop3A_959, %parallel_loop3A_960] {strides = array<i32>} : memref<16x1024xf32, #tpu.memory_space<vmem>>, vector<1x16xf32>,
      %parallel_loop3A_962 = vector.shape_cast %parallel_loop3A_961 : vector<1x16xf32> to vector<16xf32>
      %parallel_loop3A_963 = vector.shape_cast %parallel_loop3A_958 : vector<16xf32> to vector<1x16xf32>
      tpu.vector_store %arg11[%parallel_loop3A_959, %parallel_loop3A_960], %parallel_loop3A_963 {strides = array<i32>} : memref<16x1024xf32, #tpu.memory_space<vmem>>, vector<1x16xf32>,
    } {sc.loop_unroll_factor = 8 : i64, sc.parallel_access}
    %add3A_759 = arith.constant 96 : i32
    %add3A_760 = arith.addi %mul3A_2, %add3A_759 : i32
    %add3A_761 = arith.constant 0 : i32
    %add3A_762 = arith.addi %add3A_761, %add3A_760 : i32
    %dma_start3A_763 = arith.constant 0 : i32
    %dma_start3A_764 = tpu.memref_slice %arg4[%add3A_762, %dma_start3A_763] : memref<16384x1024xf32, #tpu.memory_space<hbm>> -> memref<16x1024xf32, #tpu.memory_space<hbm>>
    %dma_start3A_765 = arith.constant 0 : i32
    %dma_start3A_766 = tpu.memref_slice %arg4[%add3A_762, %dma_start3A_765] : memref<16384x1024xf32, #tpu.memory_space<hbm>> -> memref<16x1024xf32, #tpu.memory_space<hbm>>
    tpu.enqueue_dma source(%arg11 : memref<16x1024xf32, #tpu.memory_space<vmem>>) target(%dma_start3A_766 : memref<16x1024xf32, #tpu.memory_space<hbm>>) target_semaphore(%arg23 : memref<!tpu.dma_semaphore, #tpu.memory_space<semaphore_mem>>)
    %dma_wait3A_767 = arith.constant 0 : i32
    %dma_wait3A_768 = tpu.memref_slice %arg4[%add3A_725, %dma_wait3A_767] : memref<16384x1024xf32, #tpu.memory_space<hbm>> -> memref<16x1024xf32, #tpu.memory_space<hbm>>
    %dma_wait3A_769 = arith.constant 0 : i32
    %dma_wait3A_770 = tpu.memref_slice %arg4[%add3A_725, %dma_wait3A_769] : memref<16384x1024xf32, #tpu.memory_space<hbm>> -> memref<16x1024xf32, #tpu.memory_space<hbm>>
    tpu.wait_dma2 semaphore(%arg22 : memref<!tpu.dma_semaphore, #tpu.memory_space<semaphore_mem>>) src(%arg10 : memref<16x1024xf32, #tpu.memory_space<vmem>>) dst(%dma_wait3A_770 : memref<16x1024xf32, #tpu.memory_space<hbm>>)
    %add3A_771 = arith.constant 112 : i32
    %add3A_772 = arith.addi %mul3A_2, %add3A_771 : i32
    %add3A_773 = arith.constant 0 : i32
    %add3A_774 = arith.addi %add3A_773, %add3A_772 : i32
    %dma_start3A_775 = arith.constant 0 : i32
    %dma_start3A_776 = tpu.memref_slice %arg2[%add3A_774, %dma_start3A_775] : memref<16384x1024xf32, #tpu.memory_space<hbm>> -> memref<16x1024xf32, #tpu.memory_space<hbm>>
    %dma_start3A_777 = arith.constant 0 : i32
    %dma_start3A_778 = tpu.memref_slice %arg2[%add3A_774, %dma_start3A_777] : memref<16384x1024xf32, #tpu.memory_space<hbm>> -> memref<16x1024xf32, #tpu.memory_space<hbm>>
    tpu.enqueue_dma source(%dma_start3A_778 : memref<16x1024xf32, #tpu.memory_space<hbm>>) target(%arg10 : memref<16x1024xf32, #tpu.memory_space<vmem>>) target_semaphore(%arg17 : memref<!tpu.dma_semaphore, #tpu.memory_space<semaphore_mem>>)
    %dma_wait3A_779 = arith.constant 0 : i32
    %dma_wait3A_780 = tpu.memref_slice %arg2[%add3A_683, %dma_wait3A_779] : memref<16384x1024xf32, #tpu.memory_space<hbm>> -> memref<16x1024xf32, #tpu.memory_space<hbm>>
    %dma_wait3A_781 = arith.constant 0 : i32
    %dma_wait3A_782 = tpu.memref_slice %arg2[%add3A_683, %dma_wait3A_781] : memref<16384x1024xf32, #tpu.memory_space<hbm>> -> memref<16x1024xf32, #tpu.memory_space<hbm>>
    tpu.wait_dma2 semaphore(%arg14 : memref<!tpu.dma_semaphore, #tpu.memory_space<semaphore_mem>>) src(%dma_wait3A_782 : memref<16x1024xf32, #tpu.memory_space<hbm>>) dst(%arg7 : memref<16x1024xf32, #tpu.memory_space<vmem>>)
    %parallel_loop3A_783 = arith.constant 0 : i32
    %parallel_loop3A_784 = arith.constant 16384 : i32
    %parallel_loop3A_785 = arith.constant 16 : i32
    scf.for %parallel_loop3A_944 = %parallel_loop3A_783 to %parallel_loop3A_784 step %parallel_loop3A_785  : i32 {
      %parallel_loop3A_945 = arith.constant 10 : i32
      %parallel_loop3A_946 = arith.shrui %parallel_loop3A_944, %parallel_loop3A_945 : i32
      %parallel_loop3A_947 = arith.constant 1023 : i32
      %parallel_loop3A_948 = arith.andi %parallel_loop3A_944, %parallel_loop3A_947 : i32
      %parallel_loop3A_949 = tpu.assume_multiple %parallel_loop3A_948, 16 : i32
      %parallel_loop3A_950 = arith.index_cast %parallel_loop3A_946 : i32 to index
      %parallel_loop3A_951 = arith.index_cast %parallel_loop3A_949 : i32 to index
      %parallel_loop3A_952 = tpu.vector_load %arg7[%parallel_loop3A_950, %parallel_loop3A_951] {strides = array<i32>} : memref<16x1024xf32, #tpu.memory_space<vmem>>, vector<1x16xf32>,
      %parallel_loop3A_953 = vector.shape_cast %parallel_loop3A_952 : vector<1x16xf32> to vector<16xf32>
      %parallel_loop3A_954 = arith.index_cast %parallel_loop3A_946 : i32 to index
      %parallel_loop3A_955 = arith.index_cast %parallel_loop3A_949 : i32 to index
      %parallel_loop3A_956 = tpu.vector_load %arg5[%parallel_loop3A_954, %parallel_loop3A_955] {strides = array<i32>} : memref<16x1024xf32, #tpu.memory_space<vmem>>, vector<1x16xf32>,
      %parallel_loop3A_957 = vector.shape_cast %parallel_loop3A_956 : vector<1x16xf32> to vector<16xf32>
      %parallel_loop3A_958 = arith.addf %parallel_loop3A_953, %parallel_loop3A_957 : vector<16xf32>
      %parallel_loop3A_959 = arith.index_cast %parallel_loop3A_946 : i32 to index
      %parallel_loop3A_960 = arith.index_cast %parallel_loop3A_949 : i32 to index
      %parallel_loop3A_961 = tpu.vector_load %arg7[%parallel_loop3A_959, %parallel_loop3A_960] {strides = array<i32>} : memref<16x1024xf32, #tpu.memory_space<vmem>>, vector<1x16xf32>,
      %parallel_loop3A_962 = vector.shape_cast %parallel_loop3A_961 : vector<1x16xf32> to vector<16xf32>
      %parallel_loop3A_963 = vector.shape_cast %parallel_loop3A_958 : vector<16xf32> to vector<1x16xf32>
      tpu.vector_store %arg7[%parallel_loop3A_959, %parallel_loop3A_960], %parallel_loop3A_963 {strides = array<i32>} : memref<16x1024xf32, #tpu.memory_space<vmem>>, vector<1x16xf32>,
    } {sc.loop_unroll_factor = 8 : i64, sc.parallel_access}
    %add3A_786 = arith.constant 96 : i32
    %add3A_787 = arith.addi %mul3A_2, %add3A_786 : i32
    %add3A_788 = arith.constant 4096 : i32
    %add3A_789 = arith.addi %add3A_788, %add3A_787 : i32
    %dma_start3A_790 = arith.constant 0 : i32
    %dma_start3A_791 = tpu.memref_slice %arg4[%add3A_789, %dma_start3A_790] : memref<16384x1024xf32, #tpu.memory_space<hbm>> -> memref<16x1024xf32, #tpu.memory_space<hbm>>
    %dma_start3A_792 = arith.constant 0 : i32
    %dma_start3A_793 = tpu.memref_slice %arg4[%add3A_789, %dma_start3A_792] : memref<16384x1024xf32, #tpu.memory_space<hbm>> -> memref<16x1024xf32, #tpu.memory_space<hbm>>
    tpu.enqueue_dma source(%arg7 : memref<16x1024xf32, #tpu.memory_space<vmem>>) target(%dma_start3A_793 : memref<16x1024xf32, #tpu.memory_space<hbm>>) target_semaphore(%arg19 : memref<!tpu.dma_semaphore, #tpu.memory_space<semaphore_mem>>)
    %dma_wait3A_794 = arith.constant 0 : i32
    %dma_wait3A_795 = tpu.memref_slice %arg4[%add3A_762, %dma_wait3A_794] : memref<16384x1024xf32, #tpu.memory_space<hbm>> -> memref<16x1024xf32, #tpu.memory_space<hbm>>
    %dma_wait3A_796 = arith.constant 0 : i32
    %dma_wait3A_797 = tpu.memref_slice %arg4[%add3A_762, %dma_wait3A_796] : memref<16384x1024xf32, #tpu.memory_space<hbm>> -> memref<16x1024xf32, #tpu.memory_space<hbm>>
    tpu.wait_dma2 semaphore(%arg23 : memref<!tpu.dma_semaphore, #tpu.memory_space<semaphore_mem>>) src(%arg11 : memref<16x1024xf32, #tpu.memory_space<vmem>>) dst(%dma_wait3A_797 : memref<16x1024xf32, #tpu.memory_space<hbm>>)
    %add3A_798 = arith.constant 112 : i32
    %add3A_799 = arith.addi %mul3A_2, %add3A_798 : i32
    %add3A_800 = arith.constant 4096 : i32
    %add3A_801 = arith.addi %add3A_800, %add3A_799 : i32
    %dma_start3A_802 = arith.constant 0 : i32
    %dma_start3A_803 = tpu.memref_slice %arg2[%add3A_801, %dma_start3A_802] : memref<16384x1024xf32, #tpu.memory_space<hbm>> -> memref<16x1024xf32, #tpu.memory_space<hbm>>
    %dma_start3A_804 = arith.constant 0 : i32
    %dma_start3A_805 = tpu.memref_slice %arg2[%add3A_801, %dma_start3A_804] : memref<16384x1024xf32, #tpu.memory_space<hbm>> -> memref<16x1024xf32, #tpu.memory_space<hbm>>
    tpu.enqueue_dma source(%dma_start3A_805 : memref<16x1024xf32, #tpu.memory_space<hbm>>) target(%arg11 : memref<16x1024xf32, #tpu.memory_space<vmem>>) target_semaphore(%arg18 : memref<!tpu.dma_semaphore, #tpu.memory_space<semaphore_mem>>)
    %dma_wait3A_806 = arith.constant 0 : i32
    %dma_wait3A_807 = tpu.memref_slice %arg2[%add3A_710, %dma_wait3A_806] : memref<16384x1024xf32, #tpu.memory_space<hbm>> -> memref<16x1024xf32, #tpu.memory_space<hbm>>
    %dma_wait3A_808 = arith.constant 0 : i32
    %dma_wait3A_809 = tpu.memref_slice %arg2[%add3A_710, %dma_wait3A_808] : memref<16384x1024xf32, #tpu.memory_space<hbm>> -> memref<16x1024xf32, #tpu.memory_space<hbm>>
    tpu.wait_dma2 semaphore(%arg15 : memref<!tpu.dma_semaphore, #tpu.memory_space<semaphore_mem>>) src(%dma_wait3A_809 : memref<16x1024xf32, #tpu.memory_space<hbm>>) dst(%arg8 : memref<16x1024xf32, #tpu.memory_space<vmem>>)
    %parallel_loop3A_810 = arith.constant 0 : i32
    %parallel_loop3A_811 = arith.constant 16384 : i32
    %parallel_loop3A_812 = arith.constant 16 : i32
    scf.for %parallel_loop3A_944 = %parallel_loop3A_810 to %parallel_loop3A_811 step %parallel_loop3A_812  : i32 {
      %parallel_loop3A_945 = arith.constant 10 : i32
      %parallel_loop3A_946 = arith.shrui %parallel_loop3A_944, %parallel_loop3A_945 : i32
      %parallel_loop3A_947 = arith.constant 1023 : i32
      %parallel_loop3A_948 = arith.andi %parallel_loop3A_944, %parallel_loop3A_947 : i32
      %parallel_loop3A_949 = tpu.assume_multiple %parallel_loop3A_948, 16 : i32
      %parallel_loop3A_950 = arith.index_cast %parallel_loop3A_946 : i32 to index
      %parallel_loop3A_951 = arith.index_cast %parallel_loop3A_949 : i32 to index
      %parallel_loop3A_952 = tpu.vector_load %arg8[%parallel_loop3A_950, %parallel_loop3A_951] {strides = array<i32>} : memref<16x1024xf32, #tpu.memory_space<vmem>>, vector<1x16xf32>,
      %parallel_loop3A_953 = vector.shape_cast %parallel_loop3A_952 : vector<1x16xf32> to vector<16xf32>
      %parallel_loop3A_954 = arith.index_cast %parallel_loop3A_946 : i32 to index
      %parallel_loop3A_955 = arith.index_cast %parallel_loop3A_949 : i32 to index
      %parallel_loop3A_956 = tpu.vector_load %arg5[%parallel_loop3A_954, %parallel_loop3A_955] {strides = array<i32>} : memref<16x1024xf32, #tpu.memory_space<vmem>>, vector<1x16xf32>,
      %parallel_loop3A_957 = vector.shape_cast %parallel_loop3A_956 : vector<1x16xf32> to vector<16xf32>
      %parallel_loop3A_958 = arith.addf %parallel_loop3A_953, %parallel_loop3A_957 : vector<16xf32>
      %parallel_loop3A_959 = arith.index_cast %parallel_loop3A_946 : i32 to index
      %parallel_loop3A_960 = arith.index_cast %parallel_loop3A_949 : i32 to index
      %parallel_loop3A_961 = tpu.vector_load %arg8[%parallel_loop3A_959, %parallel_loop3A_960] {strides = array<i32>} : memref<16x1024xf32, #tpu.memory_space<vmem>>, vector<1x16xf32>,
      %parallel_loop3A_962 = vector.shape_cast %parallel_loop3A_961 : vector<1x16xf32> to vector<16xf32>
      %parallel_loop3A_963 = vector.shape_cast %parallel_loop3A_958 : vector<16xf32> to vector<1x16xf32>
      tpu.vector_store %arg8[%parallel_loop3A_959, %parallel_loop3A_960], %parallel_loop3A_963 {strides = array<i32>} : memref<16x1024xf32, #tpu.memory_space<vmem>>, vector<1x16xf32>,
    } {sc.loop_unroll_factor = 8 : i64, sc.parallel_access}
    %add3A_813 = arith.constant 96 : i32
    %add3A_814 = arith.addi %mul3A_2, %add3A_813 : i32
    %add3A_815 = arith.constant 8192 : i32
    %add3A_816 = arith.addi %add3A_815, %add3A_814 : i32
    %dma_start3A_817 = arith.constant 0 : i32
    %dma_start3A_818 = tpu.memref_slice %arg4[%add3A_816, %dma_start3A_817] : memref<16384x1024xf32, #tpu.memory_space<hbm>> -> memref<16x1024xf32, #tpu.memory_space<hbm>>
    %dma_start3A_819 = arith.constant 0 : i32
    %dma_start3A_820 = tpu.memref_slice %arg4[%add3A_816, %dma_start3A_819] : memref<16384x1024xf32, #tpu.memory_space<hbm>> -> memref<16x1024xf32, #tpu.memory_space<hbm>>
    tpu.enqueue_dma source(%arg8 : memref<16x1024xf32, #tpu.memory_space<vmem>>) target(%dma_start3A_820 : memref<16x1024xf32, #tpu.memory_space<hbm>>) target_semaphore(%arg20 : memref<!tpu.dma_semaphore, #tpu.memory_space<semaphore_mem>>)
    %dma_wait3A_821 = arith.constant 0 : i32
    %dma_wait3A_822 = tpu.memref_slice %arg4[%add3A_789, %dma_wait3A_821] : memref<16384x1024xf32, #tpu.memory_space<hbm>> -> memref<16x1024xf32, #tpu.memory_space<hbm>>
    %dma_wait3A_823 = arith.constant 0 : i32
    %dma_wait3A_824 = tpu.memref_slice %arg4[%add3A_789, %dma_wait3A_823] : memref<16384x1024xf32, #tpu.memory_space<hbm>> -> memref<16x1024xf32, #tpu.memory_space<hbm>>
    tpu.wait_dma2 semaphore(%arg19 : memref<!tpu.dma_semaphore, #tpu.memory_space<semaphore_mem>>) src(%arg7 : memref<16x1024xf32, #tpu.memory_space<vmem>>) dst(%dma_wait3A_824 : memref<16x1024xf32, #tpu.memory_space<hbm>>)
    %add3A_825 = arith.constant 112 : i32
    %add3A_826 = arith.addi %mul3A_2, %add3A_825 : i32
    %add3A_827 = arith.constant 8192 : i32
    %add3A_828 = arith.addi %add3A_827, %add3A_826 : i32
    %dma_start3A_829 = arith.constant 0 : i32
    %dma_start3A_830 = tpu.memref_slice %arg2[%add3A_828, %dma_start3A_829] : memref<16384x1024xf32, #tpu.memory_space<hbm>> -> memref<16x1024xf32, #tpu.memory_space<hbm>>
    %dma_start3A_831 = arith.constant 0 : i32
    %dma_start3A_832 = tpu.memref_slice %arg2[%add3A_828, %dma_start3A_831] : memref<16384x1024xf32, #tpu.memory_space<hbm>> -> memref<16x1024xf32, #tpu.memory_space<hbm>>
    tpu.enqueue_dma source(%dma_start3A_832 : memref<16x1024xf32, #tpu.memory_space<hbm>>) target(%arg7 : memref<16x1024xf32, #tpu.memory_space<vmem>>) target_semaphore(%arg14 : memref<!tpu.dma_semaphore, #tpu.memory_space<semaphore_mem>>)
    %dma_wait3A_833 = arith.constant 0 : i32
    %dma_wait3A_834 = tpu.memref_slice %arg2[%add3A_747, %dma_wait3A_833] : memref<16384x1024xf32, #tpu.memory_space<hbm>> -> memref<16x1024xf32, #tpu.memory_space<hbm>>
    %dma_wait3A_835 = arith.constant 0 : i32
    %dma_wait3A_836 = tpu.memref_slice %arg2[%add3A_747, %dma_wait3A_835] : memref<16384x1024xf32, #tpu.memory_space<hbm>> -> memref<16x1024xf32, #tpu.memory_space<hbm>>
    tpu.wait_dma2 semaphore(%arg16 : memref<!tpu.dma_semaphore, #tpu.memory_space<semaphore_mem>>) src(%dma_wait3A_836 : memref<16x1024xf32, #tpu.memory_space<hbm>>) dst(%arg9 : memref<16x1024xf32, #tpu.memory_space<vmem>>)
    %parallel_loop3A_837 = arith.constant 0 : i32
    %parallel_loop3A_838 = arith.constant 16384 : i32
    %parallel_loop3A_839 = arith.constant 16 : i32
    scf.for %parallel_loop3A_944 = %parallel_loop3A_837 to %parallel_loop3A_838 step %parallel_loop3A_839  : i32 {
      %parallel_loop3A_945 = arith.constant 10 : i32
      %parallel_loop3A_946 = arith.shrui %parallel_loop3A_944, %parallel_loop3A_945 : i32
      %parallel_loop3A_947 = arith.constant 1023 : i32
      %parallel_loop3A_948 = arith.andi %parallel_loop3A_944, %parallel_loop3A_947 : i32
      %parallel_loop3A_949 = tpu.assume_multiple %parallel_loop3A_948, 16 : i32
      %parallel_loop3A_950 = arith.index_cast %parallel_loop3A_946 : i32 to index
      %parallel_loop3A_951 = arith.index_cast %parallel_loop3A_949 : i32 to index
      %parallel_loop3A_952 = tpu.vector_load %arg9[%parallel_loop3A_950, %parallel_loop3A_951] {strides = array<i32>} : memref<16x1024xf32, #tpu.memory_space<vmem>>, vector<1x16xf32>,
      %parallel_loop3A_953 = vector.shape_cast %parallel_loop3A_952 : vector<1x16xf32> to vector<16xf32>
      %parallel_loop3A_954 = arith.index_cast %parallel_loop3A_946 : i32 to index
      %parallel_loop3A_955 = arith.index_cast %parallel_loop3A_949 : i32 to index
      %parallel_loop3A_956 = tpu.vector_load %arg5[%parallel_loop3A_954, %parallel_loop3A_955] {strides = array<i32>} : memref<16x1024xf32, #tpu.memory_space<vmem>>, vector<1x16xf32>,
      %parallel_loop3A_957 = vector.shape_cast %parallel_loop3A_956 : vector<1x16xf32> to vector<16xf32>
      %parallel_loop3A_958 = arith.addf %parallel_loop3A_953, %parallel_loop3A_957 : vector<16xf32>
      %parallel_loop3A_959 = arith.index_cast %parallel_loop3A_946 : i32 to index
      %parallel_loop3A_960 = arith.index_cast %parallel_loop3A_949 : i32 to index
      %parallel_loop3A_961 = tpu.vector_load %arg9[%parallel_loop3A_959, %parallel_loop3A_960] {strides = array<i32>} : memref<16x1024xf32, #tpu.memory_space<vmem>>, vector<1x16xf32>,
      %parallel_loop3A_962 = vector.shape_cast %parallel_loop3A_961 : vector<1x16xf32> to vector<16xf32>
      %parallel_loop3A_963 = vector.shape_cast %parallel_loop3A_958 : vector<16xf32> to vector<1x16xf32>
      tpu.vector_store %arg9[%parallel_loop3A_959, %parallel_loop3A_960], %parallel_loop3A_963 {strides = array<i32>} : memref<16x1024xf32, #tpu.memory_space<vmem>>, vector<1x16xf32>,
    } {sc.loop_unroll_factor = 8 : i64, sc.parallel_access}
    %add3A_840 = arith.constant 96 : i32
    %add3A_841 = arith.addi %mul3A_2, %add3A_840 : i32
    %add3A_842 = arith.constant 12288 : i32
    %add3A_843 = arith.addi %add3A_842, %add3A_841 : i32
    %dma_start3A_844 = arith.constant 0 : i32
    %dma_start3A_845 = tpu.memref_slice %arg4[%add3A_843, %dma_start3A_844] : memref<16384x1024xf32, #tpu.memory_space<hbm>> -> memref<16x1024xf32, #tpu.memory_space<hbm>>
    %dma_start3A_846 = arith.constant 0 : i32
    %dma_start3A_847 = tpu.memref_slice %arg4[%add3A_843, %dma_start3A_846] : memref<16384x1024xf32, #tpu.memory_space<hbm>> -> memref<16x1024xf32, #tpu.memory_space<hbm>>
    tpu.enqueue_dma source(%arg9 : memref<16x1024xf32, #tpu.memory_space<vmem>>) target(%dma_start3A_847 : memref<16x1024xf32, #tpu.memory_space<hbm>>) target_semaphore(%arg21 : memref<!tpu.dma_semaphore, #tpu.memory_space<semaphore_mem>>)
    %dma_wait3A_848 = arith.constant 0 : i32
    %dma_wait3A_849 = tpu.memref_slice %arg3[%add3A_735, %dma_wait3A_848] : memref<4096x1024xf32, #tpu.memory_space<hbm>> -> memref<16x1024xf32, #tpu.memory_space<hbm>>
    %dma_wait3A_850 = arith.constant 0 : i32
    %dma_wait3A_851 = tpu.memref_slice %arg3[%add3A_735, %dma_wait3A_850] : memref<4096x1024xf32, #tpu.memory_space<hbm>> -> memref<16x1024xf32, #tpu.memory_space<hbm>>
    tpu.wait_dma2 semaphore(%arg13 : memref<!tpu.dma_semaphore, #tpu.memory_space<semaphore_mem>>) src(%dma_wait3A_851 : memref<16x1024xf32, #tpu.memory_space<hbm>>) dst(%arg6 : memref<16x1024xf32, #tpu.memory_space<vmem>>)
    %dma_wait3A_852 = arith.constant 0 : i32
    %dma_wait3A_853 = tpu.memref_slice %arg4[%add3A_816, %dma_wait3A_852] : memref<16384x1024xf32, #tpu.memory_space<hbm>> -> memref<16x1024xf32, #tpu.memory_space<hbm>>
    %dma_wait3A_854 = arith.constant 0 : i32
    %dma_wait3A_855 = tpu.memref_slice %arg4[%add3A_816, %dma_wait3A_854] : memref<16384x1024xf32, #tpu.memory_space<hbm>> -> memref<16x1024xf32, #tpu.memory_space<hbm>>
    tpu.wait_dma2 semaphore(%arg20 : memref<!tpu.dma_semaphore, #tpu.memory_space<semaphore_mem>>) src(%arg8 : memref<16x1024xf32, #tpu.memory_space<vmem>>) dst(%dma_wait3A_855 : memref<16x1024xf32, #tpu.memory_space<hbm>>)
    %add3A_856 = arith.constant 112 : i32
    %add3A_857 = arith.addi %mul3A_2, %add3A_856 : i32
    %add3A_858 = arith.constant 12288 : i32
    %add3A_859 = arith.addi %add3A_858, %add3A_857 : i32
    %dma_start3A_860 = arith.constant 0 : i32
    %dma_start3A_861 = tpu.memref_slice %arg2[%add3A_859, %dma_start3A_860] : memref<16384x1024xf32, #tpu.memory_space<hbm>> -> memref<16x1024xf32, #tpu.memory_space<hbm>>
    %dma_start3A_862 = arith.constant 0 : i32
    %dma_start3A_863 = tpu.memref_slice %arg2[%add3A_859, %dma_start3A_862] : memref<16384x1024xf32, #tpu.memory_space<hbm>> -> memref<16x1024xf32, #tpu.memory_space<hbm>>
    tpu.enqueue_dma source(%dma_start3A_863 : memref<16x1024xf32, #tpu.memory_space<hbm>>) target(%arg8 : memref<16x1024xf32, #tpu.memory_space<vmem>>) target_semaphore(%arg15 : memref<!tpu.dma_semaphore, #tpu.memory_space<semaphore_mem>>)
    %dma_wait3A_864 = arith.constant 0 : i32
    %dma_wait3A_865 = tpu.memref_slice %arg2[%add3A_774, %dma_wait3A_864] : memref<16384x1024xf32, #tpu.memory_space<hbm>> -> memref<16x1024xf32, #tpu.memory_space<hbm>>
    %dma_wait3A_866 = arith.constant 0 : i32
    %dma_wait3A_867 = tpu.memref_slice %arg2[%add3A_774, %dma_wait3A_866] : memref<16384x1024xf32, #tpu.memory_space<hbm>> -> memref<16x1024xf32, #tpu.memory_space<hbm>>
    tpu.wait_dma2 semaphore(%arg17 : memref<!tpu.dma_semaphore, #tpu.memory_space<semaphore_mem>>) src(%dma_wait3A_867 : memref<16x1024xf32, #tpu.memory_space<hbm>>) dst(%arg10 : memref<16x1024xf32, #tpu.memory_space<vmem>>)
    %parallel_loop3A_868 = arith.constant 0 : i32
    %parallel_loop3A_869 = arith.constant 16384 : i32
    %parallel_loop3A_870 = arith.constant 16 : i32
    scf.for %parallel_loop3A_944 = %parallel_loop3A_868 to %parallel_loop3A_869 step %parallel_loop3A_870  : i32 {
      %parallel_loop3A_945 = arith.constant 10 : i32
      %parallel_loop3A_946 = arith.shrui %parallel_loop3A_944, %parallel_loop3A_945 : i32
      %parallel_loop3A_947 = arith.constant 1023 : i32
      %parallel_loop3A_948 = arith.andi %parallel_loop3A_944, %parallel_loop3A_947 : i32
      %parallel_loop3A_949 = tpu.assume_multiple %parallel_loop3A_948, 16 : i32
      %parallel_loop3A_950 = arith.index_cast %parallel_loop3A_946 : i32 to index
      %parallel_loop3A_951 = arith.index_cast %parallel_loop3A_949 : i32 to index
      %parallel_loop3A_952 = tpu.vector_load %arg10[%parallel_loop3A_950, %parallel_loop3A_951] {strides = array<i32>} : memref<16x1024xf32, #tpu.memory_space<vmem>>, vector<1x16xf32>,
      %parallel_loop3A_953 = vector.shape_cast %parallel_loop3A_952 : vector<1x16xf32> to vector<16xf32>
      %parallel_loop3A_954 = arith.index_cast %parallel_loop3A_946 : i32 to index
      %parallel_loop3A_955 = arith.index_cast %parallel_loop3A_949 : i32 to index
      %parallel_loop3A_956 = tpu.vector_load %arg6[%parallel_loop3A_954, %parallel_loop3A_955] {strides = array<i32>} : memref<16x1024xf32, #tpu.memory_space<vmem>>, vector<1x16xf32>,
      %parallel_loop3A_957 = vector.shape_cast %parallel_loop3A_956 : vector<1x16xf32> to vector<16xf32>
      %parallel_loop3A_958 = arith.addf %parallel_loop3A_953, %parallel_loop3A_957 : vector<16xf32>
      %parallel_loop3A_959 = arith.index_cast %parallel_loop3A_946 : i32 to index
      %parallel_loop3A_960 = arith.index_cast %parallel_loop3A_949 : i32 to index
      %parallel_loop3A_961 = tpu.vector_load %arg10[%parallel_loop3A_959, %parallel_loop3A_960] {strides = array<i32>} : memref<16x1024xf32, #tpu.memory_space<vmem>>, vector<1x16xf32>,
      %parallel_loop3A_962 = vector.shape_cast %parallel_loop3A_961 : vector<1x16xf32> to vector<16xf32>
      %parallel_loop3A_963 = vector.shape_cast %parallel_loop3A_958 : vector<16xf32> to vector<1x16xf32>
      tpu.vector_store %arg10[%parallel_loop3A_959, %parallel_loop3A_960], %parallel_loop3A_963 {strides = array<i32>} : memref<16x1024xf32, #tpu.memory_space<vmem>>, vector<1x16xf32>,
    } {sc.loop_unroll_factor = 8 : i64, sc.parallel_access}
    %add3A_871 = arith.constant 112 : i32
    %add3A_872 = arith.addi %mul3A_2, %add3A_871 : i32
    %add3A_873 = arith.constant 0 : i32
    %add3A_874 = arith.addi %add3A_873, %add3A_872 : i32
    %dma_start3A_875 = arith.constant 0 : i32
    %dma_start3A_876 = tpu.memref_slice %arg4[%add3A_874, %dma_start3A_875] : memref<16384x1024xf32, #tpu.memory_space<hbm>> -> memref<16x1024xf32, #tpu.memory_space<hbm>>
    %dma_start3A_877 = arith.constant 0 : i32
    %dma_start3A_878 = tpu.memref_slice %arg4[%add3A_874, %dma_start3A_877] : memref<16384x1024xf32, #tpu.memory_space<hbm>> -> memref<16x1024xf32, #tpu.memory_space<hbm>>
    tpu.enqueue_dma source(%arg10 : memref<16x1024xf32, #tpu.memory_space<vmem>>) target(%dma_start3A_878 : memref<16x1024xf32, #tpu.memory_space<hbm>>) target_semaphore(%arg22 : memref<!tpu.dma_semaphore, #tpu.memory_space<semaphore_mem>>)
    %dma_wait3A_879 = arith.constant 0 : i32
    %dma_wait3A_880 = tpu.memref_slice %arg2[%add3A_801, %dma_wait3A_879] : memref<16384x1024xf32, #tpu.memory_space<hbm>> -> memref<16x1024xf32, #tpu.memory_space<hbm>>
    %dma_wait3A_881 = arith.constant 0 : i32
    %dma_wait3A_882 = tpu.memref_slice %arg2[%add3A_801, %dma_wait3A_881] : memref<16384x1024xf32, #tpu.memory_space<hbm>> -> memref<16x1024xf32, #tpu.memory_space<hbm>>
    tpu.wait_dma2 semaphore(%arg18 : memref<!tpu.dma_semaphore, #tpu.memory_space<semaphore_mem>>) src(%dma_wait3A_882 : memref<16x1024xf32, #tpu.memory_space<hbm>>) dst(%arg11 : memref<16x1024xf32, #tpu.memory_space<vmem>>)
    %parallel_loop3A_883 = arith.constant 0 : i32
    %parallel_loop3A_884 = arith.constant 16384 : i32
    %parallel_loop3A_885 = arith.constant 16 : i32
    scf.for %parallel_loop3A_944 = %parallel_loop3A_883 to %parallel_loop3A_884 step %parallel_loop3A_885  : i32 {
      %parallel_loop3A_945 = arith.constant 10 : i32
      %parallel_loop3A_946 = arith.shrui %parallel_loop3A_944, %parallel_loop3A_945 : i32
      %parallel_loop3A_947 = arith.constant 1023 : i32
      %parallel_loop3A_948 = arith.andi %parallel_loop3A_944, %parallel_loop3A_947 : i32
      %parallel_loop3A_949 = tpu.assume_multiple %parallel_loop3A_948, 16 : i32
      %parallel_loop3A_950 = arith.index_cast %parallel_loop3A_946 : i32 to index
      %parallel_loop3A_951 = arith.index_cast %parallel_loop3A_949 : i32 to index
      %parallel_loop3A_952 = tpu.vector_load %arg11[%parallel_loop3A_950, %parallel_loop3A_951] {strides = array<i32>} : memref<16x1024xf32, #tpu.memory_space<vmem>>, vector<1x16xf32>,
      %parallel_loop3A_953 = vector.shape_cast %parallel_loop3A_952 : vector<1x16xf32> to vector<16xf32>
      %parallel_loop3A_954 = arith.index_cast %parallel_loop3A_946 : i32 to index
      %parallel_loop3A_955 = arith.index_cast %parallel_loop3A_949 : i32 to index
      %parallel_loop3A_956 = tpu.vector_load %arg6[%parallel_loop3A_954, %parallel_loop3A_955] {strides = array<i32>} : memref<16x1024xf32, #tpu.memory_space<vmem>>, vector<1x16xf32>,
      %parallel_loop3A_957 = vector.shape_cast %parallel_loop3A_956 : vector<1x16xf32> to vector<16xf32>
      %parallel_loop3A_958 = arith.addf %parallel_loop3A_953, %parallel_loop3A_957 : vector<16xf32>
      %parallel_loop3A_959 = arith.index_cast %parallel_loop3A_946 : i32 to index
      %parallel_loop3A_960 = arith.index_cast %parallel_loop3A_949 : i32 to index
      %parallel_loop3A_961 = tpu.vector_load %arg11[%parallel_loop3A_959, %parallel_loop3A_960] {strides = array<i32>} : memref<16x1024xf32, #tpu.memory_space<vmem>>, vector<1x16xf32>,
      %parallel_loop3A_962 = vector.shape_cast %parallel_loop3A_961 : vector<1x16xf32> to vector<16xf32>
      %parallel_loop3A_963 = vector.shape_cast %parallel_loop3A_958 : vector<16xf32> to vector<1x16xf32>
      tpu.vector_store %arg11[%parallel_loop3A_959, %parallel_loop3A_960], %parallel_loop3A_963 {strides = array<i32>} : memref<16x1024xf32, #tpu.memory_space<vmem>>, vector<1x16xf32>,
    } {sc.loop_unroll_factor = 8 : i64, sc.parallel_access}
    %add3A_886 = arith.constant 112 : i32
    %add3A_887 = arith.addi %mul3A_2, %add3A_886 : i32
    %add3A_888 = arith.constant 4096 : i32
    %add3A_889 = arith.addi %add3A_888, %add3A_887 : i32
    %dma_start3A_890 = arith.constant 0 : i32
    %dma_start3A_891 = tpu.memref_slice %arg4[%add3A_889, %dma_start3A_890] : memref<16384x1024xf32, #tpu.memory_space<hbm>> -> memref<16x1024xf32, #tpu.memory_space<hbm>>
    %dma_start3A_892 = arith.constant 0 : i32
    %dma_start3A_893 = tpu.memref_slice %arg4[%add3A_889, %dma_start3A_892] : memref<16384x1024xf32, #tpu.memory_space<hbm>> -> memref<16x1024xf32, #tpu.memory_space<hbm>>
    tpu.enqueue_dma source(%arg11 : memref<16x1024xf32, #tpu.memory_space<vmem>>) target(%dma_start3A_893 : memref<16x1024xf32, #tpu.memory_space<hbm>>) target_semaphore(%arg23 : memref<!tpu.dma_semaphore, #tpu.memory_space<semaphore_mem>>)
    %dma_wait3A_894 = arith.constant 0 : i32
    %dma_wait3A_895 = tpu.memref_slice %arg2[%add3A_828, %dma_wait3A_894] : memref<16384x1024xf32, #tpu.memory_space<hbm>> -> memref<16x1024xf32, #tpu.memory_space<hbm>>
    %dma_wait3A_896 = arith.constant 0 : i32
    %dma_wait3A_897 = tpu.memref_slice %arg2[%add3A_828, %dma_wait3A_896] : memref<16384x1024xf32, #tpu.memory_space<hbm>> -> memref<16x1024xf32, #tpu.memory_space<hbm>>
    tpu.wait_dma2 semaphore(%arg14 : memref<!tpu.dma_semaphore, #tpu.memory_space<semaphore_mem>>) src(%dma_wait3A_897 : memref<16x1024xf32, #tpu.memory_space<hbm>>) dst(%arg7 : memref<16x1024xf32, #tpu.memory_space<vmem>>)
    %parallel_loop3A_898 = arith.constant 0 : i32
    %parallel_loop3A_899 = arith.constant 16384 : i32
    %parallel_loop3A_900 = arith.constant 16 : i32
    scf.for %parallel_loop3A_944 = %parallel_loop3A_898 to %parallel_loop3A_899 step %parallel_loop3A_900  : i32 {
      %parallel_loop3A_945 = arith.constant 10 : i32
      %parallel_loop3A_946 = arith.shrui %parallel_loop3A_944, %parallel_loop3A_945 : i32
      %parallel_loop3A_947 = arith.constant 1023 : i32
      %parallel_loop3A_948 = arith.andi %parallel_loop3A_944, %parallel_loop3A_947 : i32
      %parallel_loop3A_949 = tpu.assume_multiple %parallel_loop3A_948, 16 : i32
      %parallel_loop3A_950 = arith.index_cast %parallel_loop3A_946 : i32 to index
      %parallel_loop3A_951 = arith.index_cast %parallel_loop3A_949 : i32 to index
      %parallel_loop3A_952 = tpu.vector_load %arg7[%parallel_loop3A_950, %parallel_loop3A_951] {strides = array<i32>} : memref<16x1024xf32, #tpu.memory_space<vmem>>, vector<1x16xf32>,
      %parallel_loop3A_953 = vector.shape_cast %parallel_loop3A_952 : vector<1x16xf32> to vector<16xf32>
      %parallel_loop3A_954 = arith.index_cast %parallel_loop3A_946 : i32 to index
      %parallel_loop3A_955 = arith.index_cast %parallel_loop3A_949 : i32 to index
      %parallel_loop3A_956 = tpu.vector_load %arg6[%parallel_loop3A_954, %parallel_loop3A_955] {strides = array<i32>} : memref<16x1024xf32, #tpu.memory_space<vmem>>, vector<1x16xf32>,
      %parallel_loop3A_957 = vector.shape_cast %parallel_loop3A_956 : vector<1x16xf32> to vector<16xf32>
      %parallel_loop3A_958 = arith.addf %parallel_loop3A_953, %parallel_loop3A_957 : vector<16xf32>
      %parallel_loop3A_959 = arith.index_cast %parallel_loop3A_946 : i32 to index
      %parallel_loop3A_960 = arith.index_cast %parallel_loop3A_949 : i32 to index
      %parallel_loop3A_961 = tpu.vector_load %arg7[%parallel_loop3A_959, %parallel_loop3A_960] {strides = array<i32>} : memref<16x1024xf32, #tpu.memory_space<vmem>>, vector<1x16xf32>,
      %parallel_loop3A_962 = vector.shape_cast %parallel_loop3A_961 : vector<1x16xf32> to vector<16xf32>
      %parallel_loop3A_963 = vector.shape_cast %parallel_loop3A_958 : vector<16xf32> to vector<1x16xf32>
      tpu.vector_store %arg7[%parallel_loop3A_959, %parallel_loop3A_960], %parallel_loop3A_963 {strides = array<i32>} : memref<16x1024xf32, #tpu.memory_space<vmem>>, vector<1x16xf32>,
    } {sc.loop_unroll_factor = 8 : i64, sc.parallel_access}
    %add3A_901 = arith.constant 112 : i32
    %add3A_902 = arith.addi %mul3A_2, %add3A_901 : i32
    %add3A_903 = arith.constant 8192 : i32
    %add3A_904 = arith.addi %add3A_903, %add3A_902 : i32
    %dma_start3A_905 = arith.constant 0 : i32
    %dma_start3A_906 = tpu.memref_slice %arg4[%add3A_904, %dma_start3A_905] : memref<16384x1024xf32, #tpu.memory_space<hbm>> -> memref<16x1024xf32, #tpu.memory_space<hbm>>
    %dma_start3A_907 = arith.constant 0 : i32
    %dma_start3A_908 = tpu.memref_slice %arg4[%add3A_904, %dma_start3A_907] : memref<16384x1024xf32, #tpu.memory_space<hbm>> -> memref<16x1024xf32, #tpu.memory_space<hbm>>
    tpu.enqueue_dma source(%arg7 : memref<16x1024xf32, #tpu.memory_space<vmem>>) target(%dma_start3A_908 : memref<16x1024xf32, #tpu.memory_space<hbm>>) target_semaphore(%arg19 : memref<!tpu.dma_semaphore, #tpu.memory_space<semaphore_mem>>)
    %dma_wait3A_909 = arith.constant 0 : i32
    %dma_wait3A_910 = tpu.memref_slice %arg2[%add3A_859, %dma_wait3A_909] : memref<16384x1024xf32, #tpu.memory_space<hbm>> -> memref<16x1024xf32, #tpu.memory_space<hbm>>
    %dma_wait3A_911 = arith.constant 0 : i32
    %dma_wait3A_912 = tpu.memref_slice %arg2[%add3A_859, %dma_wait3A_911] : memref<16384x1024xf32, #tpu.memory_space<hbm>> -> memref<16x1024xf32, #tpu.memory_space<hbm>>
    tpu.wait_dma2 semaphore(%arg15 : memref<!tpu.dma_semaphore, #tpu.memory_space<semaphore_mem>>) src(%dma_wait3A_912 : memref<16x1024xf32, #tpu.memory_space<hbm>>) dst(%arg8 : memref<16x1024xf32, #tpu.memory_space<vmem>>)
    %parallel_loop3A_913 = arith.constant 0 : i32
    %parallel_loop3A_914 = arith.constant 16384 : i32
    %parallel_loop3A_915 = arith.constant 16 : i32
    scf.for %parallel_loop3A_944 = %parallel_loop3A_913 to %parallel_loop3A_914 step %parallel_loop3A_915  : i32 {
      %parallel_loop3A_945 = arith.constant 10 : i32
      %parallel_loop3A_946 = arith.shrui %parallel_loop3A_944, %parallel_loop3A_945 : i32
      %parallel_loop3A_947 = arith.constant 1023 : i32
      %parallel_loop3A_948 = arith.andi %parallel_loop3A_944, %parallel_loop3A_947 : i32
      %parallel_loop3A_949 = tpu.assume_multiple %parallel_loop3A_948, 16 : i32
      %parallel_loop3A_950 = arith.index_cast %parallel_loop3A_946 : i32 to index
      %parallel_loop3A_951 = arith.index_cast %parallel_loop3A_949 : i32 to index
      %parallel_loop3A_952 = tpu.vector_load %arg8[%parallel_loop3A_950, %parallel_loop3A_951] {strides = array<i32>} : memref<16x1024xf32, #tpu.memory_space<vmem>>, vector<1x16xf32>,
      %parallel_loop3A_953 = vector.shape_cast %parallel_loop3A_952 : vector<1x16xf32> to vector<16xf32>
      %parallel_loop3A_954 = arith.index_cast %parallel_loop3A_946 : i32 to index
      %parallel_loop3A_955 = arith.index_cast %parallel_loop3A_949 : i32 to index
      %parallel_loop3A_956 = tpu.vector_load %arg6[%parallel_loop3A_954, %parallel_loop3A_955] {strides = array<i32>} : memref<16x1024xf32, #tpu.memory_space<vmem>>, vector<1x16xf32>,
      %parallel_loop3A_957 = vector.shape_cast %parallel_loop3A_956 : vector<1x16xf32> to vector<16xf32>
      %parallel_loop3A_958 = arith.addf %parallel_loop3A_953, %parallel_loop3A_957 : vector<16xf32>
      %parallel_loop3A_959 = arith.index_cast %parallel_loop3A_946 : i32 to index
      %parallel_loop3A_960 = arith.index_cast %parallel_loop3A_949 : i32 to index
      %parallel_loop3A_961 = tpu.vector_load %arg8[%parallel_loop3A_959, %parallel_loop3A_960] {strides = array<i32>} : memref<16x1024xf32, #tpu.memory_space<vmem>>, vector<1x16xf32>,
      %parallel_loop3A_962 = vector.shape_cast %parallel_loop3A_961 : vector<1x16xf32> to vector<16xf32>
      %parallel_loop3A_963 = vector.shape_cast %parallel_loop3A_958 : vector<16xf32> to vector<1x16xf32>
      tpu.vector_store %arg8[%parallel_loop3A_959, %parallel_loop3A_960], %parallel_loop3A_963 {strides = array<i32>} : memref<16x1024xf32, #tpu.memory_space<vmem>>, vector<1x16xf32>,
    } {sc.loop_unroll_factor = 8 : i64, sc.parallel_access}
    %add3A_916 = arith.constant 112 : i32
    %add3A_917 = arith.addi %mul3A_2, %add3A_916 : i32
    %add3A_918 = arith.constant 12288 : i32
    %add3A_919 = arith.addi %add3A_918, %add3A_917 : i32
    %dma_start3A_920 = arith.constant 0 : i32
    %dma_start3A_921 = tpu.memref_slice %arg4[%add3A_919, %dma_start3A_920] : memref<16384x1024xf32, #tpu.memory_space<hbm>> -> memref<16x1024xf32, #tpu.memory_space<hbm>>
    %dma_start3A_922 = arith.constant 0 : i32
    %dma_start3A_923 = tpu.memref_slice %arg4[%add3A_919, %dma_start3A_922] : memref<16384x1024xf32, #tpu.memory_space<hbm>> -> memref<16x1024xf32, #tpu.memory_space<hbm>>
    tpu.enqueue_dma source(%arg8 : memref<16x1024xf32, #tpu.memory_space<vmem>>) target(%dma_start3A_923 : memref<16x1024xf32, #tpu.memory_space<hbm>>) target_semaphore(%arg20 : memref<!tpu.dma_semaphore, #tpu.memory_space<semaphore_mem>>)
    %dma_wait3A_924 = arith.constant 0 : i32
    %dma_wait3A_925 = tpu.memref_slice %arg4[%add3A_904, %dma_wait3A_924] : memref<16384x1024xf32, #tpu.memory_space<hbm>> -> memref<16x1024xf32, #tpu.memory_space<hbm>>
    %dma_wait3A_926 = arith.constant 0 : i32
    %dma_wait3A_927 = tpu.memref_slice %arg4[%add3A_904, %dma_wait3A_926] : memref<16384x1024xf32, #tpu.memory_space<hbm>> -> memref<16x1024xf32, #tpu.memory_space<hbm>>
    tpu.wait_dma2 semaphore(%arg19 : memref<!tpu.dma_semaphore, #tpu.memory_space<semaphore_mem>>) src(%arg7 : memref<16x1024xf32, #tpu.memory_space<vmem>>) dst(%dma_wait3A_927 : memref<16x1024xf32, #tpu.memory_space<hbm>>)
    %dma_wait3A_928 = arith.constant 0 : i32
    %dma_wait3A_929 = tpu.memref_slice %arg4[%add3A_919, %dma_wait3A_928] : memref<16384x1024xf32, #tpu.memory_space<hbm>> -> memref<16x1024xf32, #tpu.memory_space<hbm>>
    %dma_wait3A_930 = arith.constant 0 : i32
    %dma_wait3A_931 = tpu.memref_slice %arg4[%add3A_919, %dma_wait3A_930] : memref<16384x1024xf32, #tpu.memory_space<hbm>> -> memref<16x1024xf32, #tpu.memory_space<hbm>>
    tpu.wait_dma2 semaphore(%arg20 : memref<!tpu.dma_semaphore, #tpu.memory_space<semaphore_mem>>) src(%arg8 : memref<16x1024xf32, #tpu.memory_space<vmem>>) dst(%dma_wait3A_931 : memref<16x1024xf32, #tpu.memory_space<hbm>>)
    %dma_wait3A_932 = arith.constant 0 : i32
    %dma_wait3A_933 = tpu.memref_slice %arg4[%add3A_843, %dma_wait3A_932] : memref<16384x1024xf32, #tpu.memory_space<hbm>> -> memref<16x1024xf32, #tpu.memory_space<hbm>>
    %dma_wait3A_934 = arith.constant 0 : i32
    %dma_wait3A_935 = tpu.memref_slice %arg4[%add3A_843, %dma_wait3A_934] : memref<16384x1024xf32, #tpu.memory_space<hbm>> -> memref<16x1024xf32, #tpu.memory_space<hbm>>
    tpu.wait_dma2 semaphore(%arg21 : memref<!tpu.dma_semaphore, #tpu.memory_space<semaphore_mem>>) src(%arg9 : memref<16x1024xf32, #tpu.memory_space<vmem>>) dst(%dma_wait3A_935 : memref<16x1024xf32, #tpu.memory_space<hbm>>)
    %dma_wait3A_936 = arith.constant 0 : i32
    %dma_wait3A_937 = tpu.memref_slice %arg4[%add3A_874, %dma_wait3A_936] : memref<16384x1024xf32, #tpu.memory_space<hbm>> -> memref<16x1024xf32, #tpu.memory_space<hbm>>
    %dma_wait3A_938 = arith.constant 0 : i32
    %dma_wait3A_939 = tpu.memref_slice %arg4[%add3A_874, %dma_wait3A_938] : memref<16384x1024xf32, #tpu.memory_space<hbm>> -> memref<16x1024xf32, #tpu.memory_space<hbm>>
    tpu.wait_dma2 semaphore(%arg22 : memref<!tpu.dma_semaphore, #tpu.memory_space<semaphore_mem>>) src(%arg10 : memref<16x1024xf32, #tpu.memory_space<vmem>>) dst(%dma_wait3A_939 : memref<16x1024xf32, #tpu.memory_space<hbm>>)
    %dma_wait3A_940 = arith.constant 0 : i32
    %dma_wait3A_941 = tpu.memref_slice %arg4[%add3A_889, %dma_wait3A_940] : memref<16384x1024xf32, #tpu.memory_space<hbm>> -> memref<16x1024xf32, #tpu.memory_space<hbm>>
    %dma_wait3A_942 = arith.constant 0 : i32
    %dma_wait3A_943 = tpu.memref_slice %arg4[%add3A_889, %dma_wait3A_942] : memref<16384x1024xf32, #tpu.memory_space<hbm>> -> memref<16x1024xf32, #tpu.memory_space<hbm>>
    tpu.wait_dma2 semaphore(%arg23 : memref<!tpu.dma_semaphore, #tpu.memory_space<semaphore_mem>>) src(%arg11 : memref<16x1024xf32, #tpu.memory_space<vmem>>) dst(%dma_wait3A_943 : memref<16x1024xf32, #tpu.memory_space<hbm>>)
    return
  }
}

</mosaic_0001>

<sc_bundles>
// kernel: kernel.3.cloned.1.call-start
scs
__scs_entry_jumppad:
0x0: {  	(pc) =	sbr.rel $0x88, $3  }
0x1: {  	(tag) =	ssettag $0x0;
	lr =	simm.s32 $0x1  }
0x2: {  	[smem:$0x3F9F] =	sst lr;
	_ =	strace $0xD0000000  }
0x3: {  	_ = 	snop  }
0x4: {  	_ = 	snop  }
0x5: {  	_ = 	snop  }
0x6: {  	_ = 	snop  }
0x7: {  	_ = 	snop  }
__scs_overlays_trampoline_lowered:
0x8: {  	[smem:$0x3FAE] =	sst s0  }
0x9: {  	[smem:$0x3FAF] =	sst s1  }
0xa: {  	[smem:$0x3FB0] =	sst s2  }
0xb: {  	[smem:$0x3FB1] =	sst s3  }
0xc: {  	[smem:$0x3FB2] =	sst s4  }
0xd: {  	[smem:$0x3FB3] =	sst s5  }
0xe: {  	[smem:$0x3FB4] =	sst s6  }
0xf: {  	[smem:$0x3FB5] =	sst s7  }
0x10: {  	[smem:$0x3FB6] =	sst s8  }
0x11: {  	[smem:$0x3FB7] =	sst s9;
	s0 =	simm.s32 @!p0 $0x0  }
0x12: {  	s1 =	sld [smem:$0x3F9D];
	s0 =	simm.s32 @p0 $0x1  }
0x13: {  	[smem:$0x3FB8] =	sst s0;
	s0 =	simm.s32 @!p1 $0x0  }
0x14: {  	s2 =	sld [smem:$0x3F9C];
	s0 =	simm.s32 @p1 $0x1  }
0x15: {  	[smem:$0x3FB9] =	sst s0;
	s0 =	simm.s32 @!p2 $0x0  }
0x16: {  	s3 =	sld [smem:$0x3FDB];
	s0 =	simm.s32 @p2 $0x1  }
0x17: {  	s4 =	simm.s32 $0x1BF5;
	[smem:$0x3FBB] =	sst s0  }
0x18: {  	s0 =	sld [smem:$0x3F9E];
	_ =	swait.ge [sflag:s4], $0x0  }
0x19: {  	s7 =	sld [smem:$0x3F9F]  }
0x1a: {  	s8 =	sadd.s32 $0xFFFFE003, lr  }
0x1b: {  	s9 =	sadd.s32 $0xFFFFFEF7, lr;
	s5 =	simm.s32 $0xFFFFFFFF;
	p2 =	slt.u32 s8, $0xFFFFF086  }
0x1c: {  	p1 =	slt.u32 s9, $0xF7A;
	s5 =	simm.s32 @!p2 $0x0  }
0x1d: {  	s5 =	simm.s32 @p1 $0x1;
	p0 =	seq.s32 s7, s2  }
0x1e: {  	s7 =	smul.u32 @!p0 $0xF7A, s2;
	p2 =	seq.s32 @!p0 s5, $0x0  }
0x1f: {  	s9 =	smul.u32 $0xF7A, s1;
	s8 =	simm.s32 @!p0 $0x1BF5;
	p2 =	por !p2, p0  }
0x20: {  	[sflag:s8] =	ssyncset.s32 @!p0 $0xFFFFF086;
	s6 =	sadd.s32 @!p0 s3, s7;
	s7 =	simm.s32 @!p0 $0x108  }
0x21: {  	s3 =	sadd.s32 s3, s9;
	s6 =	sadd.s32 @!p0 $0x88, s6;
	s7 =	simm.s32 @p2 $0x1082  }
0x22: {  	[simem:s7], [sflag:s8] =	dma.local @!p0 [hbm:s6], $0xF7A  }
0x23: {  	s9 =	sor.u32 $0xD0000000, s2;
	s6 =	simm.s32 $0x108;
	_ =	swait.ge @!p0 [sflag:s8], $0x0  }
0x24: {  	s3 =	sadd.s32 $0x88, s3;
	s6 =	simm.s32 @!p1 $0x1082;
	[sflag:s4] =	ssyncset.s32 $0xFFFFF086  }
0x25: {  	[simem:s6], [sflag:s4] =	dma.local [hbm:s3], $0xF7A  }
0x26: {  	[smem:$0x3F9F] =	sst s1;
	(tag) =	ssettag s2;
	_ =	strace s9  }
0x27: {  	s1 =	sld [smem:$0x3FAF]  }
0x28: {  	s2 =	sld [smem:$0x3FB0]  }
0x29: {  	s4 =	sld [smem:$0x3FB2]  }
0x2a: {  	p0 =	seq.s32 s5, $0x0;
	s5 =	sld [smem:$0x3FB3]  }
0x2b: {  	s6 =	sld [smem:$0x3FB4]  }
0x2c: {  	s7 =	sld [smem:$0x3FB5]  }
0x2d: {  	s3 =	simm.s32 $0x108;
	s8 =	sld [smem:$0x3FB6]  }
0x2e: {  	s3 =	simm.s32 @!p0 $0x1082;
	s9 =	sld [smem:$0x3FB7]  }
0x2f: {  	lr =	sadd.s32 s0, s3;
	s0 =	sld [smem:$0x3FAE]  }
0x30: {  	s3 =	sld [smem:$0x3FB1]  }
0x31: {  	[smem:$0x3FBA] =	sst s10  }
0x32: {  	s10 =	sld [smem:$0x3FB8];
	_ =	sdelay $0x3  }
0x33: {  	p0 =	seq.s32 s10, $0x1;
	s10 =	sld [smem:$0x3FBA];
	_ =	sdelay $0x3  }
0x34: {  	[smem:$0x3FBA] =	sst s10  }
0x35: {  	s10 =	sld [smem:$0x3FB9];
	_ =	sdelay $0x3  }
0x36: {  	p1 =	seq.s32 s10, $0x1;
	s10 =	sld [smem:$0x3FBA];
	_ =	sdelay $0x3  }
0x37: {  	[smem:$0x3FBA] =	sst s10  }
0x38: {  	s10 =	sld [smem:$0x3FBB]  }
0x39: {  	_ = 	snop;
	(pc) =	sbr.ind lr, $3  }
0x3a: {  	_ = 	snop  }
0x3b: {  	_ = 	snop  }
0x3c: {  	p2 =	seq.s32 s10, $0x1;
	s10 =	sld [smem:$0x3FBA]  }
0x3d: {  	_ =	shalt  }
0x3e: {  	_ =	shalt  }
0x3f: {  	_ =	shalt  }
0x40: {  	_ =	shalt  }
0x41: {  	_ =	shalt  }
0x42: {  	_ =	shalt  }
0x43: {  	_ =	shalt  }
0x44: {  	_ =	shalt  }
0x45: {  	_ =	shalt  }
0x46: {  	_ =	shalt  }
0x47: {  	_ =	shalt  }
0x48: {  	_ =	shalt  }
0x49: {  	_ =	shalt  }
0x4a: {  	_ =	shalt  }
0x4b: {  	_ =	shalt  }
0x4c: {  	_ =	shalt  }
0x4d: {  	_ =	shalt  }
0x4e: {  	_ =	shalt  }
0x4f: {  	_ =	shalt  }
0x50: {  	_ =	shalt  }
0x51: {  	_ =	shalt  }
0x52: {  	_ =	shalt  }
0x53: {  	_ =	shalt  }
0x54: {  	_ =	shalt  }
0x55: {  	_ =	shalt  }
0x56: {  	_ =	shalt  }
0x57: {  	_ =	shalt  }
0x58: {  	_ =	shalt  }
0x59: {  	_ =	shalt  }
0x5a: {  	_ =	shalt  }
0x5b: {  	_ =	shalt  }
0x5c: {  	_ =	shalt  }
0x5d: {  	_ =	shalt  }
0x5e: {  	_ =	shalt  }
0x5f: {  	_ =	shalt  }
0x60: {  	_ =	shalt  }
0x61: {  	_ =	shalt  }
0x62: {  	_ =	shalt  }
0x63: {  	_ =	shalt  }
0x64: {  	_ =	shalt  }
0x65: {  	_ =	shalt  }
0x66: {  	_ =	shalt  }
0x67: {  	_ =	shalt  }
0x68: {  	_ =	shalt  }
0x69: {  	_ =	shalt  }
0x6a: {  	_ =	shalt  }
0x6b: {  	_ =	shalt  }
0x6c: {  	_ =	shalt  }
0x6d: {  	_ =	shalt  }
0x6e: {  	_ =	shalt  }
0x6f: {  	_ =	shalt  }
0x70: {  	_ =	shalt  }
0x71: {  	_ =	shalt  }
0x72: {  	_ =	shalt  }
0x73: {  	_ =	shalt  }
0x74: {  	_ =	shalt  }
0x75: {  	_ =	shalt  }
0x76: {  	_ =	shalt  }
0x77: {  	_ =	shalt  }
0x78: {  	_ =	shalt  }
0x79: {  	_ =	shalt  }
0x7a: {  	_ =	shalt  }
0x7b: {  	_ =	shalt  }
0x7c: {  	_ =	shalt  }
0x7d: {  	_ =	shalt  }
0x7e: {  	_ =	shalt  }
0x7f: {  	_ =	shalt  }
0x80: {  	_ =	shalt  }
0x81: {  	_ =	shalt  }
0x82: {  	_ =	shalt  }
0x83: {  	_ =	shalt  }
0x84: {  	_ =	shalt  }
0x85: {  	_ =	shalt  }
0x86: {  	_ =	shalt  }
0x87: {  	_ =	shalt  }
.Lfunc_end0:
.L_simem_size_0:
called_computation_lowered:
.L_overlay_start_0:
0x88: {  	s2 =	sld [smem:$0x3FD9]  }
0x89: {  	s3 =	sld [smem:$0x3FFE];
	_ =	sdelay $0x1  }
0x8a: {  	s1 =	srdreg.scid  }
0x8b: {  	s0 =	sand.u32 $0x1, s1  }
0x8c: {  	s18 =	sshll.u32 s0, $0xA;
	s2 =	sadd.s32 s3, s2  }
0x8d: {  	s2 =	sadd.s32 s2, s18  }
0x8e: {  	[smem:$0x3FC6] =	sst s2  }
0x8f: {  	_ = 	snop  }
0x90: {  	s2 =	sld [smem:$0x3FC9]  }
0x91: {  	s19 =	sld [smem:$0x3FC8]  }
0x92: {  	s4 =	sld [smem:$0x3FD0];
	(tm) =	ssettm $0x1  }
0x93: {  	s5 =	sld [smem:$0x3FFB];
	_ =	sdelay $0x3  }
0x94: {  	_ =	strace s5  }
0x95: {  	s5 =	sld [smem:$0x3FFC];
	_ =	sdelay $0x3  }
0x96: {  	_ =	strace s5  }
0x97: {  	s5 =	sld [smem:$0x3FFD];
	_ =	sdelay $0x3  }
0x98: {  	_ =	strace s5  }
0x99: {  	_ =	strace $0x8FFFFFFF  }
0x9a: {  	s20 =	sld [smem:$0x3FDB];
	_ =	sdelay $0x1  }
0x9b: {  	s6 =	simm.s32 $_scs_section_size  }
0x9c: {  	s7 =	simm.s32 $_size__tile_overlayer_lowered;
	s8 =	simm.s32 $_tile_overlayer_lowered  }
0x9d: {  	s23 =	simm.s32 $0x1BFF;
	s22 =	sshll.u32 s8, $0x1;
	s5 =	sadd.s32 s6, s20  }
0x9e: {  	s9 =	simm.s32 $0x0;
	s21 =	sshll.u32 s7, $0x1;
	s7 =	sadd.s32 s22, s5  }
0x9f: {  	[timem:s9], [sflag:s23] =	dma.local [hbm:s7], s21  }
0xa0: {  	_ =	swait.ge [sflag:s23], s21  }
0xa1: {  	s6 =	ssub.s32 $0x0, s21;
	[sflag:s23] =	ssyncset.done $0x0  }
0xa2: {  	[sflag:s23] =	ssyncadd.s32 s6;
	_ =	sdelay $0x1  }
0xa3: {  	s24 =	simm.s32 $0x1B8B  }
0xa4: {  	_ =	swait.ge [sflag:s24], $0x1  }
0xa5: {  	[sflag:s24] =	ssyncset.done $0x0  }
0xa6: {  	s25 =	simm.s32 $0x1B8E;
	[sflag:s24] =	ssyncadd.s32 $0xFFFFFFFF  }
0xa7: {  	s26 =	simm.s32 $execute0_lowered;
	[smem:$0x3FD2] =	sst s25  }
0xa8: {  	s6 =	sshll.u32 s26, $0x1;
	_ =	strace $0x80000046;
	[dreg:$0x1] =	wrdreg $0xFFFFFFFF  }
0xa9: {  	s28 =	simm.s32 $_size_execute0_lowered;
	s5 =	sadd.s32 s5, s6;
	[dreg:$0x0] =	wrdreg $0x0  }
0xaa: {  	s6 =	sshll.u32 s28, $0x1;
	[dreg:$0x2] =	wrdreg s5  }
0xab: {  	[dreg:$0x3] =	wrdreg s6  }
0xac: {  	[dreg:$0x4] =	wrdreg $0xC0  }
0xad: {  	_ =	task [dreg:s9], $0x5FFFF  }
0xae: {  	[dreg:$0x1] =	wrdreg $0xFFFFFFFF  }
0xaf: {  	[dreg:$0x0] =	wrdreg $0x60  }
0xb0: {  	[dreg:$0x2] =	wrdreg s2  }
0xb1: {  	[dreg:$0x3] =	wrdreg s19  }
0xb2: {  	[dreg:$0x4] =	wrdreg s4  }
0xb3: {  	[dreg:$0x5] =	wrdreg $0x9  }
0xb4: {  	_ =	task.clear_ibuf [dreg:s9], $0x6FFFF;
	_ =	strace $0x90000046  }
0xb5: {  	s29 =	simm.s32 $0x9;
	_ =	strace $0x80000048  }
0xb6: {  	_ =	swait.ge [sflag:s29], $0x1  }
0xb7: {  	[sflag:s29] =	ssyncadd.s32 $0xFFFFFFFF  }
0xb8: {  	_ =	strace $0x90000048  }
0xb9: {  	_ =	sfence  }
0xba: {  	s30 =	sld [smem:$0x0];
	_ =	sdelay $0x2  }
0xbb: {  	s31 =	sshll.u32 s1, $0xD;
	s1 =	sshrl.u32 s1, $0x2  }
0xbc: {  	s3 =	sand.u32 $0x4000, s31;
	s1 =	sadd.s32 s1, s30  }
0xbd: {  	s0 =	sor.u32 s3, s0;
	s1 =	sshll.u32 s1, $0x11  }
0xbe: {  	s0 =	sor.u32 s1, s0  }
0xbf: {  	s0 =	sadd.s32 $0x8F2B, s0  }
0xc0: {  	[sflag:s0] =	ssyncadd.remote.s32 $0x1  }
0xc1: {  	_ =	sfence.sel $0xFFFF  }
0xc2: {  	[dreg:$0x0] =	wrdreg $0xFFFFFFFF;
	(pc) =	sbr.abs _section_cstart, $3  }
0xc3: {  	[dreg:$0x1] =	wrdreg $0xFFFFFFFF  }
0xc4: {  	_ =	task.clear_ibuf [dreg:s9], $0x2FFFF;
	_ =	strace $0x9FFFFFFF  }
0xc5: {  	(tm) =	ssettm $0x7FFFFFFF  }
tec
execute0_lowered:
.L_overlay_start_1:
0x0: {  	(tag) =	ssettag $0x1  }
0x1: {  	s1 =	srdreg.scid  }
0x2: {  	s0 =	rddreg [dreg:$0x0];
	s2 =	stileid.u32;
	s1 =	sand.u32 $0x1, s1  }
0x3: {  	s4 =	rddreg [dreg:$0x1];
	s3 =	sshll.u32 s2, $0xF;
	s5 =	sshll.u32 s1, $0xE  }
0x4: {  	s2 =	rddreg [dreg:$0x2];
	s6 =	sor.u32 s5, s3  }
0x5: {  	s7 =	ssub.s32 $0x2, s1;
	s1 =	simm.s32 $0x0;
	s5 =	sor.u32 $0x80000, s6  }
0x6: {  	[smem:$0x7FF] =	sst s1;
	s15 =	sor.u32 $0x100000, s6;
	s14 =	sadd.s32 s0, s5  }
0x7: {  	s8 =	sor.u32 $0x800, s6;
	s10 =	sadd.s32 s0, s15;
	[dreg:$0x4] =	wrdreg s14  }
0x8: {  	s9 =	sor.u32 $0x180000, s6;
	s16 =	sadd.s32 s4, s8;
	[dreg:$0x5] =	wrdreg s10  }
0x9: {  	s17 =	sadd.s32 s0, s9;
	[dreg:$0x6] =	wrdreg s16  }
0xa: {  	s13 =	sshrl.u32 s7, $0x1;
	s18 =	sadd.s32 s0, s8;
	[dreg:$0x7] =	wrdreg s17  }
0xb: {  	s19 =	sor.u32 $0x80800, s6;
	s5 =	sadd.s32 s2, s5;
	[dreg:$0x8] =	wrdreg s18  }
0xc: {  	s3 =	ssub.s32 s7, s13;
	s20 =	sadd.s32 s0, s19;
	[dreg:$0x9] =	wrdreg s5  }
0xd: {  	s21 =	sor.u32 $0x100800, s6;
	s7 =	sadd.s32 s2, s15;
	[dreg:$0xa] =	wrdreg s20  }
0xe: {  	s22 =	sadd.s32 s0, s21;
	[dreg:$0xb] =	wrdreg s7  }
0xf: {  	s23 =	sor.u32 $0x1000, s6;
	s9 =	sadd.s32 s2, s9;
	[dreg:$0xc] =	wrdreg s22  }
0x10: {  	s11 =	sor.u32 $0x180800, s6;
	s24 =	sadd.s32 s4, s23;
	[dreg:$0xd] =	wrdreg s9  }
0x11: {  	s25 =	sadd.s32 s0, s11;
	[dreg:$0xe] =	wrdreg s24  }
0x12: {  	s8 =	sadd.s32 s2, s8;
	[dreg:$0xf] =	wrdreg s25  }
0x13: {  	s12 =	sor.u32 $0x101000, s6;
	s26 =	sadd.s32 s0, s23;
	[dreg:$0x10] =	wrdreg s8  }
0x14: {  	s13 =	sadd.s32 s0, s12;
	[dreg:$0x11] =	wrdreg s26  }
0x15: {  	s5 =	sadd.s32 s2, s19;
	[dreg:$0x18] =	wrdreg s13  }
0x16: {  	s7 =	sadd.s32 s2, s21;
	[dreg:$0x12] =	wrdreg s5  }
0x17: {  	s9 =	sadd.s32 s2, s11;
	[dreg:$0x13] =	wrdreg s7  }
0x18: {  	s15 =	sor.u32 $0x1800, s6;
	s10 =	sadd.s32 s2, s23;
	[dreg:$0x14] =	wrdreg s9  }
0x19: {  	s17 =	sadd.s32 s4, s15;
	[dreg:$0x15] =	wrdreg s10  }
0x1a: {  	s18 =	sadd.s32 s0, s15;
	[dreg:$0x1c] =	wrdreg s17  }
0x1b: {  	s8 =	sor.u32 $0x81000, s6;
	s19 =	sadd.s32 s2, s15;
	[dreg:$0x1d] =	wrdreg s18  }
0x1c: {  	s11 =	sadd.s32 s0, s8;
	[dreg:$0x1e] =	wrdreg s19  }
0x1d: {  	s5 =	sadd.s32 s2, s8;
	[dreg:$0x16] =	wrdreg s11  }
0x1e: {  	s14 =	sor.u32 $0x181000, s6;
	s7 =	sadd.s32 s2, s12;
	[dreg:$0x17] =	wrdreg s5  }
0x1f: {  	s20 =	sor.u32 $0x81800, s6;
	s16 =	sadd.s32 s0, s14;
	[dreg:$0x19] =	wrdreg s7  }
0x20: {  	s21 =	sor.u32 $0x101800, s6;
	s22 =	sadd.s32 s0, s20;
	[dreg:$0x1a] =	wrdreg s16  }
0x21: {  	s23 =	sadd.s32 s0, s21;
	[dreg:$0x1f] =	wrdreg s22  }
0x22: {  	s26 =	sor.u32 $0x181800, s6;
	s24 =	sadd.s32 s2, s21;
	[smem:$0x7D7] =	sst s23  }
0x23: {  	s25 =	sor.u32 $0x2000, s6;
	s9 =	sadd.s32 s0, s26;
	[smem:$0x7D8] =	sst s24  }
0x24: {  	s10 =	sadd.s32 s4, s25;
	[smem:$0x7D9] =	sst s9  }
0x25: {  	s8 =	sadd.s32 s4, s6;
	[smem:$0x7DB] =	sst s10  }
0x26: {  	s5 =	sadd.s32 s2, s14;
	[smem:$0x7ED] =	sst s8  }
0x27: {  	s7 =	sadd.s32 s2, s26;
	[dreg:$0x1b] =	wrdreg s5  }
0x28: {  	s12 =	sor.u32 $0x82000, s6;
	s11 =	sadd.s32 s0, s25;
	[smem:$0x7DA] =	sst s7  }
0x29: {  	s18 =	sor.u32 $0x2800, s6;
	s13 =	sadd.s32 s0, s12;
	[smem:$0x7DC] =	sst s11  }
0x2a: {  	s21 =	sor.u32 $0x82800, s6;
	s19 =	sadd.s32 s4, s18;
	[smem:$0x7DE] =	sst s13  }
0x2b: {  	s22 =	sadd.s32 s0, s21;
	[smem:$0x7E4] =	sst s19  }
0x2c: {  	s14 =	sor.u32 $0x102000, s6;
	s5 =	sadd.s32 s2, s20;
	[smem:$0x7E7] =	sst s22  }
0x2d: {  	s16 =	sor.u32 $0x182000, s6;
	s15 =	sadd.s32 s0, s14;
	[smem:$0x7D6] =	sst s5  }
0x2e: {  	s17 =	sadd.s32 s0, s16;
	[smem:$0x7E0] =	sst s15  }
0x2f: {  	s28 =	simm.s32 $0x6;
	s20 =	sadd.s32 s0, s18;
	[smem:$0x7E2] =	sst s17  }
0x30: {  	s23 =	sor.u32 $0x102800, s6;
	s7 =	sadd.s32 s2, s21;
	[smem:$0x7E5] =	sst s20  }
0x31: {  	s9 =	sor.u32 $0x3000, s6;
	s24 =	sadd.s32 s0, s23;
	[smem:$0x7E8] =	sst s7  }
0x32: {  	s10 =	sor.u32 $0x3800, s6;
	s11 =	sadd.s32 s4, s9;
	[smem:$0x7E9] =	sst s24  }
0x33: {  	s29 =	simm.s32 $0x2;
	s4 =	sadd.s32 s4, s10;
	[smem:$0x7EE] =	sst s11  }
0x34: {  	s30 =	simm.s32 $0xA;
	s13 =	sadd.s32 s0, s9;
	[smem:$0x7EF] =	sst s4  }
0x35: {  	s31 =	simm.s32 $0x7;
	s22 =	sadd.s32 s2, s6;
	[smem:$0x7F0] =	sst s13  }
0x36: {  	s21 =	sor.u32 $0x83800, s6;
	s5 =	sadd.s32 s2, s25;
	[smem:$0x7F9] =	sst s22  }
0x37: {  	s25 =	sor.u32 $0x182800, s6;
	s20 =	sadd.s32 s0, s6;
	[smem:$0x7DD] =	sst s5  }
0x38: {  	s15 =	sor.u32 $0x103000, s6;
	s24 =	sadd.s32 s0, s10;
	[smem:$0x7F8] =	sst s20  }
0x39: {  	s10 =	sadd.s32 s2, s10;
	s5 =	sadd.s32 s2, s12;
	[smem:$0x7FA] =	sst s24  }
0x3a: {  	s11 =	sadd.s32 s2, s21;
	s26 =	sadd.s32 s0, s25;
	[smem:$0x7DF] =	sst s5  }
0x3b: {  	s22 =	simm.s32 $0x18000;
	s7 =	sadd.s32 s2, s25;
	[smem:$0x7EB] =	sst s26  }
0x3c: {  	s12 =	sor.u32 $0x83000, s6;
	s17 =	sadd.s32 s0, s15;
	[smem:$0x7EC] =	sst s7  }
0x3d: {  	s25 =	sadd.s32 s0, s21;
	s20 =	simm.s32 $0x14000;
	[smem:$0x7F4] =	sst s17  }
0x3e: {  	s21 =	simm.s32 $0x3;
	s5 =	sadd.s32 s2, s14;
	[smem:$0x7FB] =	sst s25  }
0x3f: {  	s24 =	simm.s32 $0x8;
	s14 =	sadd.s32 s0, s12;
	[smem:$0x7E1] =	sst s5  }
0x40: {  	s4 =	sadd.s32 s2, s12;
	s17 =	simm.s32 $0x10000;
	[smem:$0x7F2] =	sst s14  }
0x41: {  	s25 =	simm.s32 $0x5;
	s5 =	sadd.s32 s2, s16;
	[smem:$0x7F3] =	sst s4  }
0x42: {  	s16 =	sor.u32 $0x183000, s6;
	s4 =	sadd.s32 s2, s15;
	[smem:$0x7E3] =	sst s5  }
0x43: {  	s14 =	smax.u32 s3, $0x1;
	s5 =	sadd.s32 s2, s18;
	[smem:$0x7F5] =	sst s4  }
0x44: {  	s15 =	simm.s32 $0x8000;
	s18 =	sadd.s32 s0, s16;
	[smem:$0x7E6] =	sst s5  }
0x45: {  	s3 =	simm.s32 $0x0;
	s19 =	sadd.s32 s2, s16;
	[smem:$0x7F6] =	sst s18  }
0x46: {  	s16 =	simm.s32 $0xC000;
	s5 =	sadd.s32 s2, s23;
	[smem:$0x7F7] =	sst s19  }
0x47: {  	s23 =	sor.u32 $0x103800, s6;
	s6 =	sor.u32 $0x183800, s6;
	s18 =	simm.s32 $0x1  }
0x48: {  	s19 =	simm.s32 $0x4000;
	[smem:$0x7EA] =	sst s5;
	s5 =	sadd.s32 s2, s9  }
0x49: {  	s26 =	sadd.s32 s0, s23;
	s0 =	sadd.s32 s0, s6;
	[smem:$0x7F1] =	sst s5  }
0x4a: {  	s12 =	sadd.s32 s2, s23;
	s13 =	sadd.s32 s2, s6;
	[smem:$0x7FC] =	sst s26  }
0x4b: {  	s23 =	simm.s32 $0x4;
	s2 =	simm.s32 $0xC;
	[smem:$0x7FD] =	sst s0  }
0x4c: {  	s26 =	simm.s32 $0x9;
	s0 =	simm.s32 $0xB;
	_ =	strace $0x80000047  }
.LBB2_1:
0x4d: {  	s4 =	sld [smem:$0x7ED];
	_ =	sdelay $0x1  }
0x4e: {  	s8 =	sld [smem:$0x7F8]  }
0x4f: {  	[tilespmem:s1], [sflag:$0x1] =	stream.linear.gather [hbm4b:s4+s1], $0x4000, $0x38;
	[tilespmem:$0x1C000] =	vst v63  }
0x50: {  	_ = 	snop  }
0x51: {  	[tilespmem:s15], [sflag:$0x3] =	stream.linear.gather [hbm4b:s8+s1], $0x4000, $0x38;
	[tilespmem:$0x1C000] =	vst v63  }
0x52: {  	s9 =	rddreg [dreg:$0x4]  }
0x53: {  	[tilespmem:s16], [sflag:$0x4] =	stream.linear.gather [hbm4b:s9+s1], $0x4000, $0x38;
	[tilespmem:$0x1C000] =	vst v63  }
0x54: {  	s5 =	rddreg [dreg:$0x5]  }
0x55: {  	[tilespmem:s17], [sflag:$0x5] =	stream.linear.gather [hbm4b:s5+s1], $0x4000, $0x38;
	[tilespmem:$0x1C000] =	vst v63  }
0x56: {  	_ =	swait.ge [sflag:s18], $0x4000  }
0x57: {  	[sflag:s18] =	ssyncset.done $0x0  }
0x58: {  	s6 =	rddreg [dreg:$0x6];
	[sflag:s18] =	ssyncadd.s32 $0xFFFFC000  }
0x59: {  	[tilespmem:s19], [sflag:$0x2] =	stream.linear.gather [hbm4b:s6+s1], $0x4000, $0x38;
	[tilespmem:$0x1C000] =	vst v63  }
0x5a: {  	s5 =	simm.s32 $0x0;
	s7 =	rddreg [dreg:$0x7]  }
0x5b: {  	[tilespmem:s20], [sflag:$0x6] =	stream.linear.gather [hbm4b:s7+s1], $0x4000, $0x38;
	[tilespmem:$0x1C000] =	vst v63  }
0x5c: {  	s8 =	sand.u32 $0x2000, s5;
	s6 =	sand.u32 $0x1C00, s1;
	_ =	swait.ge [sflag:s21], $0x4000  }
0x5d: {  	s9 =	sand.u32 $0x380, s1;
	s4 =	sor.u32 s8, s6;
	[sflag:s21] =	ssyncset.done $0x0  }
0x5e: {  	s4 =	sor.u32 s9, s4;
	[sflag:s21] =	ssyncadd.s32 $0xFFFFC000  }
0x5f: {  	v0 =	vld [tilespmem:s4+$0x8070]  }
0x60: {  	v1 =	vld [tilespmem:s4+$0x70]  }
0x61: {  	v3 =	vld [tilespmem:s4+$0x8000]  }
0x62: {  	v4 =	vld [tilespmem:s4+$0x0]  }
0x63: {  	v6 =	vld [tilespmem:s4+$0x8010]  }
0x64: {  	v7 =	vld [tilespmem:s4+$0x10]  }
0x65: {  	v2 =	vld [tilespmem:s4+$0x8020]  }
0x66: {  	v5 =	vld [tilespmem:s4+$0x20]  }
0x67: {  	v1 =	vadd.f32 v1, v0;
	v0 =	vld [tilespmem:s4+$0x8030]  }
0x68: {  	v4 =	vadd.f32 v4, v3;
	v3 =	vld [tilespmem:s4+$0x30]  }
0x69: {  	v6 =	vadd.f32 v7, v6;
	[tilespmem:s4+$0x8070] =	vst v1;
	v1 =	vld [tilespmem:s4+$0x8040]  }
0x6a: {  	s6 =	simm.s32 $0x0;
	s7 =	simm.s32 $0x0;
	[tilespmem:s4+$0x8000] =	vst v4;
	v4 =	vld [tilespmem:s4+$0x40]  }
.LBB2_2:
0x6b: {  	s5 =	sadd.s32 $0x80, s5;
	[tilespmem:s4+$0x8010] =	vst v6;
	v2 =	vadd.f32 v5, v2;
	v5 =	vld [tilespmem:s4+$0x8050];
	s6 =	sadd.s32 $0x400, s6  }
0x6c: {  	s7 =	sadd.s32 $0x10, s7;
	s8 =	sand.u32 $0x2000, s5;
	s9 =	sand.u32 $0x1C00, s6;
	v6 =	vld [tilespmem:s4+$0x50]  }
0x6d: {  	p0 =	slt.u32 s5, $0x3F80;
	s8 =	sor.u32 s8, s9;
	s9 =	sand.u32 $0x380, s7;
	[tilespmem:s4+$0x8020] =	vst v2;
	v0 =	vadd.f32 v3, v0;
	v2 =	vld [tilespmem:s4+$0x8060]  }
0x6e: {  	s8 =	sor.u32 s9, s8;
	v3 =	vld [tilespmem:s4+$0x60]  }
0x6f: {  	v7 =	vld [tilespmem:s8+$0x8070];
	[tilespmem:s4+$0x8030] =	vst v0;
	v0 =	vadd.f32 v4, v1  }
0x70: {  	v1 =	vld [tilespmem:s8+$0x70]  }
0x71: {  	v4 =	vld [tilespmem:s8+$0x8000];
	[tilespmem:s4+$0x8040] =	vst v0;
	v0 =	vadd.f32 v6, v5  }
0x72: {  	v6 =	vld [tilespmem:s8+$0x0]  }
0x73: {  	v8 =	vld [tilespmem:s8+$0x8010];
	[tilespmem:s4+$0x8050] =	vst v0;
	v0 =	vadd.f32 v3, v2  }
0x74: {  	v9 =	vld [tilespmem:s8+$0x10]  }
0x75: {  	v2 =	vld [tilespmem:s8+$0x8020];
	v1 =	vadd.f32 v1, v7;
	[tilespmem:s4+$0x8060] =	vst v0;
	s4 =	smov.u32 s8  }
.Ltmp0:
0x76: {  	v5 =	vld [tilespmem:s4+$0x20];
	(pc) =	sbr.rel @p0 .LBB2_2-.Ltmp0, $4  }
0x77: {  	v4 =	vadd.f32 v6, v4;
	v0 =	vld [tilespmem:s4+$0x8030];
	[tilespmem:s4+$0x8070] =	vst v1  }
0x78: {  	v3 =	vld [tilespmem:s4+$0x30]  }
0x79: {  	[tilespmem:s4+$0x8000] =	vst v4;
	v6 =	vadd.f32 v9, v8;
	v1 =	vld [tilespmem:s4+$0x8040]  }
0x7a: {  	v4 =	vld [tilespmem:s4+$0x40]  }
0x7b: {  	v7 =	vld [tilespmem:s4+$0x8050]  }
0x7c: {  	v8 =	vld [tilespmem:s4+$0x50]  }
0x7d: {  	v9 =	vld [tilespmem:s4+$0x8060]  }
0x7e: {  	v10 =	vld [tilespmem:s4+$0x60]  }
0x7f: {  	v2 =	vadd.f32 v5, v2  }
0x80: {  	[tilespmem:s4+$0x8010] =	vst v6;
	v0 =	vadd.f32 v3, v0  }
0x81: {  	[tilespmem:s4+$0x8020] =	vst v2;
	v1 =	vadd.f32 v4, v1  }
0x82: {  	[tilespmem:s4+$0x8030] =	vst v0;
	v0 =	vadd.f32 v8, v7  }
0x83: {  	[tilespmem:s4+$0x8040] =	vst v1;
	v1 =	vadd.f32 v10, v9  }
0x84: {  	[tilespmem:s4+$0x8050] =	vst v0  }
0x85: {  	[tilespmem:s4+$0x8060] =	vst v1  }
0x86: {  	s4 =	sld [smem:$0x7F9];
	_ =	sdelay $0x1  }
0x87: {  	s5 =	simm.s32 $0x0  }
0x88: {  	[hbm4b:s4+s5] =	stream.linear.scatter [tilespmem:s15], [sflag:$0x8], $0x4000, $0x38;
	[tilespmem:$0x1C000] =	vst v63  }
0x89: {  	s6 =	simm.s32 $0x0;
	s7 =	rddreg [dreg:$0x8]  }
0x8a: {  	[tilespmem:s22], [sflag:$0x7] =	stream.linear.gather [hbm4b:s7+s5], $0x4000, $0x38;
	[tilespmem:$0x1C000] =	vst v63  }
0x8b: {  	s8 =	sand.u32 $0x2000, s6;
	s7 =	sand.u32 $0x1C00, s5;
	_ =	swait.ge [sflag:s23], $0x4000  }
0x8c: {  	s9 =	sand.u32 $0x380, s5;
	s4 =	sor.u32 s8, s7;
	[sflag:s23] =	ssyncset.done $0x0  }
0x8d: {  	s4 =	sor.u32 s9, s4;
	[sflag:s23] =	ssyncadd.s32 $0xFFFFC000  }
0x8e: {  	v0 =	vld [tilespmem:s4+$0xC070]  }
0x8f: {  	v1 =	vld [tilespmem:s4+$0x70]  }
0x90: {  	v3 =	vld [tilespmem:s4+$0xC000]  }
0x91: {  	v4 =	vld [tilespmem:s4+$0x0]  }
0x92: {  	v6 =	vld [tilespmem:s4+$0xC010]  }
0x93: {  	v7 =	vld [tilespmem:s4+$0x10]  }
0x94: {  	v2 =	vld [tilespmem:s4+$0xC020]  }
0x95: {  	v5 =	vld [tilespmem:s4+$0x20]  }
0x96: {  	v1 =	vadd.f32 v1, v0;
	v0 =	vld [tilespmem:s4+$0xC030]  }
0x97: {  	v4 =	vadd.f32 v4, v3;
	v3 =	vld [tilespmem:s4+$0x30]  }
0x98: {  	v6 =	vadd.f32 v7, v6;
	[tilespmem:s4+$0xC070] =	vst v1;
	v1 =	vld [tilespmem:s4+$0xC040]  }
0x99: {  	s7 =	simm.s32 $0x0;
	[tilespmem:s4+$0xC000] =	vst v4;
	v4 =	vld [tilespmem:s4+$0x40]  }
.LBB2_4:
0x9a: {  	s6 =	sadd.s32 $0x80, s6;
	[tilespmem:s4+$0xC010] =	vst v6;
	v2 =	vadd.f32 v5, v2;
	v5 =	vld [tilespmem:s4+$0xC050];
	s5 =	sadd.s32 $0x400, s5  }
0x9b: {  	s7 =	sadd.s32 $0x10, s7;
	s8 =	sand.u32 $0x2000, s6;
	s9 =	sand.u32 $0x1C00, s5;
	v6 =	vld [tilespmem:s4+$0x50]  }
0x9c: {  	p0 =	slt.u32 s6, $0x3F80;
	s8 =	sor.u32 s8, s9;
	s9 =	sand.u32 $0x380, s7;
	[tilespmem:s4+$0xC020] =	vst v2;
	v0 =	vadd.f32 v3, v0;
	v2 =	vld [tilespmem:s4+$0xC060]  }
0x9d: {  	s8 =	sor.u32 s9, s8;
	v3 =	vld [tilespmem:s4+$0x60]  }
0x9e: {  	v7 =	vld [tilespmem:s8+$0xC070];
	[tilespmem:s4+$0xC030] =	vst v0;
	v0 =	vadd.f32 v4, v1  }
0x9f: {  	v1 =	vld [tilespmem:s8+$0x70]  }
0xa0: {  	v4 =	vld [tilespmem:s8+$0xC000];
	[tilespmem:s4+$0xC040] =	vst v0;
	v0 =	vadd.f32 v6, v5  }
0xa1: {  	v6 =	vld [tilespmem:s8+$0x0]  }
0xa2: {  	v8 =	vld [tilespmem:s8+$0xC010];
	[tilespmem:s4+$0xC050] =	vst v0;
	v0 =	vadd.f32 v3, v2  }
0xa3: {  	v9 =	vld [tilespmem:s8+$0x10]  }
0xa4: {  	v2 =	vld [tilespmem:s8+$0xC020];
	v1 =	vadd.f32 v1, v7;
	[tilespmem:s4+$0xC060] =	vst v0;
	s4 =	smov.u32 s8  }
.Ltmp1:
0xa5: {  	v5 =	vld [tilespmem:s4+$0x20];
	(pc) =	sbr.rel @p0 .LBB2_4-.Ltmp1, $4  }
0xa6: {  	v4 =	vadd.f32 v6, v4;
	v0 =	vld [tilespmem:s4+$0xC030];
	[tilespmem:s4+$0xC070] =	vst v1  }
0xa7: {  	v3 =	vld [tilespmem:s4+$0x30]  }
0xa8: {  	[tilespmem:s4+$0xC000] =	vst v4;
	v6 =	vadd.f32 v9, v8;
	v1 =	vld [tilespmem:s4+$0xC040]  }
0xa9: {  	v4 =	vld [tilespmem:s4+$0x40]  }
0xaa: {  	v7 =	vld [tilespmem:s4+$0xC050]  }
0xab: {  	v8 =	vld [tilespmem:s4+$0x50]  }
0xac: {  	v9 =	vld [tilespmem:s4+$0xC060]  }
0xad: {  	v10 =	vld [tilespmem:s4+$0x60]  }
0xae: {  	v2 =	vadd.f32 v5, v2  }
0xaf: {  	[tilespmem:s4+$0xC010] =	vst v6;
	v0 =	vadd.f32 v3, v0  }
0xb0: {  	[tilespmem:s4+$0xC020] =	vst v2;
	v1 =	vadd.f32 v4, v1  }
0xb1: {  	[tilespmem:s4+$0xC030] =	vst v0;
	v0 =	vadd.f32 v8, v7  }
0xb2: {  	[tilespmem:s4+$0xC040] =	vst v1;
	v1 =	vadd.f32 v10, v9  }
0xb3: {  	[tilespmem:s4+$0xC050] =	vst v0  }
0xb4: {  	[tilespmem:s4+$0xC060] =	vst v1  }
0xb5: {  	s5 =	simm.s32 $0x0;
	s4 =	rddreg [dreg:$0x9]  }
0xb6: {  	[hbm4b:s4+s5] =	stream.linear.scatter [tilespmem:s16], [sflag:$0x9], $0x4000, $0x38;
	[tilespmem:$0x1C000] =	vst v63  }
0xb7: {  	_ =	swait.ge [sflag:s24], $0x4000  }
0xb8: {  	[sflag:s24] =	ssyncset.done $0x0  }
0xb9: {  	s6 =	simm.s32 $0x0;
	s7 =	rddreg [dreg:$0xa];
	[sflag:s24] =	ssyncadd.s32 $0xFFFFC000  }
0xba: {  	[tilespmem:s15], [sflag:$0x3] =	stream.linear.gather [hbm4b:s7+s5], $0x4000, $0x38;
	[tilespmem:$0x1C000] =	vst v63  }
0xbb: {  	s8 =	sand.u32 $0x2000, s6;
	s7 =	sand.u32 $0x1C00, s5;
	_ =	swait.ge [sflag:s25], $0x4000  }
0xbc: {  	s9 =	sand.u32 $0x380, s5;
	s4 =	sor.u32 s8, s7;
	[sflag:s25] =	ssyncset.done $0x0  }
0xbd: {  	s4 =	sor.u32 s9, s4;
	[sflag:s25] =	ssyncadd.s32 $0xFFFFC000  }
0xbe: {  	v0 =	vld [tilespmem:s4+$0x10070]  }
0xbf: {  	v1 =	vld [tilespmem:s4+$0x70]  }
0xc0: {  	v3 =	vld [tilespmem:s4+$0x10000]  }
0xc1: {  	v4 =	vld [tilespmem:s4+$0x0]  }
0xc2: {  	v6 =	vld [tilespmem:s4+$0x10010]  }
0xc3: {  	v7 =	vld [tilespmem:s4+$0x10]  }
0xc4: {  	v2 =	vld [tilespmem:s4+$0x10020]  }
0xc5: {  	v5 =	vld [tilespmem:s4+$0x20]  }
0xc6: {  	v1 =	vadd.f32 v1, v0;
	v0 =	vld [tilespmem:s4+$0x10030]  }
0xc7: {  	v4 =	vadd.f32 v4, v3;
	v3 =	vld [tilespmem:s4+$0x30]  }
0xc8: {  	v6 =	vadd.f32 v7, v6;
	[tilespmem:s4+$0x10070] =	vst v1;
	v1 =	vld [tilespmem:s4+$0x10040]  }
0xc9: {  	s7 =	simm.s32 $0x0;
	[tilespmem:s4+$0x10000] =	vst v4;
	v4 =	vld [tilespmem:s4+$0x40]  }
.LBB2_6:
0xca: {  	s6 =	sadd.s32 $0x80, s6;
	[tilespmem:s4+$0x10010] =	vst v6;
	v2 =	vadd.f32 v5, v2;
	v5 =	vld [tilespmem:s4+$0x10050];
	s5 =	sadd.s32 $0x400, s5  }
0xcb: {  	s7 =	sadd.s32 $0x10, s7;
	s8 =	sand.u32 $0x2000, s6;
	s9 =	sand.u32 $0x1C00, s5;
	v6 =	vld [tilespmem:s4+$0x50]  }
0xcc: {  	p0 =	slt.u32 s6, $0x3F80;
	s8 =	sor.u32 s8, s9;
	s9 =	sand.u32 $0x380, s7;
	[tilespmem:s4+$0x10020] =	vst v2;
	v0 =	vadd.f32 v3, v0;
	v2 =	vld [tilespmem:s4+$0x10060]  }
0xcd: {  	s8 =	sor.u32 s9, s8;
	v3 =	vld [tilespmem:s4+$0x60]  }
0xce: {  	v7 =	vld [tilespmem:s8+$0x10070];
	[tilespmem:s4+$0x10030] =	vst v0;
	v0 =	vadd.f32 v4, v1  }
0xcf: {  	v1 =	vld [tilespmem:s8+$0x70]  }
0xd0: {  	v4 =	vld [tilespmem:s8+$0x10000];
	[tilespmem:s4+$0x10040] =	vst v0;
	v0 =	vadd.f32 v6, v5  }
0xd1: {  	v6 =	vld [tilespmem:s8+$0x0]  }
0xd2: {  	v8 =	vld [tilespmem:s8+$0x10010];
	[tilespmem:s4+$0x10050] =	vst v0;
	v0 =	vadd.f32 v3, v2  }
0xd3: {  	v9 =	vld [tilespmem:s8+$0x10]  }
0xd4: {  	v2 =	vld [tilespmem:s8+$0x10020];
	v1 =	vadd.f32 v1, v7;
	[tilespmem:s4+$0x10060] =	vst v0;
	s4 =	smov.u32 s8  }
.Ltmp2:
0xd5: {  	v5 =	vld [tilespmem:s4+$0x20];
	(pc) =	sbr.rel @p0 .LBB2_6-.Ltmp2, $4  }
0xd6: {  	v4 =	vadd.f32 v6, v4;
	v0 =	vld [tilespmem:s4+$0x10030];
	[tilespmem:s4+$0x10070] =	vst v1  }
0xd7: {  	v3 =	vld [tilespmem:s4+$0x30]  }
0xd8: {  	[tilespmem:s4+$0x10000] =	vst v4;
	v6 =	vadd.f32 v9, v8;
	v1 =	vld [tilespmem:s4+$0x10040]  }
0xd9: {  	v4 =	vld [tilespmem:s4+$0x40]  }
0xda: {  	v7 =	vld [tilespmem:s4+$0x10050]  }
0xdb: {  	v8 =	vld [tilespmem:s4+$0x50]  }
0xdc: {  	v9 =	vld [tilespmem:s4+$0x10060]  }
0xdd: {  	v10 =	vld [tilespmem:s4+$0x60]  }
0xde: {  	v2 =	vadd.f32 v5, v2  }
0xdf: {  	[tilespmem:s4+$0x10010] =	vst v6;
	v0 =	vadd.f32 v3, v0  }
0xe0: {  	[tilespmem:s4+$0x10020] =	vst v2;
	v1 =	vadd.f32 v4, v1  }
0xe1: {  	[tilespmem:s4+$0x10030] =	vst v0;
	v0 =	vadd.f32 v8, v7  }
0xe2: {  	[tilespmem:s4+$0x10040] =	vst v1;
	v1 =	vadd.f32 v10, v9  }
0xe3: {  	[tilespmem:s4+$0x10050] =	vst v0  }
0xe4: {  	[tilespmem:s4+$0x10060] =	vst v1  }
0xe5: {  	s5 =	simm.s32 $0x0;
	s4 =	rddreg [dreg:$0xb]  }
0xe6: {  	[hbm4b:s4+s5] =	stream.linear.scatter [tilespmem:s17], [sflag:$0xA], $0x4000, $0x38;
	[tilespmem:$0x1C000] =	vst v63  }
0xe7: {  	_ =	swait.ge [sflag:s26], $0x4000  }
0xe8: {  	[sflag:s26] =	ssyncset.done $0x0  }
0xe9: {  	s6 =	simm.s32 $0x0;
	s7 =	rddreg [dreg:$0xc];
	[sflag:s26] =	ssyncadd.s32 $0xFFFFC000  }
0xea: {  	[tilespmem:s16], [sflag:$0x4] =	stream.linear.gather [hbm4b:s7+s5], $0x4000, $0x38;
	[tilespmem:$0x1C000] =	vst v63  }
0xeb: {  	s8 =	sand.u32 $0x2000, s6;
	s7 =	sand.u32 $0x1C00, s5;
	_ =	swait.ge [sflag:s28], $0x4000  }
0xec: {  	s9 =	sand.u32 $0x380, s5;
	s4 =	sor.u32 s8, s7;
	[sflag:s28] =	ssyncset.done $0x0  }
0xed: {  	s4 =	sor.u32 s9, s4;
	[sflag:s28] =	ssyncadd.s32 $0xFFFFC000  }
0xee: {  	v0 =	vld [tilespmem:s4+$0x14070]  }
0xef: {  	v1 =	vld [tilespmem:s4+$0x70]  }
0xf0: {  	v3 =	vld [tilespmem:s4+$0x14000]  }
0xf1: {  	v4 =	vld [tilespmem:s4+$0x0]  }
0xf2: {  	v6 =	vld [tilespmem:s4+$0x14010]  }
0xf3: {  	v7 =	vld [tilespmem:s4+$0x10]  }
0xf4: {  	v2 =	vld [tilespmem:s4+$0x14020]  }
0xf5: {  	v5 =	vld [tilespmem:s4+$0x20]  }
0xf6: {  	v1 =	vadd.f32 v1, v0;
	v0 =	vld [tilespmem:s4+$0x14030]  }
0xf7: {  	v4 =	vadd.f32 v4, v3;
	v3 =	vld [tilespmem:s4+$0x30]  }
0xf8: {  	v6 =	vadd.f32 v7, v6;
	[tilespmem:s4+$0x14070] =	vst v1;
	v1 =	vld [tilespmem:s4+$0x14040]  }
0xf9: {  	s7 =	simm.s32 $0x0;
	[tilespmem:s4+$0x14000] =	vst v4;
	v4 =	vld [tilespmem:s4+$0x40]  }
.LBB2_8:
0xfa: {  	s6 =	sadd.s32 $0x80, s6;
	[tilespmem:s4+$0x14010] =	vst v6;
	v2 =	vadd.f32 v5, v2;
	v5 =	vld [tilespmem:s4+$0x14050];
	s5 =	sadd.s32 $0x400, s5  }
0xfb: {  	s7 =	sadd.s32 $0x10, s7;
	s8 =	sand.u32 $0x2000, s6;
	s9 =	sand.u32 $0x1C00, s5;
	v6 =	vld [tilespmem:s4+$0x50]  }
0xfc: {  	p0 =	slt.u32 s6, $0x3F80;
	s8 =	sor.u32 s8, s9;
	s9 =	sand.u32 $0x380, s7;
	[tilespmem:s4+$0x14020] =	vst v2;
	v0 =	vadd.f32 v3, v0;
	v2 =	vld [tilespmem:s4+$0x14060]  }
0xfd: {  	s8 =	sor.u32 s9, s8;
	v3 =	vld [tilespmem:s4+$0x60]  }
0xfe: {  	v7 =	vld [tilespmem:s8+$0x14070];
	[tilespmem:s4+$0x14030] =	vst v0;
	v0 =	vadd.f32 v4, v1  }
0xff: {  	v1 =	vld [tilespmem:s8+$0x70]  }
0x100: {  	v4 =	vld [tilespmem:s8+$0x14000];
	[tilespmem:s4+$0x14040] =	vst v0;
	v0 =	vadd.f32 v6, v5  }
0x101: {  	v6 =	vld [tilespmem:s8+$0x0]  }
0x102: {  	v8 =	vld [tilespmem:s8+$0x14010];
	[tilespmem:s4+$0x14050] =	vst v0;
	v0 =	vadd.f32 v3, v2  }
0x103: {  	v9 =	vld [tilespmem:s8+$0x10]  }
0x104: {  	v2 =	vld [tilespmem:s8+$0x14020];
	v1 =	vadd.f32 v1, v7;
	[tilespmem:s4+$0x14060] =	vst v0;
	s4 =	smov.u32 s8  }
.Ltmp3:
0x105: {  	v5 =	vld [tilespmem:s4+$0x20];
	(pc) =	sbr.rel @p0 .LBB2_8-.Ltmp3, $4  }
0x106: {  	v4 =	vadd.f32 v6, v4;
	v0 =	vld [tilespmem:s4+$0x14030];
	[tilespmem:s4+$0x14070] =	vst v1  }
0x107: {  	v3 =	vld [tilespmem:s4+$0x30]  }
0x108: {  	[tilespmem:s4+$0x14000] =	vst v4;
	v6 =	vadd.f32 v9, v8;
	v1 =	vld [tilespmem:s4+$0x14040]  }
0x109: {  	v4 =	vld [tilespmem:s4+$0x40]  }
0x10a: {  	v7 =	vld [tilespmem:s4+$0x14050]  }
0x10b: {  	v8 =	vld [tilespmem:s4+$0x50]  }
0x10c: {  	v9 =	vld [tilespmem:s4+$0x14060]  }
0x10d: {  	v10 =	vld [tilespmem:s4+$0x60]  }
0x10e: {  	v2 =	vadd.f32 v5, v2  }
0x10f: {  	[tilespmem:s4+$0x14010] =	vst v6;
	v0 =	vadd.f32 v3, v0  }
0x110: {  	[tilespmem:s4+$0x14020] =	vst v2;
	v1 =	vadd.f32 v4, v1  }
0x111: {  	[tilespmem:s4+$0x14030] =	vst v0;
	v0 =	vadd.f32 v8, v7  }
0x112: {  	[tilespmem:s4+$0x14040] =	vst v1;
	v1 =	vadd.f32 v10, v9  }
0x113: {  	[tilespmem:s4+$0x14050] =	vst v0  }
0x114: {  	[tilespmem:s4+$0x14060] =	vst v1  }
0x115: {  	s4 =	simm.s32 $0x0;
	s5 =	rddreg [dreg:$0xd]  }
0x116: {  	[hbm4b:s5+s4] =	stream.linear.scatter [tilespmem:s20], [sflag:$0xB], $0x4000, $0x38;
	[tilespmem:$0x1C000] =	vst v63  }
0x117: {  	_ =	swait.ge [sflag:s29], $0x4000  }
0x118: {  	[sflag:s29] =	ssyncset.done $0x0  }
0x119: {  	s6 =	rddreg [dreg:$0xe];
	[sflag:s29] =	ssyncadd.s32 $0xFFFFC000  }
0x11a: {  	[tilespmem:s4], [sflag:$0x1] =	stream.linear.gather [hbm4b:s6+s4], $0x4000, $0x38;
	[tilespmem:$0x1C000] =	vst v63  }
0x11b: {  	_ =	swait.ge [sflag:s30], $0x4000  }
0x11c: {  	[sflag:s30] =	ssyncset.done $0x0  }
0x11d: {  	s6 =	simm.s32 $0x0;
	s7 =	rddreg [dreg:$0xf];
	[sflag:s30] =	ssyncadd.s32 $0xFFFFC000  }
0x11e: {  	[tilespmem:s17], [sflag:$0x5] =	stream.linear.gather [hbm4b:s7+s4], $0x4000, $0x38;
	[tilespmem:$0x1C000] =	vst v63  }
0x11f: {  	s8 =	sand.u32 $0x2000, s6;
	s7 =	sand.u32 $0x1C00, s4;
	_ =	swait.ge [sflag:s31], $0x4000  }
0x120: {  	s9 =	sand.u32 $0x380, s4;
	s5 =	sor.u32 s8, s7;
	[sflag:s31] =	ssyncset.done $0x0  }
0x121: {  	s5 =	sor.u32 s9, s5;
	[sflag:s31] =	ssyncadd.s32 $0xFFFFC000  }
0x122: {  	v0 =	vld [tilespmem:s5+$0x18070]  }
0x123: {  	v1 =	vld [tilespmem:s5+$0x4070]  }
0x124: {  	v3 =	vld [tilespmem:s5+$0x18000]  }
0x125: {  	v4 =	vld [tilespmem:s5+$0x4000]  }
0x126: {  	v6 =	vld [tilespmem:s5+$0x18010]  }
0x127: {  	v7 =	vld [tilespmem:s5+$0x4010]  }
0x128: {  	v2 =	vld [tilespmem:s5+$0x18020]  }
0x129: {  	v5 =	vld [tilespmem:s5+$0x4020]  }
0x12a: {  	v1 =	vadd.f32 v1, v0;
	v0 =	vld [tilespmem:s5+$0x18030]  }
0x12b: {  	v4 =	vadd.f32 v4, v3;
	v3 =	vld [tilespmem:s5+$0x4030]  }
0x12c: {  	v6 =	vadd.f32 v7, v6;
	[tilespmem:s5+$0x18070] =	vst v1;
	v1 =	vld [tilespmem:s5+$0x18040]  }
0x12d: {  	s7 =	simm.s32 $0x0;
	[tilespmem:s5+$0x18000] =	vst v4;
	v4 =	vld [tilespmem:s5+$0x4040]  }
.LBB2_10:
0x12e: {  	s6 =	sadd.s32 $0x80, s6;
	[tilespmem:s5+$0x18010] =	vst v6;
	v2 =	vadd.f32 v5, v2;
	v5 =	vld [tilespmem:s5+$0x18050];
	s4 =	sadd.s32 $0x400, s4  }
0x12f: {  	s7 =	sadd.s32 $0x10, s7;
	s8 =	sand.u32 $0x2000, s6;
	s9 =	sand.u32 $0x1C00, s4;
	v6 =	vld [tilespmem:s5+$0x4050]  }
0x130: {  	p0 =	slt.u32 s6, $0x3F80;
	s8 =	sor.u32 s8, s9;
	s9 =	sand.u32 $0x380, s7;
	[tilespmem:s5+$0x18020] =	vst v2;
	v0 =	vadd.f32 v3, v0;
	v2 =	vld [tilespmem:s5+$0x18060]  }
0x131: {  	s8 =	sor.u32 s9, s8;
	v3 =	vld [tilespmem:s5+$0x4060]  }
0x132: {  	v7 =	vld [tilespmem:s8+$0x18070];
	[tilespmem:s5+$0x18030] =	vst v0;
	v0 =	vadd.f32 v4, v1  }
0x133: {  	v1 =	vld [tilespmem:s8+$0x4070]  }
0x134: {  	v4 =	vld [tilespmem:s8+$0x18000];
	[tilespmem:s5+$0x18040] =	vst v0;
	v0 =	vadd.f32 v6, v5  }
0x135: {  	v6 =	vld [tilespmem:s8+$0x4000]  }
0x136: {  	v8 =	vld [tilespmem:s8+$0x18010];
	[tilespmem:s5+$0x18050] =	vst v0;
	v0 =	vadd.f32 v3, v2  }
0x137: {  	v9 =	vld [tilespmem:s8+$0x4010]  }
0x138: {  	v2 =	vld [tilespmem:s8+$0x18020];
	v1 =	vadd.f32 v1, v7;
	[tilespmem:s5+$0x18060] =	vst v0;
	s5 =	smov.u32 s8  }
.Ltmp4:
0x139: {  	v5 =	vld [tilespmem:s5+$0x4020];
	(pc) =	sbr.rel @p0 .LBB2_10-.Ltmp4, $4  }
0x13a: {  	v4 =	vadd.f32 v6, v4;
	v0 =	vld [tilespmem:s5+$0x18030];
	[tilespmem:s5+$0x18070] =	vst v1  }
0x13b: {  	v3 =	vld [tilespmem:s5+$0x4030]  }
0x13c: {  	[tilespmem:s5+$0x18000] =	vst v4;
	v6 =	vadd.f32 v9, v8;
	v1 =	vld [tilespmem:s5+$0x18040]  }
0x13d: {  	v4 =	vld [tilespmem:s5+$0x4040]  }
0x13e: {  	v7 =	vld [tilespmem:s5+$0x18050]  }
0x13f: {  	v8 =	vld [tilespmem:s5+$0x4050]  }
0x140: {  	v9 =	vld [tilespmem:s5+$0x18060]  }
0x141: {  	v10 =	vld [tilespmem:s5+$0x4060]  }
0x142: {  	v2 =	vadd.f32 v5, v2  }
0x143: {  	[tilespmem:s5+$0x18010] =	vst v6;
	v0 =	vadd.f32 v3, v0  }
0x144: {  	[tilespmem:s5+$0x18020] =	vst v2;
	v1 =	vadd.f32 v4, v1  }
0x145: {  	[tilespmem:s5+$0x18030] =	vst v0;
	v0 =	vadd.f32 v8, v7  }
0x146: {  	[tilespmem:s5+$0x18040] =	vst v1;
	v1 =	vadd.f32 v10, v9  }
0x147: {  	[tilespmem:s5+$0x18050] =	vst v0  }
0x148: {  	[tilespmem:s5+$0x18060] =	vst v1  }
0x149: {  	s5 =	simm.s32 $0x0;
	s4 =	rddreg [dreg:$0x10]  }
0x14a: {  	[hbm4b:s4+s5] =	stream.linear.scatter [tilespmem:s22], [sflag:$0xC], $0x4000, $0x38;
	[tilespmem:$0x1C000] =	vst v63  }
0x14b: {  	_ =	swait.ge [sflag:s0], $0x4000  }
0x14c: {  	[sflag:s0] =	ssyncset.done $0x0  }
0x14d: {  	s6 =	simm.s32 $0x0;
	s7 =	rddreg [dreg:$0x11];
	[sflag:s0] =	ssyncadd.s32 $0xFFFFC000  }
0x14e: {  	[tilespmem:s20], [sflag:$0x6] =	stream.linear.gather [hbm4b:s7+s5], $0x4000, $0x38;
	[tilespmem:$0x1C000] =	vst v63  }
0x14f: {  	s8 =	sand.u32 $0x2000, s6;
	s7 =	sand.u32 $0x1C00, s5;
	_ =	swait.ge [sflag:s21], $0x4000  }
0x150: {  	s9 =	sand.u32 $0x380, s5;
	s4 =	sor.u32 s8, s7;
	[sflag:s21] =	ssyncset.done $0x0  }
0x151: {  	s4 =	sor.u32 s9, s4;
	[sflag:s21] =	ssyncadd.s32 $0xFFFFC000  }
0x152: {  	v0 =	vld [tilespmem:s4+$0x8070]  }
0x153: {  	v1 =	vld [tilespmem:s4+$0x4070]  }
0x154: {  	v3 =	vld [tilespmem:s4+$0x8000]  }
0x155: {  	v4 =	vld [tilespmem:s4+$0x4000]  }
0x156: {  	v6 =	vld [tilespmem:s4+$0x8010]  }
0x157: {  	v7 =	vld [tilespmem:s4+$0x4010]  }
0x158: {  	v2 =	vld [tilespmem:s4+$0x8020]  }
0x159: {  	v5 =	vld [tilespmem:s4+$0x4020]  }
0x15a: {  	v1 =	vadd.f32 v1, v0;
	v0 =	vld [tilespmem:s4+$0x8030]  }
0x15b: {  	v4 =	vadd.f32 v4, v3;
	v3 =	vld [tilespmem:s4+$0x4030]  }
0x15c: {  	v6 =	vadd.f32 v7, v6;
	[tilespmem:s4+$0x8070] =	vst v1;
	v1 =	vld [tilespmem:s4+$0x8040]  }
0x15d: {  	s7 =	simm.s32 $0x0;
	[tilespmem:s4+$0x8000] =	vst v4;
	v4 =	vld [tilespmem:s4+$0x4040]  }
.LBB2_12:
0x15e: {  	s6 =	sadd.s32 $0x80, s6;
	[tilespmem:s4+$0x8010] =	vst v6;
	v2 =	vadd.f32 v5, v2;
	v5 =	vld [tilespmem:s4+$0x8050];
	s5 =	sadd.s32 $0x400, s5  }
0x15f: {  	s7 =	sadd.s32 $0x10, s7;
	s8 =	sand.u32 $0x2000, s6;
	s9 =	sand.u32 $0x1C00, s5;
	v6 =	vld [tilespmem:s4+$0x4050]  }
0x160: {  	p0 =	slt.u32 s6, $0x3F80;
	s8 =	sor.u32 s8, s9;
	s9 =	sand.u32 $0x380, s7;
	[tilespmem:s4+$0x8020] =	vst v2;
	v0 =	vadd.f32 v3, v0;
	v2 =	vld [tilespmem:s4+$0x8060]  }
0x161: {  	s8 =	sor.u32 s9, s8;
	v3 =	vld [tilespmem:s4+$0x4060]  }
0x162: {  	v7 =	vld [tilespmem:s8+$0x8070];
	[tilespmem:s4+$0x8030] =	vst v0;
	v0 =	vadd.f32 v4, v1  }
0x163: {  	v1 =	vld [tilespmem:s8+$0x4070]  }
0x164: {  	v4 =	vld [tilespmem:s8+$0x8000];
	[tilespmem:s4+$0x8040] =	vst v0;
	v0 =	vadd.f32 v6, v5  }
0x165: {  	v6 =	vld [tilespmem:s8+$0x4000]  }
0x166: {  	v8 =	vld [tilespmem:s8+$0x8010];
	[tilespmem:s4+$0x8050] =	vst v0;
	v0 =	vadd.f32 v3, v2  }
0x167: {  	v9 =	vld [tilespmem:s8+$0x4010]  }
0x168: {  	v2 =	vld [tilespmem:s8+$0x8020];
	v1 =	vadd.f32 v1, v7;
	[tilespmem:s4+$0x8060] =	vst v0;
	s4 =	smov.u32 s8  }
.Ltmp5:
0x169: {  	v5 =	vld [tilespmem:s4+$0x4020];
	(pc) =	sbr.rel @p0 .LBB2_12-.Ltmp5, $4  }
0x16a: {  	v4 =	vadd.f32 v6, v4;
	v0 =	vld [tilespmem:s4+$0x8030];
	[tilespmem:s4+$0x8070] =	vst v1  }
0x16b: {  	v3 =	vld [tilespmem:s4+$0x4030]  }
0x16c: {  	[tilespmem:s4+$0x8000] =	vst v4;
	v6 =	vadd.f32 v9, v8;
	v1 =	vld [tilespmem:s4+$0x8040]  }
0x16d: {  	v4 =	vld [tilespmem:s4+$0x4040]  }
0x16e: {  	v7 =	vld [tilespmem:s4+$0x8050]  }
0x16f: {  	v8 =	vld [tilespmem:s4+$0x4050]  }
0x170: {  	v9 =	vld [tilespmem:s4+$0x8060]  }
0x171: {  	v10 =	vld [tilespmem:s4+$0x4060]  }
0x172: {  	v2 =	vadd.f32 v5, v2  }
0x173: {  	[tilespmem:s4+$0x8010] =	vst v6;
	v0 =	vadd.f32 v3, v0  }
0x174: {  	[tilespmem:s4+$0x8020] =	vst v2;
	v1 =	vadd.f32 v4, v1  }
0x175: {  	[tilespmem:s4+$0x8030] =	vst v0;
	v0 =	vadd.f32 v8, v7  }
0x176: {  	[tilespmem:s4+$0x8040] =	vst v1;
	v1 =	vadd.f32 v10, v9  }
0x177: {  	[tilespmem:s4+$0x8050] =	vst v0  }
0x178: {  	[tilespmem:s4+$0x8060] =	vst v1  }
0x179: {  	s5 =	simm.s32 $0x0;
	s4 =	rddreg [dreg:$0x12]  }
0x17a: {  	[hbm4b:s4+s5] =	stream.linear.scatter [tilespmem:s15], [sflag:$0x8], $0x4000, $0x38;
	[tilespmem:$0x1C000] =	vst v63  }
0x17b: {  	_ =	swait.ge [sflag:s2], $0x4000  }
0x17c: {  	[sflag:s2] =	ssyncset.done $0x0  }
0x17d: {  	s6 =	simm.s32 $0x0;
	s7 =	rddreg [dreg:$0x16];
	[sflag:s2] =	ssyncadd.s32 $0xFFFFC000  }
0x17e: {  	[tilespmem:s22], [sflag:$0x7] =	stream.linear.gather [hbm4b:s7+s5], $0x4000, $0x38;
	[tilespmem:$0x1C000] =	vst v63  }
0x17f: {  	s8 =	sand.u32 $0x2000, s6;
	s7 =	sand.u32 $0x1C00, s5;
	_ =	swait.ge [sflag:s23], $0x4000  }
0x180: {  	s9 =	sand.u32 $0x380, s5;
	s4 =	sor.u32 s8, s7;
	[sflag:s23] =	ssyncset.done $0x0  }
0x181: {  	s4 =	sor.u32 s9, s4;
	[sflag:s23] =	ssyncadd.s32 $0xFFFFC000  }
0x182: {  	v0 =	vld [tilespmem:s4+$0xC070]  }
0x183: {  	v1 =	vld [tilespmem:s4+$0x4070]  }
0x184: {  	v3 =	vld [tilespmem:s4+$0xC000]  }
0x185: {  	v4 =	vld [tilespmem:s4+$0x4000]  }
0x186: {  	v6 =	vld [tilespmem:s4+$0xC010]  }
0x187: {  	v7 =	vld [tilespmem:s4+$0x4010]  }
0x188: {  	v2 =	vld [tilespmem:s4+$0xC020]  }
0x189: {  	v5 =	vld [tilespmem:s4+$0x4020]  }
0x18a: {  	v1 =	vadd.f32 v1, v0;
	v0 =	vld [tilespmem:s4+$0xC030]  }
0x18b: {  	v4 =	vadd.f32 v4, v3;
	v3 =	vld [tilespmem:s4+$0x4030]  }
0x18c: {  	v6 =	vadd.f32 v7, v6;
	[tilespmem:s4+$0xC070] =	vst v1;
	v1 =	vld [tilespmem:s4+$0xC040]  }
0x18d: {  	s7 =	simm.s32 $0x0;
	[tilespmem:s4+$0xC000] =	vst v4;
	v4 =	vld [tilespmem:s4+$0x4040]  }
.LBB2_14:
0x18e: {  	s6 =	sadd.s32 $0x80, s6;
	[tilespmem:s4+$0xC010] =	vst v6;
	v2 =	vadd.f32 v5, v2;
	v5 =	vld [tilespmem:s4+$0xC050];
	s5 =	sadd.s32 $0x400, s5  }
0x18f: {  	s7 =	sadd.s32 $0x10, s7;
	s8 =	sand.u32 $0x2000, s6;
	s9 =	sand.u32 $0x1C00, s5;
	v6 =	vld [tilespmem:s4+$0x4050]  }
0x190: {  	p0 =	slt.u32 s6, $0x3F80;
	s8 =	sor.u32 s8, s9;
	s9 =	sand.u32 $0x380, s7;
	[tilespmem:s4+$0xC020] =	vst v2;
	v0 =	vadd.f32 v3, v0;
	v2 =	vld [tilespmem:s4+$0xC060]  }
0x191: {  	s8 =	sor.u32 s9, s8;
	v3 =	vld [tilespmem:s4+$0x4060]  }
0x192: {  	v7 =	vld [tilespmem:s8+$0xC070];
	[tilespmem:s4+$0xC030] =	vst v0;
	v0 =	vadd.f32 v4, v1  }
0x193: {  	v1 =	vld [tilespmem:s8+$0x4070]  }
0x194: {  	v4 =	vld [tilespmem:s8+$0xC000];
	[tilespmem:s4+$0xC040] =	vst v0;
	v0 =	vadd.f32 v6, v5  }
0x195: {  	v6 =	vld [tilespmem:s8+$0x4000]  }
0x196: {  	v8 =	vld [tilespmem:s8+$0xC010];
	[tilespmem:s4+$0xC050] =	vst v0;
	v0 =	vadd.f32 v3, v2  }
0x197: {  	v9 =	vld [tilespmem:s8+$0x4010]  }
0x198: {  	v2 =	vld [tilespmem:s8+$0xC020];
	v1 =	vadd.f32 v1, v7;
	[tilespmem:s4+$0xC060] =	vst v0;
	s4 =	smov.u32 s8  }
.Ltmp6:
0x199: {  	v5 =	vld [tilespmem:s4+$0x4020];
	(pc) =	sbr.rel @p0 .LBB2_14-.Ltmp6, $4  }
0x19a: {  	v4 =	vadd.f32 v6, v4;
	v0 =	vld [tilespmem:s4+$0xC030];
	[tilespmem:s4+$0xC070] =	vst v1  }
0x19b: {  	v3 =	vld [tilespmem:s4+$0x4030]  }
0x19c: {  	[tilespmem:s4+$0xC000] =	vst v4;
	v6 =	vadd.f32 v9, v8;
	v1 =	vld [tilespmem:s4+$0xC040]  }
0x19d: {  	v4 =	vld [tilespmem:s4+$0x4040]  }
0x19e: {  	v7 =	vld [tilespmem:s4+$0xC050]  }
0x19f: {  	v8 =	vld [tilespmem:s4+$0x4050]  }
0x1a0: {  	v9 =	vld [tilespmem:s4+$0xC060]  }
0x1a1: {  	v10 =	vld [tilespmem:s4+$0x4060]  }
0x1a2: {  	v2 =	vadd.f32 v5, v2  }
0x1a3: {  	[tilespmem:s4+$0xC010] =	vst v6;
	v0 =	vadd.f32 v3, v0  }
0x1a4: {  	[tilespmem:s4+$0xC020] =	vst v2;
	v1 =	vadd.f32 v4, v1  }
0x1a5: {  	[tilespmem:s4+$0xC030] =	vst v0;
	v0 =	vadd.f32 v8, v7  }
0x1a6: {  	[tilespmem:s4+$0xC040] =	vst v1;
	v1 =	vadd.f32 v10, v9  }
0x1a7: {  	[tilespmem:s4+$0xC050] =	vst v0  }
0x1a8: {  	[tilespmem:s4+$0xC060] =	vst v1  }
0x1a9: {  	s5 =	simm.s32 $0x0;
	s4 =	rddreg [dreg:$0x13]  }
0x1aa: {  	[hbm4b:s4+s5] =	stream.linear.scatter [tilespmem:s16], [sflag:$0x9], $0x4000, $0x38;
	[tilespmem:$0x1C000] =	vst v63  }
0x1ab: {  	_ =	swait.ge [sflag:s24], $0x4000  }
0x1ac: {  	[sflag:s24] =	ssyncset.done $0x0  }
0x1ad: {  	s6 =	simm.s32 $0x0;
	s7 =	rddreg [dreg:$0x18];
	[sflag:s24] =	ssyncadd.s32 $0xFFFFC000  }
0x1ae: {  	[tilespmem:s15], [sflag:$0x3] =	stream.linear.gather [hbm4b:s7+s5], $0x4000, $0x38;
	[tilespmem:$0x1C000] =	vst v63  }
0x1af: {  	s8 =	sand.u32 $0x2000, s6;
	s7 =	sand.u32 $0x1C00, s5;
	_ =	swait.ge [sflag:s25], $0x4000  }
0x1b0: {  	s9 =	sand.u32 $0x380, s5;
	s4 =	sor.u32 s8, s7;
	[sflag:s25] =	ssyncset.done $0x0  }
0x1b1: {  	s4 =	sor.u32 s9, s4;
	[sflag:s25] =	ssyncadd.s32 $0xFFFFC000  }
0x1b2: {  	v0 =	vld [tilespmem:s4+$0x10070]  }
0x1b3: {  	v1 =	vld [tilespmem:s4+$0x4070]  }
0x1b4: {  	v3 =	vld [tilespmem:s4+$0x10000]  }
0x1b5: {  	v4 =	vld [tilespmem:s4+$0x4000]  }
0x1b6: {  	v6 =	vld [tilespmem:s4+$0x10010]  }
0x1b7: {  	v7 =	vld [tilespmem:s4+$0x4010]  }
0x1b8: {  	v2 =	vld [tilespmem:s4+$0x10020]  }
0x1b9: {  	v5 =	vld [tilespmem:s4+$0x4020]  }
0x1ba: {  	v1 =	vadd.f32 v1, v0;
	v0 =	vld [tilespmem:s4+$0x10030]  }
0x1bb: {  	v4 =	vadd.f32 v4, v3;
	v3 =	vld [tilespmem:s4+$0x4030]  }
0x1bc: {  	v6 =	vadd.f32 v7, v6;
	[tilespmem:s4+$0x10070] =	vst v1;
	v1 =	vld [tilespmem:s4+$0x10040]  }
0x1bd: {  	s7 =	simm.s32 $0x0;
	[tilespmem:s4+$0x10000] =	vst v4;
	v4 =	vld [tilespmem:s4+$0x4040]  }
.LBB2_16:
0x1be: {  	s6 =	sadd.s32 $0x80, s6;
	[tilespmem:s4+$0x10010] =	vst v6;
	v2 =	vadd.f32 v5, v2;
	v5 =	vld [tilespmem:s4+$0x10050];
	s5 =	sadd.s32 $0x400, s5  }
0x1bf: {  	s7 =	sadd.s32 $0x10, s7;
	s8 =	sand.u32 $0x2000, s6;
	s9 =	sand.u32 $0x1C00, s5;
	v6 =	vld [tilespmem:s4+$0x4050]  }
0x1c0: {  	p0 =	slt.u32 s6, $0x3F80;
	s8 =	sor.u32 s8, s9;
	s9 =	sand.u32 $0x380, s7;
	[tilespmem:s4+$0x10020] =	vst v2;
	v0 =	vadd.f32 v3, v0;
	v2 =	vld [tilespmem:s4+$0x10060]  }
0x1c1: {  	s8 =	sor.u32 s9, s8;
	v3 =	vld [tilespmem:s4+$0x4060]  }
0x1c2: {  	v7 =	vld [tilespmem:s8+$0x10070];
	[tilespmem:s4+$0x10030] =	vst v0;
	v0 =	vadd.f32 v4, v1  }
0x1c3: {  	v1 =	vld [tilespmem:s8+$0x4070]  }
0x1c4: {  	v4 =	vld [tilespmem:s8+$0x10000];
	[tilespmem:s4+$0x10040] =	vst v0;
	v0 =	vadd.f32 v6, v5  }
0x1c5: {  	v6 =	vld [tilespmem:s8+$0x4000]  }
0x1c6: {  	v8 =	vld [tilespmem:s8+$0x10010];
	[tilespmem:s4+$0x10050] =	vst v0;
	v0 =	vadd.f32 v3, v2  }
0x1c7: {  	v9 =	vld [tilespmem:s8+$0x4010]  }
0x1c8: {  	v2 =	vld [tilespmem:s8+$0x10020];
	v1 =	vadd.f32 v1, v7;
	[tilespmem:s4+$0x10060] =	vst v0;
	s4 =	smov.u32 s8  }
.Ltmp7:
0x1c9: {  	v5 =	vld [tilespmem:s4+$0x4020];
	(pc) =	sbr.rel @p0 .LBB2_16-.Ltmp7, $4  }
0x1ca: {  	v4 =	vadd.f32 v6, v4;
	v0 =	vld [tilespmem:s4+$0x10030];
	[tilespmem:s4+$0x10070] =	vst v1  }
0x1cb: {  	v3 =	vld [tilespmem:s4+$0x4030]  }
0x1cc: {  	[tilespmem:s4+$0x10000] =	vst v4;
	v6 =	vadd.f32 v9, v8;
	v1 =	vld [tilespmem:s4+$0x10040]  }
0x1cd: {  	v4 =	vld [tilespmem:s4+$0x4040]  }
0x1ce: {  	v7 =	vld [tilespmem:s4+$0x10050]  }
0x1cf: {  	v8 =	vld [tilespmem:s4+$0x4050]  }
0x1d0: {  	v9 =	vld [tilespmem:s4+$0x10060]  }
0x1d1: {  	v10 =	vld [tilespmem:s4+$0x4060]  }
0x1d2: {  	v2 =	vadd.f32 v5, v2  }
0x1d3: {  	[tilespmem:s4+$0x10010] =	vst v6;
	v0 =	vadd.f32 v3, v0  }
0x1d4: {  	[tilespmem:s4+$0x10020] =	vst v2;
	v1 =	vadd.f32 v4, v1  }
0x1d5: {  	[tilespmem:s4+$0x10030] =	vst v0;
	v0 =	vadd.f32 v8, v7  }
0x1d6: {  	[tilespmem:s4+$0x10040] =	vst v1;
	v1 =	vadd.f32 v10, v9  }
0x1d7: {  	[tilespmem:s4+$0x10050] =	vst v0  }
0x1d8: {  	[tilespmem:s4+$0x10060] =	vst v1  }
0x1d9: {  	s4 =	simm.s32 $0x0;
	s5 =	rddreg [dreg:$0x14]  }
0x1da: {  	[hbm4b:s5+s4] =	stream.linear.scatter [tilespmem:s17], [sflag:$0xA], $0x4000, $0x38;
	[tilespmem:$0x1C000] =	vst v63  }
0x1db: {  	_ =	swait.ge [sflag:s18], $0x4000  }
0x1dc: {  	[sflag:s18] =	ssyncset.done $0x0  }
0x1dd: {  	s6 =	rddreg [dreg:$0x1c];
	[sflag:s18] =	ssyncadd.s32 $0xFFFFC000  }
0x1de: {  	[tilespmem:s19], [sflag:$0x2] =	stream.linear.gather [hbm4b:s6+s4], $0x4000, $0x38;
	[tilespmem:$0x1C000] =	vst v63  }
0x1df: {  	_ =	swait.ge [sflag:s26], $0x4000  }
0x1e0: {  	[sflag:s26] =	ssyncset.done $0x0  }
0x1e1: {  	s6 =	simm.s32 $0x0;
	s7 =	rddreg [dreg:$0x1a];
	[sflag:s26] =	ssyncadd.s32 $0xFFFFC000  }
0x1e2: {  	[tilespmem:s16], [sflag:$0x4] =	stream.linear.gather [hbm4b:s7+s4], $0x4000, $0x38;
	[tilespmem:$0x1C000] =	vst v63  }
0x1e3: {  	s8 =	sand.u32 $0x2000, s6;
	s7 =	sand.u32 $0x1C00, s4;
	_ =	swait.ge [sflag:s28], $0x4000  }
0x1e4: {  	s9 =	sand.u32 $0x380, s4;
	s5 =	sor.u32 s8, s7;
	[sflag:s28] =	ssyncset.done $0x0  }
0x1e5: {  	s5 =	sor.u32 s9, s5;
	[sflag:s28] =	ssyncadd.s32 $0xFFFFC000  }
0x1e6: {  	v0 =	vld [tilespmem:s5+$0x14070]  }
0x1e7: {  	v1 =	vld [tilespmem:s5+$0x70]  }
0x1e8: {  	v3 =	vld [tilespmem:s5+$0x14000]  }
0x1e9: {  	v4 =	vld [tilespmem:s5+$0x0]  }
0x1ea: {  	v6 =	vld [tilespmem:s5+$0x14010]  }
0x1eb: {  	v7 =	vld [tilespmem:s5+$0x10]  }
0x1ec: {  	v2 =	vld [tilespmem:s5+$0x14020]  }
0x1ed: {  	v5 =	vld [tilespmem:s5+$0x20]  }
0x1ee: {  	v1 =	vadd.f32 v1, v0;
	v0 =	vld [tilespmem:s5+$0x14030]  }
0x1ef: {  	v4 =	vadd.f32 v4, v3;
	v3 =	vld [tilespmem:s5+$0x30]  }
0x1f0: {  	v6 =	vadd.f32 v7, v6;
	[tilespmem:s5+$0x14070] =	vst v1;
	v1 =	vld [tilespmem:s5+$0x14040]  }
0x1f1: {  	s7 =	simm.s32 $0x0;
	[tilespmem:s5+$0x14000] =	vst v4;
	v4 =	vld [tilespmem:s5+$0x40]  }
.LBB2_18:
0x1f2: {  	s6 =	sadd.s32 $0x80, s6;
	[tilespmem:s5+$0x14010] =	vst v6;
	v2 =	vadd.f32 v5, v2;
	v5 =	vld [tilespmem:s5+$0x14050];
	s4 =	sadd.s32 $0x400, s4  }
0x1f3: {  	s7 =	sadd.s32 $0x10, s7;
	s8 =	sand.u32 $0x2000, s6;
	s9 =	sand.u32 $0x1C00, s4;
	v6 =	vld [tilespmem:s5+$0x50]  }
0x1f4: {  	p0 =	slt.u32 s6, $0x3F80;
	s8 =	sor.u32 s8, s9;
	s9 =	sand.u32 $0x380, s7;
	[tilespmem:s5+$0x14020] =	vst v2;
	v0 =	vadd.f32 v3, v0;
	v2 =	vld [tilespmem:s5+$0x14060]  }
0x1f5: {  	s8 =	sor.u32 s9, s8;
	v3 =	vld [tilespmem:s5+$0x60]  }
0x1f6: {  	v7 =	vld [tilespmem:s8+$0x14070];
	[tilespmem:s5+$0x14030] =	vst v0;
	v0 =	vadd.f32 v4, v1  }
0x1f7: {  	v1 =	vld [tilespmem:s8+$0x70]  }
0x1f8: {  	v4 =	vld [tilespmem:s8+$0x14000];
	[tilespmem:s5+$0x14040] =	vst v0;
	v0 =	vadd.f32 v6, v5  }
0x1f9: {  	v6 =	vld [tilespmem:s8+$0x0]  }
0x1fa: {  	v8 =	vld [tilespmem:s8+$0x14010];
	[tilespmem:s5+$0x14050] =	vst v0;
	v0 =	vadd.f32 v3, v2  }
0x1fb: {  	v9 =	vld [tilespmem:s8+$0x10]  }
0x1fc: {  	v2 =	vld [tilespmem:s8+$0x14020];
	v1 =	vadd.f32 v1, v7;
	[tilespmem:s5+$0x14060] =	vst v0;
	s5 =	smov.u32 s8  }
.Ltmp8:
0x1fd: {  	v5 =	vld [tilespmem:s5+$0x20];
	(pc) =	sbr.rel @p0 .LBB2_18-.Ltmp8, $4  }
0x1fe: {  	v4 =	vadd.f32 v6, v4;
	v0 =	vld [tilespmem:s5+$0x14030];
	[tilespmem:s5+$0x14070] =	vst v1  }
0x1ff: {  	v3 =	vld [tilespmem:s5+$0x30]  }
0x200: {  	[tilespmem:s5+$0x14000] =	vst v4;
	v6 =	vadd.f32 v9, v8;
	v1 =	vld [tilespmem:s5+$0x14040]  }
0x201: {  	v4 =	vld [tilespmem:s5+$0x40]  }
0x202: {  	v7 =	vld [tilespmem:s5+$0x14050]  }
0x203: {  	v8 =	vld [tilespmem:s5+$0x50]  }
0x204: {  	v9 =	vld [tilespmem:s5+$0x14060]  }
0x205: {  	v10 =	vld [tilespmem:s5+$0x60]  }
0x206: {  	v2 =	vadd.f32 v5, v2  }
0x207: {  	[tilespmem:s5+$0x14010] =	vst v6;
	v0 =	vadd.f32 v3, v0  }
0x208: {  	[tilespmem:s5+$0x14020] =	vst v2;
	v1 =	vadd.f32 v4, v1  }
0x209: {  	[tilespmem:s5+$0x14030] =	vst v0;
	v0 =	vadd.f32 v8, v7  }
0x20a: {  	[tilespmem:s5+$0x14040] =	vst v1;
	v1 =	vadd.f32 v10, v9  }
0x20b: {  	[tilespmem:s5+$0x14050] =	vst v0  }
0x20c: {  	[tilespmem:s5+$0x14060] =	vst v1  }
0x20d: {  	s5 =	simm.s32 $0x0;
	s4 =	rddreg [dreg:$0x15]  }
0x20e: {  	[hbm4b:s4+s5] =	stream.linear.scatter [tilespmem:s20], [sflag:$0xB], $0x4000, $0x38;
	[tilespmem:$0x1C000] =	vst v63  }
0x20f: {  	_ =	swait.ge [sflag:s30], $0x4000  }
0x210: {  	[sflag:s30] =	ssyncset.done $0x0  }
0x211: {  	s6 =	simm.s32 $0x0;
	s7 =	rddreg [dreg:$0x1d];
	[sflag:s30] =	ssyncadd.s32 $0xFFFFC000  }
0x212: {  	[tilespmem:s17], [sflag:$0x5] =	stream.linear.gather [hbm4b:s7+s5], $0x4000, $0x38;
	[tilespmem:$0x1C000] =	vst v63  }
0x213: {  	s8 =	sand.u32 $0x2000, s6;
	s7 =	sand.u32 $0x1C00, s5;
	_ =	swait.ge [sflag:s31], $0x4000  }
0x214: {  	s9 =	sand.u32 $0x380, s5;
	s4 =	sor.u32 s8, s7;
	[sflag:s31] =	ssyncset.done $0x0  }
0x215: {  	s4 =	sor.u32 s9, s4;
	[sflag:s31] =	ssyncadd.s32 $0xFFFFC000  }
0x216: {  	v0 =	vld [tilespmem:s4+$0x18070]  }
0x217: {  	v1 =	vld [tilespmem:s4+$0x70]  }
0x218: {  	v3 =	vld [tilespmem:s4+$0x18000]  }
0x219: {  	v4 =	vld [tilespmem:s4+$0x0]  }
0x21a: {  	v6 =	vld [tilespmem:s4+$0x18010]  }
0x21b: {  	v7 =	vld [tilespmem:s4+$0x10]  }
0x21c: {  	v2 =	vld [tilespmem:s4+$0x18020]  }
0x21d: {  	v5 =	vld [tilespmem:s4+$0x20]  }
0x21e: {  	v1 =	vadd.f32 v1, v0;
	v0 =	vld [tilespmem:s4+$0x18030]  }
0x21f: {  	v4 =	vadd.f32 v4, v3;
	v3 =	vld [tilespmem:s4+$0x30]  }
0x220: {  	v6 =	vadd.f32 v7, v6;
	[tilespmem:s4+$0x18070] =	vst v1;
	v1 =	vld [tilespmem:s4+$0x18040]  }
0x221: {  	s7 =	simm.s32 $0x0;
	[tilespmem:s4+$0x18000] =	vst v4;
	v4 =	vld [tilespmem:s4+$0x40]  }
.LBB2_20:
0x222: {  	s6 =	sadd.s32 $0x80, s6;
	[tilespmem:s4+$0x18010] =	vst v6;
	v2 =	vadd.f32 v5, v2;
	v5 =	vld [tilespmem:s4+$0x18050];
	s5 =	sadd.s32 $0x400, s5  }
0x223: {  	s7 =	sadd.s32 $0x10, s7;
	s8 =	sand.u32 $0x2000, s6;
	s9 =	sand.u32 $0x1C00, s5;
	v6 =	vld [tilespmem:s4+$0x50]  }
0x224: {  	p0 =	slt.u32 s6, $0x3F80;
	s8 =	sor.u32 s8, s9;
	s9 =	sand.u32 $0x380, s7;
	[tilespmem:s4+$0x18020] =	vst v2;
	v0 =	vadd.f32 v3, v0;
	v2 =	vld [tilespmem:s4+$0x18060]  }
0x225: {  	s8 =	sor.u32 s9, s8;
	v3 =	vld [tilespmem:s4+$0x60]  }
0x226: {  	v7 =	vld [tilespmem:s8+$0x18070];
	[tilespmem:s4+$0x18030] =	vst v0;
	v0 =	vadd.f32 v4, v1  }
0x227: {  	v1 =	vld [tilespmem:s8+$0x70]  }
0x228: {  	v4 =	vld [tilespmem:s8+$0x18000];
	[tilespmem:s4+$0x18040] =	vst v0;
	v0 =	vadd.f32 v6, v5  }
0x229: {  	v6 =	vld [tilespmem:s8+$0x0]  }
0x22a: {  	v8 =	vld [tilespmem:s8+$0x18010];
	[tilespmem:s4+$0x18050] =	vst v0;
	v0 =	vadd.f32 v3, v2  }
0x22b: {  	v9 =	vld [tilespmem:s8+$0x10]  }
0x22c: {  	v2 =	vld [tilespmem:s8+$0x18020];
	v1 =	vadd.f32 v1, v7;
	[tilespmem:s4+$0x18060] =	vst v0;
	s4 =	smov.u32 s8  }
.Ltmp9:
0x22d: {  	v5 =	vld [tilespmem:s4+$0x20];
	(pc) =	sbr.rel @p0 .LBB2_20-.Ltmp9, $4  }
0x22e: {  	v4 =	vadd.f32 v6, v4;
	v0 =	vld [tilespmem:s4+$0x18030];
	[tilespmem:s4+$0x18070] =	vst v1  }
0x22f: {  	v3 =	vld [tilespmem:s4+$0x30]  }
0x230: {  	[tilespmem:s4+$0x18000] =	vst v4;
	v6 =	vadd.f32 v9, v8;
	v1 =	vld [tilespmem:s4+$0x18040]  }
0x231: {  	v4 =	vld [tilespmem:s4+$0x40]  }
0x232: {  	v7 =	vld [tilespmem:s4+$0x18050]  }
0x233: {  	v8 =	vld [tilespmem:s4+$0x50]  }
0x234: {  	v9 =	vld [tilespmem:s4+$0x18060]  }
0x235: {  	v10 =	vld [tilespmem:s4+$0x60]  }
0x236: {  	v2 =	vadd.f32 v5, v2  }
0x237: {  	[tilespmem:s4+$0x18010] =	vst v6;
	v0 =	vadd.f32 v3, v0  }
0x238: {  	[tilespmem:s4+$0x18020] =	vst v2;
	v1 =	vadd.f32 v4, v1  }
0x239: {  	[tilespmem:s4+$0x18030] =	vst v0;
	v0 =	vadd.f32 v8, v7  }
0x23a: {  	[tilespmem:s4+$0x18040] =	vst v1;
	v1 =	vadd.f32 v10, v9  }
0x23b: {  	[tilespmem:s4+$0x18050] =	vst v0  }
0x23c: {  	[tilespmem:s4+$0x18060] =	vst v1  }
0x23d: {  	s5 =	simm.s32 $0x0;
	s4 =	rddreg [dreg:$0x17]  }
0x23e: {  	[hbm4b:s4+s5] =	stream.linear.scatter [tilespmem:s22], [sflag:$0xC], $0x4000, $0x38;
	[tilespmem:$0x1C000] =	vst v63  }
0x23f: {  	_ =	swait.ge [sflag:s0], $0x4000  }
0x240: {  	[sflag:s0] =	ssyncset.done $0x0  }
0x241: {  	s6 =	simm.s32 $0x0;
	s7 =	rddreg [dreg:$0x1f];
	[sflag:s0] =	ssyncadd.s32 $0xFFFFC000  }
0x242: {  	[tilespmem:s20], [sflag:$0x6] =	stream.linear.gather [hbm4b:s7+s5], $0x4000, $0x38;
	[tilespmem:$0x1C000] =	vst v63  }
0x243: {  	s8 =	sand.u32 $0x2000, s6;
	s7 =	sand.u32 $0x1C00, s5;
	_ =	swait.ge [sflag:s21], $0x4000  }
0x244: {  	s9 =	sand.u32 $0x380, s5;
	s4 =	sor.u32 s8, s7;
	[sflag:s21] =	ssyncset.done $0x0  }
0x245: {  	s4 =	sor.u32 s9, s4;
	[sflag:s21] =	ssyncadd.s32 $0xFFFFC000  }
0x246: {  	v0 =	vld [tilespmem:s4+$0x8070]  }
0x247: {  	v1 =	vld [tilespmem:s4+$0x70]  }
0x248: {  	v3 =	vld [tilespmem:s4+$0x8000]  }
0x249: {  	v4 =	vld [tilespmem:s4+$0x0]  }
0x24a: {  	v6 =	vld [tilespmem:s4+$0x8010]  }
0x24b: {  	v7 =	vld [tilespmem:s4+$0x10]  }
0x24c: {  	v2 =	vld [tilespmem:s4+$0x8020]  }
0x24d: {  	v5 =	vld [tilespmem:s4+$0x20]  }
0x24e: {  	v1 =	vadd.f32 v1, v0;
	v0 =	vld [tilespmem:s4+$0x8030]  }
0x24f: {  	v4 =	vadd.f32 v4, v3;
	v3 =	vld [tilespmem:s4+$0x30]  }
0x250: {  	v6 =	vadd.f32 v7, v6;
	[tilespmem:s4+$0x8070] =	vst v1;
	v1 =	vld [tilespmem:s4+$0x8040]  }
0x251: {  	s7 =	simm.s32 $0x0;
	[tilespmem:s4+$0x8000] =	vst v4;
	v4 =	vld [tilespmem:s4+$0x40]  }
.LBB2_22:
0x252: {  	s6 =	sadd.s32 $0x80, s6;
	[tilespmem:s4+$0x8010] =	vst v6;
	v2 =	vadd.f32 v5, v2;
	v5 =	vld [tilespmem:s4+$0x8050];
	s5 =	sadd.s32 $0x400, s5  }
0x253: {  	s7 =	sadd.s32 $0x10, s7;
	s8 =	sand.u32 $0x2000, s6;
	s9 =	sand.u32 $0x1C00, s5;
	v6 =	vld [tilespmem:s4+$0x50]  }
0x254: {  	p0 =	slt.u32 s6, $0x3F80;
	s8 =	sor.u32 s8, s9;
	s9 =	sand.u32 $0x380, s7;
	[tilespmem:s4+$0x8020] =	vst v2;
	v0 =	vadd.f32 v3, v0;
	v2 =	vld [tilespmem:s4+$0x8060]  }
0x255: {  	s8 =	sor.u32 s9, s8;
	v3 =	vld [tilespmem:s4+$0x60]  }
0x256: {  	v7 =	vld [tilespmem:s8+$0x8070];
	[tilespmem:s4+$0x8030] =	vst v0;
	v0 =	vadd.f32 v4, v1  }
0x257: {  	v1 =	vld [tilespmem:s8+$0x70]  }
0x258: {  	v4 =	vld [tilespmem:s8+$0x8000];
	[tilespmem:s4+$0x8040] =	vst v0;
	v0 =	vadd.f32 v6, v5  }
0x259: {  	v6 =	vld [tilespmem:s8+$0x0]  }
0x25a: {  	v8 =	vld [tilespmem:s8+$0x8010];
	[tilespmem:s4+$0x8050] =	vst v0;
	v0 =	vadd.f32 v3, v2  }
0x25b: {  	v9 =	vld [tilespmem:s8+$0x10]  }
0x25c: {  	v2 =	vld [tilespmem:s8+$0x8020];
	v1 =	vadd.f32 v1, v7;
	[tilespmem:s4+$0x8060] =	vst v0;
	s4 =	smov.u32 s8  }
.Ltmp10:
0x25d: {  	v5 =	vld [tilespmem:s4+$0x20];
	(pc) =	sbr.rel @p0 .LBB2_22-.Ltmp10, $4  }
0x25e: {  	v4 =	vadd.f32 v6, v4;
	v0 =	vld [tilespmem:s4+$0x8030];
	[tilespmem:s4+$0x8070] =	vst v1  }
0x25f: {  	v3 =	vld [tilespmem:s4+$0x30]  }
0x260: {  	[tilespmem:s4+$0x8000] =	vst v4;
	v6 =	vadd.f32 v9, v8;
	v1 =	vld [tilespmem:s4+$0x8040]  }
0x261: {  	v4 =	vld [tilespmem:s4+$0x40]  }
0x262: {  	v7 =	vld [tilespmem:s4+$0x8050]  }
0x263: {  	v8 =	vld [tilespmem:s4+$0x50]  }
0x264: {  	v9 =	vld [tilespmem:s4+$0x8060]  }
0x265: {  	v10 =	vld [tilespmem:s4+$0x60]  }
0x266: {  	v2 =	vadd.f32 v5, v2  }
0x267: {  	[tilespmem:s4+$0x8010] =	vst v6;
	v0 =	vadd.f32 v3, v0  }
0x268: {  	[tilespmem:s4+$0x8020] =	vst v2;
	v1 =	vadd.f32 v4, v1  }
0x269: {  	[tilespmem:s4+$0x8030] =	vst v0;
	v0 =	vadd.f32 v8, v7  }
0x26a: {  	[tilespmem:s4+$0x8040] =	vst v1;
	v1 =	vadd.f32 v10, v9  }
0x26b: {  	[tilespmem:s4+$0x8050] =	vst v0  }
0x26c: {  	[tilespmem:s4+$0x8060] =	vst v1  }
0x26d: {  	s5 =	simm.s32 $0x0;
	s4 =	rddreg [dreg:$0x19]  }
0x26e: {  	[hbm4b:s4+s5] =	stream.linear.scatter [tilespmem:s15], [sflag:$0x8], $0x4000, $0x38;
	[tilespmem:$0x1C000] =	vst v63  }
0x26f: {  	_ =	swait.ge [sflag:s2], $0x4000  }
0x270: {  	s7 =	sld [smem:$0x7D7]  }
0x271: {  	[sflag:s2] =	ssyncset.done $0x0  }
0x272: {  	s6 =	simm.s32 $0x0;
	[sflag:s2] =	ssyncadd.s32 $0xFFFFC000  }
0x273: {  	[tilespmem:s22], [sflag:$0x7] =	stream.linear.gather [hbm4b:s7+s5], $0x4000, $0x38;
	[tilespmem:$0x1C000] =	vst v63  }
0x274: {  	s8 =	sand.u32 $0x2000, s6;
	s7 =	sand.u32 $0x1C00, s5;
	_ =	swait.ge [sflag:s23], $0x4000  }
0x275: {  	s9 =	sand.u32 $0x380, s5;
	s4 =	sor.u32 s8, s7;
	[sflag:s23] =	ssyncset.done $0x0  }
0x276: {  	s4 =	sor.u32 s9, s4;
	[sflag:s23] =	ssyncadd.s32 $0xFFFFC000  }
0x277: {  	v0 =	vld [tilespmem:s4+$0xC070]  }
0x278: {  	v1 =	vld [tilespmem:s4+$0x70]  }
0x279: {  	v3 =	vld [tilespmem:s4+$0xC000]  }
0x27a: {  	v4 =	vld [tilespmem:s4+$0x0]  }
0x27b: {  	v6 =	vld [tilespmem:s4+$0xC010]  }
0x27c: {  	v7 =	vld [tilespmem:s4+$0x10]  }
0x27d: {  	v2 =	vld [tilespmem:s4+$0xC020]  }
0x27e: {  	v5 =	vld [tilespmem:s4+$0x20]  }
0x27f: {  	v1 =	vadd.f32 v1, v0;
	v0 =	vld [tilespmem:s4+$0xC030]  }
0x280: {  	v4 =	vadd.f32 v4, v3;
	v3 =	vld [tilespmem:s4+$0x30]  }
0x281: {  	v6 =	vadd.f32 v7, v6;
	[tilespmem:s4+$0xC070] =	vst v1;
	v1 =	vld [tilespmem:s4+$0xC040]  }
0x282: {  	s7 =	simm.s32 $0x0;
	[tilespmem:s4+$0xC000] =	vst v4;
	v4 =	vld [tilespmem:s4+$0x40]  }
.LBB2_24:
0x283: {  	s6 =	sadd.s32 $0x80, s6;
	[tilespmem:s4+$0xC010] =	vst v6;
	v2 =	vadd.f32 v5, v2;
	v5 =	vld [tilespmem:s4+$0xC050];
	s5 =	sadd.s32 $0x400, s5  }
0x284: {  	s7 =	sadd.s32 $0x10, s7;
	s8 =	sand.u32 $0x2000, s6;
	s9 =	sand.u32 $0x1C00, s5;
	v6 =	vld [tilespmem:s4+$0x50]  }
0x285: {  	p0 =	slt.u32 s6, $0x3F80;
	s8 =	sor.u32 s8, s9;
	s9 =	sand.u32 $0x380, s7;
	[tilespmem:s4+$0xC020] =	vst v2;
	v0 =	vadd.f32 v3, v0;
	v2 =	vld [tilespmem:s4+$0xC060]  }
0x286: {  	s8 =	sor.u32 s9, s8;
	v3 =	vld [tilespmem:s4+$0x60]  }
0x287: {  	v7 =	vld [tilespmem:s8+$0xC070];
	[tilespmem:s4+$0xC030] =	vst v0;
	v0 =	vadd.f32 v4, v1  }
0x288: {  	v1 =	vld [tilespmem:s8+$0x70]  }
0x289: {  	v4 =	vld [tilespmem:s8+$0xC000];
	[tilespmem:s4+$0xC040] =	vst v0;
	v0 =	vadd.f32 v6, v5  }
0x28a: {  	v6 =	vld [tilespmem:s8+$0x0]  }
0x28b: {  	v8 =	vld [tilespmem:s8+$0xC010];
	[tilespmem:s4+$0xC050] =	vst v0;
	v0 =	vadd.f32 v3, v2  }
0x28c: {  	v9 =	vld [tilespmem:s8+$0x10]  }
0x28d: {  	v2 =	vld [tilespmem:s8+$0xC020];
	v1 =	vadd.f32 v1, v7;
	[tilespmem:s4+$0xC060] =	vst v0;
	s4 =	smov.u32 s8  }
.Ltmp11:
0x28e: {  	v5 =	vld [tilespmem:s4+$0x20];
	(pc) =	sbr.rel @p0 .LBB2_24-.Ltmp11, $4  }
0x28f: {  	v4 =	vadd.f32 v6, v4;
	v0 =	vld [tilespmem:s4+$0xC030];
	[tilespmem:s4+$0xC070] =	vst v1  }
0x290: {  	v3 =	vld [tilespmem:s4+$0x30]  }
0x291: {  	[tilespmem:s4+$0xC000] =	vst v4;
	v6 =	vadd.f32 v9, v8;
	v1 =	vld [tilespmem:s4+$0xC040]  }
0x292: {  	v4 =	vld [tilespmem:s4+$0x40]  }
0x293: {  	v7 =	vld [tilespmem:s4+$0xC050]  }
0x294: {  	v8 =	vld [tilespmem:s4+$0x50]  }
0x295: {  	v9 =	vld [tilespmem:s4+$0xC060]  }
0x296: {  	v10 =	vld [tilespmem:s4+$0x60]  }
0x297: {  	v2 =	vadd.f32 v5, v2  }
0x298: {  	[tilespmem:s4+$0xC010] =	vst v6;
	v0 =	vadd.f32 v3, v0  }
0x299: {  	[tilespmem:s4+$0xC020] =	vst v2;
	v1 =	vadd.f32 v4, v1  }
0x29a: {  	[tilespmem:s4+$0xC030] =	vst v0;
	v0 =	vadd.f32 v8, v7  }
0x29b: {  	[tilespmem:s4+$0xC040] =	vst v1;
	v1 =	vadd.f32 v10, v9  }
0x29c: {  	[tilespmem:s4+$0xC050] =	vst v0  }
0x29d: {  	[tilespmem:s4+$0xC060] =	vst v1  }
0x29e: {  	s4 =	simm.s32 $0x0;
	s5 =	rddreg [dreg:$0x1b]  }
0x29f: {  	[hbm4b:s5+s4] =	stream.linear.scatter [tilespmem:s16], [sflag:$0x9], $0x4000, $0x38;
	[tilespmem:$0x1C000] =	vst v63  }
0x2a0: {  	_ =	swait.ge [sflag:s29], $0x4000  }
0x2a1: {  	s6 =	sld [smem:$0x7DB]  }
0x2a2: {  	[sflag:s29] =	ssyncset.done $0x0  }
0x2a3: {  	[sflag:s29] =	ssyncadd.s32 $0xFFFFC000  }
0x2a4: {  	[tilespmem:s4], [sflag:$0x1] =	stream.linear.gather [hbm4b:s6+s4], $0x4000, $0x38;
	[tilespmem:$0x1C000] =	vst v63  }
0x2a5: {  	_ =	swait.ge [sflag:s24], $0x4000  }
0x2a6: {  	s7 =	sld [smem:$0x7D9]  }
0x2a7: {  	[sflag:s24] =	ssyncset.done $0x0  }
0x2a8: {  	s6 =	simm.s32 $0x0;
	[sflag:s24] =	ssyncadd.s32 $0xFFFFC000  }
0x2a9: {  	[tilespmem:s15], [sflag:$0x3] =	stream.linear.gather [hbm4b:s7+s4], $0x4000, $0x38;
	[tilespmem:$0x1C000] =	vst v63  }
0x2aa: {  	s8 =	sand.u32 $0x2000, s6;
	s7 =	sand.u32 $0x1C00, s4;
	_ =	swait.ge [sflag:s25], $0x4000  }
0x2ab: {  	s9 =	sand.u32 $0x380, s4;
	s5 =	sor.u32 s8, s7;
	[sflag:s25] =	ssyncset.done $0x0  }
0x2ac: {  	s5 =	sor.u32 s9, s5;
	[sflag:s25] =	ssyncadd.s32 $0xFFFFC000  }
0x2ad: {  	v0 =	vld [tilespmem:s5+$0x10070]  }
0x2ae: {  	v1 =	vld [tilespmem:s5+$0x4070]  }
0x2af: {  	v3 =	vld [tilespmem:s5+$0x10000]  }
0x2b0: {  	v4 =	vld [tilespmem:s5+$0x4000]  }
0x2b1: {  	v6 =	vld [tilespmem:s5+$0x10010]  }
0x2b2: {  	v7 =	vld [tilespmem:s5+$0x4010]  }
0x2b3: {  	v2 =	vld [tilespmem:s5+$0x10020]  }
0x2b4: {  	v5 =	vld [tilespmem:s5+$0x4020]  }
0x2b5: {  	v1 =	vadd.f32 v1, v0;
	v0 =	vld [tilespmem:s5+$0x10030]  }
0x2b6: {  	v4 =	vadd.f32 v4, v3;
	v3 =	vld [tilespmem:s5+$0x4030]  }
0x2b7: {  	v6 =	vadd.f32 v7, v6;
	[tilespmem:s5+$0x10070] =	vst v1;
	v1 =	vld [tilespmem:s5+$0x10040]  }
0x2b8: {  	s7 =	simm.s32 $0x0;
	[tilespmem:s5+$0x10000] =	vst v4;
	v4 =	vld [tilespmem:s5+$0x4040]  }
.LBB2_26:
0x2b9: {  	s6 =	sadd.s32 $0x80, s6;
	[tilespmem:s5+$0x10010] =	vst v6;
	v2 =	vadd.f32 v5, v2;
	v5 =	vld [tilespmem:s5+$0x10050];
	s4 =	sadd.s32 $0x400, s4  }
0x2ba: {  	s7 =	sadd.s32 $0x10, s7;
	s8 =	sand.u32 $0x2000, s6;
	s9 =	sand.u32 $0x1C00, s4;
	v6 =	vld [tilespmem:s5+$0x4050]  }
0x2bb: {  	p0 =	slt.u32 s6, $0x3F80;
	s8 =	sor.u32 s8, s9;
	s9 =	sand.u32 $0x380, s7;
	[tilespmem:s5+$0x10020] =	vst v2;
	v0 =	vadd.f32 v3, v0;
	v2 =	vld [tilespmem:s5+$0x10060]  }
0x2bc: {  	s8 =	sor.u32 s9, s8;
	v3 =	vld [tilespmem:s5+$0x4060]  }
0x2bd: {  	v7 =	vld [tilespmem:s8+$0x10070];
	[tilespmem:s5+$0x10030] =	vst v0;
	v0 =	vadd.f32 v4, v1  }
0x2be: {  	v1 =	vld [tilespmem:s8+$0x4070]  }
0x2bf: {  	v4 =	vld [tilespmem:s8+$0x10000];
	[tilespmem:s5+$0x10040] =	vst v0;
	v0 =	vadd.f32 v6, v5  }
0x2c0: {  	v6 =	vld [tilespmem:s8+$0x4000]  }
0x2c1: {  	v8 =	vld [tilespmem:s8+$0x10010];
	[tilespmem:s5+$0x10050] =	vst v0;
	v0 =	vadd.f32 v3, v2  }
0x2c2: {  	v9 =	vld [tilespmem:s8+$0x4010]  }
0x2c3: {  	v2 =	vld [tilespmem:s8+$0x10020];
	v1 =	vadd.f32 v1, v7;
	[tilespmem:s5+$0x10060] =	vst v0;
	s5 =	smov.u32 s8  }
.Ltmp12:
0x2c4: {  	v5 =	vld [tilespmem:s5+$0x4020];
	(pc) =	sbr.rel @p0 .LBB2_26-.Ltmp12, $4  }
0x2c5: {  	v4 =	vadd.f32 v6, v4;
	v0 =	vld [tilespmem:s5+$0x10030];
	[tilespmem:s5+$0x10070] =	vst v1  }
0x2c6: {  	v3 =	vld [tilespmem:s5+$0x4030]  }
0x2c7: {  	[tilespmem:s5+$0x10000] =	vst v4;
	v6 =	vadd.f32 v9, v8;
	v1 =	vld [tilespmem:s5+$0x10040]  }
0x2c8: {  	v4 =	vld [tilespmem:s5+$0x4040]  }
0x2c9: {  	v7 =	vld [tilespmem:s5+$0x10050]  }
0x2ca: {  	v8 =	vld [tilespmem:s5+$0x4050]  }
0x2cb: {  	v9 =	vld [tilespmem:s5+$0x10060]  }
0x2cc: {  	v10 =	vld [tilespmem:s5+$0x4060]  }
0x2cd: {  	v2 =	vadd.f32 v5, v2  }
0x2ce: {  	[tilespmem:s5+$0x10010] =	vst v6;
	v0 =	vadd.f32 v3, v0  }
0x2cf: {  	[tilespmem:s5+$0x10020] =	vst v2;
	v1 =	vadd.f32 v4, v1  }
0x2d0: {  	[tilespmem:s5+$0x10030] =	vst v0;
	v0 =	vadd.f32 v8, v7  }
0x2d1: {  	[tilespmem:s5+$0x10040] =	vst v1;
	v1 =	vadd.f32 v10, v9  }
0x2d2: {  	[tilespmem:s5+$0x10050] =	vst v0  }
0x2d3: {  	[tilespmem:s5+$0x10060] =	vst v1  }
0x2d4: {  	s5 =	simm.s32 $0x0;
	s4 =	rddreg [dreg:$0x1e]  }
0x2d5: {  	[hbm4b:s4+s5] =	stream.linear.scatter [tilespmem:s17], [sflag:$0xA], $0x4000, $0x38;
	[tilespmem:$0x1C000] =	vst v63  }
0x2d6: {  	_ =	swait.ge [sflag:s26], $0x4000  }
0x2d7: {  	s7 =	sld [smem:$0x7DC]  }
0x2d8: {  	[sflag:s26] =	ssyncset.done $0x0  }
0x2d9: {  	s6 =	simm.s32 $0x0;
	[sflag:s26] =	ssyncadd.s32 $0xFFFFC000  }
0x2da: {  	[tilespmem:s16], [sflag:$0x4] =	stream.linear.gather [hbm4b:s7+s5], $0x4000, $0x38;
	[tilespmem:$0x1C000] =	vst v63  }
0x2db: {  	s8 =	sand.u32 $0x2000, s6;
	s7 =	sand.u32 $0x1C00, s5;
	_ =	swait.ge [sflag:s28], $0x4000  }
0x2dc: {  	s9 =	sand.u32 $0x380, s5;
	s4 =	sor.u32 s8, s7;
	[sflag:s28] =	ssyncset.done $0x0  }
0x2dd: {  	s4 =	sor.u32 s9, s4;
	[sflag:s28] =	ssyncadd.s32 $0xFFFFC000  }
0x2de: {  	v0 =	vld [tilespmem:s4+$0x14070]  }
0x2df: {  	v1 =	vld [tilespmem:s4+$0x4070]  }
0x2e0: {  	v3 =	vld [tilespmem:s4+$0x14000]  }
0x2e1: {  	v4 =	vld [tilespmem:s4+$0x4000]  }
0x2e2: {  	v6 =	vld [tilespmem:s4+$0x14010]  }
0x2e3: {  	v7 =	vld [tilespmem:s4+$0x4010]  }
0x2e4: {  	v2 =	vld [tilespmem:s4+$0x14020]  }
0x2e5: {  	v5 =	vld [tilespmem:s4+$0x4020]  }
0x2e6: {  	v1 =	vadd.f32 v1, v0;
	v0 =	vld [tilespmem:s4+$0x14030]  }
0x2e7: {  	v4 =	vadd.f32 v4, v3;
	v3 =	vld [tilespmem:s4+$0x4030]  }
0x2e8: {  	v6 =	vadd.f32 v7, v6;
	[tilespmem:s4+$0x14070] =	vst v1;
	v1 =	vld [tilespmem:s4+$0x14040]  }
0x2e9: {  	s7 =	simm.s32 $0x0;
	[tilespmem:s4+$0x14000] =	vst v4;
	v4 =	vld [tilespmem:s4+$0x4040]  }
.LBB2_28:
0x2ea: {  	s6 =	sadd.s32 $0x80, s6;
	[tilespmem:s4+$0x14010] =	vst v6;
	v2 =	vadd.f32 v5, v2;
	v5 =	vld [tilespmem:s4+$0x14050];
	s5 =	sadd.s32 $0x400, s5  }
0x2eb: {  	s7 =	sadd.s32 $0x10, s7;
	s8 =	sand.u32 $0x2000, s6;
	s9 =	sand.u32 $0x1C00, s5;
	v6 =	vld [tilespmem:s4+$0x4050]  }
0x2ec: {  	p0 =	slt.u32 s6, $0x3F80;
	s8 =	sor.u32 s8, s9;
	s9 =	sand.u32 $0x380, s7;
	[tilespmem:s4+$0x14020] =	vst v2;
	v0 =	vadd.f32 v3, v0;
	v2 =	vld [tilespmem:s4+$0x14060]  }
0x2ed: {  	s8 =	sor.u32 s9, s8;
	v3 =	vld [tilespmem:s4+$0x4060]  }
0x2ee: {  	v7 =	vld [tilespmem:s8+$0x14070];
	[tilespmem:s4+$0x14030] =	vst v0;
	v0 =	vadd.f32 v4, v1  }
0x2ef: {  	v1 =	vld [tilespmem:s8+$0x4070]  }
0x2f0: {  	v4 =	vld [tilespmem:s8+$0x14000];
	[tilespmem:s4+$0x14040] =	vst v0;
	v0 =	vadd.f32 v6, v5  }
0x2f1: {  	v6 =	vld [tilespmem:s8+$0x4000]  }
0x2f2: {  	v8 =	vld [tilespmem:s8+$0x14010];
	[tilespmem:s4+$0x14050] =	vst v0;
	v0 =	vadd.f32 v3, v2  }
0x2f3: {  	v9 =	vld [tilespmem:s8+$0x4010]  }
0x2f4: {  	v2 =	vld [tilespmem:s8+$0x14020];
	v1 =	vadd.f32 v1, v7;
	[tilespmem:s4+$0x14060] =	vst v0;
	s4 =	smov.u32 s8  }
.Ltmp13:
0x2f5: {  	v5 =	vld [tilespmem:s4+$0x4020];
	(pc) =	sbr.rel @p0 .LBB2_28-.Ltmp13, $4  }
0x2f6: {  	v4 =	vadd.f32 v6, v4;
	v0 =	vld [tilespmem:s4+$0x14030];
	[tilespmem:s4+$0x14070] =	vst v1  }
0x2f7: {  	v3 =	vld [tilespmem:s4+$0x4030]  }
0x2f8: {  	[tilespmem:s4+$0x14000] =	vst v4;
	v6 =	vadd.f32 v9, v8;
	v1 =	vld [tilespmem:s4+$0x14040]  }
0x2f9: {  	v4 =	vld [tilespmem:s4+$0x4040]  }
0x2fa: {  	v7 =	vld [tilespmem:s4+$0x14050]  }
0x2fb: {  	v8 =	vld [tilespmem:s4+$0x4050]  }
0x2fc: {  	v9 =	vld [tilespmem:s4+$0x14060]  }
0x2fd: {  	v10 =	vld [tilespmem:s4+$0x4060]  }
0x2fe: {  	v2 =	vadd.f32 v5, v2  }
0x2ff: {  	[tilespmem:s4+$0x14010] =	vst v6;
	v0 =	vadd.f32 v3, v0  }
0x300: {  	[tilespmem:s4+$0x14020] =	vst v2;
	v1 =	vadd.f32 v4, v1  }
0x301: {  	[tilespmem:s4+$0x14030] =	vst v0;
	v0 =	vadd.f32 v8, v7  }
0x302: {  	[tilespmem:s4+$0x14040] =	vst v1;
	v1 =	vadd.f32 v10, v9  }
0x303: {  	[tilespmem:s4+$0x14050] =	vst v0  }
0x304: {  	[tilespmem:s4+$0x14060] =	vst v1  }
0x305: {  	s4 =	sld [smem:$0x7D6];
	_ =	sdelay $0x1  }
0x306: {  	s5 =	simm.s32 $0x0  }
0x307: {  	[hbm4b:s4+s5] =	stream.linear.scatter [tilespmem:s20], [sflag:$0xB], $0x4000, $0x38;
	[tilespmem:$0x1C000] =	vst v63  }
0x308: {  	_ =	swait.ge [sflag:s30], $0x4000  }
0x309: {  	s7 =	sld [smem:$0x7DE]  }
0x30a: {  	[sflag:s30] =	ssyncset.done $0x0  }
0x30b: {  	s6 =	simm.s32 $0x0;
	[sflag:s30] =	ssyncadd.s32 $0xFFFFC000  }
0x30c: {  	[tilespmem:s17], [sflag:$0x5] =	stream.linear.gather [hbm4b:s7+s5], $0x4000, $0x38;
	[tilespmem:$0x1C000] =	vst v63  }
0x30d: {  	s8 =	sand.u32 $0x2000, s6;
	s7 =	sand.u32 $0x1C00, s5;
	_ =	swait.ge [sflag:s31], $0x4000  }
0x30e: {  	s9 =	sand.u32 $0x380, s5;
	s4 =	sor.u32 s8, s7;
	[sflag:s31] =	ssyncset.done $0x0  }
0x30f: {  	s4 =	sor.u32 s9, s4;
	[sflag:s31] =	ssyncadd.s32 $0xFFFFC000  }
0x310: {  	v0 =	vld [tilespmem:s4+$0x18070]  }
0x311: {  	v1 =	vld [tilespmem:s4+$0x4070]  }
0x312: {  	v3 =	vld [tilespmem:s4+$0x18000]  }
0x313: {  	v4 =	vld [tilespmem:s4+$0x4000]  }
0x314: {  	v6 =	vld [tilespmem:s4+$0x18010]  }
0x315: {  	v7 =	vld [tilespmem:s4+$0x4010]  }
0x316: {  	v2 =	vld [tilespmem:s4+$0x18020]  }
0x317: {  	v5 =	vld [tilespmem:s4+$0x4020]  }
0x318: {  	v1 =	vadd.f32 v1, v0;
	v0 =	vld [tilespmem:s4+$0x18030]  }
0x319: {  	v4 =	vadd.f32 v4, v3;
	v3 =	vld [tilespmem:s4+$0x4030]  }
0x31a: {  	v6 =	vadd.f32 v7, v6;
	[tilespmem:s4+$0x18070] =	vst v1;
	v1 =	vld [tilespmem:s4+$0x18040]  }
0x31b: {  	s7 =	simm.s32 $0x0;
	[tilespmem:s4+$0x18000] =	vst v4;
	v4 =	vld [tilespmem:s4+$0x4040]  }
.LBB2_30:
0x31c: {  	s6 =	sadd.s32 $0x80, s6;
	[tilespmem:s4+$0x18010] =	vst v6;
	v2 =	vadd.f32 v5, v2;
	v5 =	vld [tilespmem:s4+$0x18050];
	s5 =	sadd.s32 $0x400, s5  }
0x31d: {  	s7 =	sadd.s32 $0x10, s7;
	s8 =	sand.u32 $0x2000, s6;
	s9 =	sand.u32 $0x1C00, s5;
	v6 =	vld [tilespmem:s4+$0x4050]  }
0x31e: {  	p0 =	slt.u32 s6, $0x3F80;
	s8 =	sor.u32 s8, s9;
	s9 =	sand.u32 $0x380, s7;
	[tilespmem:s4+$0x18020] =	vst v2;
	v0 =	vadd.f32 v3, v0;
	v2 =	vld [tilespmem:s4+$0x18060]  }
0x31f: {  	s8 =	sor.u32 s9, s8;
	v3 =	vld [tilespmem:s4+$0x4060]  }
0x320: {  	v7 =	vld [tilespmem:s8+$0x18070];
	[tilespmem:s4+$0x18030] =	vst v0;
	v0 =	vadd.f32 v4, v1  }
0x321: {  	v1 =	vld [tilespmem:s8+$0x4070]  }
0x322: {  	v4 =	vld [tilespmem:s8+$0x18000];
	[tilespmem:s4+$0x18040] =	vst v0;
	v0 =	vadd.f32 v6, v5  }
0x323: {  	v6 =	vld [tilespmem:s8+$0x4000]  }
0x324: {  	v8 =	vld [tilespmem:s8+$0x18010];
	[tilespmem:s4+$0x18050] =	vst v0;
	v0 =	vadd.f32 v3, v2  }
0x325: {  	v9 =	vld [tilespmem:s8+$0x4010]  }
0x326: {  	v2 =	vld [tilespmem:s8+$0x18020];
	v1 =	vadd.f32 v1, v7;
	[tilespmem:s4+$0x18060] =	vst v0;
	s4 =	smov.u32 s8  }
.Ltmp14:
0x327: {  	v5 =	vld [tilespmem:s4+$0x4020];
	(pc) =	sbr.rel @p0 .LBB2_30-.Ltmp14, $4  }
0x328: {  	v4 =	vadd.f32 v6, v4;
	v0 =	vld [tilespmem:s4+$0x18030];
	[tilespmem:s4+$0x18070] =	vst v1  }
0x329: {  	v3 =	vld [tilespmem:s4+$0x4030]  }
0x32a: {  	[tilespmem:s4+$0x18000] =	vst v4;
	v6 =	vadd.f32 v9, v8;
	v1 =	vld [tilespmem:s4+$0x18040]  }
0x32b: {  	v4 =	vld [tilespmem:s4+$0x4040]  }
0x32c: {  	v7 =	vld [tilespmem:s4+$0x18050]  }
0x32d: {  	v8 =	vld [tilespmem:s4+$0x4050]  }
0x32e: {  	v9 =	vld [tilespmem:s4+$0x18060]  }
0x32f: {  	v10 =	vld [tilespmem:s4+$0x4060]  }
0x330: {  	v2 =	vadd.f32 v5, v2  }
0x331: {  	[tilespmem:s4+$0x18010] =	vst v6;
	v0 =	vadd.f32 v3, v0  }
0x332: {  	[tilespmem:s4+$0x18020] =	vst v2;
	v1 =	vadd.f32 v4, v1  }
0x333: {  	[tilespmem:s4+$0x18030] =	vst v0;
	v0 =	vadd.f32 v8, v7  }
0x334: {  	[tilespmem:s4+$0x18040] =	vst v1;
	v1 =	vadd.f32 v10, v9  }
0x335: {  	[tilespmem:s4+$0x18050] =	vst v0  }
0x336: {  	[tilespmem:s4+$0x18060] =	vst v1  }
0x337: {  	s4 =	sld [smem:$0x7D8];
	_ =	sdelay $0x1  }
0x338: {  	s5 =	simm.s32 $0x0  }
0x339: {  	[hbm4b:s4+s5] =	stream.linear.scatter [tilespmem:s22], [sflag:$0xC], $0x4000, $0x38;
	[tilespmem:$0x1C000] =	vst v63  }
0x33a: {  	_ =	swait.ge [sflag:s0], $0x4000  }
0x33b: {  	s7 =	sld [smem:$0x7E0]  }
0x33c: {  	[sflag:s0] =	ssyncset.done $0x0  }
0x33d: {  	s6 =	simm.s32 $0x0;
	[sflag:s0] =	ssyncadd.s32 $0xFFFFC000  }
0x33e: {  	[tilespmem:s20], [sflag:$0x6] =	stream.linear.gather [hbm4b:s7+s5], $0x4000, $0x38;
	[tilespmem:$0x1C000] =	vst v63  }
0x33f: {  	s8 =	sand.u32 $0x2000, s6;
	s7 =	sand.u32 $0x1C00, s5;
	_ =	swait.ge [sflag:s21], $0x4000  }
0x340: {  	s9 =	sand.u32 $0x380, s5;
	s4 =	sor.u32 s8, s7;
	[sflag:s21] =	ssyncset.done $0x0  }
0x341: {  	s4 =	sor.u32 s9, s4;
	[sflag:s21] =	ssyncadd.s32 $0xFFFFC000  }
0x342: {  	v0 =	vld [tilespmem:s4+$0x8070]  }
0x343: {  	v1 =	vld [tilespmem:s4+$0x4070]  }
0x344: {  	v3 =	vld [tilespmem:s4+$0x8000]  }
0x345: {  	v4 =	vld [tilespmem:s4+$0x4000]  }
0x346: {  	v6 =	vld [tilespmem:s4+$0x8010]  }
0x347: {  	v7 =	vld [tilespmem:s4+$0x4010]  }
0x348: {  	v2 =	vld [tilespmem:s4+$0x8020]  }
0x349: {  	v5 =	vld [tilespmem:s4+$0x4020]  }
0x34a: {  	v1 =	vadd.f32 v1, v0;
	v0 =	vld [tilespmem:s4+$0x8030]  }
0x34b: {  	v4 =	vadd.f32 v4, v3;
	v3 =	vld [tilespmem:s4+$0x4030]  }
0x34c: {  	v6 =	vadd.f32 v7, v6;
	[tilespmem:s4+$0x8070] =	vst v1;
	v1 =	vld [tilespmem:s4+$0x8040]  }
0x34d: {  	s7 =	simm.s32 $0x0;
	[tilespmem:s4+$0x8000] =	vst v4;
	v4 =	vld [tilespmem:s4+$0x4040]  }
.LBB2_32:
0x34e: {  	s6 =	sadd.s32 $0x80, s6;
	[tilespmem:s4+$0x8010] =	vst v6;
	v2 =	vadd.f32 v5, v2;
	v5 =	vld [tilespmem:s4+$0x8050];
	s5 =	sadd.s32 $0x400, s5  }
0x34f: {  	s7 =	sadd.s32 $0x10, s7;
	s8 =	sand.u32 $0x2000, s6;
	s9 =	sand.u32 $0x1C00, s5;
	v6 =	vld [tilespmem:s4+$0x4050]  }
0x350: {  	p0 =	slt.u32 s6, $0x3F80;
	s8 =	sor.u32 s8, s9;
	s9 =	sand.u32 $0x380, s7;
	[tilespmem:s4+$0x8020] =	vst v2;
	v0 =	vadd.f32 v3, v0;
	v2 =	vld [tilespmem:s4+$0x8060]  }
0x351: {  	s8 =	sor.u32 s9, s8;
	v3 =	vld [tilespmem:s4+$0x4060]  }
0x352: {  	v7 =	vld [tilespmem:s8+$0x8070];
	[tilespmem:s4+$0x8030] =	vst v0;
	v0 =	vadd.f32 v4, v1  }
0x353: {  	v1 =	vld [tilespmem:s8+$0x4070]  }
0x354: {  	v4 =	vld [tilespmem:s8+$0x8000];
	[tilespmem:s4+$0x8040] =	vst v0;
	v0 =	vadd.f32 v6, v5  }
0x355: {  	v6 =	vld [tilespmem:s8+$0x4000]  }
0x356: {  	v8 =	vld [tilespmem:s8+$0x8010];
	[tilespmem:s4+$0x8050] =	vst v0;
	v0 =	vadd.f32 v3, v2  }
0x357: {  	v9 =	vld [tilespmem:s8+$0x4010]  }
0x358: {  	v2 =	vld [tilespmem:s8+$0x8020];
	v1 =	vadd.f32 v1, v7;
	[tilespmem:s4+$0x8060] =	vst v0;
	s4 =	smov.u32 s8  }
.Ltmp15:
0x359: {  	v5 =	vld [tilespmem:s4+$0x4020];
	(pc) =	sbr.rel @p0 .LBB2_32-.Ltmp15, $4  }
0x35a: {  	v4 =	vadd.f32 v6, v4;
	v0 =	vld [tilespmem:s4+$0x8030];
	[tilespmem:s4+$0x8070] =	vst v1  }
0x35b: {  	v3 =	vld [tilespmem:s4+$0x4030]  }
0x35c: {  	[tilespmem:s4+$0x8000] =	vst v4;
	v6 =	vadd.f32 v9, v8;
	v1 =	vld [tilespmem:s4+$0x8040]  }
0x35d: {  	v4 =	vld [tilespmem:s4+$0x4040]  }
0x35e: {  	v7 =	vld [tilespmem:s4+$0x8050]  }
0x35f: {  	v8 =	vld [tilespmem:s4+$0x4050]  }
0x360: {  	v9 =	vld [tilespmem:s4+$0x8060]  }
0x361: {  	v10 =	vld [tilespmem:s4+$0x4060]  }
0x362: {  	v2 =	vadd.f32 v5, v2  }
0x363: {  	[tilespmem:s4+$0x8010] =	vst v6;
	v0 =	vadd.f32 v3, v0  }
0x364: {  	[tilespmem:s4+$0x8020] =	vst v2;
	v1 =	vadd.f32 v4, v1  }
0x365: {  	[tilespmem:s4+$0x8030] =	vst v0;
	v0 =	vadd.f32 v8, v7  }
0x366: {  	[tilespmem:s4+$0x8040] =	vst v1;
	v1 =	vadd.f32 v10, v9  }
0x367: {  	[tilespmem:s4+$0x8050] =	vst v0  }
0x368: {  	[tilespmem:s4+$0x8060] =	vst v1  }
0x369: {  	s5 =	sld [smem:$0x7DA];
	_ =	sdelay $0x1  }
0x36a: {  	s4 =	simm.s32 $0x0  }
0x36b: {  	[hbm4b:s5+s4] =	stream.linear.scatter [tilespmem:s15], [sflag:$0x8], $0x4000, $0x38;
	[tilespmem:$0x1C000] =	vst v63  }
0x36c: {  	_ =	swait.ge [sflag:s18], $0x4000  }
0x36d: {  	s6 =	sld [smem:$0x7E4]  }
0x36e: {  	[sflag:s18] =	ssyncset.done $0x0  }
0x36f: {  	[sflag:s18] =	ssyncadd.s32 $0xFFFFC000  }
0x370: {  	[tilespmem:s19], [sflag:$0x2] =	stream.linear.gather [hbm4b:s6+s4], $0x4000, $0x38;
	[tilespmem:$0x1C000] =	vst v63  }
0x371: {  	_ =	swait.ge [sflag:s2], $0x4000  }
0x372: {  	s7 =	sld [smem:$0x7E2]  }
0x373: {  	[sflag:s2] =	ssyncset.done $0x0  }
0x374: {  	s6 =	simm.s32 $0x0;
	[sflag:s2] =	ssyncadd.s32 $0xFFFFC000  }
0x375: {  	[tilespmem:s22], [sflag:$0x7] =	stream.linear.gather [hbm4b:s7+s4], $0x4000, $0x38;
	[tilespmem:$0x1C000] =	vst v63  }
0x376: {  	s8 =	sand.u32 $0x2000, s6;
	s7 =	sand.u32 $0x1C00, s4;
	_ =	swait.ge [sflag:s23], $0x4000  }
0x377: {  	s9 =	sand.u32 $0x380, s4;
	s5 =	sor.u32 s8, s7;
	[sflag:s23] =	ssyncset.done $0x0  }
0x378: {  	s5 =	sor.u32 s9, s5;
	[sflag:s23] =	ssyncadd.s32 $0xFFFFC000  }
0x379: {  	v0 =	vld [tilespmem:s5+$0xC070]  }
0x37a: {  	v1 =	vld [tilespmem:s5+$0x70]  }
0x37b: {  	v3 =	vld [tilespmem:s5+$0xC000]  }
0x37c: {  	v4 =	vld [tilespmem:s5+$0x0]  }
0x37d: {  	v6 =	vld [tilespmem:s5+$0xC010]  }
0x37e: {  	v7 =	vld [tilespmem:s5+$0x10]  }
0x37f: {  	v2 =	vld [tilespmem:s5+$0xC020]  }
0x380: {  	v5 =	vld [tilespmem:s5+$0x20]  }
0x381: {  	v1 =	vadd.f32 v1, v0;
	v0 =	vld [tilespmem:s5+$0xC030]  }
0x382: {  	v4 =	vadd.f32 v4, v3;
	v3 =	vld [tilespmem:s5+$0x30]  }
0x383: {  	v6 =	vadd.f32 v7, v6;
	[tilespmem:s5+$0xC070] =	vst v1;
	v1 =	vld [tilespmem:s5+$0xC040]  }
0x384: {  	s7 =	simm.s32 $0x0;
	[tilespmem:s5+$0xC000] =	vst v4;
	v4 =	vld [tilespmem:s5+$0x40]  }
.LBB2_34:
0x385: {  	s6 =	sadd.s32 $0x80, s6;
	[tilespmem:s5+$0xC010] =	vst v6;
	v2 =	vadd.f32 v5, v2;
	v5 =	vld [tilespmem:s5+$0xC050];
	s4 =	sadd.s32 $0x400, s4  }
0x386: {  	s7 =	sadd.s32 $0x10, s7;
	s8 =	sand.u32 $0x2000, s6;
	s9 =	sand.u32 $0x1C00, s4;
	v6 =	vld [tilespmem:s5+$0x50]  }
0x387: {  	p0 =	slt.u32 s6, $0x3F80;
	s8 =	sor.u32 s8, s9;
	s9 =	sand.u32 $0x380, s7;
	[tilespmem:s5+$0xC020] =	vst v2;
	v0 =	vadd.f32 v3, v0;
	v2 =	vld [tilespmem:s5+$0xC060]  }
0x388: {  	s8 =	sor.u32 s9, s8;
	v3 =	vld [tilespmem:s5+$0x60]  }
0x389: {  	v7 =	vld [tilespmem:s8+$0xC070];
	[tilespmem:s5+$0xC030] =	vst v0;
	v0 =	vadd.f32 v4, v1  }
0x38a: {  	v1 =	vld [tilespmem:s8+$0x70]  }
0x38b: {  	v4 =	vld [tilespmem:s8+$0xC000];
	[tilespmem:s5+$0xC040] =	vst v0;
	v0 =	vadd.f32 v6, v5  }
0x38c: {  	v6 =	vld [tilespmem:s8+$0x0]  }
0x38d: {  	v8 =	vld [tilespmem:s8+$0xC010];
	[tilespmem:s5+$0xC050] =	vst v0;
	v0 =	vadd.f32 v3, v2  }
0x38e: {  	v9 =	vld [tilespmem:s8+$0x10]  }
0x38f: {  	v2 =	vld [tilespmem:s8+$0xC020];
	v1 =	vadd.f32 v1, v7;
	[tilespmem:s5+$0xC060] =	vst v0;
	s5 =	smov.u32 s8  }
.Ltmp16:
0x390: {  	v5 =	vld [tilespmem:s5+$0x20];
	(pc) =	sbr.rel @p0 .LBB2_34-.Ltmp16, $4  }
0x391: {  	v4 =	vadd.f32 v6, v4;
	v0 =	vld [tilespmem:s5+$0xC030];
	[tilespmem:s5+$0xC070] =	vst v1  }
0x392: {  	v3 =	vld [tilespmem:s5+$0x30]  }
0x393: {  	[tilespmem:s5+$0xC000] =	vst v4;
	v6 =	vadd.f32 v9, v8;
	v1 =	vld [tilespmem:s5+$0xC040]  }
0x394: {  	v4 =	vld [tilespmem:s5+$0x40]  }
0x395: {  	v7 =	vld [tilespmem:s5+$0xC050]  }
0x396: {  	v8 =	vld [tilespmem:s5+$0x50]  }
0x397: {  	v9 =	vld [tilespmem:s5+$0xC060]  }
0x398: {  	v10 =	vld [tilespmem:s5+$0x60]  }
0x399: {  	v2 =	vadd.f32 v5, v2  }
0x39a: {  	[tilespmem:s5+$0xC010] =	vst v6;
	v0 =	vadd.f32 v3, v0  }
0x39b: {  	[tilespmem:s5+$0xC020] =	vst v2;
	v1 =	vadd.f32 v4, v1  }
0x39c: {  	[tilespmem:s5+$0xC030] =	vst v0;
	v0 =	vadd.f32 v8, v7  }
0x39d: {  	[tilespmem:s5+$0xC040] =	vst v1;
	v1 =	vadd.f32 v10, v9  }
0x39e: {  	[tilespmem:s5+$0xC050] =	vst v0  }
0x39f: {  	[tilespmem:s5+$0xC060] =	vst v1  }
0x3a0: {  	s4 =	sld [smem:$0x7DD];
	_ =	sdelay $0x1  }
0x3a1: {  	s5 =	simm.s32 $0x0  }
0x3a2: {  	[hbm4b:s4+s5] =	stream.linear.scatter [tilespmem:s16], [sflag:$0x9], $0x4000, $0x38;
	[tilespmem:$0x1C000] =	vst v63  }
0x3a3: {  	_ =	swait.ge [sflag:s24], $0x4000  }
0x3a4: {  	s7 =	sld [smem:$0x7E5]  }
0x3a5: {  	[sflag:s24] =	ssyncset.done $0x0  }
0x3a6: {  	s6 =	simm.s32 $0x0;
	[sflag:s24] =	ssyncadd.s32 $0xFFFFC000  }
0x3a7: {  	[tilespmem:s15], [sflag:$0x3] =	stream.linear.gather [hbm4b:s7+s5], $0x4000, $0x38;
	[tilespmem:$0x1C000] =	vst v63  }
0x3a8: {  	s8 =	sand.u32 $0x2000, s6;
	s7 =	sand.u32 $0x1C00, s5;
	_ =	swait.ge [sflag:s25], $0x4000  }
0x3a9: {  	s9 =	sand.u32 $0x380, s5;
	s4 =	sor.u32 s8, s7;
	[sflag:s25] =	ssyncset.done $0x0  }
0x3aa: {  	s4 =	sor.u32 s9, s4;
	[sflag:s25] =	ssyncadd.s32 $0xFFFFC000  }
0x3ab: {  	v0 =	vld [tilespmem:s4+$0x10070]  }
0x3ac: {  	v1 =	vld [tilespmem:s4+$0x70]  }
0x3ad: {  	v3 =	vld [tilespmem:s4+$0x10000]  }
0x3ae: {  	v4 =	vld [tilespmem:s4+$0x0]  }
0x3af: {  	v6 =	vld [tilespmem:s4+$0x10010]  }
0x3b0: {  	v7 =	vld [tilespmem:s4+$0x10]  }
0x3b1: {  	v2 =	vld [tilespmem:s4+$0x10020]  }
0x3b2: {  	v5 =	vld [tilespmem:s4+$0x20]  }
0x3b3: {  	v1 =	vadd.f32 v1, v0;
	v0 =	vld [tilespmem:s4+$0x10030]  }
0x3b4: {  	v4 =	vadd.f32 v4, v3;
	v3 =	vld [tilespmem:s4+$0x30]  }
0x3b5: {  	v6 =	vadd.f32 v7, v6;
	[tilespmem:s4+$0x10070] =	vst v1;
	v1 =	vld [tilespmem:s4+$0x10040]  }
0x3b6: {  	s7 =	simm.s32 $0x0;
	[tilespmem:s4+$0x10000] =	vst v4;
	v4 =	vld [tilespmem:s4+$0x40]  }
.LBB2_36:
0x3b7: {  	s6 =	sadd.s32 $0x80, s6;
	[tilespmem:s4+$0x10010] =	vst v6;
	v2 =	vadd.f32 v5, v2;
	v5 =	vld [tilespmem:s4+$0x10050];
	s5 =	sadd.s32 $0x400, s5  }
0x3b8: {  	s7 =	sadd.s32 $0x10, s7;
	s8 =	sand.u32 $0x2000, s6;
	s9 =	sand.u32 $0x1C00, s5;
	v6 =	vld [tilespmem:s4+$0x50]  }
0x3b9: {  	p0 =	slt.u32 s6, $0x3F80;
	s8 =	sor.u32 s8, s9;
	s9 =	sand.u32 $0x380, s7;
	[tilespmem:s4+$0x10020] =	vst v2;
	v0 =	vadd.f32 v3, v0;
	v2 =	vld [tilespmem:s4+$0x10060]  }
0x3ba: {  	s8 =	sor.u32 s9, s8;
	v3 =	vld [tilespmem:s4+$0x60]  }
0x3bb: {  	v7 =	vld [tilespmem:s8+$0x10070];
	[tilespmem:s4+$0x10030] =	vst v0;
	v0 =	vadd.f32 v4, v1  }
0x3bc: {  	v1 =	vld [tilespmem:s8+$0x70]  }
0x3bd: {  	v4 =	vld [tilespmem:s8+$0x10000];
	[tilespmem:s4+$0x10040] =	vst v0;
	v0 =	vadd.f32 v6, v5  }
0x3be: {  	v6 =	vld [tilespmem:s8+$0x0]  }
0x3bf: {  	v8 =	vld [tilespmem:s8+$0x10010];
	[tilespmem:s4+$0x10050] =	vst v0;
	v0 =	vadd.f32 v3, v2  }
0x3c0: {  	v9 =	vld [tilespmem:s8+$0x10]  }
0x3c1: {  	v2 =	vld [tilespmem:s8+$0x10020];
	v1 =	vadd.f32 v1, v7;
	[tilespmem:s4+$0x10060] =	vst v0;
	s4 =	smov.u32 s8  }
.Ltmp17:
0x3c2: {  	v5 =	vld [tilespmem:s4+$0x20];
	(pc) =	sbr.rel @p0 .LBB2_36-.Ltmp17, $4  }
0x3c3: {  	v4 =	vadd.f32 v6, v4;
	v0 =	vld [tilespmem:s4+$0x10030];
	[tilespmem:s4+$0x10070] =	vst v1  }
0x3c4: {  	v3 =	vld [tilespmem:s4+$0x30]  }
0x3c5: {  	[tilespmem:s4+$0x10000] =	vst v4;
	v6 =	vadd.f32 v9, v8;
	v1 =	vld [tilespmem:s4+$0x10040]  }
0x3c6: {  	v4 =	vld [tilespmem:s4+$0x40]  }
0x3c7: {  	v7 =	vld [tilespmem:s4+$0x10050]  }
0x3c8: {  	v8 =	vld [tilespmem:s4+$0x50]  }
0x3c9: {  	v9 =	vld [tilespmem:s4+$0x10060]  }
0x3ca: {  	v10 =	vld [tilespmem:s4+$0x60]  }
0x3cb: {  	v2 =	vadd.f32 v5, v2  }
0x3cc: {  	[tilespmem:s4+$0x10010] =	vst v6;
	v0 =	vadd.f32 v3, v0  }
0x3cd: {  	[tilespmem:s4+$0x10020] =	vst v2;
	v1 =	vadd.f32 v4, v1  }
0x3ce: {  	[tilespmem:s4+$0x10030] =	vst v0;
	v0 =	vadd.f32 v8, v7  }
0x3cf: {  	[tilespmem:s4+$0x10040] =	vst v1;
	v1 =	vadd.f32 v10, v9  }
0x3d0: {  	[tilespmem:s4+$0x10050] =	vst v0  }
0x3d1: {  	[tilespmem:s4+$0x10060] =	vst v1  }
0x3d2: {  	s4 =	sld [smem:$0x7DF];
	_ =	sdelay $0x1  }
0x3d3: {  	s5 =	simm.s32 $0x0  }
0x3d4: {  	[hbm4b:s4+s5] =	stream.linear.scatter [tilespmem:s17], [sflag:$0xA], $0x4000, $0x38;
	[tilespmem:$0x1C000] =	vst v63  }
0x3d5: {  	_ =	swait.ge [sflag:s26], $0x4000  }
0x3d6: {  	s7 =	sld [smem:$0x7E7]  }
0x3d7: {  	[sflag:s26] =	ssyncset.done $0x0  }
0x3d8: {  	s6 =	simm.s32 $0x0;
	[sflag:s26] =	ssyncadd.s32 $0xFFFFC000  }
0x3d9: {  	[tilespmem:s16], [sflag:$0x4] =	stream.linear.gather [hbm4b:s7+s5], $0x4000, $0x38;
	[tilespmem:$0x1C000] =	vst v63  }
0x3da: {  	s8 =	sand.u32 $0x2000, s6;
	s7 =	sand.u32 $0x1C00, s5;
	_ =	swait.ge [sflag:s28], $0x4000  }
0x3db: {  	s9 =	sand.u32 $0x380, s5;
	s4 =	sor.u32 s8, s7;
	[sflag:s28] =	ssyncset.done $0x0  }
0x3dc: {  	s4 =	sor.u32 s9, s4;
	[sflag:s28] =	ssyncadd.s32 $0xFFFFC000  }
0x3dd: {  	v0 =	vld [tilespmem:s4+$0x14070]  }
0x3de: {  	v1 =	vld [tilespmem:s4+$0x70]  }
0x3df: {  	v3 =	vld [tilespmem:s4+$0x14000]  }
0x3e0: {  	v4 =	vld [tilespmem:s4+$0x0]  }
0x3e1: {  	v6 =	vld [tilespmem:s4+$0x14010]  }
0x3e2: {  	v7 =	vld [tilespmem:s4+$0x10]  }
0x3e3: {  	v2 =	vld [tilespmem:s4+$0x14020]  }
0x3e4: {  	v5 =	vld [tilespmem:s4+$0x20]  }
0x3e5: {  	v1 =	vadd.f32 v1, v0;
	v0 =	vld [tilespmem:s4+$0x14030]  }
0x3e6: {  	v4 =	vadd.f32 v4, v3;
	v3 =	vld [tilespmem:s4+$0x30]  }
0x3e7: {  	v6 =	vadd.f32 v7, v6;
	[tilespmem:s4+$0x14070] =	vst v1;
	v1 =	vld [tilespmem:s4+$0x14040]  }
0x3e8: {  	s7 =	simm.s32 $0x0;
	[tilespmem:s4+$0x14000] =	vst v4;
	v4 =	vld [tilespmem:s4+$0x40]  }
.LBB2_38:
0x3e9: {  	s6 =	sadd.s32 $0x80, s6;
	[tilespmem:s4+$0x14010] =	vst v6;
	v2 =	vadd.f32 v5, v2;
	v5 =	vld [tilespmem:s4+$0x14050];
	s5 =	sadd.s32 $0x400, s5  }
0x3ea: {  	s7 =	sadd.s32 $0x10, s7;
	s8 =	sand.u32 $0x2000, s6;
	s9 =	sand.u32 $0x1C00, s5;
	v6 =	vld [tilespmem:s4+$0x50]  }
0x3eb: {  	p0 =	slt.u32 s6, $0x3F80;
	s8 =	sor.u32 s8, s9;
	s9 =	sand.u32 $0x380, s7;
	[tilespmem:s4+$0x14020] =	vst v2;
	v0 =	vadd.f32 v3, v0;
	v2 =	vld [tilespmem:s4+$0x14060]  }
0x3ec: {  	s8 =	sor.u32 s9, s8;
	v3 =	vld [tilespmem:s4+$0x60]  }
0x3ed: {  	v7 =	vld [tilespmem:s8+$0x14070];
	[tilespmem:s4+$0x14030] =	vst v0;
	v0 =	vadd.f32 v4, v1  }
0x3ee: {  	v1 =	vld [tilespmem:s8+$0x70]  }
0x3ef: {  	v4 =	vld [tilespmem:s8+$0x14000];
	[tilespmem:s4+$0x14040] =	vst v0;
	v0 =	vadd.f32 v6, v5  }
0x3f0: {  	v6 =	vld [tilespmem:s8+$0x0]  }
0x3f1: {  	v8 =	vld [tilespmem:s8+$0x14010];
	[tilespmem:s4+$0x14050] =	vst v0;
	v0 =	vadd.f32 v3, v2  }
0x3f2: {  	v9 =	vld [tilespmem:s8+$0x10]  }
0x3f3: {  	v2 =	vld [tilespmem:s8+$0x14020];
	v1 =	vadd.f32 v1, v7;
	[tilespmem:s4+$0x14060] =	vst v0;
	s4 =	smov.u32 s8  }
.Ltmp18:
0x3f4: {  	v5 =	vld [tilespmem:s4+$0x20];
	(pc) =	sbr.rel @p0 .LBB2_38-.Ltmp18, $4  }
0x3f5: {  	v4 =	vadd.f32 v6, v4;
	v0 =	vld [tilespmem:s4+$0x14030];
	[tilespmem:s4+$0x14070] =	vst v1  }
0x3f6: {  	v3 =	vld [tilespmem:s4+$0x30]  }
0x3f7: {  	[tilespmem:s4+$0x14000] =	vst v4;
	v6 =	vadd.f32 v9, v8;
	v1 =	vld [tilespmem:s4+$0x14040]  }
0x3f8: {  	v4 =	vld [tilespmem:s4+$0x40]  }
0x3f9: {  	v7 =	vld [tilespmem:s4+$0x14050]  }
0x3fa: {  	v8 =	vld [tilespmem:s4+$0x50]  }
0x3fb: {  	v9 =	vld [tilespmem:s4+$0x14060]  }
0x3fc: {  	v10 =	vld [tilespmem:s4+$0x60]  }
0x3fd: {  	v2 =	vadd.f32 v5, v2  }
0x3fe: {  	[tilespmem:s4+$0x14010] =	vst v6;
	v0 =	vadd.f32 v3, v0  }
0x3ff: {  	[tilespmem:s4+$0x14020] =	vst v2;
	v1 =	vadd.f32 v4, v1  }
0x400: {  	[tilespmem:s4+$0x14030] =	vst v0;
	v0 =	vadd.f32 v8, v7  }
0x401: {  	[tilespmem:s4+$0x14040] =	vst v1;
	v1 =	vadd.f32 v10, v9  }
0x402: {  	[tilespmem:s4+$0x14050] =	vst v0  }
0x403: {  	[tilespmem:s4+$0x14060] =	vst v1  }
0x404: {  	s4 =	sld [smem:$0x7E1];
	_ =	sdelay $0x1  }
0x405: {  	s5 =	simm.s32 $0x0  }
0x406: {  	[hbm4b:s4+s5] =	stream.linear.scatter [tilespmem:s20], [sflag:$0xB], $0x4000, $0x38;
	[tilespmem:$0x1C000] =	vst v63  }
0x407: {  	_ =	swait.ge [sflag:s30], $0x4000  }
0x408: {  	s7 =	sld [smem:$0x7E9]  }
0x409: {  	[sflag:s30] =	ssyncset.done $0x0  }
0x40a: {  	s6 =	simm.s32 $0x0;
	[sflag:s30] =	ssyncadd.s32 $0xFFFFC000  }
0x40b: {  	[tilespmem:s17], [sflag:$0x5] =	stream.linear.gather [hbm4b:s7+s5], $0x4000, $0x38;
	[tilespmem:$0x1C000] =	vst v63  }
0x40c: {  	s8 =	sand.u32 $0x2000, s6;
	s7 =	sand.u32 $0x1C00, s5;
	_ =	swait.ge [sflag:s31], $0x4000  }
0x40d: {  	s9 =	sand.u32 $0x380, s5;
	s4 =	sor.u32 s8, s7;
	[sflag:s31] =	ssyncset.done $0x0  }
0x40e: {  	s4 =	sor.u32 s9, s4;
	[sflag:s31] =	ssyncadd.s32 $0xFFFFC000  }
0x40f: {  	v0 =	vld [tilespmem:s4+$0x18070]  }
0x410: {  	v1 =	vld [tilespmem:s4+$0x70]  }
0x411: {  	v3 =	vld [tilespmem:s4+$0x18000]  }
0x412: {  	v4 =	vld [tilespmem:s4+$0x0]  }
0x413: {  	v6 =	vld [tilespmem:s4+$0x18010]  }
0x414: {  	v7 =	vld [tilespmem:s4+$0x10]  }
0x415: {  	v2 =	vld [tilespmem:s4+$0x18020]  }
0x416: {  	v5 =	vld [tilespmem:s4+$0x20]  }
0x417: {  	v1 =	vadd.f32 v1, v0;
	v0 =	vld [tilespmem:s4+$0x18030]  }
0x418: {  	v4 =	vadd.f32 v4, v3;
	v3 =	vld [tilespmem:s4+$0x30]  }
0x419: {  	v6 =	vadd.f32 v7, v6;
	[tilespmem:s4+$0x18070] =	vst v1;
	v1 =	vld [tilespmem:s4+$0x18040]  }
0x41a: {  	s7 =	simm.s32 $0x0;
	[tilespmem:s4+$0x18000] =	vst v4;
	v4 =	vld [tilespmem:s4+$0x40]  }
.LBB2_40:
0x41b: {  	s6 =	sadd.s32 $0x80, s6;
	[tilespmem:s4+$0x18010] =	vst v6;
	v2 =	vadd.f32 v5, v2;
	v5 =	vld [tilespmem:s4+$0x18050];
	s5 =	sadd.s32 $0x400, s5  }
0x41c: {  	s7 =	sadd.s32 $0x10, s7;
	s8 =	sand.u32 $0x2000, s6;
	s9 =	sand.u32 $0x1C00, s5;
	v6 =	vld [tilespmem:s4+$0x50]  }
0x41d: {  	p0 =	slt.u32 s6, $0x3F80;
	s8 =	sor.u32 s8, s9;
	s9 =	sand.u32 $0x380, s7;
	[tilespmem:s4+$0x18020] =	vst v2;
	v0 =	vadd.f32 v3, v0;
	v2 =	vld [tilespmem:s4+$0x18060]  }
0x41e: {  	s8 =	sor.u32 s9, s8;
	v3 =	vld [tilespmem:s4+$0x60]  }
0x41f: {  	v7 =	vld [tilespmem:s8+$0x18070];
	[tilespmem:s4+$0x18030] =	vst v0;
	v0 =	vadd.f32 v4, v1  }
0x420: {  	v1 =	vld [tilespmem:s8+$0x70]  }
0x421: {  	v4 =	vld [tilespmem:s8+$0x18000];
	[tilespmem:s4+$0x18040] =	vst v0;
	v0 =	vadd.f32 v6, v5  }
0x422: {  	v6 =	vld [tilespmem:s8+$0x0]  }
0x423: {  	v8 =	vld [tilespmem:s8+$0x18010];
	[tilespmem:s4+$0x18050] =	vst v0;
	v0 =	vadd.f32 v3, v2  }
0x424: {  	v9 =	vld [tilespmem:s8+$0x10]  }
0x425: {  	v2 =	vld [tilespmem:s8+$0x18020];
	v1 =	vadd.f32 v1, v7;
	[tilespmem:s4+$0x18060] =	vst v0;
	s4 =	smov.u32 s8  }
.Ltmp19:
0x426: {  	v5 =	vld [tilespmem:s4+$0x20];
	(pc) =	sbr.rel @p0 .LBB2_40-.Ltmp19, $4  }
0x427: {  	v4 =	vadd.f32 v6, v4;
	v0 =	vld [tilespmem:s4+$0x18030];
	[tilespmem:s4+$0x18070] =	vst v1  }
0x428: {  	v3 =	vld [tilespmem:s4+$0x30]  }
0x429: {  	[tilespmem:s4+$0x18000] =	vst v4;
	v6 =	vadd.f32 v9, v8;
	v1 =	vld [tilespmem:s4+$0x18040]  }
0x42a: {  	v4 =	vld [tilespmem:s4+$0x40]  }
0x42b: {  	v7 =	vld [tilespmem:s4+$0x18050]  }
0x42c: {  	v8 =	vld [tilespmem:s4+$0x50]  }
0x42d: {  	v9 =	vld [tilespmem:s4+$0x18060]  }
0x42e: {  	v10 =	vld [tilespmem:s4+$0x60]  }
0x42f: {  	v2 =	vadd.f32 v5, v2  }
0x430: {  	[tilespmem:s4+$0x18010] =	vst v6;
	v0 =	vadd.f32 v3, v0  }
0x431: {  	[tilespmem:s4+$0x18020] =	vst v2;
	v1 =	vadd.f32 v4, v1  }
0x432: {  	[tilespmem:s4+$0x18030] =	vst v0;
	v0 =	vadd.f32 v8, v7  }
0x433: {  	[tilespmem:s4+$0x18040] =	vst v1;
	v1 =	vadd.f32 v10, v9  }
0x434: {  	[tilespmem:s4+$0x18050] =	vst v0  }
0x435: {  	[tilespmem:s4+$0x18060] =	vst v1  }
0x436: {  	s5 =	sld [smem:$0x7E3];
	_ =	sdelay $0x1  }
0x437: {  	s4 =	simm.s32 $0x0  }
0x438: {  	[hbm4b:s5+s4] =	stream.linear.scatter [tilespmem:s22], [sflag:$0xC], $0x4000, $0x38;
	[tilespmem:$0x1C000] =	vst v63  }
0x439: {  	_ =	swait.ge [sflag:s29], $0x4000  }
0x43a: {  	s6 =	sld [smem:$0x7EE]  }
0x43b: {  	[sflag:s29] =	ssyncset.done $0x0  }
0x43c: {  	[sflag:s29] =	ssyncadd.s32 $0xFFFFC000  }
0x43d: {  	[tilespmem:s4], [sflag:$0x1] =	stream.linear.gather [hbm4b:s6+s4], $0x4000, $0x38;
	[tilespmem:$0x1C000] =	vst v63  }
0x43e: {  	_ =	swait.ge [sflag:s0], $0x4000  }
0x43f: {  	s7 =	sld [smem:$0x7EB]  }
0x440: {  	[sflag:s0] =	ssyncset.done $0x0  }
0x441: {  	s6 =	simm.s32 $0x0;
	[sflag:s0] =	ssyncadd.s32 $0xFFFFC000  }
0x442: {  	[tilespmem:s20], [sflag:$0x6] =	stream.linear.gather [hbm4b:s7+s4], $0x4000, $0x38;
	[tilespmem:$0x1C000] =	vst v63  }
0x443: {  	s8 =	sand.u32 $0x2000, s6;
	s7 =	sand.u32 $0x1C00, s4;
	_ =	swait.ge [sflag:s21], $0x4000  }
0x444: {  	s9 =	sand.u32 $0x380, s4;
	s5 =	sor.u32 s8, s7;
	[sflag:s21] =	ssyncset.done $0x0  }
0x445: {  	s5 =	sor.u32 s9, s5;
	[sflag:s21] =	ssyncadd.s32 $0xFFFFC000  }
0x446: {  	v0 =	vld [tilespmem:s5+$0x8070]  }
0x447: {  	v1 =	vld [tilespmem:s5+$0x4070]  }
0x448: {  	v3 =	vld [tilespmem:s5+$0x8000]  }
0x449: {  	v4 =	vld [tilespmem:s5+$0x4000]  }
0x44a: {  	v6 =	vld [tilespmem:s5+$0x8010]  }
0x44b: {  	v7 =	vld [tilespmem:s5+$0x4010]  }
0x44c: {  	v2 =	vld [tilespmem:s5+$0x8020]  }
0x44d: {  	v5 =	vld [tilespmem:s5+$0x4020]  }
0x44e: {  	v1 =	vadd.f32 v1, v0;
	v0 =	vld [tilespmem:s5+$0x8030]  }
0x44f: {  	v4 =	vadd.f32 v4, v3;
	v3 =	vld [tilespmem:s5+$0x4030]  }
0x450: {  	v6 =	vadd.f32 v7, v6;
	[tilespmem:s5+$0x8070] =	vst v1;
	v1 =	vld [tilespmem:s5+$0x8040]  }
0x451: {  	s7 =	simm.s32 $0x0;
	[tilespmem:s5+$0x8000] =	vst v4;
	v4 =	vld [tilespmem:s5+$0x4040]  }
.LBB2_42:
0x452: {  	s6 =	sadd.s32 $0x80, s6;
	[tilespmem:s5+$0x8010] =	vst v6;
	v2 =	vadd.f32 v5, v2;
	v5 =	vld [tilespmem:s5+$0x8050];
	s4 =	sadd.s32 $0x400, s4  }
0x453: {  	s7 =	sadd.s32 $0x10, s7;
	s8 =	sand.u32 $0x2000, s6;
	s9 =	sand.u32 $0x1C00, s4;
	v6 =	vld [tilespmem:s5+$0x4050]  }
0x454: {  	p0 =	slt.u32 s6, $0x3F80;
	s8 =	sor.u32 s8, s9;
	s9 =	sand.u32 $0x380, s7;
	[tilespmem:s5+$0x8020] =	vst v2;
	v0 =	vadd.f32 v3, v0;
	v2 =	vld [tilespmem:s5+$0x8060]  }
0x455: {  	s8 =	sor.u32 s9, s8;
	v3 =	vld [tilespmem:s5+$0x4060]  }
0x456: {  	v7 =	vld [tilespmem:s8+$0x8070];
	[tilespmem:s5+$0x8030] =	vst v0;
	v0 =	vadd.f32 v4, v1  }
0x457: {  	v1 =	vld [tilespmem:s8+$0x4070]  }
0x458: {  	v4 =	vld [tilespmem:s8+$0x8000];
	[tilespmem:s5+$0x8040] =	vst v0;
	v0 =	vadd.f32 v6, v5  }
0x459: {  	v6 =	vld [tilespmem:s8+$0x4000]  }
0x45a: {  	v8 =	vld [tilespmem:s8+$0x8010];
	[tilespmem:s5+$0x8050] =	vst v0;
	v0 =	vadd.f32 v3, v2  }
0x45b: {  	v9 =	vld [tilespmem:s8+$0x4010]  }
0x45c: {  	v2 =	vld [tilespmem:s8+$0x8020];
	v1 =	vadd.f32 v1, v7;
	[tilespmem:s5+$0x8060] =	vst v0;
	s5 =	smov.u32 s8  }
.Ltmp20:
0x45d: {  	v5 =	vld [tilespmem:s5+$0x4020];
	(pc) =	sbr.rel @p0 .LBB2_42-.Ltmp20, $4  }
0x45e: {  	v4 =	vadd.f32 v6, v4;
	v0 =	vld [tilespmem:s5+$0x8030];
	[tilespmem:s5+$0x8070] =	vst v1  }
0x45f: {  	v3 =	vld [tilespmem:s5+$0x4030]  }
0x460: {  	[tilespmem:s5+$0x8000] =	vst v4;
	v6 =	vadd.f32 v9, v8;
	v1 =	vld [tilespmem:s5+$0x8040]  }
0x461: {  	v4 =	vld [tilespmem:s5+$0x4040]  }
0x462: {  	v7 =	vld [tilespmem:s5+$0x8050]  }
0x463: {  	v8 =	vld [tilespmem:s5+$0x4050]  }
0x464: {  	v9 =	vld [tilespmem:s5+$0x8060]  }
0x465: {  	v10 =	vld [tilespmem:s5+$0x4060]  }
0x466: {  	v2 =	vadd.f32 v5, v2  }
0x467: {  	[tilespmem:s5+$0x8010] =	vst v6;
	v0 =	vadd.f32 v3, v0  }
0x468: {  	[tilespmem:s5+$0x8020] =	vst v2;
	v1 =	vadd.f32 v4, v1  }
0x469: {  	[tilespmem:s5+$0x8030] =	vst v0;
	v0 =	vadd.f32 v8, v7  }
0x46a: {  	[tilespmem:s5+$0x8040] =	vst v1;
	v1 =	vadd.f32 v10, v9  }
0x46b: {  	[tilespmem:s5+$0x8050] =	vst v0  }
0x46c: {  	[tilespmem:s5+$0x8060] =	vst v1  }
0x46d: {  	s4 =	sld [smem:$0x7E6];
	_ =	sdelay $0x1  }
0x46e: {  	s5 =	simm.s32 $0x0  }
0x46f: {  	[hbm4b:s4+s5] =	stream.linear.scatter [tilespmem:s15], [sflag:$0x8], $0x4000, $0x38;
	[tilespmem:$0x1C000] =	vst v63  }
0x470: {  	_ =	swait.ge [sflag:s2], $0x4000  }
0x471: {  	s7 =	sld [smem:$0x7F0]  }
0x472: {  	[sflag:s2] =	ssyncset.done $0x0  }
0x473: {  	s6 =	simm.s32 $0x0;
	[sflag:s2] =	ssyncadd.s32 $0xFFFFC000  }
0x474: {  	[tilespmem:s22], [sflag:$0x7] =	stream.linear.gather [hbm4b:s7+s5], $0x4000, $0x38;
	[tilespmem:$0x1C000] =	vst v63  }
0x475: {  	s8 =	sand.u32 $0x2000, s6;
	s7 =	sand.u32 $0x1C00, s5;
	_ =	swait.ge [sflag:s23], $0x4000  }
0x476: {  	s9 =	sand.u32 $0x380, s5;
	s4 =	sor.u32 s8, s7;
	[sflag:s23] =	ssyncset.done $0x0  }
0x477: {  	s4 =	sor.u32 s9, s4;
	[sflag:s23] =	ssyncadd.s32 $0xFFFFC000  }
0x478: {  	v0 =	vld [tilespmem:s4+$0xC070]  }
0x479: {  	v1 =	vld [tilespmem:s4+$0x4070]  }
0x47a: {  	v3 =	vld [tilespmem:s4+$0xC000]  }
0x47b: {  	v4 =	vld [tilespmem:s4+$0x4000]  }
0x47c: {  	v6 =	vld [tilespmem:s4+$0xC010]  }
0x47d: {  	v7 =	vld [tilespmem:s4+$0x4010]  }
0x47e: {  	v2 =	vld [tilespmem:s4+$0xC020]  }
0x47f: {  	v5 =	vld [tilespmem:s4+$0x4020]  }
0x480: {  	v1 =	vadd.f32 v1, v0;
	v0 =	vld [tilespmem:s4+$0xC030]  }
0x481: {  	v4 =	vadd.f32 v4, v3;
	v3 =	vld [tilespmem:s4+$0x4030]  }
0x482: {  	v6 =	vadd.f32 v7, v6;
	[tilespmem:s4+$0xC070] =	vst v1;
	v1 =	vld [tilespmem:s4+$0xC040]  }
0x483: {  	s7 =	simm.s32 $0x0;
	[tilespmem:s4+$0xC000] =	vst v4;
	v4 =	vld [tilespmem:s4+$0x4040]  }
.LBB2_44:
0x484: {  	s6 =	sadd.s32 $0x80, s6;
	[tilespmem:s4+$0xC010] =	vst v6;
	v2 =	vadd.f32 v5, v2;
	v5 =	vld [tilespmem:s4+$0xC050];
	s5 =	sadd.s32 $0x400, s5  }
0x485: {  	s7 =	sadd.s32 $0x10, s7;
	s8 =	sand.u32 $0x2000, s6;
	s9 =	sand.u32 $0x1C00, s5;
	v6 =	vld [tilespmem:s4+$0x4050]  }
0x486: {  	p0 =	slt.u32 s6, $0x3F80;
	s8 =	sor.u32 s8, s9;
	s9 =	sand.u32 $0x380, s7;
	[tilespmem:s4+$0xC020] =	vst v2;
	v0 =	vadd.f32 v3, v0;
	v2 =	vld [tilespmem:s4+$0xC060]  }
0x487: {  	s8 =	sor.u32 s9, s8;
	v3 =	vld [tilespmem:s4+$0x4060]  }
0x488: {  	v7 =	vld [tilespmem:s8+$0xC070];
	[tilespmem:s4+$0xC030] =	vst v0;
	v0 =	vadd.f32 v4, v1  }
0x489: {  	v1 =	vld [tilespmem:s8+$0x4070]  }
0x48a: {  	v4 =	vld [tilespmem:s8+$0xC000];
	[tilespmem:s4+$0xC040] =	vst v0;
	v0 =	vadd.f32 v6, v5  }
0x48b: {  	v6 =	vld [tilespmem:s8+$0x4000]  }
0x48c: {  	v8 =	vld [tilespmem:s8+$0xC010];
	[tilespmem:s4+$0xC050] =	vst v0;
	v0 =	vadd.f32 v3, v2  }
0x48d: {  	v9 =	vld [tilespmem:s8+$0x4010]  }
0x48e: {  	v2 =	vld [tilespmem:s8+$0xC020];
	v1 =	vadd.f32 v1, v7;
	[tilespmem:s4+$0xC060] =	vst v0;
	s4 =	smov.u32 s8  }
.Ltmp21:
0x48f: {  	v5 =	vld [tilespmem:s4+$0x4020];
	(pc) =	sbr.rel @p0 .LBB2_44-.Ltmp21, $4  }
0x490: {  	v4 =	vadd.f32 v6, v4;
	v0 =	vld [tilespmem:s4+$0xC030];
	[tilespmem:s4+$0xC070] =	vst v1  }
0x491: {  	v3 =	vld [tilespmem:s4+$0x4030]  }
0x492: {  	[tilespmem:s4+$0xC000] =	vst v4;
	v6 =	vadd.f32 v9, v8;
	v1 =	vld [tilespmem:s4+$0xC040]  }
0x493: {  	v4 =	vld [tilespmem:s4+$0x4040]  }
0x494: {  	v7 =	vld [tilespmem:s4+$0xC050]  }
0x495: {  	v8 =	vld [tilespmem:s4+$0x4050]  }
0x496: {  	v9 =	vld [tilespmem:s4+$0xC060]  }
0x497: {  	v10 =	vld [tilespmem:s4+$0x4060]  }
0x498: {  	v2 =	vadd.f32 v5, v2  }
0x499: {  	[tilespmem:s4+$0xC010] =	vst v6;
	v0 =	vadd.f32 v3, v0  }
0x49a: {  	[tilespmem:s4+$0xC020] =	vst v2;
	v1 =	vadd.f32 v4, v1  }
0x49b: {  	[tilespmem:s4+$0xC030] =	vst v0;
	v0 =	vadd.f32 v8, v7  }
0x49c: {  	[tilespmem:s4+$0xC040] =	vst v1;
	v1 =	vadd.f32 v10, v9  }
0x49d: {  	[tilespmem:s4+$0xC050] =	vst v0  }
0x49e: {  	[tilespmem:s4+$0xC060] =	vst v1  }
0x49f: {  	s4 =	sld [smem:$0x7E8];
	_ =	sdelay $0x1  }
0x4a0: {  	s5 =	simm.s32 $0x0  }
0x4a1: {  	[hbm4b:s4+s5] =	stream.linear.scatter [tilespmem:s16], [sflag:$0x9], $0x4000, $0x38;
	[tilespmem:$0x1C000] =	vst v63  }
0x4a2: {  	_ =	swait.ge [sflag:s24], $0x4000  }
0x4a3: {  	s7 =	sld [smem:$0x7F2]  }
0x4a4: {  	[sflag:s24] =	ssyncset.done $0x0  }
0x4a5: {  	s6 =	simm.s32 $0x0;
	[sflag:s24] =	ssyncadd.s32 $0xFFFFC000  }
0x4a6: {  	[tilespmem:s15], [sflag:$0x3] =	stream.linear.gather [hbm4b:s7+s5], $0x4000, $0x38;
	[tilespmem:$0x1C000] =	vst v63  }
0x4a7: {  	s8 =	sand.u32 $0x2000, s6;
	s7 =	sand.u32 $0x1C00, s5;
	_ =	swait.ge [sflag:s25], $0x4000  }
0x4a8: {  	s9 =	sand.u32 $0x380, s5;
	s4 =	sor.u32 s8, s7;
	[sflag:s25] =	ssyncset.done $0x0  }
0x4a9: {  	s4 =	sor.u32 s9, s4;
	[sflag:s25] =	ssyncadd.s32 $0xFFFFC000  }
0x4aa: {  	v0 =	vld [tilespmem:s4+$0x10070]  }
0x4ab: {  	v1 =	vld [tilespmem:s4+$0x4070]  }
0x4ac: {  	v3 =	vld [tilespmem:s4+$0x10000]  }
0x4ad: {  	v4 =	vld [tilespmem:s4+$0x4000]  }
0x4ae: {  	v6 =	vld [tilespmem:s4+$0x10010]  }
0x4af: {  	v7 =	vld [tilespmem:s4+$0x4010]  }
0x4b0: {  	v2 =	vld [tilespmem:s4+$0x10020]  }
0x4b1: {  	v5 =	vld [tilespmem:s4+$0x4020]  }
0x4b2: {  	v1 =	vadd.f32 v1, v0;
	v0 =	vld [tilespmem:s4+$0x10030]  }
0x4b3: {  	v4 =	vadd.f32 v4, v3;
	v3 =	vld [tilespmem:s4+$0x4030]  }
0x4b4: {  	v6 =	vadd.f32 v7, v6;
	[tilespmem:s4+$0x10070] =	vst v1;
	v1 =	vld [tilespmem:s4+$0x10040]  }
0x4b5: {  	s7 =	simm.s32 $0x0;
	[tilespmem:s4+$0x10000] =	vst v4;
	v4 =	vld [tilespmem:s4+$0x4040]  }
.LBB2_46:
0x4b6: {  	s6 =	sadd.s32 $0x80, s6;
	[tilespmem:s4+$0x10010] =	vst v6;
	v2 =	vadd.f32 v5, v2;
	v5 =	vld [tilespmem:s4+$0x10050];
	s5 =	sadd.s32 $0x400, s5  }
0x4b7: {  	s7 =	sadd.s32 $0x10, s7;
	s8 =	sand.u32 $0x2000, s6;
	s9 =	sand.u32 $0x1C00, s5;
	v6 =	vld [tilespmem:s4+$0x4050]  }
0x4b8: {  	p0 =	slt.u32 s6, $0x3F80;
	s8 =	sor.u32 s8, s9;
	s9 =	sand.u32 $0x380, s7;
	[tilespmem:s4+$0x10020] =	vst v2;
	v0 =	vadd.f32 v3, v0;
	v2 =	vld [tilespmem:s4+$0x10060]  }
0x4b9: {  	s8 =	sor.u32 s9, s8;
	v3 =	vld [tilespmem:s4+$0x4060]  }
0x4ba: {  	v7 =	vld [tilespmem:s8+$0x10070];
	[tilespmem:s4+$0x10030] =	vst v0;
	v0 =	vadd.f32 v4, v1  }
0x4bb: {  	v1 =	vld [tilespmem:s8+$0x4070]  }
0x4bc: {  	v4 =	vld [tilespmem:s8+$0x10000];
	[tilespmem:s4+$0x10040] =	vst v0;
	v0 =	vadd.f32 v6, v5  }
0x4bd: {  	v6 =	vld [tilespmem:s8+$0x4000]  }
0x4be: {  	v8 =	vld [tilespmem:s8+$0x10010];
	[tilespmem:s4+$0x10050] =	vst v0;
	v0 =	vadd.f32 v3, v2  }
0x4bf: {  	v9 =	vld [tilespmem:s8+$0x4010]  }
0x4c0: {  	v2 =	vld [tilespmem:s8+$0x10020];
	v1 =	vadd.f32 v1, v7;
	[tilespmem:s4+$0x10060] =	vst v0;
	s4 =	smov.u32 s8  }
.Ltmp22:
0x4c1: {  	v5 =	vld [tilespmem:s4+$0x4020];
	(pc) =	sbr.rel @p0 .LBB2_46-.Ltmp22, $4  }
0x4c2: {  	v4 =	vadd.f32 v6, v4;
	v0 =	vld [tilespmem:s4+$0x10030];
	[tilespmem:s4+$0x10070] =	vst v1  }
0x4c3: {  	v3 =	vld [tilespmem:s4+$0x4030]  }
0x4c4: {  	[tilespmem:s4+$0x10000] =	vst v4;
	v6 =	vadd.f32 v9, v8;
	v1 =	vld [tilespmem:s4+$0x10040]  }
0x4c5: {  	v4 =	vld [tilespmem:s4+$0x4040]  }
0x4c6: {  	v7 =	vld [tilespmem:s4+$0x10050]  }
0x4c7: {  	v8 =	vld [tilespmem:s4+$0x4050]  }
0x4c8: {  	v9 =	vld [tilespmem:s4+$0x10060]  }
0x4c9: {  	v10 =	vld [tilespmem:s4+$0x4060]  }
0x4ca: {  	v2 =	vadd.f32 v5, v2  }
0x4cb: {  	[tilespmem:s4+$0x10010] =	vst v6;
	v0 =	vadd.f32 v3, v0  }
0x4cc: {  	[tilespmem:s4+$0x10020] =	vst v2;
	v1 =	vadd.f32 v4, v1  }
0x4cd: {  	[tilespmem:s4+$0x10030] =	vst v0;
	v0 =	vadd.f32 v8, v7  }
0x4ce: {  	[tilespmem:s4+$0x10040] =	vst v1;
	v1 =	vadd.f32 v10, v9  }
0x4cf: {  	[tilespmem:s4+$0x10050] =	vst v0  }
0x4d0: {  	[tilespmem:s4+$0x10060] =	vst v1  }
0x4d1: {  	s4 =	sld [smem:$0x7EA];
	_ =	sdelay $0x1  }
0x4d2: {  	s5 =	simm.s32 $0x0  }
0x4d3: {  	[hbm4b:s4+s5] =	stream.linear.scatter [tilespmem:s17], [sflag:$0xA], $0x4000, $0x38;
	[tilespmem:$0x1C000] =	vst v63  }
0x4d4: {  	_ =	swait.ge [sflag:s26], $0x4000  }
0x4d5: {  	s7 =	sld [smem:$0x7F4]  }
0x4d6: {  	[sflag:s26] =	ssyncset.done $0x0  }
0x4d7: {  	s6 =	simm.s32 $0x0;
	[sflag:s26] =	ssyncadd.s32 $0xFFFFC000  }
0x4d8: {  	[tilespmem:s16], [sflag:$0x4] =	stream.linear.gather [hbm4b:s7+s5], $0x4000, $0x38;
	[tilespmem:$0x1C000] =	vst v63  }
0x4d9: {  	s8 =	sand.u32 $0x2000, s6;
	s7 =	sand.u32 $0x1C00, s5;
	_ =	swait.ge [sflag:s28], $0x4000  }
0x4da: {  	s9 =	sand.u32 $0x380, s5;
	s4 =	sor.u32 s8, s7;
	[sflag:s28] =	ssyncset.done $0x0  }
0x4db: {  	s4 =	sor.u32 s9, s4;
	[sflag:s28] =	ssyncadd.s32 $0xFFFFC000  }
0x4dc: {  	v0 =	vld [tilespmem:s4+$0x14070]  }
0x4dd: {  	v1 =	vld [tilespmem:s4+$0x4070]  }
0x4de: {  	v3 =	vld [tilespmem:s4+$0x14000]  }
0x4df: {  	v4 =	vld [tilespmem:s4+$0x4000]  }
0x4e0: {  	v6 =	vld [tilespmem:s4+$0x14010]  }
0x4e1: {  	v7 =	vld [tilespmem:s4+$0x4010]  }
0x4e2: {  	v2 =	vld [tilespmem:s4+$0x14020]  }
0x4e3: {  	v5 =	vld [tilespmem:s4+$0x4020]  }
0x4e4: {  	v1 =	vadd.f32 v1, v0;
	v0 =	vld [tilespmem:s4+$0x14030]  }
0x4e5: {  	v4 =	vadd.f32 v4, v3;
	v3 =	vld [tilespmem:s4+$0x4030]  }
0x4e6: {  	v6 =	vadd.f32 v7, v6;
	[tilespmem:s4+$0x14070] =	vst v1;
	v1 =	vld [tilespmem:s4+$0x14040]  }
0x4e7: {  	s7 =	simm.s32 $0x0;
	[tilespmem:s4+$0x14000] =	vst v4;
	v4 =	vld [tilespmem:s4+$0x4040]  }
.LBB2_48:
0x4e8: {  	s6 =	sadd.s32 $0x80, s6;
	[tilespmem:s4+$0x14010] =	vst v6;
	v2 =	vadd.f32 v5, v2;
	v5 =	vld [tilespmem:s4+$0x14050];
	s5 =	sadd.s32 $0x400, s5  }
0x4e9: {  	s7 =	sadd.s32 $0x10, s7;
	s8 =	sand.u32 $0x2000, s6;
	s9 =	sand.u32 $0x1C00, s5;
	v6 =	vld [tilespmem:s4+$0x4050]  }
0x4ea: {  	p0 =	slt.u32 s6, $0x3F80;
	s8 =	sor.u32 s8, s9;
	s9 =	sand.u32 $0x380, s7;
	[tilespmem:s4+$0x14020] =	vst v2;
	v0 =	vadd.f32 v3, v0;
	v2 =	vld [tilespmem:s4+$0x14060]  }
0x4eb: {  	s8 =	sor.u32 s9, s8;
	v3 =	vld [tilespmem:s4+$0x4060]  }
0x4ec: {  	v7 =	vld [tilespmem:s8+$0x14070];
	[tilespmem:s4+$0x14030] =	vst v0;
	v0 =	vadd.f32 v4, v1  }
0x4ed: {  	v1 =	vld [tilespmem:s8+$0x4070]  }
0x4ee: {  	v4 =	vld [tilespmem:s8+$0x14000];
	[tilespmem:s4+$0x14040] =	vst v0;
	v0 =	vadd.f32 v6, v5  }
0x4ef: {  	v6 =	vld [tilespmem:s8+$0x4000]  }
0x4f0: {  	v8 =	vld [tilespmem:s8+$0x14010];
	[tilespmem:s4+$0x14050] =	vst v0;
	v0 =	vadd.f32 v3, v2  }
0x4f1: {  	v9 =	vld [tilespmem:s8+$0x4010]  }
0x4f2: {  	v2 =	vld [tilespmem:s8+$0x14020];
	v1 =	vadd.f32 v1, v7;
	[tilespmem:s4+$0x14060] =	vst v0;
	s4 =	smov.u32 s8  }
.Ltmp23:
0x4f3: {  	v5 =	vld [tilespmem:s4+$0x4020];
	(pc) =	sbr.rel @p0 .LBB2_48-.Ltmp23, $4  }
0x4f4: {  	v4 =	vadd.f32 v6, v4;
	v0 =	vld [tilespmem:s4+$0x14030];
	[tilespmem:s4+$0x14070] =	vst v1  }
0x4f5: {  	v3 =	vld [tilespmem:s4+$0x4030]  }
0x4f6: {  	[tilespmem:s4+$0x14000] =	vst v4;
	v6 =	vadd.f32 v9, v8;
	v1 =	vld [tilespmem:s4+$0x14040]  }
0x4f7: {  	v4 =	vld [tilespmem:s4+$0x4040]  }
0x4f8: {  	v7 =	vld [tilespmem:s4+$0x14050]  }
0x4f9: {  	v8 =	vld [tilespmem:s4+$0x4050]  }
0x4fa: {  	v9 =	vld [tilespmem:s4+$0x14060]  }
0x4fb: {  	v10 =	vld [tilespmem:s4+$0x4060]  }
0x4fc: {  	v2 =	vadd.f32 v5, v2  }
0x4fd: {  	[tilespmem:s4+$0x14010] =	vst v6;
	v0 =	vadd.f32 v3, v0  }
0x4fe: {  	[tilespmem:s4+$0x14020] =	vst v2;
	v1 =	vadd.f32 v4, v1  }
0x4ff: {  	[tilespmem:s4+$0x14030] =	vst v0;
	v0 =	vadd.f32 v8, v7  }
0x500: {  	[tilespmem:s4+$0x14040] =	vst v1;
	v1 =	vadd.f32 v10, v9  }
0x501: {  	[tilespmem:s4+$0x14050] =	vst v0  }
0x502: {  	[tilespmem:s4+$0x14060] =	vst v1  }
0x503: {  	s5 =	sld [smem:$0x7EC];
	_ =	sdelay $0x1  }
0x504: {  	s4 =	simm.s32 $0x0  }
0x505: {  	[hbm4b:s5+s4] =	stream.linear.scatter [tilespmem:s20], [sflag:$0xB], $0x4000, $0x38;
	[tilespmem:$0x1C000] =	vst v63  }
0x506: {  	_ =	swait.ge [sflag:s18], $0x4000  }
0x507: {  	s6 =	sld [smem:$0x7EF]  }
0x508: {  	[sflag:s18] =	ssyncset.done $0x0  }
0x509: {  	[sflag:s18] =	ssyncadd.s32 $0xFFFFC000  }
0x50a: {  	[tilespmem:s19], [sflag:$0x2] =	stream.linear.gather [hbm4b:s6+s4], $0x4000, $0x38;
	[tilespmem:$0x1C000] =	vst v63  }
0x50b: {  	_ =	swait.ge [sflag:s30], $0x4000  }
0x50c: {  	s7 =	sld [smem:$0x7F6]  }
0x50d: {  	[sflag:s30] =	ssyncset.done $0x0  }
0x50e: {  	s6 =	simm.s32 $0x0;
	[sflag:s30] =	ssyncadd.s32 $0xFFFFC000  }
0x50f: {  	[tilespmem:s17], [sflag:$0x5] =	stream.linear.gather [hbm4b:s7+s4], $0x4000, $0x38;
	[tilespmem:$0x1C000] =	vst v63  }
0x510: {  	s8 =	sand.u32 $0x2000, s6;
	s7 =	sand.u32 $0x1C00, s4;
	_ =	swait.ge [sflag:s31], $0x4000  }
0x511: {  	s9 =	sand.u32 $0x380, s4;
	s5 =	sor.u32 s8, s7;
	[sflag:s31] =	ssyncset.done $0x0  }
0x512: {  	s5 =	sor.u32 s9, s5;
	[sflag:s31] =	ssyncadd.s32 $0xFFFFC000  }
0x513: {  	v0 =	vld [tilespmem:s5+$0x18070]  }
0x514: {  	v1 =	vld [tilespmem:s5+$0x70]  }
0x515: {  	v3 =	vld [tilespmem:s5+$0x18000]  }
0x516: {  	v4 =	vld [tilespmem:s5+$0x0]  }
0x517: {  	v6 =	vld [tilespmem:s5+$0x18010]  }
0x518: {  	v7 =	vld [tilespmem:s5+$0x10]  }
0x519: {  	v2 =	vld [tilespmem:s5+$0x18020]  }
0x51a: {  	v5 =	vld [tilespmem:s5+$0x20]  }
0x51b: {  	v1 =	vadd.f32 v1, v0;
	v0 =	vld [tilespmem:s5+$0x18030]  }
0x51c: {  	v4 =	vadd.f32 v4, v3;
	v3 =	vld [tilespmem:s5+$0x30]  }
0x51d: {  	v6 =	vadd.f32 v7, v6;
	[tilespmem:s5+$0x18070] =	vst v1;
	v1 =	vld [tilespmem:s5+$0x18040]  }
0x51e: {  	s7 =	simm.s32 $0x0;
	[tilespmem:s5+$0x18000] =	vst v4;
	v4 =	vld [tilespmem:s5+$0x40]  }
.LBB2_50:
0x51f: {  	s6 =	sadd.s32 $0x80, s6;
	[tilespmem:s5+$0x18010] =	vst v6;
	v2 =	vadd.f32 v5, v2;
	v5 =	vld [tilespmem:s5+$0x18050];
	s4 =	sadd.s32 $0x400, s4  }
0x520: {  	s7 =	sadd.s32 $0x10, s7;
	s8 =	sand.u32 $0x2000, s6;
	s9 =	sand.u32 $0x1C00, s4;
	v6 =	vld [tilespmem:s5+$0x50]  }
0x521: {  	p0 =	slt.u32 s6, $0x3F80;
	s8 =	sor.u32 s8, s9;
	s9 =	sand.u32 $0x380, s7;
	[tilespmem:s5+$0x18020] =	vst v2;
	v0 =	vadd.f32 v3, v0;
	v2 =	vld [tilespmem:s5+$0x18060]  }
0x522: {  	s8 =	sor.u32 s9, s8;
	v3 =	vld [tilespmem:s5+$0x60]  }
0x523: {  	v7 =	vld [tilespmem:s8+$0x18070];
	[tilespmem:s5+$0x18030] =	vst v0;
	v0 =	vadd.f32 v4, v1  }
0x524: {  	v1 =	vld [tilespmem:s8+$0x70]  }
0x525: {  	v4 =	vld [tilespmem:s8+$0x18000];
	[tilespmem:s5+$0x18040] =	vst v0;
	v0 =	vadd.f32 v6, v5  }
0x526: {  	v6 =	vld [tilespmem:s8+$0x0]  }
0x527: {  	v8 =	vld [tilespmem:s8+$0x18010];
	[tilespmem:s5+$0x18050] =	vst v0;
	v0 =	vadd.f32 v3, v2  }
0x528: {  	v9 =	vld [tilespmem:s8+$0x10]  }
0x529: {  	v2 =	vld [tilespmem:s8+$0x18020];
	v1 =	vadd.f32 v1, v7;
	[tilespmem:s5+$0x18060] =	vst v0;
	s5 =	smov.u32 s8  }
.Ltmp24:
0x52a: {  	v5 =	vld [tilespmem:s5+$0x20];
	(pc) =	sbr.rel @p0 .LBB2_50-.Ltmp24, $4  }
0x52b: {  	v4 =	vadd.f32 v6, v4;
	v0 =	vld [tilespmem:s5+$0x18030];
	[tilespmem:s5+$0x18070] =	vst v1  }
0x52c: {  	v3 =	vld [tilespmem:s5+$0x30]  }
0x52d: {  	[tilespmem:s5+$0x18000] =	vst v4;
	v6 =	vadd.f32 v9, v8;
	v1 =	vld [tilespmem:s5+$0x18040]  }
0x52e: {  	v4 =	vld [tilespmem:s5+$0x40]  }
0x52f: {  	v7 =	vld [tilespmem:s5+$0x18050]  }
0x530: {  	v8 =	vld [tilespmem:s5+$0x50]  }
0x531: {  	v9 =	vld [tilespmem:s5+$0x18060]  }
0x532: {  	v10 =	vld [tilespmem:s5+$0x60]  }
0x533: {  	v2 =	vadd.f32 v5, v2  }
0x534: {  	[tilespmem:s5+$0x18010] =	vst v6;
	v0 =	vadd.f32 v3, v0  }
0x535: {  	[tilespmem:s5+$0x18020] =	vst v2;
	v1 =	vadd.f32 v4, v1  }
0x536: {  	[tilespmem:s5+$0x18030] =	vst v0;
	v0 =	vadd.f32 v8, v7  }
0x537: {  	[tilespmem:s5+$0x18040] =	vst v1;
	v1 =	vadd.f32 v10, v9  }
0x538: {  	[tilespmem:s5+$0x18050] =	vst v0  }
0x539: {  	[tilespmem:s5+$0x18060] =	vst v1  }
0x53a: {  	s4 =	sld [smem:$0x7F1];
	_ =	sdelay $0x1  }
0x53b: {  	s5 =	simm.s32 $0x0  }
0x53c: {  	[hbm4b:s4+s5] =	stream.linear.scatter [tilespmem:s22], [sflag:$0xC], $0x4000, $0x38;
	[tilespmem:$0x1C000] =	vst v63  }
0x53d: {  	_ =	swait.ge [sflag:s0], $0x4000  }
0x53e: {  	s7 =	sld [smem:$0x7FA]  }
0x53f: {  	[sflag:s0] =	ssyncset.done $0x0  }
0x540: {  	s6 =	simm.s32 $0x0;
	[sflag:s0] =	ssyncadd.s32 $0xFFFFC000  }
0x541: {  	[tilespmem:s20], [sflag:$0x6] =	stream.linear.gather [hbm4b:s7+s5], $0x4000, $0x38;
	[tilespmem:$0x1C000] =	vst v63  }
0x542: {  	s8 =	sand.u32 $0x2000, s6;
	s7 =	sand.u32 $0x1C00, s5;
	_ =	swait.ge [sflag:s21], $0x4000  }
0x543: {  	s9 =	sand.u32 $0x380, s5;
	s4 =	sor.u32 s8, s7;
	[sflag:s21] =	ssyncset.done $0x0  }
0x544: {  	s4 =	sor.u32 s9, s4;
	[sflag:s21] =	ssyncadd.s32 $0xFFFFC000  }
0x545: {  	v0 =	vld [tilespmem:s4+$0x8070]  }
0x546: {  	v1 =	vld [tilespmem:s4+$0x70]  }
0x547: {  	v3 =	vld [tilespmem:s4+$0x8000]  }
0x548: {  	v4 =	vld [tilespmem:s4+$0x0]  }
0x549: {  	v6 =	vld [tilespmem:s4+$0x8010]  }
0x54a: {  	v7 =	vld [tilespmem:s4+$0x10]  }
0x54b: {  	v2 =	vld [tilespmem:s4+$0x8020]  }
0x54c: {  	v5 =	vld [tilespmem:s4+$0x20]  }
0x54d: {  	v1 =	vadd.f32 v1, v0;
	v0 =	vld [tilespmem:s4+$0x8030]  }
0x54e: {  	v4 =	vadd.f32 v4, v3;
	v3 =	vld [tilespmem:s4+$0x30]  }
0x54f: {  	v6 =	vadd.f32 v7, v6;
	[tilespmem:s4+$0x8070] =	vst v1;
	v1 =	vld [tilespmem:s4+$0x8040]  }
0x550: {  	s7 =	simm.s32 $0x0;
	[tilespmem:s4+$0x8000] =	vst v4;
	v4 =	vld [tilespmem:s4+$0x40]  }
.LBB2_52:
0x551: {  	s6 =	sadd.s32 $0x80, s6;
	[tilespmem:s4+$0x8010] =	vst v6;
	v2 =	vadd.f32 v5, v2;
	v5 =	vld [tilespmem:s4+$0x8050];
	s5 =	sadd.s32 $0x400, s5  }
0x552: {  	s7 =	sadd.s32 $0x10, s7;
	s8 =	sand.u32 $0x2000, s6;
	s9 =	sand.u32 $0x1C00, s5;
	v6 =	vld [tilespmem:s4+$0x50]  }
0x553: {  	p0 =	slt.u32 s6, $0x3F80;
	s8 =	sor.u32 s8, s9;
	s9 =	sand.u32 $0x380, s7;
	[tilespmem:s4+$0x8020] =	vst v2;
	v0 =	vadd.f32 v3, v0;
	v2 =	vld [tilespmem:s4+$0x8060]  }
0x554: {  	s8 =	sor.u32 s9, s8;
	v3 =	vld [tilespmem:s4+$0x60]  }
0x555: {  	v7 =	vld [tilespmem:s8+$0x8070];
	[tilespmem:s4+$0x8030] =	vst v0;
	v0 =	vadd.f32 v4, v1  }
0x556: {  	v1 =	vld [tilespmem:s8+$0x70]  }
0x557: {  	v4 =	vld [tilespmem:s8+$0x8000];
	[tilespmem:s4+$0x8040] =	vst v0;
	v0 =	vadd.f32 v6, v5  }
0x558: {  	v6 =	vld [tilespmem:s8+$0x0]  }
0x559: {  	v8 =	vld [tilespmem:s8+$0x8010];
	[tilespmem:s4+$0x8050] =	vst v0;
	v0 =	vadd.f32 v3, v2  }
0x55a: {  	v9 =	vld [tilespmem:s8+$0x10]  }
0x55b: {  	v2 =	vld [tilespmem:s8+$0x8020];
	v1 =	vadd.f32 v1, v7;
	[tilespmem:s4+$0x8060] =	vst v0;
	s4 =	smov.u32 s8  }
.Ltmp25:
0x55c: {  	v5 =	vld [tilespmem:s4+$0x20];
	(pc) =	sbr.rel @p0 .LBB2_52-.Ltmp25, $4  }
0x55d: {  	v4 =	vadd.f32 v6, v4;
	v0 =	vld [tilespmem:s4+$0x8030];
	[tilespmem:s4+$0x8070] =	vst v1  }
0x55e: {  	v3 =	vld [tilespmem:s4+$0x30]  }
0x55f: {  	[tilespmem:s4+$0x8000] =	vst v4;
	v6 =	vadd.f32 v9, v8;
	v1 =	vld [tilespmem:s4+$0x8040]  }
0x560: {  	v4 =	vld [tilespmem:s4+$0x40]  }
0x561: {  	v7 =	vld [tilespmem:s4+$0x8050]  }
0x562: {  	v8 =	vld [tilespmem:s4+$0x50]  }
0x563: {  	v9 =	vld [tilespmem:s4+$0x8060]  }
0x564: {  	v10 =	vld [tilespmem:s4+$0x60]  }
0x565: {  	v2 =	vadd.f32 v5, v2  }
0x566: {  	[tilespmem:s4+$0x8010] =	vst v6;
	v0 =	vadd.f32 v3, v0  }
0x567: {  	[tilespmem:s4+$0x8020] =	vst v2;
	v1 =	vadd.f32 v4, v1  }
0x568: {  	[tilespmem:s4+$0x8030] =	vst v0;
	v0 =	vadd.f32 v8, v7  }
0x569: {  	[tilespmem:s4+$0x8040] =	vst v1;
	v1 =	vadd.f32 v10, v9  }
0x56a: {  	[tilespmem:s4+$0x8050] =	vst v0  }
0x56b: {  	[tilespmem:s4+$0x8060] =	vst v1  }
0x56c: {  	s4 =	sld [smem:$0x7F3];
	_ =	sdelay $0x1  }
0x56d: {  	s5 =	simm.s32 $0x0  }
0x56e: {  	[hbm4b:s4+s5] =	stream.linear.scatter [tilespmem:s15], [sflag:$0x8], $0x4000, $0x38;
	[tilespmem:$0x1C000] =	vst v63  }
0x56f: {  	_ =	swait.ge [sflag:s2], $0x4000  }
0x570: {  	s7 =	sld [smem:$0x7FB]  }
0x571: {  	[sflag:s2] =	ssyncset.done $0x0  }
0x572: {  	s6 =	simm.s32 $0x0;
	[sflag:s2] =	ssyncadd.s32 $0xFFFFC000  }
0x573: {  	[tilespmem:s22], [sflag:$0x7] =	stream.linear.gather [hbm4b:s7+s5], $0x4000, $0x38;
	[tilespmem:$0x1C000] =	vst v63  }
0x574: {  	s8 =	sand.u32 $0x2000, s6;
	s7 =	sand.u32 $0x1C00, s5;
	_ =	swait.ge [sflag:s23], $0x4000  }
0x575: {  	s9 =	sand.u32 $0x380, s5;
	s4 =	sor.u32 s8, s7;
	[sflag:s23] =	ssyncset.done $0x0  }
0x576: {  	s4 =	sor.u32 s9, s4;
	[sflag:s23] =	ssyncadd.s32 $0xFFFFC000  }
0x577: {  	v0 =	vld [tilespmem:s4+$0xC070]  }
0x578: {  	v1 =	vld [tilespmem:s4+$0x70]  }
0x579: {  	v3 =	vld [tilespmem:s4+$0xC000]  }
0x57a: {  	v4 =	vld [tilespmem:s4+$0x0]  }
0x57b: {  	v6 =	vld [tilespmem:s4+$0xC010]  }
0x57c: {  	v7 =	vld [tilespmem:s4+$0x10]  }
0x57d: {  	v2 =	vld [tilespmem:s4+$0xC020]  }
0x57e: {  	v5 =	vld [tilespmem:s4+$0x20]  }
0x57f: {  	v1 =	vadd.f32 v1, v0;
	v0 =	vld [tilespmem:s4+$0xC030]  }
0x580: {  	v4 =	vadd.f32 v4, v3;
	v3 =	vld [tilespmem:s4+$0x30]  }
0x581: {  	v6 =	vadd.f32 v7, v6;
	[tilespmem:s4+$0xC070] =	vst v1;
	v1 =	vld [tilespmem:s4+$0xC040]  }
0x582: {  	s7 =	simm.s32 $0x0;
	[tilespmem:s4+$0xC000] =	vst v4;
	v4 =	vld [tilespmem:s4+$0x40]  }
.LBB2_54:
0x583: {  	s6 =	sadd.s32 $0x80, s6;
	[tilespmem:s4+$0xC010] =	vst v6;
	v2 =	vadd.f32 v5, v2;
	v5 =	vld [tilespmem:s4+$0xC050];
	s5 =	sadd.s32 $0x400, s5  }
0x584: {  	s7 =	sadd.s32 $0x10, s7;
	s8 =	sand.u32 $0x2000, s6;
	s9 =	sand.u32 $0x1C00, s5;
	v6 =	vld [tilespmem:s4+$0x50]  }
0x585: {  	p0 =	slt.u32 s6, $0x3F80;
	s8 =	sor.u32 s8, s9;
	s9 =	sand.u32 $0x380, s7;
	[tilespmem:s4+$0xC020] =	vst v2;
	v0 =	vadd.f32 v3, v0;
	v2 =	vld [tilespmem:s4+$0xC060]  }
0x586: {  	s8 =	sor.u32 s9, s8;
	v3 =	vld [tilespmem:s4+$0x60]  }
0x587: {  	v7 =	vld [tilespmem:s8+$0xC070];
	[tilespmem:s4+$0xC030] =	vst v0;
	v0 =	vadd.f32 v4, v1  }
0x588: {  	v1 =	vld [tilespmem:s8+$0x70]  }
0x589: {  	v4 =	vld [tilespmem:s8+$0xC000];
	[tilespmem:s4+$0xC040] =	vst v0;
	v0 =	vadd.f32 v6, v5  }
0x58a: {  	v6 =	vld [tilespmem:s8+$0x0]  }
0x58b: {  	v8 =	vld [tilespmem:s8+$0xC010];
	[tilespmem:s4+$0xC050] =	vst v0;
	v0 =	vadd.f32 v3, v2  }
0x58c: {  	v9 =	vld [tilespmem:s8+$0x10]  }
0x58d: {  	v2 =	vld [tilespmem:s8+$0xC020];
	v1 =	vadd.f32 v1, v7;
	[tilespmem:s4+$0xC060] =	vst v0;
	s4 =	smov.u32 s8  }
.Ltmp26:
0x58e: {  	v5 =	vld [tilespmem:s4+$0x20];
	(pc) =	sbr.rel @p0 .LBB2_54-.Ltmp26, $4  }
0x58f: {  	v4 =	vadd.f32 v6, v4;
	v0 =	vld [tilespmem:s4+$0xC030];
	[tilespmem:s4+$0xC070] =	vst v1  }
0x590: {  	v3 =	vld [tilespmem:s4+$0x30]  }
0x591: {  	[tilespmem:s4+$0xC000] =	vst v4;
	v6 =	vadd.f32 v9, v8;
	v1 =	vld [tilespmem:s4+$0xC040]  }
0x592: {  	v4 =	vld [tilespmem:s4+$0x40]  }
0x593: {  	v7 =	vld [tilespmem:s4+$0xC050]  }
0x594: {  	v8 =	vld [tilespmem:s4+$0x50]  }
0x595: {  	v9 =	vld [tilespmem:s4+$0xC060]  }
0x596: {  	v10 =	vld [tilespmem:s4+$0x60]  }
0x597: {  	v2 =	vadd.f32 v5, v2  }
0x598: {  	[tilespmem:s4+$0xC010] =	vst v6;
	v0 =	vadd.f32 v3, v0  }
0x599: {  	[tilespmem:s4+$0xC020] =	vst v2;
	v1 =	vadd.f32 v4, v1  }
0x59a: {  	[tilespmem:s4+$0xC030] =	vst v0;
	v0 =	vadd.f32 v8, v7  }
0x59b: {  	[tilespmem:s4+$0xC040] =	vst v1;
	v1 =	vadd.f32 v10, v9  }
0x59c: {  	[tilespmem:s4+$0xC050] =	vst v0  }
0x59d: {  	[tilespmem:s4+$0xC060] =	vst v1  }
0x59e: {  	s4 =	sld [smem:$0x7F5];
	_ =	sdelay $0x1  }
0x59f: {  	s5 =	simm.s32 $0x0  }
0x5a0: {  	[hbm4b:s4+s5] =	stream.linear.scatter [tilespmem:s16], [sflag:$0x9], $0x4000, $0x38;
	[tilespmem:$0x1C000] =	vst v63  }
0x5a1: {  	_ =	swait.ge [sflag:s24], $0x4000  }
0x5a2: {  	s7 =	sld [smem:$0x7FC]  }
0x5a3: {  	[sflag:s24] =	ssyncset.done $0x0  }
0x5a4: {  	s6 =	simm.s32 $0x0;
	[sflag:s24] =	ssyncadd.s32 $0xFFFFC000  }
0x5a5: {  	[tilespmem:s15], [sflag:$0x3] =	stream.linear.gather [hbm4b:s7+s5], $0x4000, $0x38;
	[tilespmem:$0x1C000] =	vst v63  }
0x5a6: {  	s8 =	sand.u32 $0x2000, s6;
	s7 =	sand.u32 $0x1C00, s5;
	_ =	swait.ge [sflag:s25], $0x4000  }
0x5a7: {  	s9 =	sand.u32 $0x380, s5;
	s4 =	sor.u32 s8, s7;
	[sflag:s25] =	ssyncset.done $0x0  }
0x5a8: {  	s4 =	sor.u32 s9, s4;
	[sflag:s25] =	ssyncadd.s32 $0xFFFFC000  }
0x5a9: {  	v0 =	vld [tilespmem:s4+$0x10070]  }
0x5aa: {  	v1 =	vld [tilespmem:s4+$0x70]  }
0x5ab: {  	v3 =	vld [tilespmem:s4+$0x10000]  }
0x5ac: {  	v4 =	vld [tilespmem:s4+$0x0]  }
0x5ad: {  	v6 =	vld [tilespmem:s4+$0x10010]  }
0x5ae: {  	v7 =	vld [tilespmem:s4+$0x10]  }
0x5af: {  	v2 =	vld [tilespmem:s4+$0x10020]  }
0x5b0: {  	v5 =	vld [tilespmem:s4+$0x20]  }
0x5b1: {  	v1 =	vadd.f32 v1, v0;
	v0 =	vld [tilespmem:s4+$0x10030]  }
0x5b2: {  	v4 =	vadd.f32 v4, v3;
	v3 =	vld [tilespmem:s4+$0x30]  }
0x5b3: {  	v6 =	vadd.f32 v7, v6;
	[tilespmem:s4+$0x10070] =	vst v1;
	v1 =	vld [tilespmem:s4+$0x10040]  }
0x5b4: {  	s7 =	simm.s32 $0x0;
	[tilespmem:s4+$0x10000] =	vst v4;
	v4 =	vld [tilespmem:s4+$0x40]  }
.LBB2_56:
0x5b5: {  	s6 =	sadd.s32 $0x80, s6;
	[tilespmem:s4+$0x10010] =	vst v6;
	v2 =	vadd.f32 v5, v2;
	v5 =	vld [tilespmem:s4+$0x10050];
	s5 =	sadd.s32 $0x400, s5  }
0x5b6: {  	s7 =	sadd.s32 $0x10, s7;
	s8 =	sand.u32 $0x2000, s6;
	s9 =	sand.u32 $0x1C00, s5;
	v6 =	vld [tilespmem:s4+$0x50]  }
0x5b7: {  	p0 =	slt.u32 s6, $0x3F80;
	s8 =	sor.u32 s8, s9;
	s9 =	sand.u32 $0x380, s7;
	[tilespmem:s4+$0x10020] =	vst v2;
	v0 =	vadd.f32 v3, v0;
	v2 =	vld [tilespmem:s4+$0x10060]  }
0x5b8: {  	s8 =	sor.u32 s9, s8;
	v3 =	vld [tilespmem:s4+$0x60]  }
0x5b9: {  	v7 =	vld [tilespmem:s8+$0x10070];
	[tilespmem:s4+$0x10030] =	vst v0;
	v0 =	vadd.f32 v4, v1  }
0x5ba: {  	v1 =	vld [tilespmem:s8+$0x70]  }
0x5bb: {  	v4 =	vld [tilespmem:s8+$0x10000];
	[tilespmem:s4+$0x10040] =	vst v0;
	v0 =	vadd.f32 v6, v5  }
0x5bc: {  	v6 =	vld [tilespmem:s8+$0x0]  }
0x5bd: {  	v8 =	vld [tilespmem:s8+$0x10010];
	[tilespmem:s4+$0x10050] =	vst v0;
	v0 =	vadd.f32 v3, v2  }
0x5be: {  	v9 =	vld [tilespmem:s8+$0x10]  }
0x5bf: {  	v2 =	vld [tilespmem:s8+$0x10020];
	v1 =	vadd.f32 v1, v7;
	[tilespmem:s4+$0x10060] =	vst v0;
	s4 =	smov.u32 s8  }
.Ltmp27:
0x5c0: {  	v5 =	vld [tilespmem:s4+$0x20];
	(pc) =	sbr.rel @p0 .LBB2_56-.Ltmp27, $4  }
0x5c1: {  	v4 =	vadd.f32 v6, v4;
	v0 =	vld [tilespmem:s4+$0x10030];
	[tilespmem:s4+$0x10070] =	vst v1  }
0x5c2: {  	v3 =	vld [tilespmem:s4+$0x30]  }
0x5c3: {  	[tilespmem:s4+$0x10000] =	vst v4;
	v6 =	vadd.f32 v9, v8;
	v1 =	vld [tilespmem:s4+$0x10040]  }
0x5c4: {  	v4 =	vld [tilespmem:s4+$0x40]  }
0x5c5: {  	v7 =	vld [tilespmem:s4+$0x10050]  }
0x5c6: {  	v8 =	vld [tilespmem:s4+$0x50]  }
0x5c7: {  	v9 =	vld [tilespmem:s4+$0x10060]  }
0x5c8: {  	v10 =	vld [tilespmem:s4+$0x60]  }
0x5c9: {  	v2 =	vadd.f32 v5, v2  }
0x5ca: {  	[tilespmem:s4+$0x10010] =	vst v6;
	v0 =	vadd.f32 v3, v0  }
0x5cb: {  	[tilespmem:s4+$0x10020] =	vst v2;
	v1 =	vadd.f32 v4, v1  }
0x5cc: {  	[tilespmem:s4+$0x10030] =	vst v0;
	v0 =	vadd.f32 v8, v7  }
0x5cd: {  	[tilespmem:s4+$0x10040] =	vst v1;
	v1 =	vadd.f32 v10, v9  }
0x5ce: {  	[tilespmem:s4+$0x10050] =	vst v0  }
0x5cf: {  	[tilespmem:s4+$0x10060] =	vst v1  }
0x5d0: {  	s5 =	sld [smem:$0x7F7];
	_ =	sdelay $0x1  }
0x5d1: {  	s4 =	simm.s32 $0x0  }
0x5d2: {  	[hbm4b:s5+s4] =	stream.linear.scatter [tilespmem:s17], [sflag:$0xA], $0x4000, $0x38;
	[tilespmem:$0x1C000] =	vst v63  }
0x5d3: {  	_ =	swait.ge [sflag:s29], $0x4000  }
0x5d4: {  	[sflag:s29] =	ssyncset.done $0x0  }
0x5d5: {  	[sflag:s29] =	ssyncadd.s32 $0xFFFFC000  }
0x5d6: {  	_ =	swait.ge [sflag:s26], $0x4000  }
0x5d7: {  	s7 =	sld [smem:$0x7FD]  }
0x5d8: {  	[sflag:s26] =	ssyncset.done $0x0  }
0x5d9: {  	s6 =	simm.s32 $0x0;
	[sflag:s26] =	ssyncadd.s32 $0xFFFFC000  }
0x5da: {  	[tilespmem:s16], [sflag:$0x4] =	stream.linear.gather [hbm4b:s7+s4], $0x4000, $0x38;
	[tilespmem:$0x1C000] =	vst v63  }
0x5db: {  	s8 =	sand.u32 $0x2000, s6;
	s7 =	sand.u32 $0x1C00, s4;
	_ =	swait.ge [sflag:s28], $0x4000  }
0x5dc: {  	s9 =	sand.u32 $0x380, s4;
	s5 =	sor.u32 s8, s7;
	[sflag:s28] =	ssyncset.done $0x0  }
0x5dd: {  	s5 =	sor.u32 s9, s5;
	[sflag:s28] =	ssyncadd.s32 $0xFFFFC000  }
0x5de: {  	v0 =	vld [tilespmem:s5+$0x14070]  }
0x5df: {  	v1 =	vld [tilespmem:s5+$0x4070]  }
0x5e0: {  	v3 =	vld [tilespmem:s5+$0x14000]  }
0x5e1: {  	v4 =	vld [tilespmem:s5+$0x4000]  }
0x5e2: {  	v6 =	vld [tilespmem:s5+$0x14010]  }
0x5e3: {  	v7 =	vld [tilespmem:s5+$0x4010]  }
0x5e4: {  	v2 =	vld [tilespmem:s5+$0x14020]  }
0x5e5: {  	v5 =	vld [tilespmem:s5+$0x4020]  }
0x5e6: {  	v1 =	vadd.f32 v1, v0;
	v0 =	vld [tilespmem:s5+$0x14030]  }
0x5e7: {  	v4 =	vadd.f32 v4, v3;
	v3 =	vld [tilespmem:s5+$0x4030]  }
0x5e8: {  	v6 =	vadd.f32 v7, v6;
	[tilespmem:s5+$0x14070] =	vst v1;
	v1 =	vld [tilespmem:s5+$0x14040]  }
0x5e9: {  	s7 =	simm.s32 $0x0;
	[tilespmem:s5+$0x14000] =	vst v4;
	v4 =	vld [tilespmem:s5+$0x4040]  }
.LBB2_58:
0x5ea: {  	s6 =	sadd.s32 $0x80, s6;
	[tilespmem:s5+$0x14010] =	vst v6;
	v2 =	vadd.f32 v5, v2;
	v5 =	vld [tilespmem:s5+$0x14050];
	s4 =	sadd.s32 $0x400, s4  }
0x5eb: {  	s7 =	sadd.s32 $0x10, s7;
	s8 =	sand.u32 $0x2000, s6;
	s9 =	sand.u32 $0x1C00, s4;
	v6 =	vld [tilespmem:s5+$0x4050]  }
0x5ec: {  	p0 =	slt.u32 s6, $0x3F80;
	s8 =	sor.u32 s8, s9;
	s9 =	sand.u32 $0x380, s7;
	[tilespmem:s5+$0x14020] =	vst v2;
	v0 =	vadd.f32 v3, v0;
	v2 =	vld [tilespmem:s5+$0x14060]  }
0x5ed: {  	s8 =	sor.u32 s9, s8;
	v3 =	vld [tilespmem:s5+$0x4060]  }
0x5ee: {  	v7 =	vld [tilespmem:s8+$0x14070];
	[tilespmem:s5+$0x14030] =	vst v0;
	v0 =	vadd.f32 v4, v1  }
0x5ef: {  	v1 =	vld [tilespmem:s8+$0x4070]  }
0x5f0: {  	v4 =	vld [tilespmem:s8+$0x14000];
	[tilespmem:s5+$0x14040] =	vst v0;
	v0 =	vadd.f32 v6, v5  }
0x5f1: {  	v6 =	vld [tilespmem:s8+$0x4000]  }
0x5f2: {  	v8 =	vld [tilespmem:s8+$0x14010];
	[tilespmem:s5+$0x14050] =	vst v0;
	v0 =	vadd.f32 v3, v2  }
0x5f3: {  	v9 =	vld [tilespmem:s8+$0x4010]  }
0x5f4: {  	v2 =	vld [tilespmem:s8+$0x14020];
	v1 =	vadd.f32 v1, v7;
	[tilespmem:s5+$0x14060] =	vst v0;
	s5 =	smov.u32 s8  }
.Ltmp28:
0x5f5: {  	v5 =	vld [tilespmem:s5+$0x4020];
	(pc) =	sbr.rel @p0 .LBB2_58-.Ltmp28, $4  }
0x5f6: {  	v4 =	vadd.f32 v6, v4;
	v0 =	vld [tilespmem:s5+$0x14030];
	[tilespmem:s5+$0x14070] =	vst v1  }
0x5f7: {  	v3 =	vld [tilespmem:s5+$0x4030]  }
0x5f8: {  	[tilespmem:s5+$0x14000] =	vst v4;
	v6 =	vadd.f32 v9, v8;
	v1 =	vld [tilespmem:s5+$0x14040]  }
0x5f9: {  	v4 =	vld [tilespmem:s5+$0x4040]  }
0x5fa: {  	v7 =	vld [tilespmem:s5+$0x14050]  }
0x5fb: {  	v8 =	vld [tilespmem:s5+$0x4050]  }
0x5fc: {  	v9 =	vld [tilespmem:s5+$0x14060]  }
0x5fd: {  	v10 =	vld [tilespmem:s5+$0x4060]  }
0x5fe: {  	v2 =	vadd.f32 v5, v2  }
0x5ff: {  	[tilespmem:s5+$0x14010] =	vst v6;
	v0 =	vadd.f32 v3, v0  }
0x600: {  	[tilespmem:s5+$0x14020] =	vst v2;
	v1 =	vadd.f32 v4, v1  }
0x601: {  	[tilespmem:s5+$0x14030] =	vst v0;
	v0 =	vadd.f32 v8, v7  }
0x602: {  	[tilespmem:s5+$0x14040] =	vst v1;
	v1 =	vadd.f32 v10, v9  }
0x603: {  	[tilespmem:s5+$0x14050] =	vst v0  }
0x604: {  	s6 =	simm.s32 $0x0;
	[tilespmem:s5+$0x14060] =	vst v1;
	s5 =	simm.s32 $0x0  }
0x605: {  	[hbm4b:s10+s5] =	stream.linear.scatter [tilespmem:s20], [sflag:$0xB], $0x4000, $0x38;
	[tilespmem:$0x1C000] =	vst v63  }
0x606: {  	s4 =	sand.u32 $0x2000, s6;
	s7 =	sand.u32 $0x1C00, s5;
	_ =	swait.ge [sflag:s31], $0x4000  }
0x607: {  	s9 =	sand.u32 $0x380, s5;
	s4 =	sor.u32 s4, s7;
	[sflag:s31] =	ssyncset.done $0x0  }
0x608: {  	s4 =	sor.u32 s9, s4;
	[sflag:s31] =	ssyncadd.s32 $0xFFFFC000  }
0x609: {  	v0 =	vld [tilespmem:s4+$0x18070]  }
0x60a: {  	v1 =	vld [tilespmem:s4+$0x4070]  }
0x60b: {  	v3 =	vld [tilespmem:s4+$0x18000]  }
0x60c: {  	v4 =	vld [tilespmem:s4+$0x4000]  }
0x60d: {  	v6 =	vld [tilespmem:s4+$0x18010]  }
0x60e: {  	v7 =	vld [tilespmem:s4+$0x4010]  }
0x60f: {  	v2 =	vld [tilespmem:s4+$0x18020]  }
0x610: {  	v5 =	vld [tilespmem:s4+$0x4020]  }
0x611: {  	v1 =	vadd.f32 v1, v0;
	v0 =	vld [tilespmem:s4+$0x18030]  }
0x612: {  	v4 =	vadd.f32 v4, v3;
	v3 =	vld [tilespmem:s4+$0x4030]  }
0x613: {  	v6 =	vadd.f32 v7, v6;
	[tilespmem:s4+$0x18070] =	vst v1;
	v1 =	vld [tilespmem:s4+$0x18040]  }
0x614: {  	s7 =	simm.s32 $0x0;
	[tilespmem:s4+$0x18000] =	vst v4;
	v4 =	vld [tilespmem:s4+$0x4040]  }
.LBB2_60:
0x615: {  	s6 =	sadd.s32 $0x80, s6;
	[tilespmem:s4+$0x18010] =	vst v6;
	v2 =	vadd.f32 v5, v2;
	v5 =	vld [tilespmem:s4+$0x18050];
	s5 =	sadd.s32 $0x400, s5  }
0x616: {  	s7 =	sadd.s32 $0x10, s7;
	s8 =	sand.u32 $0x2000, s6;
	s9 =	sand.u32 $0x1C00, s5;
	v6 =	vld [tilespmem:s4+$0x4050]  }
0x617: {  	p0 =	slt.u32 s6, $0x3F80;
	s8 =	sor.u32 s8, s9;
	s9 =	sand.u32 $0x380, s7;
	[tilespmem:s4+$0x18020] =	vst v2;
	v0 =	vadd.f32 v3, v0;
	v2 =	vld [tilespmem:s4+$0x18060]  }
0x618: {  	s8 =	sor.u32 s9, s8;
	v3 =	vld [tilespmem:s4+$0x4060]  }
0x619: {  	v7 =	vld [tilespmem:s8+$0x18070];
	[tilespmem:s4+$0x18030] =	vst v0;
	v0 =	vadd.f32 v4, v1  }
0x61a: {  	v1 =	vld [tilespmem:s8+$0x4070]  }
0x61b: {  	v4 =	vld [tilespmem:s8+$0x18000];
	[tilespmem:s4+$0x18040] =	vst v0;
	v0 =	vadd.f32 v6, v5  }
0x61c: {  	v6 =	vld [tilespmem:s8+$0x4000]  }
0x61d: {  	v8 =	vld [tilespmem:s8+$0x18010];
	[tilespmem:s4+$0x18050] =	vst v0;
	v0 =	vadd.f32 v3, v2  }
0x61e: {  	v9 =	vld [tilespmem:s8+$0x4010]  }
0x61f: {  	v2 =	vld [tilespmem:s8+$0x18020];
	v1 =	vadd.f32 v1, v7;
	[tilespmem:s4+$0x18060] =	vst v0;
	s4 =	smov.u32 s8  }
.Ltmp29:
0x620: {  	v5 =	vld [tilespmem:s4+$0x4020];
	(pc) =	sbr.rel @p0 .LBB2_60-.Ltmp29, $4  }
0x621: {  	v4 =	vadd.f32 v6, v4;
	v0 =	vld [tilespmem:s4+$0x18030];
	[tilespmem:s4+$0x18070] =	vst v1  }
0x622: {  	v3 =	vld [tilespmem:s4+$0x4030]  }
0x623: {  	[tilespmem:s4+$0x18000] =	vst v4;
	v6 =	vadd.f32 v9, v8;
	v1 =	vld [tilespmem:s4+$0x18040]  }
0x624: {  	v4 =	vld [tilespmem:s4+$0x4040]  }
0x625: {  	v7 =	vld [tilespmem:s4+$0x18050]  }
0x626: {  	v8 =	vld [tilespmem:s4+$0x4050]  }
0x627: {  	v9 =	vld [tilespmem:s4+$0x18060]  }
0x628: {  	v10 =	vld [tilespmem:s4+$0x4060]  }
0x629: {  	v2 =	vadd.f32 v5, v2  }
0x62a: {  	[tilespmem:s4+$0x18010] =	vst v6;
	v0 =	vadd.f32 v3, v0  }
0x62b: {  	[tilespmem:s4+$0x18020] =	vst v2;
	v1 =	vadd.f32 v4, v1  }
0x62c: {  	[tilespmem:s4+$0x18030] =	vst v0;
	v0 =	vadd.f32 v8, v7  }
0x62d: {  	[tilespmem:s4+$0x18040] =	vst v1;
	v1 =	vadd.f32 v10, v9  }
0x62e: {  	[tilespmem:s4+$0x18050] =	vst v0  }
0x62f: {  	s5 =	simm.s32 $0x0;
	s6 =	simm.s32 $0x0;
	[tilespmem:s4+$0x18060] =	vst v1  }
0x630: {  	[hbm4b:s11+s5] =	stream.linear.scatter [tilespmem:s22], [sflag:$0xC], $0x4000, $0x38;
	[tilespmem:$0x1C000] =	vst v63  }
0x631: {  	s8 =	sand.u32 $0x2000, s6;
	s7 =	sand.u32 $0x1C00, s5;
	_ =	swait.ge [sflag:s21], $0x4000  }
0x632: {  	s9 =	sand.u32 $0x380, s5;
	s4 =	sor.u32 s8, s7;
	[sflag:s21] =	ssyncset.done $0x0  }
0x633: {  	s4 =	sor.u32 s9, s4;
	[sflag:s21] =	ssyncadd.s32 $0xFFFFC000  }
0x634: {  	v0 =	vld [tilespmem:s4+$0x8070]  }
0x635: {  	v1 =	vld [tilespmem:s4+$0x4070]  }
0x636: {  	v3 =	vld [tilespmem:s4+$0x8000]  }
0x637: {  	v4 =	vld [tilespmem:s4+$0x4000]  }
0x638: {  	v6 =	vld [tilespmem:s4+$0x8010]  }
0x639: {  	v7 =	vld [tilespmem:s4+$0x4010]  }
0x63a: {  	v2 =	vld [tilespmem:s4+$0x8020]  }
0x63b: {  	v5 =	vld [tilespmem:s4+$0x4020]  }
0x63c: {  	v1 =	vadd.f32 v1, v0;
	v0 =	vld [tilespmem:s4+$0x8030]  }
0x63d: {  	v4 =	vadd.f32 v4, v3;
	v3 =	vld [tilespmem:s4+$0x4030]  }
0x63e: {  	v6 =	vadd.f32 v7, v6;
	[tilespmem:s4+$0x8070] =	vst v1;
	v1 =	vld [tilespmem:s4+$0x8040]  }
0x63f: {  	s7 =	simm.s32 $0x0;
	[tilespmem:s4+$0x8000] =	vst v4;
	v4 =	vld [tilespmem:s4+$0x4040]  }
.LBB2_62:
0x640: {  	s6 =	sadd.s32 $0x80, s6;
	[tilespmem:s4+$0x8010] =	vst v6;
	v2 =	vadd.f32 v5, v2;
	v5 =	vld [tilespmem:s4+$0x8050];
	s5 =	sadd.s32 $0x400, s5  }
0x641: {  	s7 =	sadd.s32 $0x10, s7;
	s8 =	sand.u32 $0x2000, s6;
	s9 =	sand.u32 $0x1C00, s5;
	v6 =	vld [tilespmem:s4+$0x4050]  }
0x642: {  	p0 =	slt.u32 s6, $0x3F80;
	s8 =	sor.u32 s8, s9;
	s9 =	sand.u32 $0x380, s7;
	[tilespmem:s4+$0x8020] =	vst v2;
	v0 =	vadd.f32 v3, v0;
	v2 =	vld [tilespmem:s4+$0x8060]  }
0x643: {  	s8 =	sor.u32 s9, s8;
	v3 =	vld [tilespmem:s4+$0x4060]  }
0x644: {  	v7 =	vld [tilespmem:s8+$0x8070];
	[tilespmem:s4+$0x8030] =	vst v0;
	v0 =	vadd.f32 v4, v1  }
0x645: {  	v1 =	vld [tilespmem:s8+$0x4070]  }
0x646: {  	v4 =	vld [tilespmem:s8+$0x8000];
	[tilespmem:s4+$0x8040] =	vst v0;
	v0 =	vadd.f32 v6, v5  }
0x647: {  	v6 =	vld [tilespmem:s8+$0x4000]  }
0x648: {  	v8 =	vld [tilespmem:s8+$0x8010];
	[tilespmem:s4+$0x8050] =	vst v0;
	v0 =	vadd.f32 v3, v2  }
0x649: {  	v9 =	vld [tilespmem:s8+$0x4010]  }
0x64a: {  	v2 =	vld [tilespmem:s8+$0x8020];
	v1 =	vadd.f32 v1, v7;
	[tilespmem:s4+$0x8060] =	vst v0;
	s4 =	smov.u32 s8  }
.Ltmp30:
0x64b: {  	v5 =	vld [tilespmem:s4+$0x4020];
	(pc) =	sbr.rel @p0 .LBB2_62-.Ltmp30, $4  }
0x64c: {  	v4 =	vadd.f32 v6, v4;
	v0 =	vld [tilespmem:s4+$0x8030];
	[tilespmem:s4+$0x8070] =	vst v1  }
0x64d: {  	v3 =	vld [tilespmem:s4+$0x4030]  }
0x64e: {  	[tilespmem:s4+$0x8000] =	vst v4;
	v6 =	vadd.f32 v9, v8;
	v1 =	vld [tilespmem:s4+$0x8040]  }
0x64f: {  	v4 =	vld [tilespmem:s4+$0x4040]  }
0x650: {  	v7 =	vld [tilespmem:s4+$0x8050]  }
0x651: {  	v8 =	vld [tilespmem:s4+$0x4050]  }
0x652: {  	v9 =	vld [tilespmem:s4+$0x8060]  }
0x653: {  	v10 =	vld [tilespmem:s4+$0x4060]  }
0x654: {  	v2 =	vadd.f32 v5, v2  }
0x655: {  	[tilespmem:s4+$0x8010] =	vst v6;
	v0 =	vadd.f32 v3, v0  }
0x656: {  	[tilespmem:s4+$0x8020] =	vst v2;
	v1 =	vadd.f32 v4, v1  }
0x657: {  	[tilespmem:s4+$0x8030] =	vst v0;
	v0 =	vadd.f32 v8, v7  }
0x658: {  	[tilespmem:s4+$0x8040] =	vst v1;
	v1 =	vadd.f32 v10, v9  }
0x659: {  	[tilespmem:s4+$0x8050] =	vst v0  }
0x65a: {  	s5 =	simm.s32 $0x0;
	s6 =	simm.s32 $0x0;
	[tilespmem:s4+$0x8060] =	vst v1  }
0x65b: {  	[hbm4b:s12+s5] =	stream.linear.scatter [tilespmem:s15], [sflag:$0x8], $0x4000, $0x38;
	[tilespmem:$0x1C000] =	vst v63  }
0x65c: {  	s8 =	sand.u32 $0x2000, s6;
	s7 =	sand.u32 $0x1C00, s5;
	_ =	swait.ge [sflag:s23], $0x4000  }
0x65d: {  	s9 =	sand.u32 $0x380, s5;
	s4 =	sor.u32 s8, s7;
	[sflag:s23] =	ssyncset.done $0x0  }
0x65e: {  	s4 =	sor.u32 s9, s4;
	[sflag:s23] =	ssyncadd.s32 $0xFFFFC000  }
0x65f: {  	v0 =	vld [tilespmem:s4+$0xC070]  }
0x660: {  	v1 =	vld [tilespmem:s4+$0x4070]  }
0x661: {  	v3 =	vld [tilespmem:s4+$0xC000]  }
0x662: {  	v4 =	vld [tilespmem:s4+$0x4000]  }
0x663: {  	v6 =	vld [tilespmem:s4+$0xC010]  }
0x664: {  	v7 =	vld [tilespmem:s4+$0x4010]  }
0x665: {  	v2 =	vld [tilespmem:s4+$0xC020]  }
0x666: {  	v5 =	vld [tilespmem:s4+$0x4020]  }
0x667: {  	v1 =	vadd.f32 v1, v0;
	v0 =	vld [tilespmem:s4+$0xC030]  }
0x668: {  	v4 =	vadd.f32 v4, v3;
	v3 =	vld [tilespmem:s4+$0x4030]  }
0x669: {  	v6 =	vadd.f32 v7, v6;
	[tilespmem:s4+$0xC070] =	vst v1;
	v1 =	vld [tilespmem:s4+$0xC040]  }
0x66a: {  	s7 =	simm.s32 $0x0;
	[tilespmem:s4+$0xC000] =	vst v4;
	v4 =	vld [tilespmem:s4+$0x4040]  }
.LBB2_64:
0x66b: {  	s6 =	sadd.s32 $0x80, s6;
	[tilespmem:s4+$0xC010] =	vst v6;
	v2 =	vadd.f32 v5, v2;
	v5 =	vld [tilespmem:s4+$0xC050];
	s5 =	sadd.s32 $0x400, s5  }
0x66c: {  	s7 =	sadd.s32 $0x10, s7;
	s8 =	sand.u32 $0x2000, s6;
	s9 =	sand.u32 $0x1C00, s5;
	v6 =	vld [tilespmem:s4+$0x4050]  }
0x66d: {  	p0 =	slt.u32 s6, $0x3F80;
	s8 =	sor.u32 s8, s9;
	s9 =	sand.u32 $0x380, s7;
	[tilespmem:s4+$0xC020] =	vst v2;
	v0 =	vadd.f32 v3, v0;
	v2 =	vld [tilespmem:s4+$0xC060]  }
0x66e: {  	s8 =	sor.u32 s9, s8;
	v3 =	vld [tilespmem:s4+$0x4060]  }
0x66f: {  	v7 =	vld [tilespmem:s8+$0xC070];
	[tilespmem:s4+$0xC030] =	vst v0;
	v0 =	vadd.f32 v4, v1  }
0x670: {  	v1 =	vld [tilespmem:s8+$0x4070]  }
0x671: {  	v4 =	vld [tilespmem:s8+$0xC000];
	[tilespmem:s4+$0xC040] =	vst v0;
	v0 =	vadd.f32 v6, v5  }
0x672: {  	v6 =	vld [tilespmem:s8+$0x4000]  }
0x673: {  	v8 =	vld [tilespmem:s8+$0xC010];
	[tilespmem:s4+$0xC050] =	vst v0;
	v0 =	vadd.f32 v3, v2  }
0x674: {  	v9 =	vld [tilespmem:s8+$0x4010]  }
0x675: {  	v2 =	vld [tilespmem:s8+$0xC020];
	v1 =	vadd.f32 v1, v7;
	[tilespmem:s4+$0xC060] =	vst v0;
	s4 =	smov.u32 s8  }
.Ltmp31:
0x676: {  	v5 =	vld [tilespmem:s4+$0x4020];
	(pc) =	sbr.rel @p0 .LBB2_64-.Ltmp31, $4  }
0x677: {  	v4 =	vadd.f32 v6, v4;
	v0 =	vld [tilespmem:s4+$0xC030];
	[tilespmem:s4+$0xC070] =	vst v1  }
0x678: {  	v3 =	vld [tilespmem:s4+$0x4030]  }
0x679: {  	[tilespmem:s4+$0xC000] =	vst v4;
	v6 =	vadd.f32 v9, v8;
	v1 =	vld [tilespmem:s4+$0xC040]  }
0x67a: {  	v4 =	vld [tilespmem:s4+$0x4040]  }
0x67b: {  	v7 =	vld [tilespmem:s4+$0xC050]  }
0x67c: {  	v8 =	vld [tilespmem:s4+$0x4050]  }
0x67d: {  	v9 =	vld [tilespmem:s4+$0xC060]  }
0x67e: {  	v10 =	vld [tilespmem:s4+$0x4060]  }
0x67f: {  	v2 =	vadd.f32 v5, v2  }
0x680: {  	[tilespmem:s4+$0xC010] =	vst v6;
	v0 =	vadd.f32 v3, v0  }
0x681: {  	[tilespmem:s4+$0xC020] =	vst v2;
	v1 =	vadd.f32 v4, v1  }
0x682: {  	[tilespmem:s4+$0xC030] =	vst v0;
	v62 =	vadd.f32 v8, v7  }
0x683: {  	v63 =	vadd.f32 v10, v9;
	[tilespmem:s4+$0xC040] =	vst v1  }
0x684: {  	[tilespmem:s4+$0xC050] =	vst v62  }
0x685: {  	[tilespmem:s4+$0xC060] =	vst v63  }
0x686: {  	[hbm4b:s13+s1] =	stream.linear.scatter [tilespmem:s16], [sflag:$0x9], $0x4000, $0x38;
	[tilespmem:$0x1C000] =	vst v63  }
0x687: {  	_ =	swait.ge [sflag:s24], $0x4000  }
0x688: {  	[sflag:s24] =	ssyncset.done $0x0  }
0x689: {  	[sflag:s24] =	ssyncadd.s32 $0xFFFFC000  }
0x68a: {  	_ =	swait.ge [sflag:s26], $0x4000  }
0x68b: {  	[sflag:s26] =	ssyncset.done $0x0  }
0x68c: {  	[sflag:s26] =	ssyncadd.s32 $0xFFFFC000  }
0x68d: {  	_ =	swait.ge [sflag:s30], $0x4000  }
0x68e: {  	[sflag:s30] =	ssyncset.done $0x0  }
0x68f: {  	s3 =	sadd.s32 $0x1, s3;
	[sflag:s30] =	ssyncadd.s32 $0xFFFFC000  }
0x690: {  	p0 =	sne.s32 s3, s14;
	_ =	swait.ge [sflag:s0], $0x4000  }
.Ltmp32:
0x691: {  	[sflag:s0] =	ssyncset.done $0x0;
	(pc) =	sbr.rel @p0 .LBB2_1-.Ltmp32, $4  }
0x692: {  	[sflag:s0] =	ssyncadd.s32 $0xFFFFC000  }
0x693: {  	_ =	swait.ge [sflag:s2], $0x4000  }
0x694: {  	[sflag:s2] =	ssyncset.done $0x0  }
0x695: {  	[sflag:s2] =	ssyncadd.s32 $0xFFFFC000  }
0x696: {  	_ =	sfence.sel $0x180000  }
0x697: {  	[bflag:$0x0] =	sbarrier.arrive $0xFFFF  }
0x698: {  	_ =	strace $0x90000047  }
0x699: {  	s0 =	stileid.u32;
	[bflag:$0x2] =	sbarrier.arrive $0xFFFF  }
0x69a: {  	p0 =	sne.s32 s0, $0x0;
	s0 =	rddreg [dreg:$0x3]  }
0x69b: {  	s0 =	sadd.s32 @!p0 $0x100000, s0  }
0x69c: {  	[sflag:s0] =	ssyncadd.tile.s32 @!p0 $0x1;
	_ =	shalt  }
.Lfunc_end2:
_tile_overlayer_lowered:
.L_overlay_start_2:
0x69d: {  	(tag) =	ssettag $0x2  }
0x69e: {  	s0 =	rddreg [dreg:$0x0];
	s2 =	stileid.u32  }
0x69f: {  	s1 =	rddreg [dreg:$0x1];
	p0 =	sne.s32 s2, $0x0  }
0x6a0: {  	s3 =	rddreg [dreg:$0x2];
	[bflag:$0x3] =	sbarrier.arrive $0xFFFF;
	s2 =	simm.s32 @!p0 $0x1C0D  }
0x6a1: {  	[timem:s3], [sflag:s2] =	dma.local @!p0 [hbm:s0], s1  }
0x6a2: {  	s0 =	simm.s32 @!p0 $0xD  }
0x6a3: {  	_ =	swait.ge @!p0 [sflag:s0], s1  }
0x6a4: {  	s1 =	ssub.s32 @!p0 $0x0, s1;
	[sflag:s0] =	ssyncset.done @!p0 $0x0  }
0x6a5: {  	[sflag:s0] =	ssyncadd.s32 @!p0 s1  }
0x6a6: {  	[bflag:$0x3] =	sbarrier.arrive $0xFFFF  }
0x6a7: {  	_ =	shalt  }

</sc_bundles>
